<compile_context>
chip_gen: v7x
topology: tpu7x:2x2x1
jax: 0.10.2.dev20260603
libtpu: 0.0.44.dev20260713+nightly
codegen_flags: <defaults>
</compile_context>

<pallas_src>
import functools

import jax
import jax.numpy as jnp
from jax import lax
from jax.experimental import pallas as pl
from jax.experimental.pallas import tpu as pltpu
from jax.experimental.pallas import tpu_sc as plsc

N = 100000
E = 6400000
DP = 16
K = 6
T = 260
NW = 32
RPW = K * T
R = E // 128
REM = R - NW * RPW
NT = 100096
NPW = NT // 16
NPK = NT * DP // 128


def _agg_body(table, ei2, zeros_hbm, out, acc, sdv, rows, gsem, ssem, isem):
    c = lax.axis_index("c")
    s = lax.axis_index("s")
    w = s * 2 + c

    pltpu.sync_copy(zeros_hbm, acc.at[pl.ds(s * NPW, NPW)])
    plsc.subcore_barrier()

    base = w * RPW

    def idx_fetch(o, slot):
        return pltpu.async_copy(ei2.at[:, pl.ds(base + o * K, K)],
                                sdv.at[slot], isem)

    idx_fetch(0, 0)

    def body(o, carry):
        b = lax.rem(o, 2)
        sl = lax.rem(o, 3)
        pltpu.make_async_copy(ei2.at[:, pl.ds(base, K)],
                              sdv.at[sl], isem).wait()

        @pl.when(o >= 2)
        def _():
            for j in range(K):
                pltpu.make_async_copy(table.at[pl.ds(0, 128)],
                                      rows.at[b, j], ssem).wait()

        @pl.when(o < T - 1)
        def _():
            idx_fetch(o + 1, lax.rem(o + 1, 3))

        gcs = [pltpu.async_copy(table.at[sdv.at[sl, 0, j]], rows.at[b, j],
                                gsem) for j in range(K)]
        for cp in gcs:
            cp.wait()
        for j in range(K):
            pltpu.async_copy(rows.at[b, j], acc.at[sdv.at[sl, 1, j]],
                             ssem, add=True)
        return carry

    lax.fori_loop(0, T, body, 0)

    for j in range(2 * K):
        pltpu.make_async_copy(table.at[pl.ds(0, 128)],
                              rows.at[0, 0], ssem).wait()

    nrem = REM // 16

    @pl.when(w < 16)
    def _():
        rb = NW * RPW + w * nrem
        pltpu.sync_copy(ei2.at[:, pl.ds(rb, nrem)],
                        sdv.at[0, :, pl.ds(0, nrem)])
        rcs = [pltpu.async_copy(table.at[sdv.at[0, 0, j]], rows.at[0, j],
                                gsem) for j in range(nrem)]
        for cp in rcs:
            cp.wait()
        for j in range(nrem):
            pltpu.sync_copy(rows.at[0, j], acc.at[sdv.at[0, 1, j]], add=True)

    plsc.subcore_barrier()
    pltpu.sync_copy(acc.at[pl.ds(s * NPW, NPW)], out.at[c, s])


@functools.cache
def _make_agg():
    return pl.kernel(
        _agg_body,
        out_type=jax.ShapeDtypeStruct((2, 16, NPW, DP), jnp.float32),
        mesh=plsc.VectorSubcoreMesh(core_axis_name="c", subcore_axis_name="s"),
        scratch_types=[
            pltpu.VMEM_SHARED((NT, DP), jnp.float32),
            pltpu.VMEM((3, 2, K, 128), jnp.int32),
            pltpu.VMEM((2, K, 128, DP), jnp.float32),
            pltpu.SemaphoreType.DMA,
            pltpu.SemaphoreType.DMA,
            pltpu.SemaphoreType.DMA,
        ],
        compiler_params=pltpu.CompilerParams(use_tc_tiling_on_sc=False),
    )


GRID = 4
BR = NPK // GRID


def _norm_body(p_ref, psel_ref, t_ref):
    a = p_ref[0] + p_ref[1]
    cnt = jnp.maximum(jnp.dot(a, psel_ref[...],
                              preferred_element_type=jnp.float32), 1.0)
    m = a / cnt
    lane = lax.rem(lax.broadcasted_iota(jnp.int32, (BR, 128), 1), 16)
    t_ref[...] = jnp.where((lane >= 1) & (lane <= 9), m,
                           jnp.where(lane == 10, jnp.float32(1.0),
                                     jnp.float32(0.0)))


_norm = pl.pallas_call(
    _norm_body,
    grid=(GRID,),
    in_specs=[pl.BlockSpec((2, BR, 128), lambda i: (0, i, 0)),
              pl.BlockSpec((128, 128), lambda i: (0, 0))],
    out_specs=pl.BlockSpec((BR, 128), lambda i: (i, 0)),
    out_shape=jax.ShapeDtypeStruct((NPK, 128), jnp.float32),
)


def _mlp_body(x_ref, p_ref, psel_ref, w1x, w1a, b1, w2, b2, w3, b3,
              wd1, bd1, wd2, bd2, wd3, bd3, enc_ref, dec_ref):
    a = p_ref[0] + p_ref[1]
    cnt = jnp.maximum(jnp.dot(a, psel_ref[...],
                              preferred_element_type=jnp.float32), 1.0)
    an = a / cnt

    def dot(u, wref):
        return jnp.dot(u, wref[...], preferred_element_type=jnp.float32)

    h = jnp.maximum(dot(x_ref[...], w1x) + dot(an, w1a) + b1[...], 0.0)
    h = jnp.maximum(dot(h, w2) + b2[...], 0.0)
    enc = dot(h, w3) + b3[...]
    h = jnp.maximum(dot(enc, wd1) + bd1[...], 0.0)
    h = jnp.maximum(dot(h, wd2) + bd2[...], 0.0)
    dec_ref[...] = dot(h, wd3) + bd3[...]
    enc_ref[...] = enc


def _wspec(shape):
    nd = len(shape)
    return pl.BlockSpec(shape, lambda i: (0,) * nd)


_MLP_WSHAPES = [(128, 128), (80, 120), (128, 120), (1, 120), (120, 80),
                (1, 80), (80, 40), (1, 40), (40, 80), (1, 80), (80, 120),
                (1, 120), (120, 160), (1, 160)]

_mlp = pl.pallas_call(
    _mlp_body,
    grid=(GRID,),
    in_specs=[pl.BlockSpec((BR, 80), lambda i: (i, 0)),
              pl.BlockSpec((2, BR, 128), lambda i: (0, i, 0))]
             + [_wspec(s) for s in _MLP_WSHAPES],
    out_specs=[pl.BlockSpec((BR, 40), lambda i: (i, 0)),
               pl.BlockSpec((BR, 160), lambda i: (i, 0))],
    out_shape=[jax.ShapeDtypeStruct((NPK, 40), jnp.float32),
               jax.ShapeDtypeStruct((NPK, 160), jnp.float32)],
)


def kernel(x, edge_index, We1, be1, We2, be2, We3, be3,
           Wd1, bd1, Wd2, bd2, Wd3, bd3):
    f32 = jnp.float32
    ei2 = edge_index.reshape(2, R, 128)

    xp = jnp.concatenate(
        [x, jnp.ones((N, 1), f32), jnp.zeros((N, 5), f32)], axis=1)
    xp = jnp.concatenate([xp, jnp.zeros((NT - N, DP), f32)])
    zeros_hbm = jnp.zeros((NPW, DP), f32)

    eye8 = jnp.eye(8, dtype=f32)
    psel = jnp.kron(eye8, jnp.zeros((16, 16), f32).at[10, :].set(1.0))
    w16 = jnp.zeros((16, 15), f32).at[1:10, :].set(We1[10:][1:10, :])
    w1x = jnp.kron(eye8, We1[:10])
    w1a = jnp.kron(eye8, w16)

    def pk(w):
        return jnp.kron(eye8, w)

    def bk(b):
        return jnp.tile(b, 8).reshape(1, -1)

    agg = _make_agg()
    p1 = agg(xp, ei2, zeros_hbm).reshape(2, NPK, 128)
    t2 = _norm(p1, psel)
    p2 = agg(t2.reshape(NT, DP), ei2, zeros_hbm).reshape(2, NPK, 128)

    xpk = jnp.concatenate([x, jnp.zeros((NT - N, 10), f32)]).reshape(NPK, 80)
    enc_pk, dec_pk = _mlp(
        xpk, p2, psel, w1x, w1a, bk(be1), pk(We2), bk(be2), pk(We3), bk(be3),
        pk(Wd1), bk(bd1), pk(Wd2), bk(bd2), pk(Wd3), bk(bd3))
    enc = enc_pk.reshape(NT, 5)[:N]
    dec = dec_pk.reshape(NT, 20)[:N]
    return enc, dec

# --- scband reference (transcript-rebuilt; emitter-appended) ---
"""Pipeline reference for scband-graph-sageautoencoder-77421080477950 (READ-ONLY COPY).

The authoritative reference and input builder live on the scoring server;
editing this copy changes nothing except your own understanding.
"""

import jax, jax.numpy as jnp
import numpy as np

N_NODES = 100000
N_EDGES = 6400000
NODELEN = 10
INPUT_DIM = 2 * NODELEN
EMB = 5
H1 = 15
H2 = 10


def setup_inputs(seed: int = 0) -> dict:
    key = jax.random.key(seed)
    ks = jax.random.split(key, 16)
    x = jax.random.normal(ks[0], (N_NODES, NODELEN), dtype=jnp.float32)
    edge_index = jax.random.randint(ks[1], (2, N_EDGES), 0, N_NODES, dtype=jnp.int32)
    def w(k, shape):
        return jax.random.normal(k, shape, dtype=jnp.float32) * 0.1
    return {
        'x': x,
        'edge_index': edge_index,
        'We1': w(ks[2], (INPUT_DIM, H1)), 'be1': jnp.zeros((H1,), jnp.float32),
        'We2': w(ks[3], (H1, H2)),        'be2': jnp.zeros((H2,), jnp.float32),
        'We3': w(ks[4], (H2, EMB)),       'be3': jnp.zeros((EMB,), jnp.float32),
        'Wd1': w(ks[5], (EMB, H2)),       'bd1': jnp.zeros((H2,), jnp.float32),
        'Wd2': w(ks[6], (H2, H1)),        'bd2': jnp.zeros((H1,), jnp.float32),
        'Wd3': w(ks[7], (H1, INPUT_DIM)), 'bd3': jnp.zeros((INPUT_DIM,), jnp.float32),
    }


def reference(x, edge_index, We1, be1, We2, be2, We3, be3, Wd1, bd1, Wd2, bd2, Wd3, bd3):
    # GraphSAGE-style depth-2 mean neighbor aggregation (aggregate_neighbors),
    # zeroing feature column 0 at each aggregation level (aggregated_feat[0] = 0),
    # then concatenate [node_feat, aggregated_feat] and run the autoencoder MLP
    # (dropout is identity in eval mode).
    src = edge_index[0]
    dst = edge_index[1]
    n = x.shape[0]

    def mean_agg(h):
        gathered = h[src]  # gather: memory bound
        s = jax.ops.segment_sum(gathered, dst, num_segments=n)
        cnt = jax.ops.segment_sum(jnp.ones_like(src, dtype=h.dtype), dst, num_segments=n)
        a = s / jnp.maximum(cnt, 1.0)[:, None]
        return a.at[:, 0].set(0.0)

    agg = mean_agg(mean_agg(x))  # depth=2
    z = jnp.concatenate([x, agg], axis=1)  # [N, 20]

    h = jax.nn.relu(z @ We1 + be1)
    h = jax.nn.relu(h @ We2 + be2)
    encoded = h @ We3 + be3
    h = jax.nn.relu(encoded @ Wd1 + bd1)
    h = jax.nn.relu(h @ Wd2 + bd2)
    decoded = h @ Wd3 + bd3
    return encoded, decoded

if __name__ == "__main__":
    import jax
    _d = setup_inputs()
    print(jax.jit(kernel)(*tuple(_d.values())))

</pallas_src>

<mosaic_0001>
#map = affine_map<(d0, d1) -> (0, 0)>
#map1 = affine_map<(d0, d1) -> (0, 0, 0)>
#map2 = affine_map<(d0, d1) -> (0, 0, 0, 0)>
module attributes {stable_mosaic.version = 14 : i64} {
  func.func @_agg_body(%arg0: i32, %arg1: i32, %arg2: memref<100096x16xf32, #tpu.memory_space<hbm>>, %arg3: memref<2x50000x128xi32, #tpu.memory_space<hbm>>, %arg4: memref<6256x16xf32, #tpu.memory_space<hbm>>, %arg5: memref<2x16x6256x16xf32, #tpu.memory_space<hbm>>, %arg6: memref<100096x16xf32, #tpu.memory_space<vmem_shared>>, %arg7: memref<3x2x6x128xi32, #tpu.memory_space<vmem>>, %arg8: memref<2x6x128x16xf32, #tpu.memory_space<vmem>>, %arg9: memref<!tpu.dma_semaphore, #tpu.memory_space<semaphore_mem>>, %arg10: memref<!tpu.dma_semaphore, #tpu.memory_space<semaphore_mem>>, %arg11: memref<!tpu.dma_semaphore, #tpu.memory_space<semaphore_mem>>) attributes {dimension_semantics = [#tpu.dimension_semantics<core_parallel>, #tpu.dimension_semantics<subcore_parallel>], iteration_bounds = array<i64: 2, 16>, scalar_prefetch = 0 : i64, scratch_operands = 6 : i64, tpu.core_type = #tpu.core_type<sc_vector_subcore>, window_params = [{transform_indices = #map}, {transform_indices = #map1}, {transform_indices = #map}, {transform_indices = #map2}]} {
    %mul3A = arith.constant 2 : i32
    %mul3A_0 = arith.muli %arg1, %mul3A : i32
    %add3A = arith.addi %mul3A_0, %arg0 : i32
    %mul3A_1 = arith.constant 6256 : i32
    %mul3A_2 = arith.muli %arg1, %mul3A_1 : i32
    "tpu.region"() ({
      %run_scoped3A = tpu.sem_alloc : memref<!tpu.dma_semaphore, #tpu.memory_space<semaphore_mem>>
      %dma_start3A_224 = arith.constant 0 : i32
      %dma_start3A_225 = tpu.memref_slice %arg6[%mul3A_2, %dma_start3A_224] : memref<100096x16xf32, #tpu.memory_space<vmem_shared>> -> memref<6256x16xf32, #tpu.memory_space<vmem_shared>>
      tpu.enqueue_dma source(%arg4 : memref<6256x16xf32, #tpu.memory_space<hbm>>) target(%dma_start3A_225 : memref<6256x16xf32, #tpu.memory_space<vmem_shared>>) target_semaphore(%run_scoped3A : memref<!tpu.dma_semaphore, #tpu.memory_space<semaphore_mem>>)
      %dma_wait3A_226 = arith.constant 0 : i32
      %dma_wait3A_227 = tpu.memref_slice %arg6[%mul3A_2, %dma_wait3A_226] : memref<100096x16xf32, #tpu.memory_space<vmem_shared>> -> memref<6256x16xf32, #tpu.memory_space<vmem_shared>>
      tpu.wait_dma2 semaphore(%run_scoped3A : memref<!tpu.dma_semaphore, #tpu.memory_space<semaphore_mem>>) src(%arg4 : memref<6256x16xf32, #tpu.memory_space<hbm>>) dst(%dma_wait3A_227 : memref<6256x16xf32, #tpu.memory_space<vmem_shared>>)
      tpu.yield
    }) : () -> ()
    %barrier3A = arith.constant 0 : index
    tpu.barrier barrier_id(%barrier3A)
    %mul3A_3 = arith.constant 1560 : i32
    %mul3A_4 = arith.muli %add3A, %mul3A_3 : i32
    %add3A_5 = arith.constant 0 : i32
    %add3A_6 = arith.addi %mul3A_4, %add3A_5 : i32
    %dma_start3A = arith.constant 0 : i32
    %dma_start3A_7 = arith.constant 0 : i32
    %dma_start3A_8 = arith.constant 0 : i32
    %dma_start3A_9 = arith.constant 0 : i32
    %dma_start3A_10 = tpu.memref_slice %arg7[%dma_start3A, %dma_start3A_7, %dma_start3A_8, %dma_start3A_9] : memref<3x2x6x128xi32, #tpu.memory_space<vmem>> -> memref<1x2x6x128xi32, #tpu.memory_space<vmem>>
    %dma_start3A_11 = tpu.memref_squeeze %dma_start3A_10 : memref<1x2x6x128xi32, #tpu.memory_space<vmem>> -> memref<2x6x128xi32, #tpu.memory_space<vmem>>
    %dma_start3A_12 = arith.constant 0 : i32
    %dma_start3A_13 = arith.constant 0 : i32
    %dma_start3A_14 = tpu.memref_slice %arg3[%dma_start3A_12, %add3A_6, %dma_start3A_13] : memref<2x50000x128xi32, #tpu.memory_space<hbm>> -> memref<2x6x128xi32, #tpu.memory_space<hbm>>
    %dma_start3A_15 = arith.constant 0 : i32
    %dma_start3A_16 = arith.constant 0 : i32
    %dma_start3A_17 = arith.constant 0 : i32
    %dma_start3A_18 = tpu.memref_slice %arg7[%dma_start3A, %dma_start3A_15, %dma_start3A_16, %dma_start3A_17] : memref<3x2x6x128xi32, #tpu.memory_space<vmem>> -> memref<1x2x6x128xi32, #tpu.memory_space<vmem>>
    %dma_start3A_19 = tpu.memref_squeeze %dma_start3A_18 : memref<1x2x6x128xi32, #tpu.memory_space<vmem>> -> memref<2x6x128xi32, #tpu.memory_space<vmem>>
    %dma_start3A_20 = arith.constant 0 : i32
    %dma_start3A_21 = arith.constant 0 : i32
    %dma_start3A_22 = tpu.memref_slice %arg3[%dma_start3A_20, %add3A_6, %dma_start3A_21] : memref<2x50000x128xi32, #tpu.memory_space<hbm>> -> memref<2x6x128xi32, #tpu.memory_space<hbm>>
    tpu.enqueue_dma source(%dma_start3A_22 : memref<2x6x128xi32, #tpu.memory_space<hbm>>) target(%dma_start3A_19 : memref<2x6x128xi32, #tpu.memory_space<vmem>>) target_semaphore(%arg11 : memref<!tpu.dma_semaphore, #tpu.memory_space<semaphore_mem>>)
    %scan3A = arith.constant 0 : i32
    %scan3A_23 = arith.constant 0 : i32
    %scan3A_24 = arith.constant 260 : i32
    %scan3A_25 = arith.addi %scan3A_23, %scan3A_24 : i32
    %scan3A_26 = arith.constant 1 : i32
    scf.for %scan3A_224 = %scan3A_23 to %scan3A_25 step %scan3A_26  : i32 {
      %rem3A = arith.constant 2 : i32
      %rem3A_225 = arith.remsi %scan3A_224, %rem3A : i32
      %rem3A_226 = arith.constant 3 : i32
      %rem3A_227 = arith.remsi %scan3A_224, %rem3A_226 : i32
      %dma_wait3A_228 = arith.constant 0 : i32
      %dma_wait3A_229 = arith.constant 0 : i32
      %dma_wait3A_230 = arith.constant 0 : i32
      %dma_wait3A_231 = tpu.memref_slice %arg7[%rem3A_227, %dma_wait3A_228, %dma_wait3A_229, %dma_wait3A_230] : memref<3x2x6x128xi32, #tpu.memory_space<vmem>> -> memref<1x2x6x128xi32, #tpu.memory_space<vmem>>
      %dma_wait3A_232 = tpu.memref_squeeze %dma_wait3A_231 : memref<1x2x6x128xi32, #tpu.memory_space<vmem>> -> memref<2x6x128xi32, #tpu.memory_space<vmem>>
      %dma_wait3A_233 = arith.constant 0 : i32
      %dma_wait3A_234 = arith.constant 0 : i32
      %dma_wait3A_235 = tpu.memref_slice %arg3[%dma_wait3A_233, %mul3A_4, %dma_wait3A_234] : memref<2x50000x128xi32, #tpu.memory_space<hbm>> -> memref<2x6x128xi32, #tpu.memory_space<hbm>>
      %dma_wait3A_236 = arith.constant 0 : i32
      %dma_wait3A_237 = arith.constant 0 : i32
      %dma_wait3A_238 = arith.constant 0 : i32
      %dma_wait3A_239 = tpu.memref_slice %arg7[%rem3A_227, %dma_wait3A_236, %dma_wait3A_237, %dma_wait3A_238] : memref<3x2x6x128xi32, #tpu.memory_space<vmem>> -> memref<1x2x6x128xi32, #tpu.memory_space<vmem>>
      %dma_wait3A_240 = tpu.memref_squeeze %dma_wait3A_239 : memref<1x2x6x128xi32, #tpu.memory_space<vmem>> -> memref<2x6x128xi32, #tpu.memory_space<vmem>>
      %dma_wait3A_241 = arith.constant 0 : i32
      %dma_wait3A_242 = arith.constant 0 : i32
      %dma_wait3A_243 = tpu.memref_slice %arg3[%dma_wait3A_241, %mul3A_4, %dma_wait3A_242] : memref<2x50000x128xi32, #tpu.memory_space<hbm>> -> memref<2x6x128xi32, #tpu.memory_space<hbm>>
      tpu.wait_dma2 semaphore(%arg11 : memref<!tpu.dma_semaphore, #tpu.memory_space<semaphore_mem>>) src(%dma_wait3A_243 : memref<2x6x128xi32, #tpu.memory_space<hbm>>) dst(%dma_wait3A_240 : memref<2x6x128xi32, #tpu.memory_space<vmem>>)
      %ge3A = arith.constant 2 : i32
      %ge3A_244 = arith.cmpi sge, %scan3A_224, %ge3A : i32
      %convert_element_type3A_245 = arith.extui %ge3A_244 : i1 to i32
      %cond3A_246 = arith.constant 0 : i32
      %cond3A_247 = arith.cmpi ne, %convert_element_type3A_245, %cond3A_246 : i32
      scf.if %cond3A_247 {
        %dma_wait3A_487 = arith.constant 0 : i32
        %dma_wait3A_488 = arith.constant 0 : i32
        %dma_wait3A_489 = arith.constant 0 : i32
        %dma_wait3A_490 = tpu.memref_slice %arg8[%rem3A_225, %dma_wait3A_487, %dma_wait3A_488, %dma_wait3A_489] : memref<2x6x128x16xf32, #tpu.memory_space<vmem>> -> memref<1x1x128x16xf32, #tpu.memory_space<vmem>>
        %dma_wait3A_491 = tpu.memref_squeeze %dma_wait3A_490 : memref<1x1x128x16xf32, #tpu.memory_space<vmem>> -> memref<128x16xf32, #tpu.memory_space<vmem>>
        %dma_wait3A_492 = arith.constant 0 : i32
        %dma_wait3A_493 = arith.constant 0 : i32
        %dma_wait3A_494 = tpu.memref_slice %arg2[%dma_wait3A_492, %dma_wait3A_493] : memref<100096x16xf32, #tpu.memory_space<hbm>> -> memref<128x16xf32, #tpu.memory_space<hbm>>
        %dma_wait3A_495 = arith.constant 0 : i32
        %dma_wait3A_496 = arith.constant 0 : i32
        %dma_wait3A_497 = tpu.memref_slice %arg8[%rem3A_225, %dma_wait3A_487, %dma_wait3A_495, %dma_wait3A_496] : memref<2x6x128x16xf32, #tpu.memory_space<vmem>> -> memref<1x1x128x16xf32, #tpu.memory_space<vmem>>
        %dma_wait3A_498 = tpu.memref_squeeze %dma_wait3A_497 : memref<1x1x128x16xf32, #tpu.memory_space<vmem>> -> memref<128x16xf32, #tpu.memory_space<vmem>>
        %dma_wait3A_499 = arith.constant 0 : i32
        %dma_wait3A_500 = arith.constant 0 : i32
        %dma_wait3A_501 = tpu.memref_slice %arg2[%dma_wait3A_499, %dma_wait3A_500] : memref<100096x16xf32, #tpu.memory_space<hbm>> -> memref<128x16xf32, #tpu.memory_space<hbm>>
        tpu.wait_dma2 semaphore(%arg10 : memref<!tpu.dma_semaphore, #tpu.memory_space<semaphore_mem>>) src(%dma_wait3A_501 : memref<128x16xf32, #tpu.memory_space<hbm>>) dst(%dma_wait3A_498 : memref<128x16xf32, #tpu.memory_space<vmem>>)
        %dma_wait3A_502 = arith.constant 1 : i32
        %dma_wait3A_503 = arith.constant 0 : i32
        %dma_wait3A_504 = arith.constant 0 : i32
        %dma_wait3A_505 = tpu.memref_slice %arg8[%rem3A_225, %dma_wait3A_502, %dma_wait3A_503, %dma_wait3A_504] : memref<2x6x128x16xf32, #tpu.memory_space<vmem>> -> memref<1x1x128x16xf32, #tpu.memory_space<vmem>>
        %dma_wait3A_506 = tpu.memref_squeeze %dma_wait3A_505 : memref<1x1x128x16xf32, #tpu.memory_space<vmem>> -> memref<128x16xf32, #tpu.memory_space<vmem>>
        %dma_wait3A_507 = arith.constant 0 : i32
        %dma_wait3A_508 = arith.constant 0 : i32
        %dma_wait3A_509 = tpu.memref_slice %arg2[%dma_wait3A_507, %dma_wait3A_508] : memref<100096x16xf32, #tpu.memory_space<hbm>> -> memref<128x16xf32, #tpu.memory_space<hbm>>
        %dma_wait3A_510 = arith.constant 0 : i32
        %dma_wait3A_511 = arith.constant 0 : i32
        %dma_wait3A_512 = tpu.memref_slice %arg8[%rem3A_225, %dma_wait3A_502, %dma_wait3A_510, %dma_wait3A_511] : memref<2x6x128x16xf32, #tpu.memory_space<vmem>> -> memref<1x1x128x16xf32, #tpu.memory_space<vmem>>
        %dma_wait3A_513 = tpu.memref_squeeze %dma_wait3A_512 : memref<1x1x128x16xf32, #tpu.memory_space<vmem>> -> memref<128x16xf32, #tpu.memory_space<vmem>>
        %dma_wait3A_514 = arith.constant 0 : i32
        %dma_wait3A_515 = arith.constant 0 : i32
        %dma_wait3A_516 = tpu.memref_slice %arg2[%dma_wait3A_514, %dma_wait3A_515] : memref<100096x16xf32, #tpu.memory_space<hbm>> -> memref<128x16xf32, #tpu.memory_space<hbm>>
        tpu.wait_dma2 semaphore(%arg10 : memref<!tpu.dma_semaphore, #tpu.memory_space<semaphore_mem>>) src(%dma_wait3A_516 : memref<128x16xf32, #tpu.memory_space<hbm>>) dst(%dma_wait3A_513 : memref<128x16xf32, #tpu.memory_space<vmem>>)
        %dma_wait3A_517 = arith.constant 2 : i32
        %dma_wait3A_518 = arith.constant 0 : i32
        %dma_wait3A_519 = arith.constant 0 : i32
        %dma_wait3A_520 = tpu.memref_slice %arg8[%rem3A_225, %dma_wait3A_517, %dma_wait3A_518, %dma_wait3A_519] : memref<2x6x128x16xf32, #tpu.memory_space<vmem>> -> memref<1x1x128x16xf32, #tpu.memory_space<vmem>>
        %dma_wait3A_521 = tpu.memref_squeeze %dma_wait3A_520 : memref<1x1x128x16xf32, #tpu.memory_space<vmem>> -> memref<128x16xf32, #tpu.memory_space<vmem>>
        %dma_wait3A_522 = arith.constant 0 : i32
        %dma_wait3A_523 = arith.constant 0 : i32
        %dma_wait3A_524 = tpu.memref_slice %arg2[%dma_wait3A_522, %dma_wait3A_523] : memref<100096x16xf32, #tpu.memory_space<hbm>> -> memref<128x16xf32, #tpu.memory_space<hbm>>
        %dma_wait3A_525 = arith.constant 0 : i32
        %dma_wait3A_526 = arith.constant 0 : i32
        %dma_wait3A_527 = tpu.memref_slice %arg8[%rem3A_225, %dma_wait3A_517, %dma_wait3A_525, %dma_wait3A_526] : memref<2x6x128x16xf32, #tpu.memory_space<vmem>> -> memref<1x1x128x16xf32, #tpu.memory_space<vmem>>
        %dma_wait3A_528 = tpu.memref_squeeze %dma_wait3A_527 : memref<1x1x128x16xf32, #tpu.memory_space<vmem>> -> memref<128x16xf32, #tpu.memory_space<vmem>>
        %dma_wait3A_529 = arith.constant 0 : i32
        %dma_wait3A_530 = arith.constant 0 : i32
        %dma_wait3A_531 = tpu.memref_slice %arg2[%dma_wait3A_529, %dma_wait3A_530] : memref<100096x16xf32, #tpu.memory_space<hbm>> -> memref<128x16xf32, #tpu.memory_space<hbm>>
        tpu.wait_dma2 semaphore(%arg10 : memref<!tpu.dma_semaphore, #tpu.memory_space<semaphore_mem>>) src(%dma_wait3A_531 : memref<128x16xf32, #tpu.memory_space<hbm>>) dst(%dma_wait3A_528 : memref<128x16xf32, #tpu.memory_space<vmem>>)
        %dma_wait3A_532 = arith.constant 3 : i32
        %dma_wait3A_533 = arith.constant 0 : i32
        %dma_wait3A_534 = arith.constant 0 : i32
        %dma_wait3A_535 = tpu.memref_slice %arg8[%rem3A_225, %dma_wait3A_532, %dma_wait3A_533, %dma_wait3A_534] : memref<2x6x128x16xf32, #tpu.memory_space<vmem>> -> memref<1x1x128x16xf32, #tpu.memory_space<vmem>>
        %dma_wait3A_536 = tpu.memref_squeeze %dma_wait3A_535 : memref<1x1x128x16xf32, #tpu.memory_space<vmem>> -> memref<128x16xf32, #tpu.memory_space<vmem>>
        %dma_wait3A_537 = arith.constant 0 : i32
        %dma_wait3A_538 = arith.constant 0 : i32
        %dma_wait3A_539 = tpu.memref_slice %arg2[%dma_wait3A_537, %dma_wait3A_538] : memref<100096x16xf32, #tpu.memory_space<hbm>> -> memref<128x16xf32, #tpu.memory_space<hbm>>
        %dma_wait3A_540 = arith.constant 0 : i32
        %dma_wait3A_541 = arith.constant 0 : i32
        %dma_wait3A_542 = tpu.memref_slice %arg8[%rem3A_225, %dma_wait3A_532, %dma_wait3A_540, %dma_wait3A_541] : memref<2x6x128x16xf32, #tpu.memory_space<vmem>> -> memref<1x1x128x16xf32, #tpu.memory_space<vmem>>
        %dma_wait3A_543 = tpu.memref_squeeze %dma_wait3A_542 : memref<1x1x128x16xf32, #tpu.memory_space<vmem>> -> memref<128x16xf32, #tpu.memory_space<vmem>>
        %dma_wait3A_544 = arith.constant 0 : i32
        %dma_wait3A_545 = arith.constant 0 : i32
        %dma_wait3A_546 = tpu.memref_slice %arg2[%dma_wait3A_544, %dma_wait3A_545] : memref<100096x16xf32, #tpu.memory_space<hbm>> -> memref<128x16xf32, #tpu.memory_space<hbm>>
        tpu.wait_dma2 semaphore(%arg10 : memref<!tpu.dma_semaphore, #tpu.memory_space<semaphore_mem>>) src(%dma_wait3A_546 : memref<128x16xf32, #tpu.memory_space<hbm>>) dst(%dma_wait3A_543 : memref<128x16xf32, #tpu.memory_space<vmem>>)
        %dma_wait3A_547 = arith.constant 4 : i32
        %dma_wait3A_548 = arith.constant 0 : i32
        %dma_wait3A_549 = arith.constant 0 : i32
        %dma_wait3A_550 = tpu.memref_slice %arg8[%rem3A_225, %dma_wait3A_547, %dma_wait3A_548, %dma_wait3A_549] : memref<2x6x128x16xf32, #tpu.memory_space<vmem>> -> memref<1x1x128x16xf32, #tpu.memory_space<vmem>>
        %dma_wait3A_551 = tpu.memref_squeeze %dma_wait3A_550 : memref<1x1x128x16xf32, #tpu.memory_space<vmem>> -> memref<128x16xf32, #tpu.memory_space<vmem>>
        %dma_wait3A_552 = arith.constant 0 : i32
        %dma_wait3A_553 = arith.constant 0 : i32
        %dma_wait3A_554 = tpu.memref_slice %arg2[%dma_wait3A_552, %dma_wait3A_553] : memref<100096x16xf32, #tpu.memory_space<hbm>> -> memref<128x16xf32, #tpu.memory_space<hbm>>
        %dma_wait3A_555 = arith.constant 0 : i32
        %dma_wait3A_556 = arith.constant 0 : i32
        %dma_wait3A_557 = tpu.memref_slice %arg8[%rem3A_225, %dma_wait3A_547, %dma_wait3A_555, %dma_wait3A_556] : memref<2x6x128x16xf32, #tpu.memory_space<vmem>> -> memref<1x1x128x16xf32, #tpu.memory_space<vmem>>
        %dma_wait3A_558 = tpu.memref_squeeze %dma_wait3A_557 : memref<1x1x128x16xf32, #tpu.memory_space<vmem>> -> memref<128x16xf32, #tpu.memory_space<vmem>>
        %dma_wait3A_559 = arith.constant 0 : i32
        %dma_wait3A_560 = arith.constant 0 : i32
        %dma_wait3A_561 = tpu.memref_slice %arg2[%dma_wait3A_559, %dma_wait3A_560] : memref<100096x16xf32, #tpu.memory_space<hbm>> -> memref<128x16xf32, #tpu.memory_space<hbm>>
        tpu.wait_dma2 semaphore(%arg10 : memref<!tpu.dma_semaphore, #tpu.memory_space<semaphore_mem>>) src(%dma_wait3A_561 : memref<128x16xf32, #tpu.memory_space<hbm>>) dst(%dma_wait3A_558 : memref<128x16xf32, #tpu.memory_space<vmem>>)
        %dma_wait3A_562 = arith.constant 5 : i32
        %dma_wait3A_563 = arith.constant 0 : i32
        %dma_wait3A_564 = arith.constant 0 : i32
        %dma_wait3A_565 = tpu.memref_slice %arg8[%rem3A_225, %dma_wait3A_562, %dma_wait3A_563, %dma_wait3A_564] : memref<2x6x128x16xf32, #tpu.memory_space<vmem>> -> memref<1x1x128x16xf32, #tpu.memory_space<vmem>>
        %dma_wait3A_566 = tpu.memref_squeeze %dma_wait3A_565 : memref<1x1x128x16xf32, #tpu.memory_space<vmem>> -> memref<128x16xf32, #tpu.memory_space<vmem>>
        %dma_wait3A_567 = arith.constant 0 : i32
        %dma_wait3A_568 = arith.constant 0 : i32
        %dma_wait3A_569 = tpu.memref_slice %arg2[%dma_wait3A_567, %dma_wait3A_568] : memref<100096x16xf32, #tpu.memory_space<hbm>> -> memref<128x16xf32, #tpu.memory_space<hbm>>
        %dma_wait3A_570 = arith.constant 0 : i32
        %dma_wait3A_571 = arith.constant 0 : i32
        %dma_wait3A_572 = tpu.memref_slice %arg8[%rem3A_225, %dma_wait3A_562, %dma_wait3A_570, %dma_wait3A_571] : memref<2x6x128x16xf32, #tpu.memory_space<vmem>> -> memref<1x1x128x16xf32, #tpu.memory_space<vmem>>
        %dma_wait3A_573 = tpu.memref_squeeze %dma_wait3A_572 : memref<1x1x128x16xf32, #tpu.memory_space<vmem>> -> memref<128x16xf32, #tpu.memory_space<vmem>>
        %dma_wait3A_574 = arith.constant 0 : i32
        %dma_wait3A_575 = arith.constant 0 : i32
        %dma_wait3A_576 = tpu.memref_slice %arg2[%dma_wait3A_574, %dma_wait3A_575] : memref<100096x16xf32, #tpu.memory_space<hbm>> -> memref<128x16xf32, #tpu.memory_space<hbm>>
        tpu.wait_dma2 semaphore(%arg10 : memref<!tpu.dma_semaphore, #tpu.memory_space<semaphore_mem>>) src(%dma_wait3A_576 : memref<128x16xf32, #tpu.memory_space<hbm>>) dst(%dma_wait3A_573 : memref<128x16xf32, #tpu.memory_space<vmem>>)
      } else {
      }
      %lt3A_248 = arith.constant 259 : i32
      %lt3A_249 = arith.cmpi slt, %scan3A_224, %lt3A_248 : i32
      %convert_element_type3A_250 = arith.extui %lt3A_249 : i1 to i32
      %cond3A_251 = arith.constant 0 : i32
      %cond3A_252 = arith.cmpi ne, %convert_element_type3A_250, %cond3A_251 : i32
      scf.if %cond3A_252 {
        %add3A_487 = arith.constant 1 : i32
        %add3A_488 = arith.addi %scan3A_224, %add3A_487 : i32
        %add3A_489 = arith.constant 1 : i32
        %add3A_490 = arith.addi %scan3A_224, %add3A_489 : i32
        %rem3A_491 = arith.constant 3 : i32
        %rem3A_492 = arith.remsi %add3A_490, %rem3A_491 : i32
        %mul3A_493 = arith.constant 6 : i32
        %mul3A_494 = arith.muli %add3A_488, %mul3A_493 : i32
        %add3A_495 = arith.addi %mul3A_4, %mul3A_494 : i32
        %dma_start3A_496 = arith.constant 0 : i32
        %dma_start3A_497 = arith.constant 0 : i32
        %dma_start3A_498 = arith.constant 0 : i32
        %dma_start3A_499 = tpu.memref_slice %arg7[%rem3A_492, %dma_start3A_496, %dma_start3A_497, %dma_start3A_498] : memref<3x2x6x128xi32, #tpu.memory_space<vmem>> -> memref<1x2x6x128xi32, #tpu.memory_space<vmem>>
        %dma_start3A_500 = tpu.memref_squeeze %dma_start3A_499 : memref<1x2x6x128xi32, #tpu.memory_space<vmem>> -> memref<2x6x128xi32, #tpu.memory_space<vmem>>
        %dma_start3A_501 = arith.constant 0 : i32
        %dma_start3A_502 = arith.constant 0 : i32
        %dma_start3A_503 = tpu.memref_slice %arg3[%dma_start3A_501, %add3A_495, %dma_start3A_502] : memref<2x50000x128xi32, #tpu.memory_space<hbm>> -> memref<2x6x128xi32, #tpu.memory_space<hbm>>
        %dma_start3A_504 = arith.constant 0 : i32
        %dma_start3A_505 = arith.constant 0 : i32
        %dma_start3A_506 = arith.constant 0 : i32
        %dma_start3A_507 = tpu.memref_slice %arg7[%rem3A_492, %dma_start3A_504, %dma_start3A_505, %dma_start3A_506] : memref<3x2x6x128xi32, #tpu.memory_space<vmem>> -> memref<1x2x6x128xi32, #tpu.memory_space<vmem>>
        %dma_start3A_508 = tpu.memref_squeeze %dma_start3A_507 : memref<1x2x6x128xi32, #tpu.memory_space<vmem>> -> memref<2x6x128xi32, #tpu.memory_space<vmem>>
        %dma_start3A_509 = arith.constant 0 : i32
        %dma_start3A_510 = arith.constant 0 : i32
        %dma_start3A_511 = tpu.memref_slice %arg3[%dma_start3A_509, %add3A_495, %dma_start3A_510] : memref<2x50000x128xi32, #tpu.memory_space<hbm>> -> memref<2x6x128xi32, #tpu.memory_space<hbm>>
        tpu.enqueue_dma source(%dma_start3A_511 : memref<2x6x128xi32, #tpu.memory_space<hbm>>) target(%dma_start3A_508 : memref<2x6x128xi32, #tpu.memory_space<vmem>>) target_semaphore(%arg11 : memref<!tpu.dma_semaphore, #tpu.memory_space<semaphore_mem>>)
      } else {
      }
      %dma_start3A_253 = arith.constant 0 : i32
      %dma_start3A_254 = arith.constant 0 : i32
      %dma_start3A_255 = arith.constant 0 : i32
      %dma_start3A_256 = arith.constant 0 : i32
      %dma_start3A_257 = arith.constant 0 : i32
      %dma_start3A_258 = tpu.memref_slice %arg8[%rem3A_225, %dma_start3A_255, %dma_start3A_256, %dma_start3A_257] : memref<2x6x128x16xf32, #tpu.memory_space<vmem>> -> memref<1x1x128x16xf32, #tpu.memory_space<vmem>>
      %dma_start3A_259 = tpu.memref_squeeze %dma_start3A_258 : memref<1x1x128x16xf32, #tpu.memory_space<vmem>> -> memref<128x16xf32, #tpu.memory_space<vmem>>
      %dma_start3A_260 = arith.constant 0 : i32
      %dma_start3A_261 = tpu.memref_slice %arg7[%rem3A_227, %dma_start3A_253, %dma_start3A_254, %dma_start3A_260] : memref<3x2x6x128xi32, #tpu.memory_space<vmem>> -> memref<1x1x1x128xi32, #tpu.memory_space<vmem>>
      %dma_start3A_262 = tpu.memref_squeeze %dma_start3A_261 : memref<1x1x1x128xi32, #tpu.memory_space<vmem>> -> memref<128xi32, #tpu.memory_space<vmem>>
      %dma_start3A_263 = arith.constant 0 : i32
      %dma_start3A_264 = arith.constant 0 : i32
      %dma_start3A_265 = tpu.memref_slice %arg2[%dma_start3A_263, %dma_start3A_264] : memref<100096x16xf32, #tpu.memory_space<hbm>> -> memref<100096x16xf32, #tpu.memory_space<hbm>>
      tpu.enqueue_indirect_dma source(%dma_start3A_265 : memref<100096x16xf32, #tpu.memory_space<hbm>>) target(%dma_start3A_259 : memref<128x16xf32, #tpu.memory_space<vmem>>) offsets(%dma_start3A_262 : memref<128xi32, #tpu.memory_space<vmem>>) semaphore(%arg9 : memref<!tpu.dma_semaphore, #tpu.memory_space<semaphore_mem>>)
      %dma_start3A_266 = arith.constant 0 : i32
      %dma_start3A_267 = arith.constant 1 : i32
      %dma_start3A_268 = arith.constant 1 : i32
      %dma_start3A_269 = arith.constant 0 : i32
      %dma_start3A_270 = arith.constant 0 : i32
      %dma_start3A_271 = tpu.memref_slice %arg8[%rem3A_225, %dma_start3A_268, %dma_start3A_269, %dma_start3A_270] : memref<2x6x128x16xf32, #tpu.memory_space<vmem>> -> memref<1x1x128x16xf32, #tpu.memory_space<vmem>>
      %dma_start3A_272 = tpu.memref_squeeze %dma_start3A_271 : memref<1x1x128x16xf32, #tpu.memory_space<vmem>> -> memref<128x16xf32, #tpu.memory_space<vmem>>
      %dma_start3A_273 = arith.constant 0 : i32
      %dma_start3A_274 = tpu.memref_slice %arg7[%rem3A_227, %dma_start3A_266, %dma_start3A_267, %dma_start3A_273] : memref<3x2x6x128xi32, #tpu.memory_space<vmem>> -> memref<1x1x1x128xi32, #tpu.memory_space<vmem>>
      %dma_start3A_275 = tpu.memref_squeeze %dma_start3A_274 : memref<1x1x1x128xi32, #tpu.memory_space<vmem>> -> memref<128xi32, #tpu.memory_space<vmem>>
      %dma_start3A_276 = arith.constant 0 : i32
      %dma_start3A_277 = arith.constant 0 : i32
      %dma_start3A_278 = tpu.memref_slice %arg2[%dma_start3A_276, %dma_start3A_277] : memref<100096x16xf32, #tpu.memory_space<hbm>> -> memref<100096x16xf32, #tpu.memory_space<hbm>>
      tpu.enqueue_indirect_dma source(%dma_start3A_278 : memref<100096x16xf32, #tpu.memory_space<hbm>>) target(%dma_start3A_272 : memref<128x16xf32, #tpu.memory_space<vmem>>) offsets(%dma_start3A_275 : memref<128xi32, #tpu.memory_space<vmem>>) semaphore(%arg9 : memref<!tpu.dma_semaphore, #tpu.memory_space<semaphore_mem>>)
      %dma_start3A_279 = arith.constant 0 : i32
      %dma_start3A_280 = arith.constant 2 : i32
      %dma_start3A_281 = arith.constant 2 : i32
      %dma_start3A_282 = arith.constant 0 : i32
      %dma_start3A_283 = arith.constant 0 : i32
      %dma_start3A_284 = tpu.memref_slice %arg8[%rem3A_225, %dma_start3A_281, %dma_start3A_282, %dma_start3A_283] : memref<2x6x128x16xf32, #tpu.memory_space<vmem>> -> memref<1x1x128x16xf32, #tpu.memory_space<vmem>>
      %dma_start3A_285 = tpu.memref_squeeze %dma_start3A_284 : memref<1x1x128x16xf32, #tpu.memory_space<vmem>> -> memref<128x16xf32, #tpu.memory_space<vmem>>
      %dma_start3A_286 = arith.constant 0 : i32
      %dma_start3A_287 = tpu.memref_slice %arg7[%rem3A_227, %dma_start3A_279, %dma_start3A_280, %dma_start3A_286] : memref<3x2x6x128xi32, #tpu.memory_space<vmem>> -> memref<1x1x1x128xi32, #tpu.memory_space<vmem>>
      %dma_start3A_288 = tpu.memref_squeeze %dma_start3A_287 : memref<1x1x1x128xi32, #tpu.memory_space<vmem>> -> memref<128xi32, #tpu.memory_space<vmem>>
      %dma_start3A_289 = arith.constant 0 : i32
      %dma_start3A_290 = arith.constant 0 : i32
      %dma_start3A_291 = tpu.memref_slice %arg2[%dma_start3A_289, %dma_start3A_290] : memref<100096x16xf32, #tpu.memory_space<hbm>> -> memref<100096x16xf32, #tpu.memory_space<hbm>>
      tpu.enqueue_indirect_dma source(%dma_start3A_291 : memref<100096x16xf32, #tpu.memory_space<hbm>>) target(%dma_start3A_285 : memref<128x16xf32, #tpu.memory_space<vmem>>) offsets(%dma_start3A_288 : memref<128xi32, #tpu.memory_space<vmem>>) semaphore(%arg9 : memref<!tpu.dma_semaphore, #tpu.memory_space<semaphore_mem>>)
      %dma_start3A_292 = arith.constant 0 : i32
      %dma_start3A_293 = arith.constant 3 : i32
      %dma_start3A_294 = arith.constant 3 : i32
      %dma_start3A_295 = arith.constant 0 : i32
      %dma_start3A_296 = arith.constant 0 : i32
      %dma_start3A_297 = tpu.memref_slice %arg8[%rem3A_225, %dma_start3A_294, %dma_start3A_295, %dma_start3A_296] : memref<2x6x128x16xf32, #tpu.memory_space<vmem>> -> memref<1x1x128x16xf32, #tpu.memory_space<vmem>>
      %dma_start3A_298 = tpu.memref_squeeze %dma_start3A_297 : memref<1x1x128x16xf32, #tpu.memory_space<vmem>> -> memref<128x16xf32, #tpu.memory_space<vmem>>
      %dma_start3A_299 = arith.constant 0 : i32
      %dma_start3A_300 = tpu.memref_slice %arg7[%rem3A_227, %dma_start3A_292, %dma_start3A_293, %dma_start3A_299] : memref<3x2x6x128xi32, #tpu.memory_space<vmem>> -> memref<1x1x1x128xi32, #tpu.memory_space<vmem>>
      %dma_start3A_301 = tpu.memref_squeeze %dma_start3A_300 : memref<1x1x1x128xi32, #tpu.memory_space<vmem>> -> memref<128xi32, #tpu.memory_space<vmem>>
      %dma_start3A_302 = arith.constant 0 : i32
      %dma_start3A_303 = arith.constant 0 : i32
      %dma_start3A_304 = tpu.memref_slice %arg2[%dma_start3A_302, %dma_start3A_303] : memref<100096x16xf32, #tpu.memory_space<hbm>> -> memref<100096x16xf32, #tpu.memory_space<hbm>>
      tpu.enqueue_indirect_dma source(%dma_start3A_304 : memref<100096x16xf32, #tpu.memory_space<hbm>>) target(%dma_start3A_298 : memref<128x16xf32, #tpu.memory_space<vmem>>) offsets(%dma_start3A_301 : memref<128xi32, #tpu.memory_space<vmem>>) semaphore(%arg9 : memref<!tpu.dma_semaphore, #tpu.memory_space<semaphore_mem>>)
      %dma_start3A_305 = arith.constant 0 : i32
      %dma_start3A_306 = arith.constant 4 : i32
      %dma_start3A_307 = arith.constant 4 : i32
      %dma_start3A_308 = arith.constant 0 : i32
      %dma_start3A_309 = arith.constant 0 : i32
      %dma_start3A_310 = tpu.memref_slice %arg8[%rem3A_225, %dma_start3A_307, %dma_start3A_308, %dma_start3A_309] : memref<2x6x128x16xf32, #tpu.memory_space<vmem>> -> memref<1x1x128x16xf32, #tpu.memory_space<vmem>>
      %dma_start3A_311 = tpu.memref_squeeze %dma_start3A_310 : memref<1x1x128x16xf32, #tpu.memory_space<vmem>> -> memref<128x16xf32, #tpu.memory_space<vmem>>
      %dma_start3A_312 = arith.constant 0 : i32
      %dma_start3A_313 = tpu.memref_slice %arg7[%rem3A_227, %dma_start3A_305, %dma_start3A_306, %dma_start3A_312] : memref<3x2x6x128xi32, #tpu.memory_space<vmem>> -> memref<1x1x1x128xi32, #tpu.memory_space<vmem>>
      %dma_start3A_314 = tpu.memref_squeeze %dma_start3A_313 : memref<1x1x1x128xi32, #tpu.memory_space<vmem>> -> memref<128xi32, #tpu.memory_space<vmem>>
      %dma_start3A_315 = arith.constant 0 : i32
      %dma_start3A_316 = arith.constant 0 : i32
      %dma_start3A_317 = tpu.memref_slice %arg2[%dma_start3A_315, %dma_start3A_316] : memref<100096x16xf32, #tpu.memory_space<hbm>> -> memref<100096x16xf32, #tpu.memory_space<hbm>>
      tpu.enqueue_indirect_dma source(%dma_start3A_317 : memref<100096x16xf32, #tpu.memory_space<hbm>>) target(%dma_start3A_311 : memref<128x16xf32, #tpu.memory_space<vmem>>) offsets(%dma_start3A_314 : memref<128xi32, #tpu.memory_space<vmem>>) semaphore(%arg9 : memref<!tpu.dma_semaphore, #tpu.memory_space<semaphore_mem>>)
      %dma_start3A_318 = arith.constant 0 : i32
      %dma_start3A_319 = arith.constant 5 : i32
      %dma_start3A_320 = arith.constant 5 : i32
      %dma_start3A_321 = arith.constant 0 : i32
      %dma_start3A_322 = arith.constant 0 : i32
      %dma_start3A_323 = tpu.memref_slice %arg8[%rem3A_225, %dma_start3A_320, %dma_start3A_321, %dma_start3A_322] : memref<2x6x128x16xf32, #tpu.memory_space<vmem>> -> memref<1x1x128x16xf32, #tpu.memory_space<vmem>>
      %dma_start3A_324 = tpu.memref_squeeze %dma_start3A_323 : memref<1x1x128x16xf32, #tpu.memory_space<vmem>> -> memref<128x16xf32, #tpu.memory_space<vmem>>
      %dma_start3A_325 = arith.constant 0 : i32
      %dma_start3A_326 = tpu.memref_slice %arg7[%rem3A_227, %dma_start3A_318, %dma_start3A_319, %dma_start3A_325] : memref<3x2x6x128xi32, #tpu.memory_space<vmem>> -> memref<1x1x1x128xi32, #tpu.memory_space<vmem>>
      %dma_start3A_327 = tpu.memref_squeeze %dma_start3A_326 : memref<1x1x1x128xi32, #tpu.memory_space<vmem>> -> memref<128xi32, #tpu.memory_space<vmem>>
      %dma_start3A_328 = arith.constant 0 : i32
      %dma_start3A_329 = arith.constant 0 : i32
      %dma_start3A_330 = tpu.memref_slice %arg2[%dma_start3A_328, %dma_start3A_329] : memref<100096x16xf32, #tpu.memory_space<hbm>> -> memref<100096x16xf32, #tpu.memory_space<hbm>>
      tpu.enqueue_indirect_dma source(%dma_start3A_330 : memref<100096x16xf32, #tpu.memory_space<hbm>>) target(%dma_start3A_324 : memref<128x16xf32, #tpu.memory_space<vmem>>) offsets(%dma_start3A_327 : memref<128xi32, #tpu.memory_space<vmem>>) semaphore(%arg9 : memref<!tpu.dma_semaphore, #tpu.memory_space<semaphore_mem>>)
      %dma_wait3A_331 = arith.constant 0 : i32
      %dma_wait3A_332 = arith.constant 0 : i32
      %dma_wait3A_333 = arith.constant 0 : i32
      %dma_wait3A_334 = arith.constant 0 : i32
      %dma_wait3A_335 = arith.constant 0 : i32
      %dma_wait3A_336 = tpu.memref_slice %arg8[%rem3A_225, %dma_wait3A_333, %dma_wait3A_334, %dma_wait3A_335] : memref<2x6x128x16xf32, #tpu.memory_space<vmem>> -> memref<1x1x128x16xf32, #tpu.memory_space<vmem>>
      %dma_wait3A_337 = tpu.memref_squeeze %dma_wait3A_336 : memref<1x1x128x16xf32, #tpu.memory_space<vmem>> -> memref<128x16xf32, #tpu.memory_space<vmem>>
      %dma_wait3A_338 = arith.constant 0 : i32
      %dma_wait3A_339 = tpu.memref_slice %arg7[%rem3A_227, %dma_wait3A_331, %dma_wait3A_332, %dma_wait3A_338] : memref<3x2x6x128xi32, #tpu.memory_space<vmem>> -> memref<1x1x1x128xi32, #tpu.memory_space<vmem>>
      %dma_wait3A_340 = tpu.memref_squeeze %dma_wait3A_339 : memref<1x1x1x128xi32, #tpu.memory_space<vmem>> -> memref<128xi32, #tpu.memory_space<vmem>>
      %dma_wait3A_341 = arith.constant 0 : i32
      %dma_wait3A_342 = arith.constant 0 : i32
      %dma_wait3A_343 = tpu.memref_slice %arg2[%dma_wait3A_341, %dma_wait3A_342] : memref<100096x16xf32, #tpu.memory_space<hbm>> -> memref<100096x16xf32, #tpu.memory_space<hbm>>
      tpu.wait_indirect_dma semaphore(%arg9 : memref<!tpu.dma_semaphore, #tpu.memory_space<semaphore_mem>>) src(%dma_wait3A_343 : memref<100096x16xf32, #tpu.memory_space<hbm>>) dst(%dma_wait3A_337 : memref<128x16xf32, #tpu.memory_space<vmem>>)
      %dma_wait3A_344 = arith.constant 0 : i32
      %dma_wait3A_345 = arith.constant 1 : i32
      %dma_wait3A_346 = arith.constant 1 : i32
      %dma_wait3A_347 = arith.constant 0 : i32
      %dma_wait3A_348 = arith.constant 0 : i32
      %dma_wait3A_349 = tpu.memref_slice %arg8[%rem3A_225, %dma_wait3A_346, %dma_wait3A_347, %dma_wait3A_348] : memref<2x6x128x16xf32, #tpu.memory_space<vmem>> -> memref<1x1x128x16xf32, #tpu.memory_space<vmem>>
      %dma_wait3A_350 = tpu.memref_squeeze %dma_wait3A_349 : memref<1x1x128x16xf32, #tpu.memory_space<vmem>> -> memref<128x16xf32, #tpu.memory_space<vmem>>
      %dma_wait3A_351 = arith.constant 0 : i32
      %dma_wait3A_352 = tpu.memref_slice %arg7[%rem3A_227, %dma_wait3A_344, %dma_wait3A_345, %dma_wait3A_351] : memref<3x2x6x128xi32, #tpu.memory_space<vmem>> -> memref<1x1x1x128xi32, #tpu.memory_space<vmem>>
      %dma_wait3A_353 = tpu.memref_squeeze %dma_wait3A_352 : memref<1x1x1x128xi32, #tpu.memory_space<vmem>> -> memref<128xi32, #tpu.memory_space<vmem>>
      %dma_wait3A_354 = arith.constant 0 : i32
      %dma_wait3A_355 = arith.constant 0 : i32
      %dma_wait3A_356 = tpu.memref_slice %arg2[%dma_wait3A_354, %dma_wait3A_355] : memref<100096x16xf32, #tpu.memory_space<hbm>> -> memref<100096x16xf32, #tpu.memory_space<hbm>>
      tpu.wait_indirect_dma semaphore(%arg9 : memref<!tpu.dma_semaphore, #tpu.memory_space<semaphore_mem>>) src(%dma_wait3A_356 : memref<100096x16xf32, #tpu.memory_space<hbm>>) dst(%dma_wait3A_350 : memref<128x16xf32, #tpu.memory_space<vmem>>)
      %dma_wait3A_357 = arith.constant 0 : i32
      %dma_wait3A_358 = arith.constant 2 : i32
      %dma_wait3A_359 = arith.constant 2 : i32
      %dma_wait3A_360 = arith.constant 0 : i32
      %dma_wait3A_361 = arith.constant 0 : i32
      %dma_wait3A_362 = tpu.memref_slice %arg8[%rem3A_225, %dma_wait3A_359, %dma_wait3A_360, %dma_wait3A_361] : memref<2x6x128x16xf32, #tpu.memory_space<vmem>> -> memref<1x1x128x16xf32, #tpu.memory_space<vmem>>
      %dma_wait3A_363 = tpu.memref_squeeze %dma_wait3A_362 : memref<1x1x128x16xf32, #tpu.memory_space<vmem>> -> memref<128x16xf32, #tpu.memory_space<vmem>>
      %dma_wait3A_364 = arith.constant 0 : i32
      %dma_wait3A_365 = tpu.memref_slice %arg7[%rem3A_227, %dma_wait3A_357, %dma_wait3A_358, %dma_wait3A_364] : memref<3x2x6x128xi32, #tpu.memory_space<vmem>> -> memref<1x1x1x128xi32, #tpu.memory_space<vmem>>
      %dma_wait3A_366 = tpu.memref_squeeze %dma_wait3A_365 : memref<1x1x1x128xi32, #tpu.memory_space<vmem>> -> memref<128xi32, #tpu.memory_space<vmem>>
      %dma_wait3A_367 = arith.constant 0 : i32
      %dma_wait3A_368 = arith.constant 0 : i32
      %dma_wait3A_369 = tpu.memref_slice %arg2[%dma_wait3A_367, %dma_wait3A_368] : memref<100096x16xf32, #tpu.memory_space<hbm>> -> memref<100096x16xf32, #tpu.memory_space<hbm>>
      tpu.wait_indirect_dma semaphore(%arg9 : memref<!tpu.dma_semaphore, #tpu.memory_space<semaphore_mem>>) src(%dma_wait3A_369 : memref<100096x16xf32, #tpu.memory_space<hbm>>) dst(%dma_wait3A_363 : memref<128x16xf32, #tpu.memory_space<vmem>>)
      %dma_wait3A_370 = arith.constant 0 : i32
      %dma_wait3A_371 = arith.constant 3 : i32
      %dma_wait3A_372 = arith.constant 3 : i32
      %dma_wait3A_373 = arith.constant 0 : i32
      %dma_wait3A_374 = arith.constant 0 : i32
      %dma_wait3A_375 = tpu.memref_slice %arg8[%rem3A_225, %dma_wait3A_372, %dma_wait3A_373, %dma_wait3A_374] : memref<2x6x128x16xf32, #tpu.memory_space<vmem>> -> memref<1x1x128x16xf32, #tpu.memory_space<vmem>>
      %dma_wait3A_376 = tpu.memref_squeeze %dma_wait3A_375 : memref<1x1x128x16xf32, #tpu.memory_space<vmem>> -> memref<128x16xf32, #tpu.memory_space<vmem>>
      %dma_wait3A_377 = arith.constant 0 : i32
      %dma_wait3A_378 = tpu.memref_slice %arg7[%rem3A_227, %dma_wait3A_370, %dma_wait3A_371, %dma_wait3A_377] : memref<3x2x6x128xi32, #tpu.memory_space<vmem>> -> memref<1x1x1x128xi32, #tpu.memory_space<vmem>>
      %dma_wait3A_379 = tpu.memref_squeeze %dma_wait3A_378 : memref<1x1x1x128xi32, #tpu.memory_space<vmem>> -> memref<128xi32, #tpu.memory_space<vmem>>
      %dma_wait3A_380 = arith.constant 0 : i32
      %dma_wait3A_381 = arith.constant 0 : i32
      %dma_wait3A_382 = tpu.memref_slice %arg2[%dma_wait3A_380, %dma_wait3A_381] : memref<100096x16xf32, #tpu.memory_space<hbm>> -> memref<100096x16xf32, #tpu.memory_space<hbm>>
      tpu.wait_indirect_dma semaphore(%arg9 : memref<!tpu.dma_semaphore, #tpu.memory_space<semaphore_mem>>) src(%dma_wait3A_382 : memref<100096x16xf32, #tpu.memory_space<hbm>>) dst(%dma_wait3A_376 : memref<128x16xf32, #tpu.memory_space<vmem>>)
      %dma_wait3A_383 = arith.constant 0 : i32
      %dma_wait3A_384 = arith.constant 4 : i32
      %dma_wait3A_385 = arith.constant 4 : i32
      %dma_wait3A_386 = arith.constant 0 : i32
      %dma_wait3A_387 = arith.constant 0 : i32
      %dma_wait3A_388 = tpu.memref_slice %arg8[%rem3A_225, %dma_wait3A_385, %dma_wait3A_386, %dma_wait3A_387] : memref<2x6x128x16xf32, #tpu.memory_space<vmem>> -> memref<1x1x128x16xf32, #tpu.memory_space<vmem>>
      %dma_wait3A_389 = tpu.memref_squeeze %dma_wait3A_388 : memref<1x1x128x16xf32, #tpu.memory_space<vmem>> -> memref<128x16xf32, #tpu.memory_space<vmem>>
      %dma_wait3A_390 = arith.constant 0 : i32
      %dma_wait3A_391 = tpu.memref_slice %arg7[%rem3A_227, %dma_wait3A_383, %dma_wait3A_384, %dma_wait3A_390] : memref<3x2x6x128xi32, #tpu.memory_space<vmem>> -> memref<1x1x1x128xi32, #tpu.memory_space<vmem>>
      %dma_wait3A_392 = tpu.memref_squeeze %dma_wait3A_391 : memref<1x1x1x128xi32, #tpu.memory_space<vmem>> -> memref<128xi32, #tpu.memory_space<vmem>>
      %dma_wait3A_393 = arith.constant 0 : i32
      %dma_wait3A_394 = arith.constant 0 : i32
      %dma_wait3A_395 = tpu.memref_slice %arg2[%dma_wait3A_393, %dma_wait3A_394] : memref<100096x16xf32, #tpu.memory_space<hbm>> -> memref<100096x16xf32, #tpu.memory_space<hbm>>
      tpu.wait_indirect_dma semaphore(%arg9 : memref<!tpu.dma_semaphore, #tpu.memory_space<semaphore_mem>>) src(%dma_wait3A_395 : memref<100096x16xf32, #tpu.memory_space<hbm>>) dst(%dma_wait3A_389 : memref<128x16xf32, #tpu.memory_space<vmem>>)
      %dma_wait3A_396 = arith.constant 0 : i32
      %dma_wait3A_397 = arith.constant 5 : i32
      %dma_wait3A_398 = arith.constant 5 : i32
      %dma_wait3A_399 = arith.constant 0 : i32
      %dma_wait3A_400 = arith.constant 0 : i32
      %dma_wait3A_401 = tpu.memref_slice %arg8[%rem3A_225, %dma_wait3A_398, %dma_wait3A_399, %dma_wait3A_400] : memref<2x6x128x16xf32, #tpu.memory_space<vmem>> -> memref<1x1x128x16xf32, #tpu.memory_space<vmem>>
      %dma_wait3A_402 = tpu.memref_squeeze %dma_wait3A_401 : memref<1x1x128x16xf32, #tpu.memory_space<vmem>> -> memref<128x16xf32, #tpu.memory_space<vmem>>
      %dma_wait3A_403 = arith.constant 0 : i32
      %dma_wait3A_404 = tpu.memref_slice %arg7[%rem3A_227, %dma_wait3A_396, %dma_wait3A_397, %dma_wait3A_403] : memref<3x2x6x128xi32, #tpu.memory_space<vmem>> -> memref<1x1x1x128xi32, #tpu.memory_space<vmem>>
      %dma_wait3A_405 = tpu.memref_squeeze %dma_wait3A_404 : memref<1x1x1x128xi32, #tpu.memory_space<vmem>> -> memref<128xi32, #tpu.memory_space<vmem>>
      %dma_wait3A_406 = arith.constant 0 : i32
      %dma_wait3A_407 = arith.constant 0 : i32
      %dma_wait3A_408 = tpu.memref_slice %arg2[%dma_wait3A_406, %dma_wait3A_407] : memref<100096x16xf32, #tpu.memory_space<hbm>> -> memref<100096x16xf32, #tpu.memory_space<hbm>>
      tpu.wait_indirect_dma semaphore(%arg9 : memref<!tpu.dma_semaphore, #tpu.memory_space<semaphore_mem>>) src(%dma_wait3A_408 : memref<100096x16xf32, #tpu.memory_space<hbm>>) dst(%dma_wait3A_402 : memref<128x16xf32, #tpu.memory_space<vmem>>)
      %dma_start3A_409 = arith.constant 0 : i32
      %dma_start3A_410 = arith.constant 1 : i32
      %dma_start3A_411 = arith.constant 0 : i32
      %dma_start3A_412 = arith.constant 0 : i32
      %dma_start3A_413 = arith.constant 0 : i32
      %dma_start3A_414 = tpu.memref_slice %arg8[%rem3A_225, %dma_start3A_409, %dma_start3A_412, %dma_start3A_413] : memref<2x6x128x16xf32, #tpu.memory_space<vmem>> -> memref<1x1x128x16xf32, #tpu.memory_space<vmem>>
      %dma_start3A_415 = tpu.memref_squeeze %dma_start3A_414 : memref<1x1x128x16xf32, #tpu.memory_space<vmem>> -> memref<128x16xf32, #tpu.memory_space<vmem>>
      %dma_start3A_416 = arith.constant 0 : i32
      %dma_start3A_417 = tpu.memref_slice %arg7[%rem3A_227, %dma_start3A_410, %dma_start3A_411, %dma_start3A_416] : memref<3x2x6x128xi32, #tpu.memory_space<vmem>> -> memref<1x1x1x128xi32, #tpu.memory_space<vmem>>
      %dma_start3A_418 = tpu.memref_squeeze %dma_start3A_417 : memref<1x1x1x128xi32, #tpu.memory_space<vmem>> -> memref<128xi32, #tpu.memory_space<vmem>>
      %dma_start3A_419 = arith.constant 0 : i32
      %dma_start3A_420 = arith.constant 0 : i32
      %dma_start3A_421 = tpu.memref_slice %arg6[%dma_start3A_419, %dma_start3A_420] : memref<100096x16xf32, #tpu.memory_space<vmem_shared>> -> memref<100096x16xf32, #tpu.memory_space<vmem_shared>>
      tpu.enqueue_indirect_dma source(%dma_start3A_415 : memref<128x16xf32, #tpu.memory_space<vmem>>) target(%dma_start3A_421 : memref<100096x16xf32, #tpu.memory_space<vmem_shared>>) offsets(%dma_start3A_418 : memref<128xi32, #tpu.memory_space<vmem>>) semaphore(%arg10 : memref<!tpu.dma_semaphore, #tpu.memory_space<semaphore_mem>>) {add = true}
      %dma_start3A_422 = arith.constant 1 : i32
      %dma_start3A_423 = arith.constant 1 : i32
      %dma_start3A_424 = arith.constant 1 : i32
      %dma_start3A_425 = arith.constant 0 : i32
      %dma_start3A_426 = arith.constant 0 : i32
      %dma_start3A_427 = tpu.memref_slice %arg8[%rem3A_225, %dma_start3A_422, %dma_start3A_425, %dma_start3A_426] : memref<2x6x128x16xf32, #tpu.memory_space<vmem>> -> memref<1x1x128x16xf32, #tpu.memory_space<vmem>>
      %dma_start3A_428 = tpu.memref_squeeze %dma_start3A_427 : memref<1x1x128x16xf32, #tpu.memory_space<vmem>> -> memref<128x16xf32, #tpu.memory_space<vmem>>
      %dma_start3A_429 = arith.constant 0 : i32
      %dma_start3A_430 = tpu.memref_slice %arg7[%rem3A_227, %dma_start3A_423, %dma_start3A_424, %dma_start3A_429] : memref<3x2x6x128xi32, #tpu.memory_space<vmem>> -> memref<1x1x1x128xi32, #tpu.memory_space<vmem>>
      %dma_start3A_431 = tpu.memref_squeeze %dma_start3A_430 : memref<1x1x1x128xi32, #tpu.memory_space<vmem>> -> memref<128xi32, #tpu.memory_space<vmem>>
      %dma_start3A_432 = arith.constant 0 : i32
      %dma_start3A_433 = arith.constant 0 : i32
      %dma_start3A_434 = tpu.memref_slice %arg6[%dma_start3A_432, %dma_start3A_433] : memref<100096x16xf32, #tpu.memory_space<vmem_shared>> -> memref<100096x16xf32, #tpu.memory_space<vmem_shared>>
      tpu.enqueue_indirect_dma source(%dma_start3A_428 : memref<128x16xf32, #tpu.memory_space<vmem>>) target(%dma_start3A_434 : memref<100096x16xf32, #tpu.memory_space<vmem_shared>>) offsets(%dma_start3A_431 : memref<128xi32, #tpu.memory_space<vmem>>) semaphore(%arg10 : memref<!tpu.dma_semaphore, #tpu.memory_space<semaphore_mem>>) {add = true}
      %dma_start3A_435 = arith.constant 2 : i32
      %dma_start3A_436 = arith.constant 1 : i32
      %dma_start3A_437 = arith.constant 2 : i32
      %dma_start3A_438 = arith.constant 0 : i32
      %dma_start3A_439 = arith.constant 0 : i32
      %dma_start3A_440 = tpu.memref_slice %arg8[%rem3A_225, %dma_start3A_435, %dma_start3A_438, %dma_start3A_439] : memref<2x6x128x16xf32, #tpu.memory_space<vmem>> -> memref<1x1x128x16xf32, #tpu.memory_space<vmem>>
      %dma_start3A_441 = tpu.memref_squeeze %dma_start3A_440 : memref<1x1x128x16xf32, #tpu.memory_space<vmem>> -> memref<128x16xf32, #tpu.memory_space<vmem>>
      %dma_start3A_442 = arith.constant 0 : i32
      %dma_start3A_443 = tpu.memref_slice %arg7[%rem3A_227, %dma_start3A_436, %dma_start3A_437, %dma_start3A_442] : memref<3x2x6x128xi32, #tpu.memory_space<vmem>> -> memref<1x1x1x128xi32, #tpu.memory_space<vmem>>
      %dma_start3A_444 = tpu.memref_squeeze %dma_start3A_443 : memref<1x1x1x128xi32, #tpu.memory_space<vmem>> -> memref<128xi32, #tpu.memory_space<vmem>>
      %dma_start3A_445 = arith.constant 0 : i32
      %dma_start3A_446 = arith.constant 0 : i32
      %dma_start3A_447 = tpu.memref_slice %arg6[%dma_start3A_445, %dma_start3A_446] : memref<100096x16xf32, #tpu.memory_space<vmem_shared>> -> memref<100096x16xf32, #tpu.memory_space<vmem_shared>>
      tpu.enqueue_indirect_dma source(%dma_start3A_441 : memref<128x16xf32, #tpu.memory_space<vmem>>) target(%dma_start3A_447 : memref<100096x16xf32, #tpu.memory_space<vmem_shared>>) offsets(%dma_start3A_444 : memref<128xi32, #tpu.memory_space<vmem>>) semaphore(%arg10 : memref<!tpu.dma_semaphore, #tpu.memory_space<semaphore_mem>>) {add = true}
      %dma_start3A_448 = arith.constant 3 : i32
      %dma_start3A_449 = arith.constant 1 : i32
      %dma_start3A_450 = arith.constant 3 : i32
      %dma_start3A_451 = arith.constant 0 : i32
      %dma_start3A_452 = arith.constant 0 : i32
      %dma_start3A_453 = tpu.memref_slice %arg8[%rem3A_225, %dma_start3A_448, %dma_start3A_451, %dma_start3A_452] : memref<2x6x128x16xf32, #tpu.memory_space<vmem>> -> memref<1x1x128x16xf32, #tpu.memory_space<vmem>>
      %dma_start3A_454 = tpu.memref_squeeze %dma_start3A_453 : memref<1x1x128x16xf32, #tpu.memory_space<vmem>> -> memref<128x16xf32, #tpu.memory_space<vmem>>
      %dma_start3A_455 = arith.constant 0 : i32
      %dma_start3A_456 = tpu.memref_slice %arg7[%rem3A_227, %dma_start3A_449, %dma_start3A_450, %dma_start3A_455] : memref<3x2x6x128xi32, #tpu.memory_space<vmem>> -> memref<1x1x1x128xi32, #tpu.memory_space<vmem>>
      %dma_start3A_457 = tpu.memref_squeeze %dma_start3A_456 : memref<1x1x1x128xi32, #tpu.memory_space<vmem>> -> memref<128xi32, #tpu.memory_space<vmem>>
      %dma_start3A_458 = arith.constant 0 : i32
      %dma_start3A_459 = arith.constant 0 : i32
      %dma_start3A_460 = tpu.memref_slice %arg6[%dma_start3A_458, %dma_start3A_459] : memref<100096x16xf32, #tpu.memory_space<vmem_shared>> -> memref<100096x16xf32, #tpu.memory_space<vmem_shared>>
      tpu.enqueue_indirect_dma source(%dma_start3A_454 : memref<128x16xf32, #tpu.memory_space<vmem>>) target(%dma_start3A_460 : memref<100096x16xf32, #tpu.memory_space<vmem_shared>>) offsets(%dma_start3A_457 : memref<128xi32, #tpu.memory_space<vmem>>) semaphore(%arg10 : memref<!tpu.dma_semaphore, #tpu.memory_space<semaphore_mem>>) {add = true}
      %dma_start3A_461 = arith.constant 4 : i32
      %dma_start3A_462 = arith.constant 1 : i32
      %dma_start3A_463 = arith.constant 4 : i32
      %dma_start3A_464 = arith.constant 0 : i32
      %dma_start3A_465 = arith.constant 0 : i32
      %dma_start3A_466 = tpu.memref_slice %arg8[%rem3A_225, %dma_start3A_461, %dma_start3A_464, %dma_start3A_465] : memref<2x6x128x16xf32, #tpu.memory_space<vmem>> -> memref<1x1x128x16xf32, #tpu.memory_space<vmem>>
      %dma_start3A_467 = tpu.memref_squeeze %dma_start3A_466 : memref<1x1x128x16xf32, #tpu.memory_space<vmem>> -> memref<128x16xf32, #tpu.memory_space<vmem>>
      %dma_start3A_468 = arith.constant 0 : i32
      %dma_start3A_469 = tpu.memref_slice %arg7[%rem3A_227, %dma_start3A_462, %dma_start3A_463, %dma_start3A_468] : memref<3x2x6x128xi32, #tpu.memory_space<vmem>> -> memref<1x1x1x128xi32, #tpu.memory_space<vmem>>
      %dma_start3A_470 = tpu.memref_squeeze %dma_start3A_469 : memref<1x1x1x128xi32, #tpu.memory_space<vmem>> -> memref<128xi32, #tpu.memory_space<vmem>>
      %dma_start3A_471 = arith.constant 0 : i32
      %dma_start3A_472 = arith.constant 0 : i32
      %dma_start3A_473 = tpu.memref_slice %arg6[%dma_start3A_471, %dma_start3A_472] : memref<100096x16xf32, #tpu.memory_space<vmem_shared>> -> memref<100096x16xf32, #tpu.memory_space<vmem_shared>>
      tpu.enqueue_indirect_dma source(%dma_start3A_467 : memref<128x16xf32, #tpu.memory_space<vmem>>) target(%dma_start3A_473 : memref<100096x16xf32, #tpu.memory_space<vmem_shared>>) offsets(%dma_start3A_470 : memref<128xi32, #tpu.memory_space<vmem>>) semaphore(%arg10 : memref<!tpu.dma_semaphore, #tpu.memory_space<semaphore_mem>>) {add = true}
      %dma_start3A_474 = arith.constant 5 : i32
      %dma_start3A_475 = arith.constant 1 : i32
      %dma_start3A_476 = arith.constant 5 : i32
      %dma_start3A_477 = arith.constant 0 : i32
      %dma_start3A_478 = arith.constant 0 : i32
      %dma_start3A_479 = tpu.memref_slice %arg8[%rem3A_225, %dma_start3A_474, %dma_start3A_477, %dma_start3A_478] : memref<2x6x128x16xf32, #tpu.memory_space<vmem>> -> memref<1x1x128x16xf32, #tpu.memory_space<vmem>>
      %dma_start3A_480 = tpu.memref_squeeze %dma_start3A_479 : memref<1x1x128x16xf32, #tpu.memory_space<vmem>> -> memref<128x16xf32, #tpu.memory_space<vmem>>
      %dma_start3A_481 = arith.constant 0 : i32
      %dma_start3A_482 = tpu.memref_slice %arg7[%rem3A_227, %dma_start3A_475, %dma_start3A_476, %dma_start3A_481] : memref<3x2x6x128xi32, #tpu.memory_space<vmem>> -> memref<1x1x1x128xi32, #tpu.memory_space<vmem>>
      %dma_start3A_483 = tpu.memref_squeeze %dma_start3A_482 : memref<1x1x1x128xi32, #tpu.memory_space<vmem>> -> memref<128xi32, #tpu.memory_space<vmem>>
      %dma_start3A_484 = arith.constant 0 : i32
      %dma_start3A_485 = arith.constant 0 : i32
      %dma_start3A_486 = tpu.memref_slice %arg6[%dma_start3A_484, %dma_start3A_485] : memref<100096x16xf32, #tpu.memory_space<vmem_shared>> -> memref<100096x16xf32, #tpu.memory_space<vmem_shared>>
      tpu.enqueue_indirect_dma source(%dma_start3A_480 : memref<128x16xf32, #tpu.memory_space<vmem>>) target(%dma_start3A_486 : memref<100096x16xf32, #tpu.memory_space<vmem_shared>>) offsets(%dma_start3A_483 : memref<128xi32, #tpu.memory_space<vmem>>) semaphore(%arg10 : memref<!tpu.dma_semaphore, #tpu.memory_space<semaphore_mem>>) {add = true}
    }
    %scan3A_27 = arith.constant 260 : i32
    %dma_wait3A = arith.constant 0 : i32
    %dma_wait3A_28 = arith.constant 0 : i32
    %dma_wait3A_29 = arith.constant 0 : i32
    %dma_wait3A_30 = arith.constant 0 : i32
    %dma_wait3A_31 = tpu.memref_slice %arg8[%dma_wait3A, %dma_wait3A_28, %dma_wait3A_29, %dma_wait3A_30] : memref<2x6x128x16xf32, #tpu.memory_space<vmem>> -> memref<1x1x128x16xf32, #tpu.memory_space<vmem>>
    %dma_wait3A_32 = tpu.memref_squeeze %dma_wait3A_31 : memref<1x1x128x16xf32, #tpu.memory_space<vmem>> -> memref<128x16xf32, #tpu.memory_space<vmem>>
    %dma_wait3A_33 = arith.constant 0 : i32
    %dma_wait3A_34 = arith.constant 0 : i32
    %dma_wait3A_35 = tpu.memref_slice %arg2[%dma_wait3A_33, %dma_wait3A_34] : memref<100096x16xf32, #tpu.memory_space<hbm>> -> memref<128x16xf32, #tpu.memory_space<hbm>>
    %dma_wait3A_36 = arith.constant 0 : i32
    %dma_wait3A_37 = arith.constant 0 : i32
    %dma_wait3A_38 = tpu.memref_slice %arg8[%dma_wait3A, %dma_wait3A_28, %dma_wait3A_36, %dma_wait3A_37] : memref<2x6x128x16xf32, #tpu.memory_space<vmem>> -> memref<1x1x128x16xf32, #tpu.memory_space<vmem>>
    %dma_wait3A_39 = tpu.memref_squeeze %dma_wait3A_38 : memref<1x1x128x16xf32, #tpu.memory_space<vmem>> -> memref<128x16xf32, #tpu.memory_space<vmem>>
    %dma_wait3A_40 = arith.constant 0 : i32
    %dma_wait3A_41 = arith.constant 0 : i32
    %dma_wait3A_42 = tpu.memref_slice %arg2[%dma_wait3A_40, %dma_wait3A_41] : memref<100096x16xf32, #tpu.memory_space<hbm>> -> memref<128x16xf32, #tpu.memory_space<hbm>>
    tpu.wait_dma2 semaphore(%arg10 : memref<!tpu.dma_semaphore, #tpu.memory_space<semaphore_mem>>) src(%dma_wait3A_42 : memref<128x16xf32, #tpu.memory_space<hbm>>) dst(%dma_wait3A_39 : memref<128x16xf32, #tpu.memory_space<vmem>>)
    %dma_wait3A_43 = arith.constant 0 : i32
    %dma_wait3A_44 = arith.constant 0 : i32
    %dma_wait3A_45 = arith.constant 0 : i32
    %dma_wait3A_46 = arith.constant 0 : i32
    %dma_wait3A_47 = tpu.memref_slice %arg8[%dma_wait3A_43, %dma_wait3A_44, %dma_wait3A_45, %dma_wait3A_46] : memref<2x6x128x16xf32, #tpu.memory_space<vmem>> -> memref<1x1x128x16xf32, #tpu.memory_space<vmem>>
    %dma_wait3A_48 = tpu.memref_squeeze %dma_wait3A_47 : memref<1x1x128x16xf32, #tpu.memory_space<vmem>> -> memref<128x16xf32, #tpu.memory_space<vmem>>
    %dma_wait3A_49 = arith.constant 0 : i32
    %dma_wait3A_50 = arith.constant 0 : i32
    %dma_wait3A_51 = tpu.memref_slice %arg2[%dma_wait3A_49, %dma_wait3A_50] : memref<100096x16xf32, #tpu.memory_space<hbm>> -> memref<128x16xf32, #tpu.memory_space<hbm>>
    %dma_wait3A_52 = arith.constant 0 : i32
    %dma_wait3A_53 = arith.constant 0 : i32
    %dma_wait3A_54 = tpu.memref_slice %arg8[%dma_wait3A_43, %dma_wait3A_44, %dma_wait3A_52, %dma_wait3A_53] : memref<2x6x128x16xf32, #tpu.memory_space<vmem>> -> memref<1x1x128x16xf32, #tpu.memory_space<vmem>>
    %dma_wait3A_55 = tpu.memref_squeeze %dma_wait3A_54 : memref<1x1x128x16xf32, #tpu.memory_space<vmem>> -> memref<128x16xf32, #tpu.memory_space<vmem>>
    %dma_wait3A_56 = arith.constant 0 : i32
    %dma_wait3A_57 = arith.constant 0 : i32
    %dma_wait3A_58 = tpu.memref_slice %arg2[%dma_wait3A_56, %dma_wait3A_57] : memref<100096x16xf32, #tpu.memory_space<hbm>> -> memref<128x16xf32, #tpu.memory_space<hbm>>
    tpu.wait_dma2 semaphore(%arg10 : memref<!tpu.dma_semaphore, #tpu.memory_space<semaphore_mem>>) src(%dma_wait3A_58 : memref<128x16xf32, #tpu.memory_space<hbm>>) dst(%dma_wait3A_55 : memref<128x16xf32, #tpu.memory_space<vmem>>)
    %dma_wait3A_59 = arith.constant 0 : i32
    %dma_wait3A_60 = arith.constant 0 : i32
    %dma_wait3A_61 = arith.constant 0 : i32
    %dma_wait3A_62 = arith.constant 0 : i32
    %dma_wait3A_63 = tpu.memref_slice %arg8[%dma_wait3A_59, %dma_wait3A_60, %dma_wait3A_61, %dma_wait3A_62] : memref<2x6x128x16xf32, #tpu.memory_space<vmem>> -> memref<1x1x128x16xf32, #tpu.memory_space<vmem>>
    %dma_wait3A_64 = tpu.memref_squeeze %dma_wait3A_63 : memref<1x1x128x16xf32, #tpu.memory_space<vmem>> -> memref<128x16xf32, #tpu.memory_space<vmem>>
    %dma_wait3A_65 = arith.constant 0 : i32
    %dma_wait3A_66 = arith.constant 0 : i32
    %dma_wait3A_67 = tpu.memref_slice %arg2[%dma_wait3A_65, %dma_wait3A_66] : memref<100096x16xf32, #tpu.memory_space<hbm>> -> memref<128x16xf32, #tpu.memory_space<hbm>>
    %dma_wait3A_68 = arith.constant 0 : i32
    %dma_wait3A_69 = arith.constant 0 : i32
    %dma_wait3A_70 = tpu.memref_slice %arg8[%dma_wait3A_59, %dma_wait3A_60, %dma_wait3A_68, %dma_wait3A_69] : memref<2x6x128x16xf32, #tpu.memory_space<vmem>> -> memref<1x1x128x16xf32, #tpu.memory_space<vmem>>
    %dma_wait3A_71 = tpu.memref_squeeze %dma_wait3A_70 : memref<1x1x128x16xf32, #tpu.memory_space<vmem>> -> memref<128x16xf32, #tpu.memory_space<vmem>>
    %dma_wait3A_72 = arith.constant 0 : i32
    %dma_wait3A_73 = arith.constant 0 : i32
    %dma_wait3A_74 = tpu.memref_slice %arg2[%dma_wait3A_72, %dma_wait3A_73] : memref<100096x16xf32, #tpu.memory_space<hbm>> -> memref<128x16xf32, #tpu.memory_space<hbm>>
    tpu.wait_dma2 semaphore(%arg10 : memref<!tpu.dma_semaphore, #tpu.memory_space<semaphore_mem>>) src(%dma_wait3A_74 : memref<128x16xf32, #tpu.memory_space<hbm>>) dst(%dma_wait3A_71 : memref<128x16xf32, #tpu.memory_space<vmem>>)
    %dma_wait3A_75 = arith.constant 0 : i32
    %dma_wait3A_76 = arith.constant 0 : i32
    %dma_wait3A_77 = arith.constant 0 : i32
    %dma_wait3A_78 = arith.constant 0 : i32
    %dma_wait3A_79 = tpu.memref_slice %arg8[%dma_wait3A_75, %dma_wait3A_76, %dma_wait3A_77, %dma_wait3A_78] : memref<2x6x128x16xf32, #tpu.memory_space<vmem>> -> memref<1x1x128x16xf32, #tpu.memory_space<vmem>>
    %dma_wait3A_80 = tpu.memref_squeeze %dma_wait3A_79 : memref<1x1x128x16xf32, #tpu.memory_space<vmem>> -> memref<128x16xf32, #tpu.memory_space<vmem>>
    %dma_wait3A_81 = arith.constant 0 : i32
    %dma_wait3A_82 = arith.constant 0 : i32
    %dma_wait3A_83 = tpu.memref_slice %arg2[%dma_wait3A_81, %dma_wait3A_82] : memref<100096x16xf32, #tpu.memory_space<hbm>> -> memref<128x16xf32, #tpu.memory_space<hbm>>
    %dma_wait3A_84 = arith.constant 0 : i32
    %dma_wait3A_85 = arith.constant 0 : i32
    %dma_wait3A_86 = tpu.memref_slice %arg8[%dma_wait3A_75, %dma_wait3A_76, %dma_wait3A_84, %dma_wait3A_85] : memref<2x6x128x16xf32, #tpu.memory_space<vmem>> -> memref<1x1x128x16xf32, #tpu.memory_space<vmem>>
    %dma_wait3A_87 = tpu.memref_squeeze %dma_wait3A_86 : memref<1x1x128x16xf32, #tpu.memory_space<vmem>> -> memref<128x16xf32, #tpu.memory_space<vmem>>
    %dma_wait3A_88 = arith.constant 0 : i32
    %dma_wait3A_89 = arith.constant 0 : i32
    %dma_wait3A_90 = tpu.memref_slice %arg2[%dma_wait3A_88, %dma_wait3A_89] : memref<100096x16xf32, #tpu.memory_space<hbm>> -> memref<128x16xf32, #tpu.memory_space<hbm>>
    tpu.wait_dma2 semaphore(%arg10 : memref<!tpu.dma_semaphore, #tpu.memory_space<semaphore_mem>>) src(%dma_wait3A_90 : memref<128x16xf32, #tpu.memory_space<hbm>>) dst(%dma_wait3A_87 : memref<128x16xf32, #tpu.memory_space<vmem>>)
    %dma_wait3A_91 = arith.constant 0 : i32
    %dma_wait3A_92 = arith.constant 0 : i32
    %dma_wait3A_93 = arith.constant 0 : i32
    %dma_wait3A_94 = arith.constant 0 : i32
    %dma_wait3A_95 = tpu.memref_slice %arg8[%dma_wait3A_91, %dma_wait3A_92, %dma_wait3A_93, %dma_wait3A_94] : memref<2x6x128x16xf32, #tpu.memory_space<vmem>> -> memref<1x1x128x16xf32, #tpu.memory_space<vmem>>
    %dma_wait3A_96 = tpu.memref_squeeze %dma_wait3A_95 : memref<1x1x128x16xf32, #tpu.memory_space<vmem>> -> memref<128x16xf32, #tpu.memory_space<vmem>>
    %dma_wait3A_97 = arith.constant 0 : i32
    %dma_wait3A_98 = arith.constant 0 : i32
    %dma_wait3A_99 = tpu.memref_slice %arg2[%dma_wait3A_97, %dma_wait3A_98] : memref<100096x16xf32, #tpu.memory_space<hbm>> -> memref<128x16xf32, #tpu.memory_space<hbm>>
    %dma_wait3A_100 = arith.constant 0 : i32
    %dma_wait3A_101 = arith.constant 0 : i32
    %dma_wait3A_102 = tpu.memref_slice %arg8[%dma_wait3A_91, %dma_wait3A_92, %dma_wait3A_100, %dma_wait3A_101] : memref<2x6x128x16xf32, #tpu.memory_space<vmem>> -> memref<1x1x128x16xf32, #tpu.memory_space<vmem>>
    %dma_wait3A_103 = tpu.memref_squeeze %dma_wait3A_102 : memref<1x1x128x16xf32, #tpu.memory_space<vmem>> -> memref<128x16xf32, #tpu.memory_space<vmem>>
    %dma_wait3A_104 = arith.constant 0 : i32
    %dma_wait3A_105 = arith.constant 0 : i32
    %dma_wait3A_106 = tpu.memref_slice %arg2[%dma_wait3A_104, %dma_wait3A_105] : memref<100096x16xf32, #tpu.memory_space<hbm>> -> memref<128x16xf32, #tpu.memory_space<hbm>>
    tpu.wait_dma2 semaphore(%arg10 : memref<!tpu.dma_semaphore, #tpu.memory_space<semaphore_mem>>) src(%dma_wait3A_106 : memref<128x16xf32, #tpu.memory_space<hbm>>) dst(%dma_wait3A_103 : memref<128x16xf32, #tpu.memory_space<vmem>>)
    %dma_wait3A_107 = arith.constant 0 : i32
    %dma_wait3A_108 = arith.constant 0 : i32
    %dma_wait3A_109 = arith.constant 0 : i32
    %dma_wait3A_110 = arith.constant 0 : i32
    %dma_wait3A_111 = tpu.memref_slice %arg8[%dma_wait3A_107, %dma_wait3A_108, %dma_wait3A_109, %dma_wait3A_110] : memref<2x6x128x16xf32, #tpu.memory_space<vmem>> -> memref<1x1x128x16xf32, #tpu.memory_space<vmem>>
    %dma_wait3A_112 = tpu.memref_squeeze %dma_wait3A_111 : memref<1x1x128x16xf32, #tpu.memory_space<vmem>> -> memref<128x16xf32, #tpu.memory_space<vmem>>
    %dma_wait3A_113 = arith.constant 0 : i32
    %dma_wait3A_114 = arith.constant 0 : i32
    %dma_wait3A_115 = tpu.memref_slice %arg2[%dma_wait3A_113, %dma_wait3A_114] : memref<100096x16xf32, #tpu.memory_space<hbm>> -> memref<128x16xf32, #tpu.memory_space<hbm>>
    %dma_wait3A_116 = arith.constant 0 : i32
    %dma_wait3A_117 = arith.constant 0 : i32
    %dma_wait3A_118 = tpu.memref_slice %arg8[%dma_wait3A_107, %dma_wait3A_108, %dma_wait3A_116, %dma_wait3A_117] : memref<2x6x128x16xf32, #tpu.memory_space<vmem>> -> memref<1x1x128x16xf32, #tpu.memory_space<vmem>>
    %dma_wait3A_119 = tpu.memref_squeeze %dma_wait3A_118 : memref<1x1x128x16xf32, #tpu.memory_space<vmem>> -> memref<128x16xf32, #tpu.memory_space<vmem>>
    %dma_wait3A_120 = arith.constant 0 : i32
    %dma_wait3A_121 = arith.constant 0 : i32
    %dma_wait3A_122 = tpu.memref_slice %arg2[%dma_wait3A_120, %dma_wait3A_121] : memref<100096x16xf32, #tpu.memory_space<hbm>> -> memref<128x16xf32, #tpu.memory_space<hbm>>
    tpu.wait_dma2 semaphore(%arg10 : memref<!tpu.dma_semaphore, #tpu.memory_space<semaphore_mem>>) src(%dma_wait3A_122 : memref<128x16xf32, #tpu.memory_space<hbm>>) dst(%dma_wait3A_119 : memref<128x16xf32, #tpu.memory_space<vmem>>)
    %dma_wait3A_123 = arith.constant 0 : i32
    %dma_wait3A_124 = arith.constant 0 : i32
    %dma_wait3A_125 = arith.constant 0 : i32
    %dma_wait3A_126 = arith.constant 0 : i32
    %dma_wait3A_127 = tpu.memref_slice %arg8[%dma_wait3A_123, %dma_wait3A_124, %dma_wait3A_125, %dma_wait3A_126] : memref<2x6x128x16xf32, #tpu.memory_space<vmem>> -> memref<1x1x128x16xf32, #tpu.memory_space<vmem>>
    %dma_wait3A_128 = tpu.memref_squeeze %dma_wait3A_127 : memref<1x1x128x16xf32, #tpu.memory_space<vmem>> -> memref<128x16xf32, #tpu.memory_space<vmem>>
    %dma_wait3A_129 = arith.constant 0 : i32
    %dma_wait3A_130 = arith.constant 0 : i32
    %dma_wait3A_131 = tpu.memref_slice %arg2[%dma_wait3A_129, %dma_wait3A_130] : memref<100096x16xf32, #tpu.memory_space<hbm>> -> memref<128x16xf32, #tpu.memory_space<hbm>>
    %dma_wait3A_132 = arith.constant 0 : i32
    %dma_wait3A_133 = arith.constant 0 : i32
    %dma_wait3A_134 = tpu.memref_slice %arg8[%dma_wait3A_123, %dma_wait3A_124, %dma_wait3A_132, %dma_wait3A_133] : memref<2x6x128x16xf32, #tpu.memory_space<vmem>> -> memref<1x1x128x16xf32, #tpu.memory_space<vmem>>
    %dma_wait3A_135 = tpu.memref_squeeze %dma_wait3A_134 : memref<1x1x128x16xf32, #tpu.memory_space<vmem>> -> memref<128x16xf32, #tpu.memory_space<vmem>>
    %dma_wait3A_136 = arith.constant 0 : i32
    %dma_wait3A_137 = arith.constant 0 : i32
    %dma_wait3A_138 = tpu.memref_slice %arg2[%dma_wait3A_136, %dma_wait3A_137] : memref<100096x16xf32, #tpu.memory_space<hbm>> -> memref<128x16xf32, #tpu.memory_space<hbm>>
    tpu.wait_dma2 semaphore(%arg10 : memref<!tpu.dma_semaphore, #tpu.memory_space<semaphore_mem>>) src(%dma_wait3A_138 : memref<128x16xf32, #tpu.memory_space<hbm>>) dst(%dma_wait3A_135 : memref<128x16xf32, #tpu.memory_space<vmem>>)
    %dma_wait3A_139 = arith.constant 0 : i32
    %dma_wait3A_140 = arith.constant 0 : i32
    %dma_wait3A_141 = arith.constant 0 : i32
    %dma_wait3A_142 = arith.constant 0 : i32
    %dma_wait3A_143 = tpu.memref_slice %arg8[%dma_wait3A_139, %dma_wait3A_140, %dma_wait3A_141, %dma_wait3A_142] : memref<2x6x128x16xf32, #tpu.memory_space<vmem>> -> memref<1x1x128x16xf32, #tpu.memory_space<vmem>>
    %dma_wait3A_144 = tpu.memref_squeeze %dma_wait3A_143 : memref<1x1x128x16xf32, #tpu.memory_space<vmem>> -> memref<128x16xf32, #tpu.memory_space<vmem>>
    %dma_wait3A_145 = arith.constant 0 : i32
    %dma_wait3A_146 = arith.constant 0 : i32
    %dma_wait3A_147 = tpu.memref_slice %arg2[%dma_wait3A_145, %dma_wait3A_146] : memref<100096x16xf32, #tpu.memory_space<hbm>> -> memref<128x16xf32, #tpu.memory_space<hbm>>
    %dma_wait3A_148 = arith.constant 0 : i32
    %dma_wait3A_149 = arith.constant 0 : i32
    %dma_wait3A_150 = tpu.memref_slice %arg8[%dma_wait3A_139, %dma_wait3A_140, %dma_wait3A_148, %dma_wait3A_149] : memref<2x6x128x16xf32, #tpu.memory_space<vmem>> -> memref<1x1x128x16xf32, #tpu.memory_space<vmem>>
    %dma_wait3A_151 = tpu.memref_squeeze %dma_wait3A_150 : memref<1x1x128x16xf32, #tpu.memory_space<vmem>> -> memref<128x16xf32, #tpu.memory_space<vmem>>
    %dma_wait3A_152 = arith.constant 0 : i32
    %dma_wait3A_153 = arith.constant 0 : i32
    %dma_wait3A_154 = tpu.memref_slice %arg2[%dma_wait3A_152, %dma_wait3A_153] : memref<100096x16xf32, #tpu.memory_space<hbm>> -> memref<128x16xf32, #tpu.memory_space<hbm>>
    tpu.wait_dma2 semaphore(%arg10 : memref<!tpu.dma_semaphore, #tpu.memory_space<semaphore_mem>>) src(%dma_wait3A_154 : memref<128x16xf32, #tpu.memory_space<hbm>>) dst(%dma_wait3A_151 : memref<128x16xf32, #tpu.memory_space<vmem>>)
    %dma_wait3A_155 = arith.constant 0 : i32
    %dma_wait3A_156 = arith.constant 0 : i32
    %dma_wait3A_157 = arith.constant 0 : i32
    %dma_wait3A_158 = arith.constant 0 : i32
    %dma_wait3A_159 = tpu.memref_slice %arg8[%dma_wait3A_155, %dma_wait3A_156, %dma_wait3A_157, %dma_wait3A_158] : memref<2x6x128x16xf32, #tpu.memory_space<vmem>> -> memref<1x1x128x16xf32, #tpu.memory_space<vmem>>
    %dma_wait3A_160 = tpu.memref_squeeze %dma_wait3A_159 : memref<1x1x128x16xf32, #tpu.memory_space<vmem>> -> memref<128x16xf32, #tpu.memory_space<vmem>>
    %dma_wait3A_161 = arith.constant 0 : i32
    %dma_wait3A_162 = arith.constant 0 : i32
    %dma_wait3A_163 = tpu.memref_slice %arg2[%dma_wait3A_161, %dma_wait3A_162] : memref<100096x16xf32, #tpu.memory_space<hbm>> -> memref<128x16xf32, #tpu.memory_space<hbm>>
    %dma_wait3A_164 = arith.constant 0 : i32
    %dma_wait3A_165 = arith.constant 0 : i32
    %dma_wait3A_166 = tpu.memref_slice %arg8[%dma_wait3A_155, %dma_wait3A_156, %dma_wait3A_164, %dma_wait3A_165] : memref<2x6x128x16xf32, #tpu.memory_space<vmem>> -> memref<1x1x128x16xf32, #tpu.memory_space<vmem>>
    %dma_wait3A_167 = tpu.memref_squeeze %dma_wait3A_166 : memref<1x1x128x16xf32, #tpu.memory_space<vmem>> -> memref<128x16xf32, #tpu.memory_space<vmem>>
    %dma_wait3A_168 = arith.constant 0 : i32
    %dma_wait3A_169 = arith.constant 0 : i32
    %dma_wait3A_170 = tpu.memref_slice %arg2[%dma_wait3A_168, %dma_wait3A_169] : memref<100096x16xf32, #tpu.memory_space<hbm>> -> memref<128x16xf32, #tpu.memory_space<hbm>>
    tpu.wait_dma2 semaphore(%arg10 : memref<!tpu.dma_semaphore, #tpu.memory_space<semaphore_mem>>) src(%dma_wait3A_170 : memref<128x16xf32, #tpu.memory_space<hbm>>) dst(%dma_wait3A_167 : memref<128x16xf32, #tpu.memory_space<vmem>>)
    %dma_wait3A_171 = arith.constant 0 : i32
    %dma_wait3A_172 = arith.constant 0 : i32
    %dma_wait3A_173 = arith.constant 0 : i32
    %dma_wait3A_174 = arith.constant 0 : i32
    %dma_wait3A_175 = tpu.memref_slice %arg8[%dma_wait3A_171, %dma_wait3A_172, %dma_wait3A_173, %dma_wait3A_174] : memref<2x6x128x16xf32, #tpu.memory_space<vmem>> -> memref<1x1x128x16xf32, #tpu.memory_space<vmem>>
    %dma_wait3A_176 = tpu.memref_squeeze %dma_wait3A_175 : memref<1x1x128x16xf32, #tpu.memory_space<vmem>> -> memref<128x16xf32, #tpu.memory_space<vmem>>
    %dma_wait3A_177 = arith.constant 0 : i32
    %dma_wait3A_178 = arith.constant 0 : i32
    %dma_wait3A_179 = tpu.memref_slice %arg2[%dma_wait3A_177, %dma_wait3A_178] : memref<100096x16xf32, #tpu.memory_space<hbm>> -> memref<128x16xf32, #tpu.memory_space<hbm>>
    %dma_wait3A_180 = arith.constant 0 : i32
    %dma_wait3A_181 = arith.constant 0 : i32
    %dma_wait3A_182 = tpu.memref_slice %arg8[%dma_wait3A_171, %dma_wait3A_172, %dma_wait3A_180, %dma_wait3A_181] : memref<2x6x128x16xf32, #tpu.memory_space<vmem>> -> memref<1x1x128x16xf32, #tpu.memory_space<vmem>>
    %dma_wait3A_183 = tpu.memref_squeeze %dma_wait3A_182 : memref<1x1x128x16xf32, #tpu.memory_space<vmem>> -> memref<128x16xf32, #tpu.memory_space<vmem>>
    %dma_wait3A_184 = arith.constant 0 : i32
    %dma_wait3A_185 = arith.constant 0 : i32
    %dma_wait3A_186 = tpu.memref_slice %arg2[%dma_wait3A_184, %dma_wait3A_185] : memref<100096x16xf32, #tpu.memory_space<hbm>> -> memref<128x16xf32, #tpu.memory_space<hbm>>
    tpu.wait_dma2 semaphore(%arg10 : memref<!tpu.dma_semaphore, #tpu.memory_space<semaphore_mem>>) src(%dma_wait3A_186 : memref<128x16xf32, #tpu.memory_space<hbm>>) dst(%dma_wait3A_183 : memref<128x16xf32, #tpu.memory_space<vmem>>)
    %dma_wait3A_187 = arith.constant 0 : i32
    %dma_wait3A_188 = arith.constant 0 : i32
    %dma_wait3A_189 = arith.constant 0 : i32
    %dma_wait3A_190 = arith.constant 0 : i32
    %dma_wait3A_191 = tpu.memref_slice %arg8[%dma_wait3A_187, %dma_wait3A_188, %dma_wait3A_189, %dma_wait3A_190] : memref<2x6x128x16xf32, #tpu.memory_space<vmem>> -> memref<1x1x128x16xf32, #tpu.memory_space<vmem>>
    %dma_wait3A_192 = tpu.memref_squeeze %dma_wait3A_191 : memref<1x1x128x16xf32, #tpu.memory_space<vmem>> -> memref<128x16xf32, #tpu.memory_space<vmem>>
    %dma_wait3A_193 = arith.constant 0 : i32
    %dma_wait3A_194 = arith.constant 0 : i32
    %dma_wait3A_195 = tpu.memref_slice %arg2[%dma_wait3A_193, %dma_wait3A_194] : memref<100096x16xf32, #tpu.memory_space<hbm>> -> memref<128x16xf32, #tpu.memory_space<hbm>>
    %dma_wait3A_196 = arith.constant 0 : i32
    %dma_wait3A_197 = arith.constant 0 : i32
    %dma_wait3A_198 = tpu.memref_slice %arg8[%dma_wait3A_187, %dma_wait3A_188, %dma_wait3A_196, %dma_wait3A_197] : memref<2x6x128x16xf32, #tpu.memory_space<vmem>> -> memref<1x1x128x16xf32, #tpu.memory_space<vmem>>
    %dma_wait3A_199 = tpu.memref_squeeze %dma_wait3A_198 : memref<1x1x128x16xf32, #tpu.memory_space<vmem>> -> memref<128x16xf32, #tpu.memory_space<vmem>>
    %dma_wait3A_200 = arith.constant 0 : i32
    %dma_wait3A_201 = arith.constant 0 : i32
    %dma_wait3A_202 = tpu.memref_slice %arg2[%dma_wait3A_200, %dma_wait3A_201] : memref<100096x16xf32, #tpu.memory_space<hbm>> -> memref<128x16xf32, #tpu.memory_space<hbm>>
    tpu.wait_dma2 semaphore(%arg10 : memref<!tpu.dma_semaphore, #tpu.memory_space<semaphore_mem>>) src(%dma_wait3A_202 : memref<128x16xf32, #tpu.memory_space<hbm>>) dst(%dma_wait3A_199 : memref<128x16xf32, #tpu.memory_space<vmem>>)
    %dma_wait3A_203 = arith.constant 0 : i32
    %dma_wait3A_204 = arith.constant 0 : i32
    %dma_wait3A_205 = arith.constant 0 : i32
    %dma_wait3A_206 = arith.constant 0 : i32
    %dma_wait3A_207 = tpu.memref_slice %arg8[%dma_wait3A_203, %dma_wait3A_204, %dma_wait3A_205, %dma_wait3A_206] : memref<2x6x128x16xf32, #tpu.memory_space<vmem>> -> memref<1x1x128x16xf32, #tpu.memory_space<vmem>>
    %dma_wait3A_208 = tpu.memref_squeeze %dma_wait3A_207 : memref<1x1x128x16xf32, #tpu.memory_space<vmem>> -> memref<128x16xf32, #tpu.memory_space<vmem>>
    %dma_wait3A_209 = arith.constant 0 : i32
    %dma_wait3A_210 = arith.constant 0 : i32
    %dma_wait3A_211 = tpu.memref_slice %arg2[%dma_wait3A_209, %dma_wait3A_210] : memref<100096x16xf32, #tpu.memory_space<hbm>> -> memref<128x16xf32, #tpu.memory_space<hbm>>
    %dma_wait3A_212 = arith.constant 0 : i32
    %dma_wait3A_213 = arith.constant 0 : i32
    %dma_wait3A_214 = tpu.memref_slice %arg8[%dma_wait3A_203, %dma_wait3A_204, %dma_wait3A_212, %dma_wait3A_213] : memref<2x6x128x16xf32, #tpu.memory_space<vmem>> -> memref<1x1x128x16xf32, #tpu.memory_space<vmem>>
    %dma_wait3A_215 = tpu.memref_squeeze %dma_wait3A_214 : memref<1x1x128x16xf32, #tpu.memory_space<vmem>> -> memref<128x16xf32, #tpu.memory_space<vmem>>
    %dma_wait3A_216 = arith.constant 0 : i32
    %dma_wait3A_217 = arith.constant 0 : i32
    %dma_wait3A_218 = tpu.memref_slice %arg2[%dma_wait3A_216, %dma_wait3A_217] : memref<100096x16xf32, #tpu.memory_space<hbm>> -> memref<128x16xf32, #tpu.memory_space<hbm>>
    tpu.wait_dma2 semaphore(%arg10 : memref<!tpu.dma_semaphore, #tpu.memory_space<semaphore_mem>>) src(%dma_wait3A_218 : memref<128x16xf32, #tpu.memory_space<hbm>>) dst(%dma_wait3A_215 : memref<128x16xf32, #tpu.memory_space<vmem>>)
    %lt3A = arith.constant 16 : i32
    %lt3A_219 = arith.cmpi slt, %add3A, %lt3A : i32
    %convert_element_type3A = arith.extui %lt3A_219 : i1 to i32
    %cond3A = arith.constant 0 : i32
    %cond3A_220 = arith.cmpi ne, %convert_element_type3A, %cond3A : i32
    scf.if %cond3A_220 {
      %mul3A_224 = arith.constant 5 : i32
      %mul3A_225 = arith.muli %add3A, %mul3A_224 : i32
      %add3A_226 = arith.constant 49920 : i32
      %add3A_227 = arith.addi %add3A_226, %mul3A_225 : i32
      %run_scoped3A = arith.constant 0 : i32
      "tpu.region"() ({
        %run_scoped3A_403 = tpu.sem_alloc : memref<!tpu.dma_semaphore, #tpu.memory_space<semaphore_mem>>
        %dma_start3A_404 = arith.constant 0 : i32
        %dma_start3A_405 = arith.constant 0 : i32
        %dma_start3A_406 = arith.constant 0 : i32
        %dma_start3A_407 = tpu.memref_slice %arg7[%run_scoped3A, %dma_start3A_404, %dma_start3A_405, %dma_start3A_406] : memref<3x2x6x128xi32, #tpu.memory_space<vmem>> -> memref<1x2x5x128xi32, #tpu.memory_space<vmem>>
        %dma_start3A_408 = tpu.memref_squeeze %dma_start3A_407 : memref<1x2x5x128xi32, #tpu.memory_space<vmem>> -> memref<2x5x128xi32, #tpu.memory_space<vmem>>
        %dma_start3A_409 = arith.constant 0 : i32
        %dma_start3A_410 = arith.constant 0 : i32
        %dma_start3A_411 = tpu.memref_slice %arg3[%dma_start3A_409, %add3A_227, %dma_start3A_410] : memref<2x50000x128xi32, #tpu.memory_space<hbm>> -> memref<2x5x128xi32, #tpu.memory_space<hbm>>
        %dma_start3A_412 = arith.constant 0 : i32
        %dma_start3A_413 = arith.constant 0 : i32
        %dma_start3A_414 = arith.constant 0 : i32
        %dma_start3A_415 = tpu.memref_slice %arg7[%run_scoped3A, %dma_start3A_412, %dma_start3A_413, %dma_start3A_414] : memref<3x2x6x128xi32, #tpu.memory_space<vmem>> -> memref<1x2x5x128xi32, #tpu.memory_space<vmem>>
        %dma_start3A_416 = tpu.memref_squeeze %dma_start3A_415 : memref<1x2x5x128xi32, #tpu.memory_space<vmem>> -> memref<2x5x128xi32, #tpu.memory_space<vmem>>
        %dma_start3A_417 = arith.constant 0 : i32
        %dma_start3A_418 = arith.constant 0 : i32
        %dma_start3A_419 = tpu.memref_slice %arg3[%dma_start3A_417, %add3A_227, %dma_start3A_418] : memref<2x50000x128xi32, #tpu.memory_space<hbm>> -> memref<2x5x128xi32, #tpu.memory_space<hbm>>
        tpu.enqueue_dma source(%dma_start3A_419 : memref<2x5x128xi32, #tpu.memory_space<hbm>>) target(%dma_start3A_416 : memref<2x5x128xi32, #tpu.memory_space<vmem>>) target_semaphore(%run_scoped3A_403 : memref<!tpu.dma_semaphore, #tpu.memory_space<semaphore_mem>>)
        %dma_wait3A_420 = arith.constant 0 : i32
        %dma_wait3A_421 = arith.constant 0 : i32
        %dma_wait3A_422 = arith.constant 0 : i32
        %dma_wait3A_423 = tpu.memref_slice %arg7[%run_scoped3A, %dma_wait3A_420, %dma_wait3A_421, %dma_wait3A_422] : memref<3x2x6x128xi32, #tpu.memory_space<vmem>> -> memref<1x2x5x128xi32, #tpu.memory_space<vmem>>
        %dma_wait3A_424 = tpu.memref_squeeze %dma_wait3A_423 : memref<1x2x5x128xi32, #tpu.memory_space<vmem>> -> memref<2x5x128xi32, #tpu.memory_space<vmem>>
        %dma_wait3A_425 = arith.constant 0 : i32
        %dma_wait3A_426 = arith.constant 0 : i32
        %dma_wait3A_427 = tpu.memref_slice %arg3[%dma_wait3A_425, %add3A_227, %dma_wait3A_426] : memref<2x50000x128xi32, #tpu.memory_space<hbm>> -> memref<2x5x128xi32, #tpu.memory_space<hbm>>
        %dma_wait3A_428 = arith.constant 0 : i32
        %dma_wait3A_429 = arith.constant 0 : i32
        %dma_wait3A_430 = arith.constant 0 : i32
        %dma_wait3A_431 = tpu.memref_slice %arg7[%run_scoped3A, %dma_wait3A_428, %dma_wait3A_429, %dma_wait3A_430] : memref<3x2x6x128xi32, #tpu.memory_space<vmem>> -> memref<1x2x5x128xi32, #tpu.memory_space<vmem>>
        %dma_wait3A_432 = tpu.memref_squeeze %dma_wait3A_431 : memref<1x2x5x128xi32, #tpu.memory_space<vmem>> -> memref<2x5x128xi32, #tpu.memory_space<vmem>>
        %dma_wait3A_433 = arith.constant 0 : i32
        %dma_wait3A_434 = arith.constant 0 : i32
        %dma_wait3A_435 = tpu.memref_slice %arg3[%dma_wait3A_433, %add3A_227, %dma_wait3A_434] : memref<2x50000x128xi32, #tpu.memory_space<hbm>> -> memref<2x5x128xi32, #tpu.memory_space<hbm>>
        tpu.wait_dma2 semaphore(%run_scoped3A_403 : memref<!tpu.dma_semaphore, #tpu.memory_space<semaphore_mem>>) src(%dma_wait3A_435 : memref<2x5x128xi32, #tpu.memory_space<hbm>>) dst(%dma_wait3A_432 : memref<2x5x128xi32, #tpu.memory_space<vmem>>)
        tpu.yield
      }) : () -> ()
      %dma_start3A_228 = arith.constant 0 : i32
      %dma_start3A_229 = arith.constant 0 : i32
      %dma_start3A_230 = arith.constant 0 : i32
      %dma_start3A_231 = arith.constant 0 : i32
      %dma_start3A_232 = arith.constant 0 : i32
      %dma_start3A_233 = arith.constant 0 : i32
      %dma_start3A_234 = arith.constant 0 : i32
      %dma_start3A_235 = tpu.memref_slice %arg8[%dma_start3A_231, %dma_start3A_232, %dma_start3A_233, %dma_start3A_234] : memref<2x6x128x16xf32, #tpu.memory_space<vmem>> -> memref<1x1x128x16xf32, #tpu.memory_space<vmem>>
      %dma_start3A_236 = tpu.memref_squeeze %dma_start3A_235 : memref<1x1x128x16xf32, #tpu.memory_space<vmem>> -> memref<128x16xf32, #tpu.memory_space<vmem>>
      %dma_start3A_237 = arith.constant 0 : i32
      %dma_start3A_238 = tpu.memref_slice %arg7[%dma_start3A_228, %dma_start3A_229, %dma_start3A_230, %dma_start3A_237] : memref<3x2x6x128xi32, #tpu.memory_space<vmem>> -> memref<1x1x1x128xi32, #tpu.memory_space<vmem>>
      %dma_start3A_239 = tpu.memref_squeeze %dma_start3A_238 : memref<1x1x1x128xi32, #tpu.memory_space<vmem>> -> memref<128xi32, #tpu.memory_space<vmem>>
      %dma_start3A_240 = arith.constant 0 : i32
      %dma_start3A_241 = arith.constant 0 : i32
      %dma_start3A_242 = tpu.memref_slice %arg2[%dma_start3A_240, %dma_start3A_241] : memref<100096x16xf32, #tpu.memory_space<hbm>> -> memref<100096x16xf32, #tpu.memory_space<hbm>>
      tpu.enqueue_indirect_dma source(%dma_start3A_242 : memref<100096x16xf32, #tpu.memory_space<hbm>>) target(%dma_start3A_236 : memref<128x16xf32, #tpu.memory_space<vmem>>) offsets(%dma_start3A_239 : memref<128xi32, #tpu.memory_space<vmem>>) semaphore(%arg9 : memref<!tpu.dma_semaphore, #tpu.memory_space<semaphore_mem>>)
      %dma_start3A_243 = arith.constant 0 : i32
      %dma_start3A_244 = arith.constant 0 : i32
      %dma_start3A_245 = arith.constant 1 : i32
      %dma_start3A_246 = arith.constant 0 : i32
      %dma_start3A_247 = arith.constant 1 : i32
      %dma_start3A_248 = arith.constant 0 : i32
      %dma_start3A_249 = arith.constant 0 : i32
      %dma_start3A_250 = tpu.memref_slice %arg8[%dma_start3A_246, %dma_start3A_247, %dma_start3A_248, %dma_start3A_249] : memref<2x6x128x16xf32, #tpu.memory_space<vmem>> -> memref<1x1x128x16xf32, #tpu.memory_space<vmem>>
      %dma_start3A_251 = tpu.memref_squeeze %dma_start3A_250 : memref<1x1x128x16xf32, #tpu.memory_space<vmem>> -> memref<128x16xf32, #tpu.memory_space<vmem>>
      %dma_start3A_252 = arith.constant 0 : i32
      %dma_start3A_253 = tpu.memref_slice %arg7[%dma_start3A_243, %dma_start3A_244, %dma_start3A_245, %dma_start3A_252] : memref<3x2x6x128xi32, #tpu.memory_space<vmem>> -> memref<1x1x1x128xi32, #tpu.memory_space<vmem>>
      %dma_start3A_254 = tpu.memref_squeeze %dma_start3A_253 : memref<1x1x1x128xi32, #tpu.memory_space<vmem>> -> memref<128xi32, #tpu.memory_space<vmem>>
      %dma_start3A_255 = arith.constant 0 : i32
      %dma_start3A_256 = arith.constant 0 : i32
      %dma_start3A_257 = tpu.memref_slice %arg2[%dma_start3A_255, %dma_start3A_256] : memref<100096x16xf32, #tpu.memory_space<hbm>> -> memref<100096x16xf32, #tpu.memory_space<hbm>>
      tpu.enqueue_indirect_dma source(%dma_start3A_257 : memref<100096x16xf32, #tpu.memory_space<hbm>>) target(%dma_start3A_251 : memref<128x16xf32, #tpu.memory_space<vmem>>) offsets(%dma_start3A_254 : memref<128xi32, #tpu.memory_space<vmem>>) semaphore(%arg9 : memref<!tpu.dma_semaphore, #tpu.memory_space<semaphore_mem>>)
      %dma_start3A_258 = arith.constant 0 : i32
      %dma_start3A_259 = arith.constant 0 : i32
      %dma_start3A_260 = arith.constant 2 : i32
      %dma_start3A_261 = arith.constant 0 : i32
      %dma_start3A_262 = arith.constant 2 : i32
      %dma_start3A_263 = arith.constant 0 : i32
      %dma_start3A_264 = arith.constant 0 : i32
      %dma_start3A_265 = tpu.memref_slice %arg8[%dma_start3A_261, %dma_start3A_262, %dma_start3A_263, %dma_start3A_264] : memref<2x6x128x16xf32, #tpu.memory_space<vmem>> -> memref<1x1x128x16xf32, #tpu.memory_space<vmem>>
      %dma_start3A_266 = tpu.memref_squeeze %dma_start3A_265 : memref<1x1x128x16xf32, #tpu.memory_space<vmem>> -> memref<128x16xf32, #tpu.memory_space<vmem>>
      %dma_start3A_267 = arith.constant 0 : i32
      %dma_start3A_268 = tpu.memref_slice %arg7[%dma_start3A_258, %dma_start3A_259, %dma_start3A_260, %dma_start3A_267] : memref<3x2x6x128xi32, #tpu.memory_space<vmem>> -> memref<1x1x1x128xi32, #tpu.memory_space<vmem>>
      %dma_start3A_269 = tpu.memref_squeeze %dma_start3A_268 : memref<1x1x1x128xi32, #tpu.memory_space<vmem>> -> memref<128xi32, #tpu.memory_space<vmem>>
      %dma_start3A_270 = arith.constant 0 : i32
      %dma_start3A_271 = arith.constant 0 : i32
      %dma_start3A_272 = tpu.memref_slice %arg2[%dma_start3A_270, %dma_start3A_271] : memref<100096x16xf32, #tpu.memory_space<hbm>> -> memref<100096x16xf32, #tpu.memory_space<hbm>>
      tpu.enqueue_indirect_dma source(%dma_start3A_272 : memref<100096x16xf32, #tpu.memory_space<hbm>>) target(%dma_start3A_266 : memref<128x16xf32, #tpu.memory_space<vmem>>) offsets(%dma_start3A_269 : memref<128xi32, #tpu.memory_space<vmem>>) semaphore(%arg9 : memref<!tpu.dma_semaphore, #tpu.memory_space<semaphore_mem>>)
      %dma_start3A_273 = arith.constant 0 : i32
      %dma_start3A_274 = arith.constant 0 : i32
      %dma_start3A_275 = arith.constant 3 : i32
      %dma_start3A_276 = arith.constant 0 : i32
      %dma_start3A_277 = arith.constant 3 : i32
      %dma_start3A_278 = arith.constant 0 : i32
      %dma_start3A_279 = arith.constant 0 : i32
      %dma_start3A_280 = tpu.memref_slice %arg8[%dma_start3A_276, %dma_start3A_277, %dma_start3A_278, %dma_start3A_279] : memref<2x6x128x16xf32, #tpu.memory_space<vmem>> -> memref<1x1x128x16xf32, #tpu.memory_space<vmem>>
      %dma_start3A_281 = tpu.memref_squeeze %dma_start3A_280 : memref<1x1x128x16xf32, #tpu.memory_space<vmem>> -> memref<128x16xf32, #tpu.memory_space<vmem>>
      %dma_start3A_282 = arith.constant 0 : i32
      %dma_start3A_283 = tpu.memref_slice %arg7[%dma_start3A_273, %dma_start3A_274, %dma_start3A_275, %dma_start3A_282] : memref<3x2x6x128xi32, #tpu.memory_space<vmem>> -> memref<1x1x1x128xi32, #tpu.memory_space<vmem>>
      %dma_start3A_284 = tpu.memref_squeeze %dma_start3A_283 : memref<1x1x1x128xi32, #tpu.memory_space<vmem>> -> memref<128xi32, #tpu.memory_space<vmem>>
      %dma_start3A_285 = arith.constant 0 : i32
      %dma_start3A_286 = arith.constant 0 : i32
      %dma_start3A_287 = tpu.memref_slice %arg2[%dma_start3A_285, %dma_start3A_286] : memref<100096x16xf32, #tpu.memory_space<hbm>> -> memref<100096x16xf32, #tpu.memory_space<hbm>>
      tpu.enqueue_indirect_dma source(%dma_start3A_287 : memref<100096x16xf32, #tpu.memory_space<hbm>>) target(%dma_start3A_281 : memref<128x16xf32, #tpu.memory_space<vmem>>) offsets(%dma_start3A_284 : memref<128xi32, #tpu.memory_space<vmem>>) semaphore(%arg9 : memref<!tpu.dma_semaphore, #tpu.memory_space<semaphore_mem>>)
      %dma_start3A_288 = arith.constant 0 : i32
      %dma_start3A_289 = arith.constant 0 : i32
      %dma_start3A_290 = arith.constant 4 : i32
      %dma_start3A_291 = arith.constant 0 : i32
      %dma_start3A_292 = arith.constant 4 : i32
      %dma_start3A_293 = arith.constant 0 : i32
      %dma_start3A_294 = arith.constant 0 : i32
      %dma_start3A_295 = tpu.memref_slice %arg8[%dma_start3A_291, %dma_start3A_292, %dma_start3A_293, %dma_start3A_294] : memref<2x6x128x16xf32, #tpu.memory_space<vmem>> -> memref<1x1x128x16xf32, #tpu.memory_space<vmem>>
      %dma_start3A_296 = tpu.memref_squeeze %dma_start3A_295 : memref<1x1x128x16xf32, #tpu.memory_space<vmem>> -> memref<128x16xf32, #tpu.memory_space<vmem>>
      %dma_start3A_297 = arith.constant 0 : i32
      %dma_start3A_298 = tpu.memref_slice %arg7[%dma_start3A_288, %dma_start3A_289, %dma_start3A_290, %dma_start3A_297] : memref<3x2x6x128xi32, #tpu.memory_space<vmem>> -> memref<1x1x1x128xi32, #tpu.memory_space<vmem>>
      %dma_start3A_299 = tpu.memref_squeeze %dma_start3A_298 : memref<1x1x1x128xi32, #tpu.memory_space<vmem>> -> memref<128xi32, #tpu.memory_space<vmem>>
      %dma_start3A_300 = arith.constant 0 : i32
      %dma_start3A_301 = arith.constant 0 : i32
      %dma_start3A_302 = tpu.memref_slice %arg2[%dma_start3A_300, %dma_start3A_301] : memref<100096x16xf32, #tpu.memory_space<hbm>> -> memref<100096x16xf32, #tpu.memory_space<hbm>>
      tpu.enqueue_indirect_dma source(%dma_start3A_302 : memref<100096x16xf32, #tpu.memory_space<hbm>>) target(%dma_start3A_296 : memref<128x16xf32, #tpu.memory_space<vmem>>) offsets(%dma_start3A_299 : memref<128xi32, #tpu.memory_space<vmem>>) semaphore(%arg9 : memref<!tpu.dma_semaphore, #tpu.memory_space<semaphore_mem>>)
      %dma_wait3A_303 = arith.constant 0 : i32
      %dma_wait3A_304 = arith.constant 0 : i32
      %dma_wait3A_305 = arith.constant 0 : i32
      %dma_wait3A_306 = arith.constant 0 : i32
      %dma_wait3A_307 = arith.constant 0 : i32
      %dma_wait3A_308 = arith.constant 0 : i32
      %dma_wait3A_309 = arith.constant 0 : i32
      %dma_wait3A_310 = tpu.memref_slice %arg8[%dma_wait3A_306, %dma_wait3A_307, %dma_wait3A_308, %dma_wait3A_309] : memref<2x6x128x16xf32, #tpu.memory_space<vmem>> -> memref<1x1x128x16xf32, #tpu.memory_space<vmem>>
      %dma_wait3A_311 = tpu.memref_squeeze %dma_wait3A_310 : memref<1x1x128x16xf32, #tpu.memory_space<vmem>> -> memref<128x16xf32, #tpu.memory_space<vmem>>
      %dma_wait3A_312 = arith.constant 0 : i32
      %dma_wait3A_313 = tpu.memref_slice %arg7[%dma_wait3A_303, %dma_wait3A_304, %dma_wait3A_305, %dma_wait3A_312] : memref<3x2x6x128xi32, #tpu.memory_space<vmem>> -> memref<1x1x1x128xi32, #tpu.memory_space<vmem>>
      %dma_wait3A_314 = tpu.memref_squeeze %dma_wait3A_313 : memref<1x1x1x128xi32, #tpu.memory_space<vmem>> -> memref<128xi32, #tpu.memory_space<vmem>>
      %dma_wait3A_315 = arith.constant 0 : i32
      %dma_wait3A_316 = arith.constant 0 : i32
      %dma_wait3A_317 = tpu.memref_slice %arg2[%dma_wait3A_315, %dma_wait3A_316] : memref<100096x16xf32, #tpu.memory_space<hbm>> -> memref<100096x16xf32, #tpu.memory_space<hbm>>
      tpu.wait_indirect_dma semaphore(%arg9 : memref<!tpu.dma_semaphore, #tpu.memory_space<semaphore_mem>>) src(%dma_wait3A_317 : memref<100096x16xf32, #tpu.memory_space<hbm>>) dst(%dma_wait3A_311 : memref<128x16xf32, #tpu.memory_space<vmem>>)
      %dma_wait3A_318 = arith.constant 0 : i32
      %dma_wait3A_319 = arith.constant 0 : i32
      %dma_wait3A_320 = arith.constant 1 : i32
      %dma_wait3A_321 = arith.constant 0 : i32
      %dma_wait3A_322 = arith.constant 1 : i32
      %dma_wait3A_323 = arith.constant 0 : i32
      %dma_wait3A_324 = arith.constant 0 : i32
      %dma_wait3A_325 = tpu.memref_slice %arg8[%dma_wait3A_321, %dma_wait3A_322, %dma_wait3A_323, %dma_wait3A_324] : memref<2x6x128x16xf32, #tpu.memory_space<vmem>> -> memref<1x1x128x16xf32, #tpu.memory_space<vmem>>
      %dma_wait3A_326 = tpu.memref_squeeze %dma_wait3A_325 : memref<1x1x128x16xf32, #tpu.memory_space<vmem>> -> memref<128x16xf32, #tpu.memory_space<vmem>>
      %dma_wait3A_327 = arith.constant 0 : i32
      %dma_wait3A_328 = tpu.memref_slice %arg7[%dma_wait3A_318, %dma_wait3A_319, %dma_wait3A_320, %dma_wait3A_327] : memref<3x2x6x128xi32, #tpu.memory_space<vmem>> -> memref<1x1x1x128xi32, #tpu.memory_space<vmem>>
      %dma_wait3A_329 = tpu.memref_squeeze %dma_wait3A_328 : memref<1x1x1x128xi32, #tpu.memory_space<vmem>> -> memref<128xi32, #tpu.memory_space<vmem>>
      %dma_wait3A_330 = arith.constant 0 : i32
      %dma_wait3A_331 = arith.constant 0 : i32
      %dma_wait3A_332 = tpu.memref_slice %arg2[%dma_wait3A_330, %dma_wait3A_331] : memref<100096x16xf32, #tpu.memory_space<hbm>> -> memref<100096x16xf32, #tpu.memory_space<hbm>>
      tpu.wait_indirect_dma semaphore(%arg9 : memref<!tpu.dma_semaphore, #tpu.memory_space<semaphore_mem>>) src(%dma_wait3A_332 : memref<100096x16xf32, #tpu.memory_space<hbm>>) dst(%dma_wait3A_326 : memref<128x16xf32, #tpu.memory_space<vmem>>)
      %dma_wait3A_333 = arith.constant 0 : i32
      %dma_wait3A_334 = arith.constant 0 : i32
      %dma_wait3A_335 = arith.constant 2 : i32
      %dma_wait3A_336 = arith.constant 0 : i32
      %dma_wait3A_337 = arith.constant 2 : i32
      %dma_wait3A_338 = arith.constant 0 : i32
      %dma_wait3A_339 = arith.constant 0 : i32
      %dma_wait3A_340 = tpu.memref_slice %arg8[%dma_wait3A_336, %dma_wait3A_337, %dma_wait3A_338, %dma_wait3A_339] : memref<2x6x128x16xf32, #tpu.memory_space<vmem>> -> memref<1x1x128x16xf32, #tpu.memory_space<vmem>>
      %dma_wait3A_341 = tpu.memref_squeeze %dma_wait3A_340 : memref<1x1x128x16xf32, #tpu.memory_space<vmem>> -> memref<128x16xf32, #tpu.memory_space<vmem>>
      %dma_wait3A_342 = arith.constant 0 : i32
      %dma_wait3A_343 = tpu.memref_slice %arg7[%dma_wait3A_333, %dma_wait3A_334, %dma_wait3A_335, %dma_wait3A_342] : memref<3x2x6x128xi32, #tpu.memory_space<vmem>> -> memref<1x1x1x128xi32, #tpu.memory_space<vmem>>
      %dma_wait3A_344 = tpu.memref_squeeze %dma_wait3A_343 : memref<1x1x1x128xi32, #tpu.memory_space<vmem>> -> memref<128xi32, #tpu.memory_space<vmem>>
      %dma_wait3A_345 = arith.constant 0 : i32
      %dma_wait3A_346 = arith.constant 0 : i32
      %dma_wait3A_347 = tpu.memref_slice %arg2[%dma_wait3A_345, %dma_wait3A_346] : memref<100096x16xf32, #tpu.memory_space<hbm>> -> memref<100096x16xf32, #tpu.memory_space<hbm>>
      tpu.wait_indirect_dma semaphore(%arg9 : memref<!tpu.dma_semaphore, #tpu.memory_space<semaphore_mem>>) src(%dma_wait3A_347 : memref<100096x16xf32, #tpu.memory_space<hbm>>) dst(%dma_wait3A_341 : memref<128x16xf32, #tpu.memory_space<vmem>>)
      %dma_wait3A_348 = arith.constant 0 : i32
      %dma_wait3A_349 = arith.constant 0 : i32
      %dma_wait3A_350 = arith.constant 3 : i32
      %dma_wait3A_351 = arith.constant 0 : i32
      %dma_wait3A_352 = arith.constant 3 : i32
      %dma_wait3A_353 = arith.constant 0 : i32
      %dma_wait3A_354 = arith.constant 0 : i32
      %dma_wait3A_355 = tpu.memref_slice %arg8[%dma_wait3A_351, %dma_wait3A_352, %dma_wait3A_353, %dma_wait3A_354] : memref<2x6x128x16xf32, #tpu.memory_space<vmem>> -> memref<1x1x128x16xf32, #tpu.memory_space<vmem>>
      %dma_wait3A_356 = tpu.memref_squeeze %dma_wait3A_355 : memref<1x1x128x16xf32, #tpu.memory_space<vmem>> -> memref<128x16xf32, #tpu.memory_space<vmem>>
      %dma_wait3A_357 = arith.constant 0 : i32
      %dma_wait3A_358 = tpu.memref_slice %arg7[%dma_wait3A_348, %dma_wait3A_349, %dma_wait3A_350, %dma_wait3A_357] : memref<3x2x6x128xi32, #tpu.memory_space<vmem>> -> memref<1x1x1x128xi32, #tpu.memory_space<vmem>>
      %dma_wait3A_359 = tpu.memref_squeeze %dma_wait3A_358 : memref<1x1x1x128xi32, #tpu.memory_space<vmem>> -> memref<128xi32, #tpu.memory_space<vmem>>
      %dma_wait3A_360 = arith.constant 0 : i32
      %dma_wait3A_361 = arith.constant 0 : i32
      %dma_wait3A_362 = tpu.memref_slice %arg2[%dma_wait3A_360, %dma_wait3A_361] : memref<100096x16xf32, #tpu.memory_space<hbm>> -> memref<100096x16xf32, #tpu.memory_space<hbm>>
      tpu.wait_indirect_dma semaphore(%arg9 : memref<!tpu.dma_semaphore, #tpu.memory_space<semaphore_mem>>) src(%dma_wait3A_362 : memref<100096x16xf32, #tpu.memory_space<hbm>>) dst(%dma_wait3A_356 : memref<128x16xf32, #tpu.memory_space<vmem>>)
      %dma_wait3A_363 = arith.constant 0 : i32
      %dma_wait3A_364 = arith.constant 0 : i32
      %dma_wait3A_365 = arith.constant 4 : i32
      %dma_wait3A_366 = arith.constant 0 : i32
      %dma_wait3A_367 = arith.constant 4 : i32
      %dma_wait3A_368 = arith.constant 0 : i32
      %dma_wait3A_369 = arith.constant 0 : i32
      %dma_wait3A_370 = tpu.memref_slice %arg8[%dma_wait3A_366, %dma_wait3A_367, %dma_wait3A_368, %dma_wait3A_369] : memref<2x6x128x16xf32, #tpu.memory_space<vmem>> -> memref<1x1x128x16xf32, #tpu.memory_space<vmem>>
      %dma_wait3A_371 = tpu.memref_squeeze %dma_wait3A_370 : memref<1x1x128x16xf32, #tpu.memory_space<vmem>> -> memref<128x16xf32, #tpu.memory_space<vmem>>
      %dma_wait3A_372 = arith.constant 0 : i32
      %dma_wait3A_373 = tpu.memref_slice %arg7[%dma_wait3A_363, %dma_wait3A_364, %dma_wait3A_365, %dma_wait3A_372] : memref<3x2x6x128xi32, #tpu.memory_space<vmem>> -> memref<1x1x1x128xi32, #tpu.memory_space<vmem>>
      %dma_wait3A_374 = tpu.memref_squeeze %dma_wait3A_373 : memref<1x1x1x128xi32, #tpu.memory_space<vmem>> -> memref<128xi32, #tpu.memory_space<vmem>>
      %dma_wait3A_375 = arith.constant 0 : i32
      %dma_wait3A_376 = arith.constant 0 : i32
      %dma_wait3A_377 = tpu.memref_slice %arg2[%dma_wait3A_375, %dma_wait3A_376] : memref<100096x16xf32, #tpu.memory_space<hbm>> -> memref<100096x16xf32, #tpu.memory_space<hbm>>
      tpu.wait_indirect_dma semaphore(%arg9 : memref<!tpu.dma_semaphore, #tpu.memory_space<semaphore_mem>>) src(%dma_wait3A_377 : memref<100096x16xf32, #tpu.memory_space<hbm>>) dst(%dma_wait3A_371 : memref<128x16xf32, #tpu.memory_space<vmem>>)
      %run_scoped3A_378 = arith.constant 0 : i32
      %run_scoped3A_379 = arith.constant 0 : i32
      %run_scoped3A_380 = arith.constant 0 : i32
      %run_scoped3A_381 = arith.constant 1 : i32
      %run_scoped3A_382 = arith.constant 0 : i32
      "tpu.region"() ({
        %run_scoped3A_403 = tpu.sem_alloc : memref<!tpu.dma_semaphore, #tpu.memory_space<semaphore_mem>>
        %dma_start3A_404 = arith.constant 0 : i32
        %dma_start3A_405 = arith.constant 0 : i32
        %dma_start3A_406 = tpu.memref_slice %arg8[%run_scoped3A_378, %run_scoped3A_379, %dma_start3A_404, %dma_start3A_405] : memref<2x6x128x16xf32, #tpu.memory_space<vmem>> -> memref<1x1x128x16xf32, #tpu.memory_space<vmem>>
        %dma_start3A_407 = tpu.memref_squeeze %dma_start3A_406 : memref<1x1x128x16xf32, #tpu.memory_space<vmem>> -> memref<128x16xf32, #tpu.memory_space<vmem>>
        %dma_start3A_408 = arith.constant 0 : i32
        %dma_start3A_409 = tpu.memref_slice %arg7[%run_scoped3A_380, %run_scoped3A_381, %run_scoped3A_382, %dma_start3A_408] : memref<3x2x6x128xi32, #tpu.memory_space<vmem>> -> memref<1x1x1x128xi32, #tpu.memory_space<vmem>>
        %dma_start3A_410 = tpu.memref_squeeze %dma_start3A_409 : memref<1x1x1x128xi32, #tpu.memory_space<vmem>> -> memref<128xi32, #tpu.memory_space<vmem>>
        %dma_start3A_411 = arith.constant 0 : i32
        %dma_start3A_412 = arith.constant 0 : i32
        %dma_start3A_413 = tpu.memref_slice %arg6[%dma_start3A_411, %dma_start3A_412] : memref<100096x16xf32, #tpu.memory_space<vmem_shared>> -> memref<100096x16xf32, #tpu.memory_space<vmem_shared>>
        tpu.enqueue_indirect_dma source(%dma_start3A_407 : memref<128x16xf32, #tpu.memory_space<vmem>>) target(%dma_start3A_413 : memref<100096x16xf32, #tpu.memory_space<vmem_shared>>) offsets(%dma_start3A_410 : memref<128xi32, #tpu.memory_space<vmem>>) semaphore(%run_scoped3A_403 : memref<!tpu.dma_semaphore, #tpu.memory_space<semaphore_mem>>) {add = true}
        %dma_wait3A_414 = arith.constant 0 : i32
        %dma_wait3A_415 = arith.constant 0 : i32
        %dma_wait3A_416 = tpu.memref_slice %arg8[%run_scoped3A_378, %run_scoped3A_379, %dma_wait3A_414, %dma_wait3A_415] : memref<2x6x128x16xf32, #tpu.memory_space<vmem>> -> memref<1x1x128x16xf32, #tpu.memory_space<vmem>>
        %dma_wait3A_417 = tpu.memref_squeeze %dma_wait3A_416 : memref<1x1x128x16xf32, #tpu.memory_space<vmem>> -> memref<128x16xf32, #tpu.memory_space<vmem>>
        %dma_wait3A_418 = arith.constant 0 : i32
        %dma_wait3A_419 = tpu.memref_slice %arg7[%run_scoped3A_380, %run_scoped3A_381, %run_scoped3A_382, %dma_wait3A_418] : memref<3x2x6x128xi32, #tpu.memory_space<vmem>> -> memref<1x1x1x128xi32, #tpu.memory_space<vmem>>
        %dma_wait3A_420 = tpu.memref_squeeze %dma_wait3A_419 : memref<1x1x1x128xi32, #tpu.memory_space<vmem>> -> memref<128xi32, #tpu.memory_space<vmem>>
        %dma_wait3A_421 = arith.constant 0 : i32
        %dma_wait3A_422 = arith.constant 0 : i32
        %dma_wait3A_423 = tpu.memref_slice %arg6[%dma_wait3A_421, %dma_wait3A_422] : memref<100096x16xf32, #tpu.memory_space<vmem_shared>> -> memref<100096x16xf32, #tpu.memory_space<vmem_shared>>
        tpu.wait_indirect_dma semaphore(%run_scoped3A_403 : memref<!tpu.dma_semaphore, #tpu.memory_space<semaphore_mem>>) src(%dma_wait3A_417 : memref<128x16xf32, #tpu.memory_space<vmem>>) dst(%dma_wait3A_423 : memref<100096x16xf32, #tpu.memory_space<vmem_shared>>)
        tpu.yield
      }) : () -> ()
      %run_scoped3A_383 = arith.constant 0 : i32
      %run_scoped3A_384 = arith.constant 1 : i32
      %run_scoped3A_385 = arith.constant 0 : i32
      %run_scoped3A_386 = arith.constant 1 : i32
      %run_scoped3A_387 = arith.constant 1 : i32
      "tpu.region"() ({
        %run_scoped3A_403 = tpu.sem_alloc : memref<!tpu.dma_semaphore, #tpu.memory_space<semaphore_mem>>
        %dma_start3A_404 = arith.constant 0 : i32
        %dma_start3A_405 = arith.constant 0 : i32
        %dma_start3A_406 = tpu.memref_slice %arg8[%run_scoped3A_383, %run_scoped3A_384, %dma_start3A_404, %dma_start3A_405] : memref<2x6x128x16xf32, #tpu.memory_space<vmem>> -> memref<1x1x128x16xf32, #tpu.memory_space<vmem>>
        %dma_start3A_407 = tpu.memref_squeeze %dma_start3A_406 : memref<1x1x128x16xf32, #tpu.memory_space<vmem>> -> memref<128x16xf32, #tpu.memory_space<vmem>>
        %dma_start3A_408 = arith.constant 0 : i32
        %dma_start3A_409 = tpu.memref_slice %arg7[%run_scoped3A_385, %run_scoped3A_386, %run_scoped3A_387, %dma_start3A_408] : memref<3x2x6x128xi32, #tpu.memory_space<vmem>> -> memref<1x1x1x128xi32, #tpu.memory_space<vmem>>
        %dma_start3A_410 = tpu.memref_squeeze %dma_start3A_409 : memref<1x1x1x128xi32, #tpu.memory_space<vmem>> -> memref<128xi32, #tpu.memory_space<vmem>>
        %dma_start3A_411 = arith.constant 0 : i32
        %dma_start3A_412 = arith.constant 0 : i32
        %dma_start3A_413 = tpu.memref_slice %arg6[%dma_start3A_411, %dma_start3A_412] : memref<100096x16xf32, #tpu.memory_space<vmem_shared>> -> memref<100096x16xf32, #tpu.memory_space<vmem_shared>>
        tpu.enqueue_indirect_dma source(%dma_start3A_407 : memref<128x16xf32, #tpu.memory_space<vmem>>) target(%dma_start3A_413 : memref<100096x16xf32, #tpu.memory_space<vmem_shared>>) offsets(%dma_start3A_410 : memref<128xi32, #tpu.memory_space<vmem>>) semaphore(%run_scoped3A_403 : memref<!tpu.dma_semaphore, #tpu.memory_space<semaphore_mem>>) {add = true}
        %dma_wait3A_414 = arith.constant 0 : i32
        %dma_wait3A_415 = arith.constant 0 : i32
        %dma_wait3A_416 = tpu.memref_slice %arg8[%run_scoped3A_383, %run_scoped3A_384, %dma_wait3A_414, %dma_wait3A_415] : memref<2x6x128x16xf32, #tpu.memory_space<vmem>> -> memref<1x1x128x16xf32, #tpu.memory_space<vmem>>
        %dma_wait3A_417 = tpu.memref_squeeze %dma_wait3A_416 : memref<1x1x128x16xf32, #tpu.memory_space<vmem>> -> memref<128x16xf32, #tpu.memory_space<vmem>>
        %dma_wait3A_418 = arith.constant 0 : i32
        %dma_wait3A_419 = tpu.memref_slice %arg7[%run_scoped3A_385, %run_scoped3A_386, %run_scoped3A_387, %dma_wait3A_418] : memref<3x2x6x128xi32, #tpu.memory_space<vmem>> -> memref<1x1x1x128xi32, #tpu.memory_space<vmem>>
        %dma_wait3A_420 = tpu.memref_squeeze %dma_wait3A_419 : memref<1x1x1x128xi32, #tpu.memory_space<vmem>> -> memref<128xi32, #tpu.memory_space<vmem>>
        %dma_wait3A_421 = arith.constant 0 : i32
        %dma_wait3A_422 = arith.constant 0 : i32
        %dma_wait3A_423 = tpu.memref_slice %arg6[%dma_wait3A_421, %dma_wait3A_422] : memref<100096x16xf32, #tpu.memory_space<vmem_shared>> -> memref<100096x16xf32, #tpu.memory_space<vmem_shared>>
        tpu.wait_indirect_dma semaphore(%run_scoped3A_403 : memref<!tpu.dma_semaphore, #tpu.memory_space<semaphore_mem>>) src(%dma_wait3A_417 : memref<128x16xf32, #tpu.memory_space<vmem>>) dst(%dma_wait3A_423 : memref<100096x16xf32, #tpu.memory_space<vmem_shared>>)
        tpu.yield
      }) : () -> ()
      %run_scoped3A_388 = arith.constant 0 : i32
      %run_scoped3A_389 = arith.constant 2 : i32
      %run_scoped3A_390 = arith.constant 0 : i32
      %run_scoped3A_391 = arith.constant 1 : i32
      %run_scoped3A_392 = arith.constant 2 : i32
      "tpu.region"() ({
        %run_scoped3A_403 = tpu.sem_alloc : memref<!tpu.dma_semaphore, #tpu.memory_space<semaphore_mem>>
        %dma_start3A_404 = arith.constant 0 : i32
        %dma_start3A_405 = arith.constant 0 : i32
        %dma_start3A_406 = tpu.memref_slice %arg8[%run_scoped3A_388, %run_scoped3A_389, %dma_start3A_404, %dma_start3A_405] : memref<2x6x128x16xf32, #tpu.memory_space<vmem>> -> memref<1x1x128x16xf32, #tpu.memory_space<vmem>>
        %dma_start3A_407 = tpu.memref_squeeze %dma_start3A_406 : memref<1x1x128x16xf32, #tpu.memory_space<vmem>> -> memref<128x16xf32, #tpu.memory_space<vmem>>
        %dma_start3A_408 = arith.constant 0 : i32
        %dma_start3A_409 = tpu.memref_slice %arg7[%run_scoped3A_390, %run_scoped3A_391, %run_scoped3A_392, %dma_start3A_408] : memref<3x2x6x128xi32, #tpu.memory_space<vmem>> -> memref<1x1x1x128xi32, #tpu.memory_space<vmem>>
        %dma_start3A_410 = tpu.memref_squeeze %dma_start3A_409 : memref<1x1x1x128xi32, #tpu.memory_space<vmem>> -> memref<128xi32, #tpu.memory_space<vmem>>
        %dma_start3A_411 = arith.constant 0 : i32
        %dma_start3A_412 = arith.constant 0 : i32
        %dma_start3A_413 = tpu.memref_slice %arg6[%dma_start3A_411, %dma_start3A_412] : memref<100096x16xf32, #tpu.memory_space<vmem_shared>> -> memref<100096x16xf32, #tpu.memory_space<vmem_shared>>
        tpu.enqueue_indirect_dma source(%dma_start3A_407 : memref<128x16xf32, #tpu.memory_space<vmem>>) target(%dma_start3A_413 : memref<100096x16xf32, #tpu.memory_space<vmem_shared>>) offsets(%dma_start3A_410 : memref<128xi32, #tpu.memory_space<vmem>>) semaphore(%run_scoped3A_403 : memref<!tpu.dma_semaphore, #tpu.memory_space<semaphore_mem>>) {add = true}
        %dma_wait3A_414 = arith.constant 0 : i32
        %dma_wait3A_415 = arith.constant 0 : i32
        %dma_wait3A_416 = tpu.memref_slice %arg8[%run_scoped3A_388, %run_scoped3A_389, %dma_wait3A_414, %dma_wait3A_415] : memref<2x6x128x16xf32, #tpu.memory_space<vmem>> -> memref<1x1x128x16xf32, #tpu.memory_space<vmem>>
        %dma_wait3A_417 = tpu.memref_squeeze %dma_wait3A_416 : memref<1x1x128x16xf32, #tpu.memory_space<vmem>> -> memref<128x16xf32, #tpu.memory_space<vmem>>
        %dma_wait3A_418 = arith.constant 0 : i32
        %dma_wait3A_419 = tpu.memref_slice %arg7[%run_scoped3A_390, %run_scoped3A_391, %run_scoped3A_392, %dma_wait3A_418] : memref<3x2x6x128xi32, #tpu.memory_space<vmem>> -> memref<1x1x1x128xi32, #tpu.memory_space<vmem>>
        %dma_wait3A_420 = tpu.memref_squeeze %dma_wait3A_419 : memref<1x1x1x128xi32, #tpu.memory_space<vmem>> -> memref<128xi32, #tpu.memory_space<vmem>>
        %dma_wait3A_421 = arith.constant 0 : i32
        %dma_wait3A_422 = arith.constant 0 : i32
        %dma_wait3A_423 = tpu.memref_slice %arg6[%dma_wait3A_421, %dma_wait3A_422] : memref<100096x16xf32, #tpu.memory_space<vmem_shared>> -> memref<100096x16xf32, #tpu.memory_space<vmem_shared>>
        tpu.wait_indirect_dma semaphore(%run_scoped3A_403 : memref<!tpu.dma_semaphore, #tpu.memory_space<semaphore_mem>>) src(%dma_wait3A_417 : memref<128x16xf32, #tpu.memory_space<vmem>>) dst(%dma_wait3A_423 : memref<100096x16xf32, #tpu.memory_space<vmem_shared>>)
        tpu.yield
      }) : () -> ()
      %run_scoped3A_393 = arith.constant 0 : i32
      %run_scoped3A_394 = arith.constant 3 : i32
      %run_scoped3A_395 = arith.constant 0 : i32
      %run_scoped3A_396 = arith.constant 1 : i32
      %run_scoped3A_397 = arith.constant 3 : i32
      "tpu.region"() ({
        %run_scoped3A_403 = tpu.sem_alloc : memref<!tpu.dma_semaphore, #tpu.memory_space<semaphore_mem>>
        %dma_start3A_404 = arith.constant 0 : i32
        %dma_start3A_405 = arith.constant 0 : i32
        %dma_start3A_406 = tpu.memref_slice %arg8[%run_scoped3A_393, %run_scoped3A_394, %dma_start3A_404, %dma_start3A_405] : memref<2x6x128x16xf32, #tpu.memory_space<vmem>> -> memref<1x1x128x16xf32, #tpu.memory_space<vmem>>
        %dma_start3A_407 = tpu.memref_squeeze %dma_start3A_406 : memref<1x1x128x16xf32, #tpu.memory_space<vmem>> -> memref<128x16xf32, #tpu.memory_space<vmem>>
        %dma_start3A_408 = arith.constant 0 : i32
        %dma_start3A_409 = tpu.memref_slice %arg7[%run_scoped3A_395, %run_scoped3A_396, %run_scoped3A_397, %dma_start3A_408] : memref<3x2x6x128xi32, #tpu.memory_space<vmem>> -> memref<1x1x1x128xi32, #tpu.memory_space<vmem>>
        %dma_start3A_410 = tpu.memref_squeeze %dma_start3A_409 : memref<1x1x1x128xi32, #tpu.memory_space<vmem>> -> memref<128xi32, #tpu.memory_space<vmem>>
        %dma_start3A_411 = arith.constant 0 : i32
        %dma_start3A_412 = arith.constant 0 : i32
        %dma_start3A_413 = tpu.memref_slice %arg6[%dma_start3A_411, %dma_start3A_412] : memref<100096x16xf32, #tpu.memory_space<vmem_shared>> -> memref<100096x16xf32, #tpu.memory_space<vmem_shared>>
        tpu.enqueue_indirect_dma source(%dma_start3A_407 : memref<128x16xf32, #tpu.memory_space<vmem>>) target(%dma_start3A_413 : memref<100096x16xf32, #tpu.memory_space<vmem_shared>>) offsets(%dma_start3A_410 : memref<128xi32, #tpu.memory_space<vmem>>) semaphore(%run_scoped3A_403 : memref<!tpu.dma_semaphore, #tpu.memory_space<semaphore_mem>>) {add = true}
        %dma_wait3A_414 = arith.constant 0 : i32
        %dma_wait3A_415 = arith.constant 0 : i32
        %dma_wait3A_416 = tpu.memref_slice %arg8[%run_scoped3A_393, %run_scoped3A_394, %dma_wait3A_414, %dma_wait3A_415] : memref<2x6x128x16xf32, #tpu.memory_space<vmem>> -> memref<1x1x128x16xf32, #tpu.memory_space<vmem>>
        %dma_wait3A_417 = tpu.memref_squeeze %dma_wait3A_416 : memref<1x1x128x16xf32, #tpu.memory_space<vmem>> -> memref<128x16xf32, #tpu.memory_space<vmem>>
        %dma_wait3A_418 = arith.constant 0 : i32
        %dma_wait3A_419 = tpu.memref_slice %arg7[%run_scoped3A_395, %run_scoped3A_396, %run_scoped3A_397, %dma_wait3A_418] : memref<3x2x6x128xi32, #tpu.memory_space<vmem>> -> memref<1x1x1x128xi32, #tpu.memory_space<vmem>>
        %dma_wait3A_420 = tpu.memref_squeeze %dma_wait3A_419 : memref<1x1x1x128xi32, #tpu.memory_space<vmem>> -> memref<128xi32, #tpu.memory_space<vmem>>
        %dma_wait3A_421 = arith.constant 0 : i32
        %dma_wait3A_422 = arith.constant 0 : i32
        %dma_wait3A_423 = tpu.memref_slice %arg6[%dma_wait3A_421, %dma_wait3A_422] : memref<100096x16xf32, #tpu.memory_space<vmem_shared>> -> memref<100096x16xf32, #tpu.memory_space<vmem_shared>>
        tpu.wait_indirect_dma semaphore(%run_scoped3A_403 : memref<!tpu.dma_semaphore, #tpu.memory_space<semaphore_mem>>) src(%dma_wait3A_417 : memref<128x16xf32, #tpu.memory_space<vmem>>) dst(%dma_wait3A_423 : memref<100096x16xf32, #tpu.memory_space<vmem_shared>>)
        tpu.yield
      }) : () -> ()
      %run_scoped3A_398 = arith.constant 0 : i32
      %run_scoped3A_399 = arith.constant 4 : i32
      %run_scoped3A_400 = arith.constant 0 : i32
      %run_scoped3A_401 = arith.constant 1 : i32
      %run_scoped3A_402 = arith.constant 4 : i32
      "tpu.region"() ({
        %run_scoped3A_403 = tpu.sem_alloc : memref<!tpu.dma_semaphore, #tpu.memory_space<semaphore_mem>>
        %dma_start3A_404 = arith.constant 0 : i32
        %dma_start3A_405 = arith.constant 0 : i32
        %dma_start3A_406 = tpu.memref_slice %arg8[%run_scoped3A_398, %run_scoped3A_399, %dma_start3A_404, %dma_start3A_405] : memref<2x6x128x16xf32, #tpu.memory_space<vmem>> -> memref<1x1x128x16xf32, #tpu.memory_space<vmem>>
        %dma_start3A_407 = tpu.memref_squeeze %dma_start3A_406 : memref<1x1x128x16xf32, #tpu.memory_space<vmem>> -> memref<128x16xf32, #tpu.memory_space<vmem>>
        %dma_start3A_408 = arith.constant 0 : i32
        %dma_start3A_409 = tpu.memref_slice %arg7[%run_scoped3A_400, %run_scoped3A_401, %run_scoped3A_402, %dma_start3A_408] : memref<3x2x6x128xi32, #tpu.memory_space<vmem>> -> memref<1x1x1x128xi32, #tpu.memory_space<vmem>>
        %dma_start3A_410 = tpu.memref_squeeze %dma_start3A_409 : memref<1x1x1x128xi32, #tpu.memory_space<vmem>> -> memref<128xi32, #tpu.memory_space<vmem>>
        %dma_start3A_411 = arith.constant 0 : i32
        %dma_start3A_412 = arith.constant 0 : i32
        %dma_start3A_413 = tpu.memref_slice %arg6[%dma_start3A_411, %dma_start3A_412] : memref<100096x16xf32, #tpu.memory_space<vmem_shared>> -> memref<100096x16xf32, #tpu.memory_space<vmem_shared>>
        tpu.enqueue_indirect_dma source(%dma_start3A_407 : memref<128x16xf32, #tpu.memory_space<vmem>>) target(%dma_start3A_413 : memref<100096x16xf32, #tpu.memory_space<vmem_shared>>) offsets(%dma_start3A_410 : memref<128xi32, #tpu.memory_space<vmem>>) semaphore(%run_scoped3A_403 : memref<!tpu.dma_semaphore, #tpu.memory_space<semaphore_mem>>) {add = true}
        %dma_wait3A_414 = arith.constant 0 : i32
        %dma_wait3A_415 = arith.constant 0 : i32
        %dma_wait3A_416 = tpu.memref_slice %arg8[%run_scoped3A_398, %run_scoped3A_399, %dma_wait3A_414, %dma_wait3A_415] : memref<2x6x128x16xf32, #tpu.memory_space<vmem>> -> memref<1x1x128x16xf32, #tpu.memory_space<vmem>>
        %dma_wait3A_417 = tpu.memref_squeeze %dma_wait3A_416 : memref<1x1x128x16xf32, #tpu.memory_space<vmem>> -> memref<128x16xf32, #tpu.memory_space<vmem>>
        %dma_wait3A_418 = arith.constant 0 : i32
        %dma_wait3A_419 = tpu.memref_slice %arg7[%run_scoped3A_400, %run_scoped3A_401, %run_scoped3A_402, %dma_wait3A_418] : memref<3x2x6x128xi32, #tpu.memory_space<vmem>> -> memref<1x1x1x128xi32, #tpu.memory_space<vmem>>
        %dma_wait3A_420 = tpu.memref_squeeze %dma_wait3A_419 : memref<1x1x1x128xi32, #tpu.memory_space<vmem>> -> memref<128xi32, #tpu.memory_space<vmem>>
        %dma_wait3A_421 = arith.constant 0 : i32
        %dma_wait3A_422 = arith.constant 0 : i32
        %dma_wait3A_423 = tpu.memref_slice %arg6[%dma_wait3A_421, %dma_wait3A_422] : memref<100096x16xf32, #tpu.memory_space<vmem_shared>> -> memref<100096x16xf32, #tpu.memory_space<vmem_shared>>
        tpu.wait_indirect_dma semaphore(%run_scoped3A_403 : memref<!tpu.dma_semaphore, #tpu.memory_space<semaphore_mem>>) src(%dma_wait3A_417 : memref<128x16xf32, #tpu.memory_space<vmem>>) dst(%dma_wait3A_423 : memref<100096x16xf32, #tpu.memory_space<vmem_shared>>)
        tpu.yield
      }) : () -> ()
    } else {
    }
    %barrier3A_221 = arith.constant 0 : index
    tpu.barrier barrier_id(%barrier3A_221)
    %mul3A_222 = arith.constant 6256 : i32
    %mul3A_223 = arith.muli %arg1, %mul3A_222 : i32
    "tpu.region"() ({
      %run_scoped3A = tpu.sem_alloc : memref<!tpu.dma_semaphore, #tpu.memory_space<semaphore_mem>>
      %dma_start3A_224 = arith.constant 0 : i32
      %dma_start3A_225 = arith.constant 0 : i32
      %dma_start3A_226 = tpu.memref_slice %arg5[%arg0, %arg1, %dma_start3A_224, %dma_start3A_225] : memref<2x16x6256x16xf32, #tpu.memory_space<hbm>> -> memref<1x1x6256x16xf32, #tpu.memory_space<hbm>>
      %dma_start3A_227 = tpu.memref_squeeze %dma_start3A_226 : memref<1x1x6256x16xf32, #tpu.memory_space<hbm>> -> memref<6256x16xf32, #tpu.memory_space<hbm>>
      %dma_start3A_228 = arith.constant 0 : i32
      %dma_start3A_229 = tpu.memref_slice %arg6[%mul3A_223, %dma_start3A_228] : memref<100096x16xf32, #tpu.memory_space<vmem_shared>> -> memref<6256x16xf32, #tpu.memory_space<vmem_shared>>
      tpu.enqueue_dma source(%dma_start3A_229 : memref<6256x16xf32, #tpu.memory_space<vmem_shared>>) target(%dma_start3A_227 : memref<6256x16xf32, #tpu.memory_space<hbm>>) target_semaphore(%run_scoped3A : memref<!tpu.dma_semaphore, #tpu.memory_space<semaphore_mem>>)
      %dma_wait3A_230 = arith.constant 0 : i32
      %dma_wait3A_231 = arith.constant 0 : i32
      %dma_wait3A_232 = tpu.memref_slice %arg5[%arg0, %arg1, %dma_wait3A_230, %dma_wait3A_231] : memref<2x16x6256x16xf32, #tpu.memory_space<hbm>> -> memref<1x1x6256x16xf32, #tpu.memory_space<hbm>>
      %dma_wait3A_233 = tpu.memref_squeeze %dma_wait3A_232 : memref<1x1x6256x16xf32, #tpu.memory_space<hbm>> -> memref<6256x16xf32, #tpu.memory_space<hbm>>
      %dma_wait3A_234 = arith.constant 0 : i32
      %dma_wait3A_235 = tpu.memref_slice %arg6[%mul3A_223, %dma_wait3A_234] : memref<100096x16xf32, #tpu.memory_space<vmem_shared>> -> memref<6256x16xf32, #tpu.memory_space<vmem_shared>>
      tpu.wait_dma2 semaphore(%run_scoped3A : memref<!tpu.dma_semaphore, #tpu.memory_space<semaphore_mem>>) src(%dma_wait3A_235 : memref<6256x16xf32, #tpu.memory_space<vmem_shared>>) dst(%dma_wait3A_233 : memref<6256x16xf32, #tpu.memory_space<hbm>>)
      tpu.yield
    }) : () -> ()
    return
  }
}

#map = affine_map<(d0, d1) -> (0, 0)>
#map1 = affine_map<(d0, d1) -> (0, 0, 0)>
#map2 = affine_map<(d0, d1) -> (0, 0, 0, 0)>
module attributes {stable_mosaic.version = 14 : i64} {
  func.func @_agg_body(%arg0: i32, %arg1: i32, %arg2: memref<100096x16xf32, #tpu.memory_space<hbm>>, %arg3: memref<2x50000x128xi32, #tpu.memory_space<hbm>>, %arg4: memref<6256x16xf32, #tpu.memory_space<hbm>>, %arg5: memref<2x16x6256x16xf32, #tpu.memory_space<hbm>>, %arg6: memref<100096x16xf32, #tpu.memory_space<vmem_shared>>, %arg7: memref<3x2x6x128xi32, #tpu.memory_space<vmem>>, %arg8: memref<2x6x128x16xf32, #tpu.memory_space<vmem>>, %arg9: memref<!tpu.dma_semaphore, #tpu.memory_space<semaphore_mem>>, %arg10: memref<!tpu.dma_semaphore, #tpu.memory_space<semaphore_mem>>, %arg11: memref<!tpu.dma_semaphore, #tpu.memory_space<semaphore_mem>>) attributes {dimension_semantics = [#tpu.dimension_semantics<core_parallel>, #tpu.dimension_semantics<subcore_parallel>], iteration_bounds = array<i64: 2, 16>, scalar_prefetch = 0 : i64, scratch_operands = 6 : i64, tpu.core_type = #tpu.core_type<sc_vector_subcore>, window_params = [{transform_indices = #map}, {transform_indices = #map1}, {transform_indices = #map}, {transform_indices = #map2}]} {
    %mul3A = arith.constant 2 : i32
    %mul3A_0 = arith.muli %arg1, %mul3A : i32
    %add3A = arith.addi %mul3A_0, %arg0 : i32
    %mul3A_1 = arith.constant 6256 : i32
    %mul3A_2 = arith.muli %arg1, %mul3A_1 : i32
    "tpu.region"() ({
      %run_scoped3A = tpu.sem_alloc : memref<!tpu.dma_semaphore, #tpu.memory_space<semaphore_mem>>
      %dma_start3A_224 = arith.constant 0 : i32
      %dma_start3A_225 = tpu.memref_slice %arg6[%mul3A_2, %dma_start3A_224] : memref<100096x16xf32, #tpu.memory_space<vmem_shared>> -> memref<6256x16xf32, #tpu.memory_space<vmem_shared>>
      tpu.enqueue_dma source(%arg4 : memref<6256x16xf32, #tpu.memory_space<hbm>>) target(%dma_start3A_225 : memref<6256x16xf32, #tpu.memory_space<vmem_shared>>) target_semaphore(%run_scoped3A : memref<!tpu.dma_semaphore, #tpu.memory_space<semaphore_mem>>)
      %dma_wait3A_226 = arith.constant 0 : i32
      %dma_wait3A_227 = tpu.memref_slice %arg6[%mul3A_2, %dma_wait3A_226] : memref<100096x16xf32, #tpu.memory_space<vmem_shared>> -> memref<6256x16xf32, #tpu.memory_space<vmem_shared>>
      tpu.wait_dma2 semaphore(%run_scoped3A : memref<!tpu.dma_semaphore, #tpu.memory_space<semaphore_mem>>) src(%arg4 : memref<6256x16xf32, #tpu.memory_space<hbm>>) dst(%dma_wait3A_227 : memref<6256x16xf32, #tpu.memory_space<vmem_shared>>)
      tpu.yield
    }) : () -> ()
    %barrier3A = arith.constant 0 : index
    tpu.barrier barrier_id(%barrier3A)
    %mul3A_3 = arith.constant 1560 : i32
    %mul3A_4 = arith.muli %add3A, %mul3A_3 : i32
    %add3A_5 = arith.constant 0 : i32
    %add3A_6 = arith.addi %mul3A_4, %add3A_5 : i32
    %dma_start3A = arith.constant 0 : i32
    %dma_start3A_7 = arith.constant 0 : i32
    %dma_start3A_8 = arith.constant 0 : i32
    %dma_start3A_9 = arith.constant 0 : i32
    %dma_start3A_10 = tpu.memref_slice %arg7[%dma_start3A, %dma_start3A_7, %dma_start3A_8, %dma_start3A_9] : memref<3x2x6x128xi32, #tpu.memory_space<vmem>> -> memref<1x2x6x128xi32, #tpu.memory_space<vmem>>
    %dma_start3A_11 = tpu.memref_squeeze %dma_start3A_10 : memref<1x2x6x128xi32, #tpu.memory_space<vmem>> -> memref<2x6x128xi32, #tpu.memory_space<vmem>>
    %dma_start3A_12 = arith.constant 0 : i32
    %dma_start3A_13 = arith.constant 0 : i32
    %dma_start3A_14 = tpu.memref_slice %arg3[%dma_start3A_12, %add3A_6, %dma_start3A_13] : memref<2x50000x128xi32, #tpu.memory_space<hbm>> -> memref<2x6x128xi32, #tpu.memory_space<hbm>>
    %dma_start3A_15 = arith.constant 0 : i32
    %dma_start3A_16 = arith.constant 0 : i32
    %dma_start3A_17 = arith.constant 0 : i32
    %dma_start3A_18 = tpu.memref_slice %arg7[%dma_start3A, %dma_start3A_15, %dma_start3A_16, %dma_start3A_17] : memref<3x2x6x128xi32, #tpu.memory_space<vmem>> -> memref<1x2x6x128xi32, #tpu.memory_space<vmem>>
    %dma_start3A_19 = tpu.memref_squeeze %dma_start3A_18 : memref<1x2x6x128xi32, #tpu.memory_space<vmem>> -> memref<2x6x128xi32, #tpu.memory_space<vmem>>
    %dma_start3A_20 = arith.constant 0 : i32
    %dma_start3A_21 = arith.constant 0 : i32
    %dma_start3A_22 = tpu.memref_slice %arg3[%dma_start3A_20, %add3A_6, %dma_start3A_21] : memref<2x50000x128xi32, #tpu.memory_space<hbm>> -> memref<2x6x128xi32, #tpu.memory_space<hbm>>
    tpu.enqueue_dma source(%dma_start3A_22 : memref<2x6x128xi32, #tpu.memory_space<hbm>>) target(%dma_start3A_19 : memref<2x6x128xi32, #tpu.memory_space<vmem>>) target_semaphore(%arg11 : memref<!tpu.dma_semaphore, #tpu.memory_space<semaphore_mem>>)
    %scan3A = arith.constant 0 : i32
    %scan3A_23 = arith.constant 0 : i32
    %scan3A_24 = arith.constant 260 : i32
    %scan3A_25 = arith.addi %scan3A_23, %scan3A_24 : i32
    %scan3A_26 = arith.constant 1 : i32
    scf.for %scan3A_224 = %scan3A_23 to %scan3A_25 step %scan3A_26  : i32 {
      %rem3A = arith.constant 2 : i32
      %rem3A_225 = arith.remsi %scan3A_224, %rem3A : i32
      %rem3A_226 = arith.constant 3 : i32
      %rem3A_227 = arith.remsi %scan3A_224, %rem3A_226 : i32
      %dma_wait3A_228 = arith.constant 0 : i32
      %dma_wait3A_229 = arith.constant 0 : i32
      %dma_wait3A_230 = arith.constant 0 : i32
      %dma_wait3A_231 = tpu.memref_slice %arg7[%rem3A_227, %dma_wait3A_228, %dma_wait3A_229, %dma_wait3A_230] : memref<3x2x6x128xi32, #tpu.memory_space<vmem>> -> memref<1x2x6x128xi32, #tpu.memory_space<vmem>>
      %dma_wait3A_232 = tpu.memref_squeeze %dma_wait3A_231 : memref<1x2x6x128xi32, #tpu.memory_space<vmem>> -> memref<2x6x128xi32, #tpu.memory_space<vmem>>
      %dma_wait3A_233 = arith.constant 0 : i32
      %dma_wait3A_234 = arith.constant 0 : i32
      %dma_wait3A_235 = tpu.memref_slice %arg3[%dma_wait3A_233, %mul3A_4, %dma_wait3A_234] : memref<2x50000x128xi32, #tpu.memory_space<hbm>> -> memref<2x6x128xi32, #tpu.memory_space<hbm>>
      %dma_wait3A_236 = arith.constant 0 : i32
      %dma_wait3A_237 = arith.constant 0 : i32
      %dma_wait3A_238 = arith.constant 0 : i32
      %dma_wait3A_239 = tpu.memref_slice %arg7[%rem3A_227, %dma_wait3A_236, %dma_wait3A_237, %dma_wait3A_238] : memref<3x2x6x128xi32, #tpu.memory_space<vmem>> -> memref<1x2x6x128xi32, #tpu.memory_space<vmem>>
      %dma_wait3A_240 = tpu.memref_squeeze %dma_wait3A_239 : memref<1x2x6x128xi32, #tpu.memory_space<vmem>> -> memref<2x6x128xi32, #tpu.memory_space<vmem>>
      %dma_wait3A_241 = arith.constant 0 : i32
      %dma_wait3A_242 = arith.constant 0 : i32
      %dma_wait3A_243 = tpu.memref_slice %arg3[%dma_wait3A_241, %mul3A_4, %dma_wait3A_242] : memref<2x50000x128xi32, #tpu.memory_space<hbm>> -> memref<2x6x128xi32, #tpu.memory_space<hbm>>
      tpu.wait_dma2 semaphore(%arg11 : memref<!tpu.dma_semaphore, #tpu.memory_space<semaphore_mem>>) src(%dma_wait3A_243 : memref<2x6x128xi32, #tpu.memory_space<hbm>>) dst(%dma_wait3A_240 : memref<2x6x128xi32, #tpu.memory_space<vmem>>)
      %ge3A = arith.constant 2 : i32
      %ge3A_244 = arith.cmpi sge, %scan3A_224, %ge3A : i32
      %convert_element_type3A_245 = arith.extui %ge3A_244 : i1 to i32
      %cond3A_246 = arith.constant 0 : i32
      %cond3A_247 = arith.cmpi ne, %convert_element_type3A_245, %cond3A_246 : i32
      scf.if %cond3A_247 {
        %dma_wait3A_487 = arith.constant 0 : i32
        %dma_wait3A_488 = arith.constant 0 : i32
        %dma_wait3A_489 = arith.constant 0 : i32
        %dma_wait3A_490 = tpu.memref_slice %arg8[%rem3A_225, %dma_wait3A_487, %dma_wait3A_488, %dma_wait3A_489] : memref<2x6x128x16xf32, #tpu.memory_space<vmem>> -> memref<1x1x128x16xf32, #tpu.memory_space<vmem>>
        %dma_wait3A_491 = tpu.memref_squeeze %dma_wait3A_490 : memref<1x1x128x16xf32, #tpu.memory_space<vmem>> -> memref<128x16xf32, #tpu.memory_space<vmem>>
        %dma_wait3A_492 = arith.constant 0 : i32
        %dma_wait3A_493 = arith.constant 0 : i32
        %dma_wait3A_494 = tpu.memref_slice %arg2[%dma_wait3A_492, %dma_wait3A_493] : memref<100096x16xf32, #tpu.memory_space<hbm>> -> memref<128x16xf32, #tpu.memory_space<hbm>>
        %dma_wait3A_495 = arith.constant 0 : i32
        %dma_wait3A_496 = arith.constant 0 : i32
        %dma_wait3A_497 = tpu.memref_slice %arg8[%rem3A_225, %dma_wait3A_487, %dma_wait3A_495, %dma_wait3A_496] : memref<2x6x128x16xf32, #tpu.memory_space<vmem>> -> memref<1x1x128x16xf32, #tpu.memory_space<vmem>>
        %dma_wait3A_498 = tpu.memref_squeeze %dma_wait3A_497 : memref<1x1x128x16xf32, #tpu.memory_space<vmem>> -> memref<128x16xf32, #tpu.memory_space<vmem>>
        %dma_wait3A_499 = arith.constant 0 : i32
        %dma_wait3A_500 = arith.constant 0 : i32
        %dma_wait3A_501 = tpu.memref_slice %arg2[%dma_wait3A_499, %dma_wait3A_500] : memref<100096x16xf32, #tpu.memory_space<hbm>> -> memref<128x16xf32, #tpu.memory_space<hbm>>
        tpu.wait_dma2 semaphore(%arg10 : memref<!tpu.dma_semaphore, #tpu.memory_space<semaphore_mem>>) src(%dma_wait3A_501 : memref<128x16xf32, #tpu.memory_space<hbm>>) dst(%dma_wait3A_498 : memref<128x16xf32, #tpu.memory_space<vmem>>)
        %dma_wait3A_502 = arith.constant 1 : i32
        %dma_wait3A_503 = arith.constant 0 : i32
        %dma_wait3A_504 = arith.constant 0 : i32
        %dma_wait3A_505 = tpu.memref_slice %arg8[%rem3A_225, %dma_wait3A_502, %dma_wait3A_503, %dma_wait3A_504] : memref<2x6x128x16xf32, #tpu.memory_space<vmem>> -> memref<1x1x128x16xf32, #tpu.memory_space<vmem>>
        %dma_wait3A_506 = tpu.memref_squeeze %dma_wait3A_505 : memref<1x1x128x16xf32, #tpu.memory_space<vmem>> -> memref<128x16xf32, #tpu.memory_space<vmem>>
        %dma_wait3A_507 = arith.constant 0 : i32
        %dma_wait3A_508 = arith.constant 0 : i32
        %dma_wait3A_509 = tpu.memref_slice %arg2[%dma_wait3A_507, %dma_wait3A_508] : memref<100096x16xf32, #tpu.memory_space<hbm>> -> memref<128x16xf32, #tpu.memory_space<hbm>>
        %dma_wait3A_510 = arith.constant 0 : i32
        %dma_wait3A_511 = arith.constant 0 : i32
        %dma_wait3A_512 = tpu.memref_slice %arg8[%rem3A_225, %dma_wait3A_502, %dma_wait3A_510, %dma_wait3A_511] : memref<2x6x128x16xf32, #tpu.memory_space<vmem>> -> memref<1x1x128x16xf32, #tpu.memory_space<vmem>>
        %dma_wait3A_513 = tpu.memref_squeeze %dma_wait3A_512 : memref<1x1x128x16xf32, #tpu.memory_space<vmem>> -> memref<128x16xf32, #tpu.memory_space<vmem>>
        %dma_wait3A_514 = arith.constant 0 : i32
        %dma_wait3A_515 = arith.constant 0 : i32
        %dma_wait3A_516 = tpu.memref_slice %arg2[%dma_wait3A_514, %dma_wait3A_515] : memref<100096x16xf32, #tpu.memory_space<hbm>> -> memref<128x16xf32, #tpu.memory_space<hbm>>
        tpu.wait_dma2 semaphore(%arg10 : memref<!tpu.dma_semaphore, #tpu.memory_space<semaphore_mem>>) src(%dma_wait3A_516 : memref<128x16xf32, #tpu.memory_space<hbm>>) dst(%dma_wait3A_513 : memref<128x16xf32, #tpu.memory_space<vmem>>)
        %dma_wait3A_517 = arith.constant 2 : i32
        %dma_wait3A_518 = arith.constant 0 : i32
        %dma_wait3A_519 = arith.constant 0 : i32
        %dma_wait3A_520 = tpu.memref_slice %arg8[%rem3A_225, %dma_wait3A_517, %dma_wait3A_518, %dma_wait3A_519] : memref<2x6x128x16xf32, #tpu.memory_space<vmem>> -> memref<1x1x128x16xf32, #tpu.memory_space<vmem>>
        %dma_wait3A_521 = tpu.memref_squeeze %dma_wait3A_520 : memref<1x1x128x16xf32, #tpu.memory_space<vmem>> -> memref<128x16xf32, #tpu.memory_space<vmem>>
        %dma_wait3A_522 = arith.constant 0 : i32
        %dma_wait3A_523 = arith.constant 0 : i32
        %dma_wait3A_524 = tpu.memref_slice %arg2[%dma_wait3A_522, %dma_wait3A_523] : memref<100096x16xf32, #tpu.memory_space<hbm>> -> memref<128x16xf32, #tpu.memory_space<hbm>>
        %dma_wait3A_525 = arith.constant 0 : i32
        %dma_wait3A_526 = arith.constant 0 : i32
        %dma_wait3A_527 = tpu.memref_slice %arg8[%rem3A_225, %dma_wait3A_517, %dma_wait3A_525, %dma_wait3A_526] : memref<2x6x128x16xf32, #tpu.memory_space<vmem>> -> memref<1x1x128x16xf32, #tpu.memory_space<vmem>>
        %dma_wait3A_528 = tpu.memref_squeeze %dma_wait3A_527 : memref<1x1x128x16xf32, #tpu.memory_space<vmem>> -> memref<128x16xf32, #tpu.memory_space<vmem>>
        %dma_wait3A_529 = arith.constant 0 : i32
        %dma_wait3A_530 = arith.constant 0 : i32
        %dma_wait3A_531 = tpu.memref_slice %arg2[%dma_wait3A_529, %dma_wait3A_530] : memref<100096x16xf32, #tpu.memory_space<hbm>> -> memref<128x16xf32, #tpu.memory_space<hbm>>
        tpu.wait_dma2 semaphore(%arg10 : memref<!tpu.dma_semaphore, #tpu.memory_space<semaphore_mem>>) src(%dma_wait3A_531 : memref<128x16xf32, #tpu.memory_space<hbm>>) dst(%dma_wait3A_528 : memref<128x16xf32, #tpu.memory_space<vmem>>)
        %dma_wait3A_532 = arith.constant 3 : i32
        %dma_wait3A_533 = arith.constant 0 : i32
        %dma_wait3A_534 = arith.constant 0 : i32
        %dma_wait3A_535 = tpu.memref_slice %arg8[%rem3A_225, %dma_wait3A_532, %dma_wait3A_533, %dma_wait3A_534] : memref<2x6x128x16xf32, #tpu.memory_space<vmem>> -> memref<1x1x128x16xf32, #tpu.memory_space<vmem>>
        %dma_wait3A_536 = tpu.memref_squeeze %dma_wait3A_535 : memref<1x1x128x16xf32, #tpu.memory_space<vmem>> -> memref<128x16xf32, #tpu.memory_space<vmem>>
        %dma_wait3A_537 = arith.constant 0 : i32
        %dma_wait3A_538 = arith.constant 0 : i32
        %dma_wait3A_539 = tpu.memref_slice %arg2[%dma_wait3A_537, %dma_wait3A_538] : memref<100096x16xf32, #tpu.memory_space<hbm>> -> memref<128x16xf32, #tpu.memory_space<hbm>>
        %dma_wait3A_540 = arith.constant 0 : i32
        %dma_wait3A_541 = arith.constant 0 : i32
        %dma_wait3A_542 = tpu.memref_slice %arg8[%rem3A_225, %dma_wait3A_532, %dma_wait3A_540, %dma_wait3A_541] : memref<2x6x128x16xf32, #tpu.memory_space<vmem>> -> memref<1x1x128x16xf32, #tpu.memory_space<vmem>>
        %dma_wait3A_543 = tpu.memref_squeeze %dma_wait3A_542 : memref<1x1x128x16xf32, #tpu.memory_space<vmem>> -> memref<128x16xf32, #tpu.memory_space<vmem>>
        %dma_wait3A_544 = arith.constant 0 : i32
        %dma_wait3A_545 = arith.constant 0 : i32
        %dma_wait3A_546 = tpu.memref_slice %arg2[%dma_wait3A_544, %dma_wait3A_545] : memref<100096x16xf32, #tpu.memory_space<hbm>> -> memref<128x16xf32, #tpu.memory_space<hbm>>
        tpu.wait_dma2 semaphore(%arg10 : memref<!tpu.dma_semaphore, #tpu.memory_space<semaphore_mem>>) src(%dma_wait3A_546 : memref<128x16xf32, #tpu.memory_space<hbm>>) dst(%dma_wait3A_543 : memref<128x16xf32, #tpu.memory_space<vmem>>)
        %dma_wait3A_547 = arith.constant 4 : i32
        %dma_wait3A_548 = arith.constant 0 : i32
        %dma_wait3A_549 = arith.constant 0 : i32
        %dma_wait3A_550 = tpu.memref_slice %arg8[%rem3A_225, %dma_wait3A_547, %dma_wait3A_548, %dma_wait3A_549] : memref<2x6x128x16xf32, #tpu.memory_space<vmem>> -> memref<1x1x128x16xf32, #tpu.memory_space<vmem>>
        %dma_wait3A_551 = tpu.memref_squeeze %dma_wait3A_550 : memref<1x1x128x16xf32, #tpu.memory_space<vmem>> -> memref<128x16xf32, #tpu.memory_space<vmem>>
        %dma_wait3A_552 = arith.constant 0 : i32
        %dma_wait3A_553 = arith.constant 0 : i32
        %dma_wait3A_554 = tpu.memref_slice %arg2[%dma_wait3A_552, %dma_wait3A_553] : memref<100096x16xf32, #tpu.memory_space<hbm>> -> memref<128x16xf32, #tpu.memory_space<hbm>>
        %dma_wait3A_555 = arith.constant 0 : i32
        %dma_wait3A_556 = arith.constant 0 : i32
        %dma_wait3A_557 = tpu.memref_slice %arg8[%rem3A_225, %dma_wait3A_547, %dma_wait3A_555, %dma_wait3A_556] : memref<2x6x128x16xf32, #tpu.memory_space<vmem>> -> memref<1x1x128x16xf32, #tpu.memory_space<vmem>>
        %dma_wait3A_558 = tpu.memref_squeeze %dma_wait3A_557 : memref<1x1x128x16xf32, #tpu.memory_space<vmem>> -> memref<128x16xf32, #tpu.memory_space<vmem>>
        %dma_wait3A_559 = arith.constant 0 : i32
        %dma_wait3A_560 = arith.constant 0 : i32
        %dma_wait3A_561 = tpu.memref_slice %arg2[%dma_wait3A_559, %dma_wait3A_560] : memref<100096x16xf32, #tpu.memory_space<hbm>> -> memref<128x16xf32, #tpu.memory_space<hbm>>
        tpu.wait_dma2 semaphore(%arg10 : memref<!tpu.dma_semaphore, #tpu.memory_space<semaphore_mem>>) src(%dma_wait3A_561 : memref<128x16xf32, #tpu.memory_space<hbm>>) dst(%dma_wait3A_558 : memref<128x16xf32, #tpu.memory_space<vmem>>)
        %dma_wait3A_562 = arith.constant 5 : i32
        %dma_wait3A_563 = arith.constant 0 : i32
        %dma_wait3A_564 = arith.constant 0 : i32
        %dma_wait3A_565 = tpu.memref_slice %arg8[%rem3A_225, %dma_wait3A_562, %dma_wait3A_563, %dma_wait3A_564] : memref<2x6x128x16xf32, #tpu.memory_space<vmem>> -> memref<1x1x128x16xf32, #tpu.memory_space<vmem>>
        %dma_wait3A_566 = tpu.memref_squeeze %dma_wait3A_565 : memref<1x1x128x16xf32, #tpu.memory_space<vmem>> -> memref<128x16xf32, #tpu.memory_space<vmem>>
        %dma_wait3A_567 = arith.constant 0 : i32
        %dma_wait3A_568 = arith.constant 0 : i32
        %dma_wait3A_569 = tpu.memref_slice %arg2[%dma_wait3A_567, %dma_wait3A_568] : memref<100096x16xf32, #tpu.memory_space<hbm>> -> memref<128x16xf32, #tpu.memory_space<hbm>>
        %dma_wait3A_570 = arith.constant 0 : i32
        %dma_wait3A_571 = arith.constant 0 : i32
        %dma_wait3A_572 = tpu.memref_slice %arg8[%rem3A_225, %dma_wait3A_562, %dma_wait3A_570, %dma_wait3A_571] : memref<2x6x128x16xf32, #tpu.memory_space<vmem>> -> memref<1x1x128x16xf32, #tpu.memory_space<vmem>>
        %dma_wait3A_573 = tpu.memref_squeeze %dma_wait3A_572 : memref<1x1x128x16xf32, #tpu.memory_space<vmem>> -> memref<128x16xf32, #tpu.memory_space<vmem>>
        %dma_wait3A_574 = arith.constant 0 : i32
        %dma_wait3A_575 = arith.constant 0 : i32
        %dma_wait3A_576 = tpu.memref_slice %arg2[%dma_wait3A_574, %dma_wait3A_575] : memref<100096x16xf32, #tpu.memory_space<hbm>> -> memref<128x16xf32, #tpu.memory_space<hbm>>
        tpu.wait_dma2 semaphore(%arg10 : memref<!tpu.dma_semaphore, #tpu.memory_space<semaphore_mem>>) src(%dma_wait3A_576 : memref<128x16xf32, #tpu.memory_space<hbm>>) dst(%dma_wait3A_573 : memref<128x16xf32, #tpu.memory_space<vmem>>)
      } else {
      }
      %lt3A_248 = arith.constant 259 : i32
      %lt3A_249 = arith.cmpi slt, %scan3A_224, %lt3A_248 : i32
      %convert_element_type3A_250 = arith.extui %lt3A_249 : i1 to i32
      %cond3A_251 = arith.constant 0 : i32
      %cond3A_252 = arith.cmpi ne, %convert_element_type3A_250, %cond3A_251 : i32
      scf.if %cond3A_252 {
        %add3A_487 = arith.constant 1 : i32
        %add3A_488 = arith.addi %scan3A_224, %add3A_487 : i32
        %add3A_489 = arith.constant 1 : i32
        %add3A_490 = arith.addi %scan3A_224, %add3A_489 : i32
        %rem3A_491 = arith.constant 3 : i32
        %rem3A_492 = arith.remsi %add3A_490, %rem3A_491 : i32
        %mul3A_493 = arith.constant 6 : i32
        %mul3A_494 = arith.muli %add3A_488, %mul3A_493 : i32
        %add3A_495 = arith.addi %mul3A_4, %mul3A_494 : i32
        %dma_start3A_496 = arith.constant 0 : i32
        %dma_start3A_497 = arith.constant 0 : i32
        %dma_start3A_498 = arith.constant 0 : i32
        %dma_start3A_499 = tpu.memref_slice %arg7[%rem3A_492, %dma_start3A_496, %dma_start3A_497, %dma_start3A_498] : memref<3x2x6x128xi32, #tpu.memory_space<vmem>> -> memref<1x2x6x128xi32, #tpu.memory_space<vmem>>
        %dma_start3A_500 = tpu.memref_squeeze %dma_start3A_499 : memref<1x2x6x128xi32, #tpu.memory_space<vmem>> -> memref<2x6x128xi32, #tpu.memory_space<vmem>>
        %dma_start3A_501 = arith.constant 0 : i32
        %dma_start3A_502 = arith.constant 0 : i32
        %dma_start3A_503 = tpu.memref_slice %arg3[%dma_start3A_501, %add3A_495, %dma_start3A_502] : memref<2x50000x128xi32, #tpu.memory_space<hbm>> -> memref<2x6x128xi32, #tpu.memory_space<hbm>>
        %dma_start3A_504 = arith.constant 0 : i32
        %dma_start3A_505 = arith.constant 0 : i32
        %dma_start3A_506 = arith.constant 0 : i32
        %dma_start3A_507 = tpu.memref_slice %arg7[%rem3A_492, %dma_start3A_504, %dma_start3A_505, %dma_start3A_506] : memref<3x2x6x128xi32, #tpu.memory_space<vmem>> -> memref<1x2x6x128xi32, #tpu.memory_space<vmem>>
        %dma_start3A_508 = tpu.memref_squeeze %dma_start3A_507 : memref<1x2x6x128xi32, #tpu.memory_space<vmem>> -> memref<2x6x128xi32, #tpu.memory_space<vmem>>
        %dma_start3A_509 = arith.constant 0 : i32
        %dma_start3A_510 = arith.constant 0 : i32
        %dma_start3A_511 = tpu.memref_slice %arg3[%dma_start3A_509, %add3A_495, %dma_start3A_510] : memref<2x50000x128xi32, #tpu.memory_space<hbm>> -> memref<2x6x128xi32, #tpu.memory_space<hbm>>
        tpu.enqueue_dma source(%dma_start3A_511 : memref<2x6x128xi32, #tpu.memory_space<hbm>>) target(%dma_start3A_508 : memref<2x6x128xi32, #tpu.memory_space<vmem>>) target_semaphore(%arg11 : memref<!tpu.dma_semaphore, #tpu.memory_space<semaphore_mem>>)
      } else {
      }
      %dma_start3A_253 = arith.constant 0 : i32
      %dma_start3A_254 = arith.constant 0 : i32
      %dma_start3A_255 = arith.constant 0 : i32
      %dma_start3A_256 = arith.constant 0 : i32
      %dma_start3A_257 = arith.constant 0 : i32
      %dma_start3A_258 = tpu.memref_slice %arg8[%rem3A_225, %dma_start3A_255, %dma_start3A_256, %dma_start3A_257] : memref<2x6x128x16xf32, #tpu.memory_space<vmem>> -> memref<1x1x128x16xf32, #tpu.memory_space<vmem>>
      %dma_start3A_259 = tpu.memref_squeeze %dma_start3A_258 : memref<1x1x128x16xf32, #tpu.memory_space<vmem>> -> memref<128x16xf32, #tpu.memory_space<vmem>>
      %dma_start3A_260 = arith.constant 0 : i32
      %dma_start3A_261 = tpu.memref_slice %arg7[%rem3A_227, %dma_start3A_253, %dma_start3A_254, %dma_start3A_260] : memref<3x2x6x128xi32, #tpu.memory_space<vmem>> -> memref<1x1x1x128xi32, #tpu.memory_space<vmem>>
      %dma_start3A_262 = tpu.memref_squeeze %dma_start3A_261 : memref<1x1x1x128xi32, #tpu.memory_space<vmem>> -> memref<128xi32, #tpu.memory_space<vmem>>
      %dma_start3A_263 = arith.constant 0 : i32
      %dma_start3A_264 = arith.constant 0 : i32
      %dma_start3A_265 = tpu.memref_slice %arg2[%dma_start3A_263, %dma_start3A_264] : memref<100096x16xf32, #tpu.memory_space<hbm>> -> memref<100096x16xf32, #tpu.memory_space<hbm>>
      tpu.enqueue_indirect_dma source(%dma_start3A_265 : memref<100096x16xf32, #tpu.memory_space<hbm>>) target(%dma_start3A_259 : memref<128x16xf32, #tpu.memory_space<vmem>>) offsets(%dma_start3A_262 : memref<128xi32, #tpu.memory_space<vmem>>) semaphore(%arg9 : memref<!tpu.dma_semaphore, #tpu.memory_space<semaphore_mem>>)
      %dma_start3A_266 = arith.constant 0 : i32
      %dma_start3A_267 = arith.constant 1 : i32
      %dma_start3A_268 = arith.constant 1 : i32
      %dma_start3A_269 = arith.constant 0 : i32
      %dma_start3A_270 = arith.constant 0 : i32
      %dma_start3A_271 = tpu.memref_slice %arg8[%rem3A_225, %dma_start3A_268, %dma_start3A_269, %dma_start3A_270] : memref<2x6x128x16xf32, #tpu.memory_space<vmem>> -> memref<1x1x128x16xf32, #tpu.memory_space<vmem>>
      %dma_start3A_272 = tpu.memref_squeeze %dma_start3A_271 : memref<1x1x128x16xf32, #tpu.memory_space<vmem>> -> memref<128x16xf32, #tpu.memory_space<vmem>>
      %dma_start3A_273 = arith.constant 0 : i32
      %dma_start3A_274 = tpu.memref_slice %arg7[%rem3A_227, %dma_start3A_266, %dma_start3A_267, %dma_start3A_273] : memref<3x2x6x128xi32, #tpu.memory_space<vmem>> -> memref<1x1x1x128xi32, #tpu.memory_space<vmem>>
      %dma_start3A_275 = tpu.memref_squeeze %dma_start3A_274 : memref<1x1x1x128xi32, #tpu.memory_space<vmem>> -> memref<128xi32, #tpu.memory_space<vmem>>
      %dma_start3A_276 = arith.constant 0 : i32
      %dma_start3A_277 = arith.constant 0 : i32
      %dma_start3A_278 = tpu.memref_slice %arg2[%dma_start3A_276, %dma_start3A_277] : memref<100096x16xf32, #tpu.memory_space<hbm>> -> memref<100096x16xf32, #tpu.memory_space<hbm>>
      tpu.enqueue_indirect_dma source(%dma_start3A_278 : memref<100096x16xf32, #tpu.memory_space<hbm>>) target(%dma_start3A_272 : memref<128x16xf32, #tpu.memory_space<vmem>>) offsets(%dma_start3A_275 : memref<128xi32, #tpu.memory_space<vmem>>) semaphore(%arg9 : memref<!tpu.dma_semaphore, #tpu.memory_space<semaphore_mem>>)
      %dma_start3A_279 = arith.constant 0 : i32
      %dma_start3A_280 = arith.constant 2 : i32
      %dma_start3A_281 = arith.constant 2 : i32
      %dma_start3A_282 = arith.constant 0 : i32
      %dma_start3A_283 = arith.constant 0 : i32
      %dma_start3A_284 = tpu.memref_slice %arg8[%rem3A_225, %dma_start3A_281, %dma_start3A_282, %dma_start3A_283] : memref<2x6x128x16xf32, #tpu.memory_space<vmem>> -> memref<1x1x128x16xf32, #tpu.memory_space<vmem>>
      %dma_start3A_285 = tpu.memref_squeeze %dma_start3A_284 : memref<1x1x128x16xf32, #tpu.memory_space<vmem>> -> memref<128x16xf32, #tpu.memory_space<vmem>>
      %dma_start3A_286 = arith.constant 0 : i32
      %dma_start3A_287 = tpu.memref_slice %arg7[%rem3A_227, %dma_start3A_279, %dma_start3A_280, %dma_start3A_286] : memref<3x2x6x128xi32, #tpu.memory_space<vmem>> -> memref<1x1x1x128xi32, #tpu.memory_space<vmem>>
      %dma_start3A_288 = tpu.memref_squeeze %dma_start3A_287 : memref<1x1x1x128xi32, #tpu.memory_space<vmem>> -> memref<128xi32, #tpu.memory_space<vmem>>
      %dma_start3A_289 = arith.constant 0 : i32
      %dma_start3A_290 = arith.constant 0 : i32
      %dma_start3A_291 = tpu.memref_slice %arg2[%dma_start3A_289, %dma_start3A_290] : memref<100096x16xf32, #tpu.memory_space<hbm>> -> memref<100096x16xf32, #tpu.memory_space<hbm>>
      tpu.enqueue_indirect_dma source(%dma_start3A_291 : memref<100096x16xf32, #tpu.memory_space<hbm>>) target(%dma_start3A_285 : memref<128x16xf32, #tpu.memory_space<vmem>>) offsets(%dma_start3A_288 : memref<128xi32, #tpu.memory_space<vmem>>) semaphore(%arg9 : memref<!tpu.dma_semaphore, #tpu.memory_space<semaphore_mem>>)
      %dma_start3A_292 = arith.constant 0 : i32
      %dma_start3A_293 = arith.constant 3 : i32
      %dma_start3A_294 = arith.constant 3 : i32
      %dma_start3A_295 = arith.constant 0 : i32
      %dma_start3A_296 = arith.constant 0 : i32
      %dma_start3A_297 = tpu.memref_slice %arg8[%rem3A_225, %dma_start3A_294, %dma_start3A_295, %dma_start3A_296] : memref<2x6x128x16xf32, #tpu.memory_space<vmem>> -> memref<1x1x128x16xf32, #tpu.memory_space<vmem>>
      %dma_start3A_298 = tpu.memref_squeeze %dma_start3A_297 : memref<1x1x128x16xf32, #tpu.memory_space<vmem>> -> memref<128x16xf32, #tpu.memory_space<vmem>>
      %dma_start3A_299 = arith.constant 0 : i32
      %dma_start3A_300 = tpu.memref_slice %arg7[%rem3A_227, %dma_start3A_292, %dma_start3A_293, %dma_start3A_299] : memref<3x2x6x128xi32, #tpu.memory_space<vmem>> -> memref<1x1x1x128xi32, #tpu.memory_space<vmem>>
      %dma_start3A_301 = tpu.memref_squeeze %dma_start3A_300 : memref<1x1x1x128xi32, #tpu.memory_space<vmem>> -> memref<128xi32, #tpu.memory_space<vmem>>
      %dma_start3A_302 = arith.constant 0 : i32
      %dma_start3A_303 = arith.constant 0 : i32
      %dma_start3A_304 = tpu.memref_slice %arg2[%dma_start3A_302, %dma_start3A_303] : memref<100096x16xf32, #tpu.memory_space<hbm>> -> memref<100096x16xf32, #tpu.memory_space<hbm>>
      tpu.enqueue_indirect_dma source(%dma_start3A_304 : memref<100096x16xf32, #tpu.memory_space<hbm>>) target(%dma_start3A_298 : memref<128x16xf32, #tpu.memory_space<vmem>>) offsets(%dma_start3A_301 : memref<128xi32, #tpu.memory_space<vmem>>) semaphore(%arg9 : memref<!tpu.dma_semaphore, #tpu.memory_space<semaphore_mem>>)
      %dma_start3A_305 = arith.constant 0 : i32
      %dma_start3A_306 = arith.constant 4 : i32
      %dma_start3A_307 = arith.constant 4 : i32
      %dma_start3A_308 = arith.constant 0 : i32
      %dma_start3A_309 = arith.constant 0 : i32
      %dma_start3A_310 = tpu.memref_slice %arg8[%rem3A_225, %dma_start3A_307, %dma_start3A_308, %dma_start3A_309] : memref<2x6x128x16xf32, #tpu.memory_space<vmem>> -> memref<1x1x128x16xf32, #tpu.memory_space<vmem>>
      %dma_start3A_311 = tpu.memref_squeeze %dma_start3A_310 : memref<1x1x128x16xf32, #tpu.memory_space<vmem>> -> memref<128x16xf32, #tpu.memory_space<vmem>>
      %dma_start3A_312 = arith.constant 0 : i32
      %dma_start3A_313 = tpu.memref_slice %arg7[%rem3A_227, %dma_start3A_305, %dma_start3A_306, %dma_start3A_312] : memref<3x2x6x128xi32, #tpu.memory_space<vmem>> -> memref<1x1x1x128xi32, #tpu.memory_space<vmem>>
      %dma_start3A_314 = tpu.memref_squeeze %dma_start3A_313 : memref<1x1x1x128xi32, #tpu.memory_space<vmem>> -> memref<128xi32, #tpu.memory_space<vmem>>
      %dma_start3A_315 = arith.constant 0 : i32
      %dma_start3A_316 = arith.constant 0 : i32
      %dma_start3A_317 = tpu.memref_slice %arg2[%dma_start3A_315, %dma_start3A_316] : memref<100096x16xf32, #tpu.memory_space<hbm>> -> memref<100096x16xf32, #tpu.memory_space<hbm>>
      tpu.enqueue_indirect_dma source(%dma_start3A_317 : memref<100096x16xf32, #tpu.memory_space<hbm>>) target(%dma_start3A_311 : memref<128x16xf32, #tpu.memory_space<vmem>>) offsets(%dma_start3A_314 : memref<128xi32, #tpu.memory_space<vmem>>) semaphore(%arg9 : memref<!tpu.dma_semaphore, #tpu.memory_space<semaphore_mem>>)
      %dma_start3A_318 = arith.constant 0 : i32
      %dma_start3A_319 = arith.constant 5 : i32
      %dma_start3A_320 = arith.constant 5 : i32
      %dma_start3A_321 = arith.constant 0 : i32
      %dma_start3A_322 = arith.constant 0 : i32
      %dma_start3A_323 = tpu.memref_slice %arg8[%rem3A_225, %dma_start3A_320, %dma_start3A_321, %dma_start3A_322] : memref<2x6x128x16xf32, #tpu.memory_space<vmem>> -> memref<1x1x128x16xf32, #tpu.memory_space<vmem>>
      %dma_start3A_324 = tpu.memref_squeeze %dma_start3A_323 : memref<1x1x128x16xf32, #tpu.memory_space<vmem>> -> memref<128x16xf32, #tpu.memory_space<vmem>>
      %dma_start3A_325 = arith.constant 0 : i32
      %dma_start3A_326 = tpu.memref_slice %arg7[%rem3A_227, %dma_start3A_318, %dma_start3A_319, %dma_start3A_325] : memref<3x2x6x128xi32, #tpu.memory_space<vmem>> -> memref<1x1x1x128xi32, #tpu.memory_space<vmem>>
      %dma_start3A_327 = tpu.memref_squeeze %dma_start3A_326 : memref<1x1x1x128xi32, #tpu.memory_space<vmem>> -> memref<128xi32, #tpu.memory_space<vmem>>
      %dma_start3A_328 = arith.constant 0 : i32
      %dma_start3A_329 = arith.constant 0 : i32
      %dma_start3A_330 = tpu.memref_slice %arg2[%dma_start3A_328, %dma_start3A_329] : memref<100096x16xf32, #tpu.memory_space<hbm>> -> memref<100096x16xf32, #tpu.memory_space<hbm>>
      tpu.enqueue_indirect_dma source(%dma_start3A_330 : memref<100096x16xf32, #tpu.memory_space<hbm>>) target(%dma_start3A_324 : memref<128x16xf32, #tpu.memory_space<vmem>>) offsets(%dma_start3A_327 : memref<128xi32, #tpu.memory_space<vmem>>) semaphore(%arg9 : memref<!tpu.dma_semaphore, #tpu.memory_space<semaphore_mem>>)
      %dma_wait3A_331 = arith.constant 0 : i32
      %dma_wait3A_332 = arith.constant 0 : i32
      %dma_wait3A_333 = arith.constant 0 : i32
      %dma_wait3A_334 = arith.constant 0 : i32
      %dma_wait3A_335 = arith.constant 0 : i32
      %dma_wait3A_336 = tpu.memref_slice %arg8[%rem3A_225, %dma_wait3A_333, %dma_wait3A_334, %dma_wait3A_335] : memref<2x6x128x16xf32, #tpu.memory_space<vmem>> -> memref<1x1x128x16xf32, #tpu.memory_space<vmem>>
      %dma_wait3A_337 = tpu.memref_squeeze %dma_wait3A_336 : memref<1x1x128x16xf32, #tpu.memory_space<vmem>> -> memref<128x16xf32, #tpu.memory_space<vmem>>
      %dma_wait3A_338 = arith.constant 0 : i32
      %dma_wait3A_339 = tpu.memref_slice %arg7[%rem3A_227, %dma_wait3A_331, %dma_wait3A_332, %dma_wait3A_338] : memref<3x2x6x128xi32, #tpu.memory_space<vmem>> -> memref<1x1x1x128xi32, #tpu.memory_space<vmem>>
      %dma_wait3A_340 = tpu.memref_squeeze %dma_wait3A_339 : memref<1x1x1x128xi32, #tpu.memory_space<vmem>> -> memref<128xi32, #tpu.memory_space<vmem>>
      %dma_wait3A_341 = arith.constant 0 : i32
      %dma_wait3A_342 = arith.constant 0 : i32
      %dma_wait3A_343 = tpu.memref_slice %arg2[%dma_wait3A_341, %dma_wait3A_342] : memref<100096x16xf32, #tpu.memory_space<hbm>> -> memref<100096x16xf32, #tpu.memory_space<hbm>>
      tpu.wait_indirect_dma semaphore(%arg9 : memref<!tpu.dma_semaphore, #tpu.memory_space<semaphore_mem>>) src(%dma_wait3A_343 : memref<100096x16xf32, #tpu.memory_space<hbm>>) dst(%dma_wait3A_337 : memref<128x16xf32, #tpu.memory_space<vmem>>)
      %dma_wait3A_344 = arith.constant 0 : i32
      %dma_wait3A_345 = arith.constant 1 : i32
      %dma_wait3A_346 = arith.constant 1 : i32
      %dma_wait3A_347 = arith.constant 0 : i32
      %dma_wait3A_348 = arith.constant 0 : i32
      %dma_wait3A_349 = tpu.memref_slice %arg8[%rem3A_225, %dma_wait3A_346, %dma_wait3A_347, %dma_wait3A_348] : memref<2x6x128x16xf32, #tpu.memory_space<vmem>> -> memref<1x1x128x16xf32, #tpu.memory_space<vmem>>
      %dma_wait3A_350 = tpu.memref_squeeze %dma_wait3A_349 : memref<1x1x128x16xf32, #tpu.memory_space<vmem>> -> memref<128x16xf32, #tpu.memory_space<vmem>>
      %dma_wait3A_351 = arith.constant 0 : i32
      %dma_wait3A_352 = tpu.memref_slice %arg7[%rem3A_227, %dma_wait3A_344, %dma_wait3A_345, %dma_wait3A_351] : memref<3x2x6x128xi32, #tpu.memory_space<vmem>> -> memref<1x1x1x128xi32, #tpu.memory_space<vmem>>
      %dma_wait3A_353 = tpu.memref_squeeze %dma_wait3A_352 : memref<1x1x1x128xi32, #tpu.memory_space<vmem>> -> memref<128xi32, #tpu.memory_space<vmem>>
      %dma_wait3A_354 = arith.constant 0 : i32
      %dma_wait3A_355 = arith.constant 0 : i32
      %dma_wait3A_356 = tpu.memref_slice %arg2[%dma_wait3A_354, %dma_wait3A_355] : memref<100096x16xf32, #tpu.memory_space<hbm>> -> memref<100096x16xf32, #tpu.memory_space<hbm>>
      tpu.wait_indirect_dma semaphore(%arg9 : memref<!tpu.dma_semaphore, #tpu.memory_space<semaphore_mem>>) src(%dma_wait3A_356 : memref<100096x16xf32, #tpu.memory_space<hbm>>) dst(%dma_wait3A_350 : memref<128x16xf32, #tpu.memory_space<vmem>>)
      %dma_wait3A_357 = arith.constant 0 : i32
      %dma_wait3A_358 = arith.constant 2 : i32
      %dma_wait3A_359 = arith.constant 2 : i32
      %dma_wait3A_360 = arith.constant 0 : i32
      %dma_wait3A_361 = arith.constant 0 : i32
      %dma_wait3A_362 = tpu.memref_slice %arg8[%rem3A_225, %dma_wait3A_359, %dma_wait3A_360, %dma_wait3A_361] : memref<2x6x128x16xf32, #tpu.memory_space<vmem>> -> memref<1x1x128x16xf32, #tpu.memory_space<vmem>>
      %dma_wait3A_363 = tpu.memref_squeeze %dma_wait3A_362 : memref<1x1x128x16xf32, #tpu.memory_space<vmem>> -> memref<128x16xf32, #tpu.memory_space<vmem>>
      %dma_wait3A_364 = arith.constant 0 : i32
      %dma_wait3A_365 = tpu.memref_slice %arg7[%rem3A_227, %dma_wait3A_357, %dma_wait3A_358, %dma_wait3A_364] : memref<3x2x6x128xi32, #tpu.memory_space<vmem>> -> memref<1x1x1x128xi32, #tpu.memory_space<vmem>>
      %dma_wait3A_366 = tpu.memref_squeeze %dma_wait3A_365 : memref<1x1x1x128xi32, #tpu.memory_space<vmem>> -> memref<128xi32, #tpu.memory_space<vmem>>
      %dma_wait3A_367 = arith.constant 0 : i32
      %dma_wait3A_368 = arith.constant 0 : i32
      %dma_wait3A_369 = tpu.memref_slice %arg2[%dma_wait3A_367, %dma_wait3A_368] : memref<100096x16xf32, #tpu.memory_space<hbm>> -> memref<100096x16xf32, #tpu.memory_space<hbm>>
      tpu.wait_indirect_dma semaphore(%arg9 : memref<!tpu.dma_semaphore, #tpu.memory_space<semaphore_mem>>) src(%dma_wait3A_369 : memref<100096x16xf32, #tpu.memory_space<hbm>>) dst(%dma_wait3A_363 : memref<128x16xf32, #tpu.memory_space<vmem>>)
      %dma_wait3A_370 = arith.constant 0 : i32
      %dma_wait3A_371 = arith.constant 3 : i32
      %dma_wait3A_372 = arith.constant 3 : i32
      %dma_wait3A_373 = arith.constant 0 : i32
      %dma_wait3A_374 = arith.constant 0 : i32
      %dma_wait3A_375 = tpu.memref_slice %arg8[%rem3A_225, %dma_wait3A_372, %dma_wait3A_373, %dma_wait3A_374] : memref<2x6x128x16xf32, #tpu.memory_space<vmem>> -> memref<1x1x128x16xf32, #tpu.memory_space<vmem>>
      %dma_wait3A_376 = tpu.memref_squeeze %dma_wait3A_375 : memref<1x1x128x16xf32, #tpu.memory_space<vmem>> -> memref<128x16xf32, #tpu.memory_space<vmem>>
      %dma_wait3A_377 = arith.constant 0 : i32
      %dma_wait3A_378 = tpu.memref_slice %arg7[%rem3A_227, %dma_wait3A_370, %dma_wait3A_371, %dma_wait3A_377] : memref<3x2x6x128xi32, #tpu.memory_space<vmem>> -> memref<1x1x1x128xi32, #tpu.memory_space<vmem>>
      %dma_wait3A_379 = tpu.memref_squeeze %dma_wait3A_378 : memref<1x1x1x128xi32, #tpu.memory_space<vmem>> -> memref<128xi32, #tpu.memory_space<vmem>>
      %dma_wait3A_380 = arith.constant 0 : i32
      %dma_wait3A_381 = arith.constant 0 : i32
      %dma_wait3A_382 = tpu.memref_slice %arg2[%dma_wait3A_380, %dma_wait3A_381] : memref<100096x16xf32, #tpu.memory_space<hbm>> -> memref<100096x16xf32, #tpu.memory_space<hbm>>
      tpu.wait_indirect_dma semaphore(%arg9 : memref<!tpu.dma_semaphore, #tpu.memory_space<semaphore_mem>>) src(%dma_wait3A_382 : memref<100096x16xf32, #tpu.memory_space<hbm>>) dst(%dma_wait3A_376 : memref<128x16xf32, #tpu.memory_space<vmem>>)
      %dma_wait3A_383 = arith.constant 0 : i32
      %dma_wait3A_384 = arith.constant 4 : i32
      %dma_wait3A_385 = arith.constant 4 : i32
      %dma_wait3A_386 = arith.constant 0 : i32
      %dma_wait3A_387 = arith.constant 0 : i32
      %dma_wait3A_388 = tpu.memref_slice %arg8[%rem3A_225, %dma_wait3A_385, %dma_wait3A_386, %dma_wait3A_387] : memref<2x6x128x16xf32, #tpu.memory_space<vmem>> -> memref<1x1x128x16xf32, #tpu.memory_space<vmem>>
      %dma_wait3A_389 = tpu.memref_squeeze %dma_wait3A_388 : memref<1x1x128x16xf32, #tpu.memory_space<vmem>> -> memref<128x16xf32, #tpu.memory_space<vmem>>
      %dma_wait3A_390 = arith.constant 0 : i32
      %dma_wait3A_391 = tpu.memref_slice %arg7[%rem3A_227, %dma_wait3A_383, %dma_wait3A_384, %dma_wait3A_390] : memref<3x2x6x128xi32, #tpu.memory_space<vmem>> -> memref<1x1x1x128xi32, #tpu.memory_space<vmem>>
      %dma_wait3A_392 = tpu.memref_squeeze %dma_wait3A_391 : memref<1x1x1x128xi32, #tpu.memory_space<vmem>> -> memref<128xi32, #tpu.memory_space<vmem>>
      %dma_wait3A_393 = arith.constant 0 : i32
      %dma_wait3A_394 = arith.constant 0 : i32
      %dma_wait3A_395 = tpu.memref_slice %arg2[%dma_wait3A_393, %dma_wait3A_394] : memref<100096x16xf32, #tpu.memory_space<hbm>> -> memref<100096x16xf32, #tpu.memory_space<hbm>>
      tpu.wait_indirect_dma semaphore(%arg9 : memref<!tpu.dma_semaphore, #tpu.memory_space<semaphore_mem>>) src(%dma_wait3A_395 : memref<100096x16xf32, #tpu.memory_space<hbm>>) dst(%dma_wait3A_389 : memref<128x16xf32, #tpu.memory_space<vmem>>)
      %dma_wait3A_396 = arith.constant 0 : i32
      %dma_wait3A_397 = arith.constant 5 : i32
      %dma_wait3A_398 = arith.constant 5 : i32
      %dma_wait3A_399 = arith.constant 0 : i32
      %dma_wait3A_400 = arith.constant 0 : i32
      %dma_wait3A_401 = tpu.memref_slice %arg8[%rem3A_225, %dma_wait3A_398, %dma_wait3A_399, %dma_wait3A_400] : memref<2x6x128x16xf32, #tpu.memory_space<vmem>> -> memref<1x1x128x16xf32, #tpu.memory_space<vmem>>
      %dma_wait3A_402 = tpu.memref_squeeze %dma_wait3A_401 : memref<1x1x128x16xf32, #tpu.memory_space<vmem>> -> memref<128x16xf32, #tpu.memory_space<vmem>>
      %dma_wait3A_403 = arith.constant 0 : i32
      %dma_wait3A_404 = tpu.memref_slice %arg7[%rem3A_227, %dma_wait3A_396, %dma_wait3A_397, %dma_wait3A_403] : memref<3x2x6x128xi32, #tpu.memory_space<vmem>> -> memref<1x1x1x128xi32, #tpu.memory_space<vmem>>
      %dma_wait3A_405 = tpu.memref_squeeze %dma_wait3A_404 : memref<1x1x1x128xi32, #tpu.memory_space<vmem>> -> memref<128xi32, #tpu.memory_space<vmem>>
      %dma_wait3A_406 = arith.constant 0 : i32
      %dma_wait3A_407 = arith.constant 0 : i32
      %dma_wait3A_408 = tpu.memref_slice %arg2[%dma_wait3A_406, %dma_wait3A_407] : memref<100096x16xf32, #tpu.memory_space<hbm>> -> memref<100096x16xf32, #tpu.memory_space<hbm>>
      tpu.wait_indirect_dma semaphore(%arg9 : memref<!tpu.dma_semaphore, #tpu.memory_space<semaphore_mem>>) src(%dma_wait3A_408 : memref<100096x16xf32, #tpu.memory_space<hbm>>) dst(%dma_wait3A_402 : memref<128x16xf32, #tpu.memory_space<vmem>>)
      %dma_start3A_409 = arith.constant 0 : i32
      %dma_start3A_410 = arith.constant 1 : i32
      %dma_start3A_411 = arith.constant 0 : i32
      %dma_start3A_412 = arith.constant 0 : i32
      %dma_start3A_413 = arith.constant 0 : i32
      %dma_start3A_414 = tpu.memref_slice %arg8[%rem3A_225, %dma_start3A_409, %dma_start3A_412, %dma_start3A_413] : memref<2x6x128x16xf32, #tpu.memory_space<vmem>> -> memref<1x1x128x16xf32, #tpu.memory_space<vmem>>
      %dma_start3A_415 = tpu.memref_squeeze %dma_start3A_414 : memref<1x1x128x16xf32, #tpu.memory_space<vmem>> -> memref<128x16xf32, #tpu.memory_space<vmem>>
      %dma_start3A_416 = arith.constant 0 : i32
      %dma_start3A_417 = tpu.memref_slice %arg7[%rem3A_227, %dma_start3A_410, %dma_start3A_411, %dma_start3A_416] : memref<3x2x6x128xi32, #tpu.memory_space<vmem>> -> memref<1x1x1x128xi32, #tpu.memory_space<vmem>>
      %dma_start3A_418 = tpu.memref_squeeze %dma_start3A_417 : memref<1x1x1x128xi32, #tpu.memory_space<vmem>> -> memref<128xi32, #tpu.memory_space<vmem>>
      %dma_start3A_419 = arith.constant 0 : i32
      %dma_start3A_420 = arith.constant 0 : i32
      %dma_start3A_421 = tpu.memref_slice %arg6[%dma_start3A_419, %dma_start3A_420] : memref<100096x16xf32, #tpu.memory_space<vmem_shared>> -> memref<100096x16xf32, #tpu.memory_space<vmem_shared>>
      tpu.enqueue_indirect_dma source(%dma_start3A_415 : memref<128x16xf32, #tpu.memory_space<vmem>>) target(%dma_start3A_421 : memref<100096x16xf32, #tpu.memory_space<vmem_shared>>) offsets(%dma_start3A_418 : memref<128xi32, #tpu.memory_space<vmem>>) semaphore(%arg10 : memref<!tpu.dma_semaphore, #tpu.memory_space<semaphore_mem>>) {add = true}
      %dma_start3A_422 = arith.constant 1 : i32
      %dma_start3A_423 = arith.constant 1 : i32
      %dma_start3A_424 = arith.constant 1 : i32
      %dma_start3A_425 = arith.constant 0 : i32
      %dma_start3A_426 = arith.constant 0 : i32
      %dma_start3A_427 = tpu.memref_slice %arg8[%rem3A_225, %dma_start3A_422, %dma_start3A_425, %dma_start3A_426] : memref<2x6x128x16xf32, #tpu.memory_space<vmem>> -> memref<1x1x128x16xf32, #tpu.memory_space<vmem>>
      %dma_start3A_428 = tpu.memref_squeeze %dma_start3A_427 : memref<1x1x128x16xf32, #tpu.memory_space<vmem>> -> memref<128x16xf32, #tpu.memory_space<vmem>>
      %dma_start3A_429 = arith.constant 0 : i32
      %dma_start3A_430 = tpu.memref_slice %arg7[%rem3A_227, %dma_start3A_423, %dma_start3A_424, %dma_start3A_429] : memref<3x2x6x128xi32, #tpu.memory_space<vmem>> -> memref<1x1x1x128xi32, #tpu.memory_space<vmem>>
      %dma_start3A_431 = tpu.memref_squeeze %dma_start3A_430 : memref<1x1x1x128xi32, #tpu.memory_space<vmem>> -> memref<128xi32, #tpu.memory_space<vmem>>
      %dma_start3A_432 = arith.constant 0 : i32
      %dma_start3A_433 = arith.constant 0 : i32
      %dma_start3A_434 = tpu.memref_slice %arg6[%dma_start3A_432, %dma_start3A_433] : memref<100096x16xf32, #tpu.memory_space<vmem_shared>> -> memref<100096x16xf32, #tpu.memory_space<vmem_shared>>
      tpu.enqueue_indirect_dma source(%dma_start3A_428 : memref<128x16xf32, #tpu.memory_space<vmem>>) target(%dma_start3A_434 : memref<100096x16xf32, #tpu.memory_space<vmem_shared>>) offsets(%dma_start3A_431 : memref<128xi32, #tpu.memory_space<vmem>>) semaphore(%arg10 : memref<!tpu.dma_semaphore, #tpu.memory_space<semaphore_mem>>) {add = true}
      %dma_start3A_435 = arith.constant 2 : i32
      %dma_start3A_436 = arith.constant 1 : i32
      %dma_start3A_437 = arith.constant 2 : i32
      %dma_start3A_438 = arith.constant 0 : i32
      %dma_start3A_439 = arith.constant 0 : i32
      %dma_start3A_440 = tpu.memref_slice %arg8[%rem3A_225, %dma_start3A_435, %dma_start3A_438, %dma_start3A_439] : memref<2x6x128x16xf32, #tpu.memory_space<vmem>> -> memref<1x1x128x16xf32, #tpu.memory_space<vmem>>
      %dma_start3A_441 = tpu.memref_squeeze %dma_start3A_440 : memref<1x1x128x16xf32, #tpu.memory_space<vmem>> -> memref<128x16xf32, #tpu.memory_space<vmem>>
      %dma_start3A_442 = arith.constant 0 : i32
      %dma_start3A_443 = tpu.memref_slice %arg7[%rem3A_227, %dma_start3A_436, %dma_start3A_437, %dma_start3A_442] : memref<3x2x6x128xi32, #tpu.memory_space<vmem>> -> memref<1x1x1x128xi32, #tpu.memory_space<vmem>>
      %dma_start3A_444 = tpu.memref_squeeze %dma_start3A_443 : memref<1x1x1x128xi32, #tpu.memory_space<vmem>> -> memref<128xi32, #tpu.memory_space<vmem>>
      %dma_start3A_445 = arith.constant 0 : i32
      %dma_start3A_446 = arith.constant 0 : i32
      %dma_start3A_447 = tpu.memref_slice %arg6[%dma_start3A_445, %dma_start3A_446] : memref<100096x16xf32, #tpu.memory_space<vmem_shared>> -> memref<100096x16xf32, #tpu.memory_space<vmem_shared>>
      tpu.enqueue_indirect_dma source(%dma_start3A_441 : memref<128x16xf32, #tpu.memory_space<vmem>>) target(%dma_start3A_447 : memref<100096x16xf32, #tpu.memory_space<vmem_shared>>) offsets(%dma_start3A_444 : memref<128xi32, #tpu.memory_space<vmem>>) semaphore(%arg10 : memref<!tpu.dma_semaphore, #tpu.memory_space<semaphore_mem>>) {add = true}
      %dma_start3A_448 = arith.constant 3 : i32
      %dma_start3A_449 = arith.constant 1 : i32
      %dma_start3A_450 = arith.constant 3 : i32
      %dma_start3A_451 = arith.constant 0 : i32
      %dma_start3A_452 = arith.constant 0 : i32
      %dma_start3A_453 = tpu.memref_slice %arg8[%rem3A_225, %dma_start3A_448, %dma_start3A_451, %dma_start3A_452] : memref<2x6x128x16xf32, #tpu.memory_space<vmem>> -> memref<1x1x128x16xf32, #tpu.memory_space<vmem>>
      %dma_start3A_454 = tpu.memref_squeeze %dma_start3A_453 : memref<1x1x128x16xf32, #tpu.memory_space<vmem>> -> memref<128x16xf32, #tpu.memory_space<vmem>>
      %dma_start3A_455 = arith.constant 0 : i32
      %dma_start3A_456 = tpu.memref_slice %arg7[%rem3A_227, %dma_start3A_449, %dma_start3A_450, %dma_start3A_455] : memref<3x2x6x128xi32, #tpu.memory_space<vmem>> -> memref<1x1x1x128xi32, #tpu.memory_space<vmem>>
      %dma_start3A_457 = tpu.memref_squeeze %dma_start3A_456 : memref<1x1x1x128xi32, #tpu.memory_space<vmem>> -> memref<128xi32, #tpu.memory_space<vmem>>
      %dma_start3A_458 = arith.constant 0 : i32
      %dma_start3A_459 = arith.constant 0 : i32
      %dma_start3A_460 = tpu.memref_slice %arg6[%dma_start3A_458, %dma_start3A_459] : memref<100096x16xf32, #tpu.memory_space<vmem_shared>> -> memref<100096x16xf32, #tpu.memory_space<vmem_shared>>
      tpu.enqueue_indirect_dma source(%dma_start3A_454 : memref<128x16xf32, #tpu.memory_space<vmem>>) target(%dma_start3A_460 : memref<100096x16xf32, #tpu.memory_space<vmem_shared>>) offsets(%dma_start3A_457 : memref<128xi32, #tpu.memory_space<vmem>>) semaphore(%arg10 : memref<!tpu.dma_semaphore, #tpu.memory_space<semaphore_mem>>) {add = true}
      %dma_start3A_461 = arith.constant 4 : i32
      %dma_start3A_462 = arith.constant 1 : i32
      %dma_start3A_463 = arith.constant 4 : i32
      %dma_start3A_464 = arith.constant 0 : i32
      %dma_start3A_465 = arith.constant 0 : i32
      %dma_start3A_466 = tpu.memref_slice %arg8[%rem3A_225, %dma_start3A_461, %dma_start3A_464, %dma_start3A_465] : memref<2x6x128x16xf32, #tpu.memory_space<vmem>> -> memref<1x1x128x16xf32, #tpu.memory_space<vmem>>
      %dma_start3A_467 = tpu.memref_squeeze %dma_start3A_466 : memref<1x1x128x16xf32, #tpu.memory_space<vmem>> -> memref<128x16xf32, #tpu.memory_space<vmem>>
      %dma_start3A_468 = arith.constant 0 : i32
      %dma_start3A_469 = tpu.memref_slice %arg7[%rem3A_227, %dma_start3A_462, %dma_start3A_463, %dma_start3A_468] : memref<3x2x6x128xi32, #tpu.memory_space<vmem>> -> memref<1x1x1x128xi32, #tpu.memory_space<vmem>>
      %dma_start3A_470 = tpu.memref_squeeze %dma_start3A_469 : memref<1x1x1x128xi32, #tpu.memory_space<vmem>> -> memref<128xi32, #tpu.memory_space<vmem>>
      %dma_start3A_471 = arith.constant 0 : i32
      %dma_start3A_472 = arith.constant 0 : i32
      %dma_start3A_473 = tpu.memref_slice %arg6[%dma_start3A_471, %dma_start3A_472] : memref<100096x16xf32, #tpu.memory_space<vmem_shared>> -> memref<100096x16xf32, #tpu.memory_space<vmem_shared>>
      tpu.enqueue_indirect_dma source(%dma_start3A_467 : memref<128x16xf32, #tpu.memory_space<vmem>>) target(%dma_start3A_473 : memref<100096x16xf32, #tpu.memory_space<vmem_shared>>) offsets(%dma_start3A_470 : memref<128xi32, #tpu.memory_space<vmem>>) semaphore(%arg10 : memref<!tpu.dma_semaphore, #tpu.memory_space<semaphore_mem>>) {add = true}
      %dma_start3A_474 = arith.constant 5 : i32
      %dma_start3A_475 = arith.constant 1 : i32
      %dma_start3A_476 = arith.constant 5 : i32
      %dma_start3A_477 = arith.constant 0 : i32
      %dma_start3A_478 = arith.constant 0 : i32
      %dma_start3A_479 = tpu.memref_slice %arg8[%rem3A_225, %dma_start3A_474, %dma_start3A_477, %dma_start3A_478] : memref<2x6x128x16xf32, #tpu.memory_space<vmem>> -> memref<1x1x128x16xf32, #tpu.memory_space<vmem>>
      %dma_start3A_480 = tpu.memref_squeeze %dma_start3A_479 : memref<1x1x128x16xf32, #tpu.memory_space<vmem>> -> memref<128x16xf32, #tpu.memory_space<vmem>>
      %dma_start3A_481 = arith.constant 0 : i32
      %dma_start3A_482 = tpu.memref_slice %arg7[%rem3A_227, %dma_start3A_475, %dma_start3A_476, %dma_start3A_481] : memref<3x2x6x128xi32, #tpu.memory_space<vmem>> -> memref<1x1x1x128xi32, #tpu.memory_space<vmem>>
      %dma_start3A_483 = tpu.memref_squeeze %dma_start3A_482 : memref<1x1x1x128xi32, #tpu.memory_space<vmem>> -> memref<128xi32, #tpu.memory_space<vmem>>
      %dma_start3A_484 = arith.constant 0 : i32
      %dma_start3A_485 = arith.constant 0 : i32
      %dma_start3A_486 = tpu.memref_slice %arg6[%dma_start3A_484, %dma_start3A_485] : memref<100096x16xf32, #tpu.memory_space<vmem_shared>> -> memref<100096x16xf32, #tpu.memory_space<vmem_shared>>
      tpu.enqueue_indirect_dma source(%dma_start3A_480 : memref<128x16xf32, #tpu.memory_space<vmem>>) target(%dma_start3A_486 : memref<100096x16xf32, #tpu.memory_space<vmem_shared>>) offsets(%dma_start3A_483 : memref<128xi32, #tpu.memory_space<vmem>>) semaphore(%arg10 : memref<!tpu.dma_semaphore, #tpu.memory_space<semaphore_mem>>) {add = true}
    }
    %scan3A_27 = arith.constant 260 : i32
    %dma_wait3A = arith.constant 0 : i32
    %dma_wait3A_28 = arith.constant 0 : i32
    %dma_wait3A_29 = arith.constant 0 : i32
    %dma_wait3A_30 = arith.constant 0 : i32
    %dma_wait3A_31 = tpu.memref_slice %arg8[%dma_wait3A, %dma_wait3A_28, %dma_wait3A_29, %dma_wait3A_30] : memref<2x6x128x16xf32, #tpu.memory_space<vmem>> -> memref<1x1x128x16xf32, #tpu.memory_space<vmem>>
    %dma_wait3A_32 = tpu.memref_squeeze %dma_wait3A_31 : memref<1x1x128x16xf32, #tpu.memory_space<vmem>> -> memref<128x16xf32, #tpu.memory_space<vmem>>
    %dma_wait3A_33 = arith.constant 0 : i32
    %dma_wait3A_34 = arith.constant 0 : i32
    %dma_wait3A_35 = tpu.memref_slice %arg2[%dma_wait3A_33, %dma_wait3A_34] : memref<100096x16xf32, #tpu.memory_space<hbm>> -> memref<128x16xf32, #tpu.memory_space<hbm>>
    %dma_wait3A_36 = arith.constant 0 : i32
    %dma_wait3A_37 = arith.constant 0 : i32
    %dma_wait3A_38 = tpu.memref_slice %arg8[%dma_wait3A, %dma_wait3A_28, %dma_wait3A_36, %dma_wait3A_37] : memref<2x6x128x16xf32, #tpu.memory_space<vmem>> -> memref<1x1x128x16xf32, #tpu.memory_space<vmem>>
    %dma_wait3A_39 = tpu.memref_squeeze %dma_wait3A_38 : memref<1x1x128x16xf32, #tpu.memory_space<vmem>> -> memref<128x16xf32, #tpu.memory_space<vmem>>
    %dma_wait3A_40 = arith.constant 0 : i32
    %dma_wait3A_41 = arith.constant 0 : i32
    %dma_wait3A_42 = tpu.memref_slice %arg2[%dma_wait3A_40, %dma_wait3A_41] : memref<100096x16xf32, #tpu.memory_space<hbm>> -> memref<128x16xf32, #tpu.memory_space<hbm>>
    tpu.wait_dma2 semaphore(%arg10 : memref<!tpu.dma_semaphore, #tpu.memory_space<semaphore_mem>>) src(%dma_wait3A_42 : memref<128x16xf32, #tpu.memory_space<hbm>>) dst(%dma_wait3A_39 : memref<128x16xf32, #tpu.memory_space<vmem>>)
    %dma_wait3A_43 = arith.constant 0 : i32
    %dma_wait3A_44 = arith.constant 0 : i32
    %dma_wait3A_45 = arith.constant 0 : i32
    %dma_wait3A_46 = arith.constant 0 : i32
    %dma_wait3A_47 = tpu.memref_slice %arg8[%dma_wait3A_43, %dma_wait3A_44, %dma_wait3A_45, %dma_wait3A_46] : memref<2x6x128x16xf32, #tpu.memory_space<vmem>> -> memref<1x1x128x16xf32, #tpu.memory_space<vmem>>
    %dma_wait3A_48 = tpu.memref_squeeze %dma_wait3A_47 : memref<1x1x128x16xf32, #tpu.memory_space<vmem>> -> memref<128x16xf32, #tpu.memory_space<vmem>>
    %dma_wait3A_49 = arith.constant 0 : i32
    %dma_wait3A_50 = arith.constant 0 : i32
    %dma_wait3A_51 = tpu.memref_slice %arg2[%dma_wait3A_49, %dma_wait3A_50] : memref<100096x16xf32, #tpu.memory_space<hbm>> -> memref<128x16xf32, #tpu.memory_space<hbm>>
    %dma_wait3A_52 = arith.constant 0 : i32
    %dma_wait3A_53 = arith.constant 0 : i32
    %dma_wait3A_54 = tpu.memref_slice %arg8[%dma_wait3A_43, %dma_wait3A_44, %dma_wait3A_52, %dma_wait3A_53] : memref<2x6x128x16xf32, #tpu.memory_space<vmem>> -> memref<1x1x128x16xf32, #tpu.memory_space<vmem>>
    %dma_wait3A_55 = tpu.memref_squeeze %dma_wait3A_54 : memref<1x1x128x16xf32, #tpu.memory_space<vmem>> -> memref<128x16xf32, #tpu.memory_space<vmem>>
    %dma_wait3A_56 = arith.constant 0 : i32
    %dma_wait3A_57 = arith.constant 0 : i32
    %dma_wait3A_58 = tpu.memref_slice %arg2[%dma_wait3A_56, %dma_wait3A_57] : memref<100096x16xf32, #tpu.memory_space<hbm>> -> memref<128x16xf32, #tpu.memory_space<hbm>>
    tpu.wait_dma2 semaphore(%arg10 : memref<!tpu.dma_semaphore, #tpu.memory_space<semaphore_mem>>) src(%dma_wait3A_58 : memref<128x16xf32, #tpu.memory_space<hbm>>) dst(%dma_wait3A_55 : memref<128x16xf32, #tpu.memory_space<vmem>>)
    %dma_wait3A_59 = arith.constant 0 : i32
    %dma_wait3A_60 = arith.constant 0 : i32
    %dma_wait3A_61 = arith.constant 0 : i32
    %dma_wait3A_62 = arith.constant 0 : i32
    %dma_wait3A_63 = tpu.memref_slice %arg8[%dma_wait3A_59, %dma_wait3A_60, %dma_wait3A_61, %dma_wait3A_62] : memref<2x6x128x16xf32, #tpu.memory_space<vmem>> -> memref<1x1x128x16xf32, #tpu.memory_space<vmem>>
    %dma_wait3A_64 = tpu.memref_squeeze %dma_wait3A_63 : memref<1x1x128x16xf32, #tpu.memory_space<vmem>> -> memref<128x16xf32, #tpu.memory_space<vmem>>
    %dma_wait3A_65 = arith.constant 0 : i32
    %dma_wait3A_66 = arith.constant 0 : i32
    %dma_wait3A_67 = tpu.memref_slice %arg2[%dma_wait3A_65, %dma_wait3A_66] : memref<100096x16xf32, #tpu.memory_space<hbm>> -> memref<128x16xf32, #tpu.memory_space<hbm>>
    %dma_wait3A_68 = arith.constant 0 : i32
    %dma_wait3A_69 = arith.constant 0 : i32
    %dma_wait3A_70 = tpu.memref_slice %arg8[%dma_wait3A_59, %dma_wait3A_60, %dma_wait3A_68, %dma_wait3A_69] : memref<2x6x128x16xf32, #tpu.memory_space<vmem>> -> memref<1x1x128x16xf32, #tpu.memory_space<vmem>>
    %dma_wait3A_71 = tpu.memref_squeeze %dma_wait3A_70 : memref<1x1x128x16xf32, #tpu.memory_space<vmem>> -> memref<128x16xf32, #tpu.memory_space<vmem>>
    %dma_wait3A_72 = arith.constant 0 : i32
    %dma_wait3A_73 = arith.constant 0 : i32
    %dma_wait3A_74 = tpu.memref_slice %arg2[%dma_wait3A_72, %dma_wait3A_73] : memref<100096x16xf32, #tpu.memory_space<hbm>> -> memref<128x16xf32, #tpu.memory_space<hbm>>
    tpu.wait_dma2 semaphore(%arg10 : memref<!tpu.dma_semaphore, #tpu.memory_space<semaphore_mem>>) src(%dma_wait3A_74 : memref<128x16xf32, #tpu.memory_space<hbm>>) dst(%dma_wait3A_71 : memref<128x16xf32, #tpu.memory_space<vmem>>)
    %dma_wait3A_75 = arith.constant 0 : i32
    %dma_wait3A_76 = arith.constant 0 : i32
    %dma_wait3A_77 = arith.constant 0 : i32
    %dma_wait3A_78 = arith.constant 0 : i32
    %dma_wait3A_79 = tpu.memref_slice %arg8[%dma_wait3A_75, %dma_wait3A_76, %dma_wait3A_77, %dma_wait3A_78] : memref<2x6x128x16xf32, #tpu.memory_space<vmem>> -> memref<1x1x128x16xf32, #tpu.memory_space<vmem>>
    %dma_wait3A_80 = tpu.memref_squeeze %dma_wait3A_79 : memref<1x1x128x16xf32, #tpu.memory_space<vmem>> -> memref<128x16xf32, #tpu.memory_space<vmem>>
    %dma_wait3A_81 = arith.constant 0 : i32
    %dma_wait3A_82 = arith.constant 0 : i32
    %dma_wait3A_83 = tpu.memref_slice %arg2[%dma_wait3A_81, %dma_wait3A_82] : memref<100096x16xf32, #tpu.memory_space<hbm>> -> memref<128x16xf32, #tpu.memory_space<hbm>>
    %dma_wait3A_84 = arith.constant 0 : i32
    %dma_wait3A_85 = arith.constant 0 : i32
    %dma_wait3A_86 = tpu.memref_slice %arg8[%dma_wait3A_75, %dma_wait3A_76, %dma_wait3A_84, %dma_wait3A_85] : memref<2x6x128x16xf32, #tpu.memory_space<vmem>> -> memref<1x1x128x16xf32, #tpu.memory_space<vmem>>
    %dma_wait3A_87 = tpu.memref_squeeze %dma_wait3A_86 : memref<1x1x128x16xf32, #tpu.memory_space<vmem>> -> memref<128x16xf32, #tpu.memory_space<vmem>>
    %dma_wait3A_88 = arith.constant 0 : i32
    %dma_wait3A_89 = arith.constant 0 : i32
    %dma_wait3A_90 = tpu.memref_slice %arg2[%dma_wait3A_88, %dma_wait3A_89] : memref<100096x16xf32, #tpu.memory_space<hbm>> -> memref<128x16xf32, #tpu.memory_space<hbm>>
    tpu.wait_dma2 semaphore(%arg10 : memref<!tpu.dma_semaphore, #tpu.memory_space<semaphore_mem>>) src(%dma_wait3A_90 : memref<128x16xf32, #tpu.memory_space<hbm>>) dst(%dma_wait3A_87 : memref<128x16xf32, #tpu.memory_space<vmem>>)
    %dma_wait3A_91 = arith.constant 0 : i32
    %dma_wait3A_92 = arith.constant 0 : i32
    %dma_wait3A_93 = arith.constant 0 : i32
    %dma_wait3A_94 = arith.constant 0 : i32
    %dma_wait3A_95 = tpu.memref_slice %arg8[%dma_wait3A_91, %dma_wait3A_92, %dma_wait3A_93, %dma_wait3A_94] : memref<2x6x128x16xf32, #tpu.memory_space<vmem>> -> memref<1x1x128x16xf32, #tpu.memory_space<vmem>>
    %dma_wait3A_96 = tpu.memref_squeeze %dma_wait3A_95 : memref<1x1x128x16xf32, #tpu.memory_space<vmem>> -> memref<128x16xf32, #tpu.memory_space<vmem>>
    %dma_wait3A_97 = arith.constant 0 : i32
    %dma_wait3A_98 = arith.constant 0 : i32
    %dma_wait3A_99 = tpu.memref_slice %arg2[%dma_wait3A_97, %dma_wait3A_98] : memref<100096x16xf32, #tpu.memory_space<hbm>> -> memref<128x16xf32, #tpu.memory_space<hbm>>
    %dma_wait3A_100 = arith.constant 0 : i32
    %dma_wait3A_101 = arith.constant 0 : i32
    %dma_wait3A_102 = tpu.memref_slice %arg8[%dma_wait3A_91, %dma_wait3A_92, %dma_wait3A_100, %dma_wait3A_101] : memref<2x6x128x16xf32, #tpu.memory_space<vmem>> -> memref<1x1x128x16xf32, #tpu.memory_space<vmem>>
    %dma_wait3A_103 = tpu.memref_squeeze %dma_wait3A_102 : memref<1x1x128x16xf32, #tpu.memory_space<vmem>> -> memref<128x16xf32, #tpu.memory_space<vmem>>
    %dma_wait3A_104 = arith.constant 0 : i32
    %dma_wait3A_105 = arith.constant 0 : i32
    %dma_wait3A_106 = tpu.memref_slice %arg2[%dma_wait3A_104, %dma_wait3A_105] : memref<100096x16xf32, #tpu.memory_space<hbm>> -> memref<128x16xf32, #tpu.memory_space<hbm>>
    tpu.wait_dma2 semaphore(%arg10 : memref<!tpu.dma_semaphore, #tpu.memory_space<semaphore_mem>>) src(%dma_wait3A_106 : memref<128x16xf32, #tpu.memory_space<hbm>>) dst(%dma_wait3A_103 : memref<128x16xf32, #tpu.memory_space<vmem>>)
    %dma_wait3A_107 = arith.constant 0 : i32
    %dma_wait3A_108 = arith.constant 0 : i32
    %dma_wait3A_109 = arith.constant 0 : i32
    %dma_wait3A_110 = arith.constant 0 : i32
    %dma_wait3A_111 = tpu.memref_slice %arg8[%dma_wait3A_107, %dma_wait3A_108, %dma_wait3A_109, %dma_wait3A_110] : memref<2x6x128x16xf32, #tpu.memory_space<vmem>> -> memref<1x1x128x16xf32, #tpu.memory_space<vmem>>
    %dma_wait3A_112 = tpu.memref_squeeze %dma_wait3A_111 : memref<1x1x128x16xf32, #tpu.memory_space<vmem>> -> memref<128x16xf32, #tpu.memory_space<vmem>>
    %dma_wait3A_113 = arith.constant 0 : i32
    %dma_wait3A_114 = arith.constant 0 : i32
    %dma_wait3A_115 = tpu.memref_slice %arg2[%dma_wait3A_113, %dma_wait3A_114] : memref<100096x16xf32, #tpu.memory_space<hbm>> -> memref<128x16xf32, #tpu.memory_space<hbm>>
    %dma_wait3A_116 = arith.constant 0 : i32
    %dma_wait3A_117 = arith.constant 0 : i32
    %dma_wait3A_118 = tpu.memref_slice %arg8[%dma_wait3A_107, %dma_wait3A_108, %dma_wait3A_116, %dma_wait3A_117] : memref<2x6x128x16xf32, #tpu.memory_space<vmem>> -> memref<1x1x128x16xf32, #tpu.memory_space<vmem>>
    %dma_wait3A_119 = tpu.memref_squeeze %dma_wait3A_118 : memref<1x1x128x16xf32, #tpu.memory_space<vmem>> -> memref<128x16xf32, #tpu.memory_space<vmem>>
    %dma_wait3A_120 = arith.constant 0 : i32
    %dma_wait3A_121 = arith.constant 0 : i32
    %dma_wait3A_122 = tpu.memref_slice %arg2[%dma_wait3A_120, %dma_wait3A_121] : memref<100096x16xf32, #tpu.memory_space<hbm>> -> memref<128x16xf32, #tpu.memory_space<hbm>>
    tpu.wait_dma2 semaphore(%arg10 : memref<!tpu.dma_semaphore, #tpu.memory_space<semaphore_mem>>) src(%dma_wait3A_122 : memref<128x16xf32, #tpu.memory_space<hbm>>) dst(%dma_wait3A_119 : memref<128x16xf32, #tpu.memory_space<vmem>>)
    %dma_wait3A_123 = arith.constant 0 : i32
    %dma_wait3A_124 = arith.constant 0 : i32
    %dma_wait3A_125 = arith.constant 0 : i32
    %dma_wait3A_126 = arith.constant 0 : i32
    %dma_wait3A_127 = tpu.memref_slice %arg8[%dma_wait3A_123, %dma_wait3A_124, %dma_wait3A_125, %dma_wait3A_126] : memref<2x6x128x16xf32, #tpu.memory_space<vmem>> -> memref<1x1x128x16xf32, #tpu.memory_space<vmem>>
    %dma_wait3A_128 = tpu.memref_squeeze %dma_wait3A_127 : memref<1x1x128x16xf32, #tpu.memory_space<vmem>> -> memref<128x16xf32, #tpu.memory_space<vmem>>
    %dma_wait3A_129 = arith.constant 0 : i32
    %dma_wait3A_130 = arith.constant 0 : i32
    %dma_wait3A_131 = tpu.memref_slice %arg2[%dma_wait3A_129, %dma_wait3A_130] : memref<100096x16xf32, #tpu.memory_space<hbm>> -> memref<128x16xf32, #tpu.memory_space<hbm>>
    %dma_wait3A_132 = arith.constant 0 : i32
    %dma_wait3A_133 = arith.constant 0 : i32
    %dma_wait3A_134 = tpu.memref_slice %arg8[%dma_wait3A_123, %dma_wait3A_124, %dma_wait3A_132, %dma_wait3A_133] : memref<2x6x128x16xf32, #tpu.memory_space<vmem>> -> memref<1x1x128x16xf32, #tpu.memory_space<vmem>>
    %dma_wait3A_135 = tpu.memref_squeeze %dma_wait3A_134 : memref<1x1x128x16xf32, #tpu.memory_space<vmem>> -> memref<128x16xf32, #tpu.memory_space<vmem>>
    %dma_wait3A_136 = arith.constant 0 : i32
    %dma_wait3A_137 = arith.constant 0 : i32
    %dma_wait3A_138 = tpu.memref_slice %arg2[%dma_wait3A_136, %dma_wait3A_137] : memref<100096x16xf32, #tpu.memory_space<hbm>> -> memref<128x16xf32, #tpu.memory_space<hbm>>
    tpu.wait_dma2 semaphore(%arg10 : memref<!tpu.dma_semaphore, #tpu.memory_space<semaphore_mem>>) src(%dma_wait3A_138 : memref<128x16xf32, #tpu.memory_space<hbm>>) dst(%dma_wait3A_135 : memref<128x16xf32, #tpu.memory_space<vmem>>)
    %dma_wait3A_139 = arith.constant 0 : i32
    %dma_wait3A_140 = arith.constant 0 : i32
    %dma_wait3A_141 = arith.constant 0 : i32
    %dma_wait3A_142 = arith.constant 0 : i32
    %dma_wait3A_143 = tpu.memref_slice %arg8[%dma_wait3A_139, %dma_wait3A_140, %dma_wait3A_141, %dma_wait3A_142] : memref<2x6x128x16xf32, #tpu.memory_space<vmem>> -> memref<1x1x128x16xf32, #tpu.memory_space<vmem>>
    %dma_wait3A_144 = tpu.memref_squeeze %dma_wait3A_143 : memref<1x1x128x16xf32, #tpu.memory_space<vmem>> -> memref<128x16xf32, #tpu.memory_space<vmem>>
    %dma_wait3A_145 = arith.constant 0 : i32
    %dma_wait3A_146 = arith.constant 0 : i32
    %dma_wait3A_147 = tpu.memref_slice %arg2[%dma_wait3A_145, %dma_wait3A_146] : memref<100096x16xf32, #tpu.memory_space<hbm>> -> memref<128x16xf32, #tpu.memory_space<hbm>>
    %dma_wait3A_148 = arith.constant 0 : i32
    %dma_wait3A_149 = arith.constant 0 : i32
    %dma_wait3A_150 = tpu.memref_slice %arg8[%dma_wait3A_139, %dma_wait3A_140, %dma_wait3A_148, %dma_wait3A_149] : memref<2x6x128x16xf32, #tpu.memory_space<vmem>> -> memref<1x1x128x16xf32, #tpu.memory_space<vmem>>
    %dma_wait3A_151 = tpu.memref_squeeze %dma_wait3A_150 : memref<1x1x128x16xf32, #tpu.memory_space<vmem>> -> memref<128x16xf32, #tpu.memory_space<vmem>>
    %dma_wait3A_152 = arith.constant 0 : i32
    %dma_wait3A_153 = arith.constant 0 : i32
    %dma_wait3A_154 = tpu.memref_slice %arg2[%dma_wait3A_152, %dma_wait3A_153] : memref<100096x16xf32, #tpu.memory_space<hbm>> -> memref<128x16xf32, #tpu.memory_space<hbm>>
    tpu.wait_dma2 semaphore(%arg10 : memref<!tpu.dma_semaphore, #tpu.memory_space<semaphore_mem>>) src(%dma_wait3A_154 : memref<128x16xf32, #tpu.memory_space<hbm>>) dst(%dma_wait3A_151 : memref<128x16xf32, #tpu.memory_space<vmem>>)
    %dma_wait3A_155 = arith.constant 0 : i32
    %dma_wait3A_156 = arith.constant 0 : i32
    %dma_wait3A_157 = arith.constant 0 : i32
    %dma_wait3A_158 = arith.constant 0 : i32
    %dma_wait3A_159 = tpu.memref_slice %arg8[%dma_wait3A_155, %dma_wait3A_156, %dma_wait3A_157, %dma_wait3A_158] : memref<2x6x128x16xf32, #tpu.memory_space<vmem>> -> memref<1x1x128x16xf32, #tpu.memory_space<vmem>>
    %dma_wait3A_160 = tpu.memref_squeeze %dma_wait3A_159 : memref<1x1x128x16xf32, #tpu.memory_space<vmem>> -> memref<128x16xf32, #tpu.memory_space<vmem>>
    %dma_wait3A_161 = arith.constant 0 : i32
    %dma_wait3A_162 = arith.constant 0 : i32
    %dma_wait3A_163 = tpu.memref_slice %arg2[%dma_wait3A_161, %dma_wait3A_162] : memref<100096x16xf32, #tpu.memory_space<hbm>> -> memref<128x16xf32, #tpu.memory_space<hbm>>
    %dma_wait3A_164 = arith.constant 0 : i32
    %dma_wait3A_165 = arith.constant 0 : i32
    %dma_wait3A_166 = tpu.memref_slice %arg8[%dma_wait3A_155, %dma_wait3A_156, %dma_wait3A_164, %dma_wait3A_165] : memref<2x6x128x16xf32, #tpu.memory_space<vmem>> -> memref<1x1x128x16xf32, #tpu.memory_space<vmem>>
    %dma_wait3A_167 = tpu.memref_squeeze %dma_wait3A_166 : memref<1x1x128x16xf32, #tpu.memory_space<vmem>> -> memref<128x16xf32, #tpu.memory_space<vmem>>
    %dma_wait3A_168 = arith.constant 0 : i32
    %dma_wait3A_169 = arith.constant 0 : i32
    %dma_wait3A_170 = tpu.memref_slice %arg2[%dma_wait3A_168, %dma_wait3A_169] : memref<100096x16xf32, #tpu.memory_space<hbm>> -> memref<128x16xf32, #tpu.memory_space<hbm>>
    tpu.wait_dma2 semaphore(%arg10 : memref<!tpu.dma_semaphore, #tpu.memory_space<semaphore_mem>>) src(%dma_wait3A_170 : memref<128x16xf32, #tpu.memory_space<hbm>>) dst(%dma_wait3A_167 : memref<128x16xf32, #tpu.memory_space<vmem>>)
    %dma_wait3A_171 = arith.constant 0 : i32
    %dma_wait3A_172 = arith.constant 0 : i32
    %dma_wait3A_173 = arith.constant 0 : i32
    %dma_wait3A_174 = arith.constant 0 : i32
    %dma_wait3A_175 = tpu.memref_slice %arg8[%dma_wait3A_171, %dma_wait3A_172, %dma_wait3A_173, %dma_wait3A_174] : memref<2x6x128x16xf32, #tpu.memory_space<vmem>> -> memref<1x1x128x16xf32, #tpu.memory_space<vmem>>
    %dma_wait3A_176 = tpu.memref_squeeze %dma_wait3A_175 : memref<1x1x128x16xf32, #tpu.memory_space<vmem>> -> memref<128x16xf32, #tpu.memory_space<vmem>>
    %dma_wait3A_177 = arith.constant 0 : i32
    %dma_wait3A_178 = arith.constant 0 : i32
    %dma_wait3A_179 = tpu.memref_slice %arg2[%dma_wait3A_177, %dma_wait3A_178] : memref<100096x16xf32, #tpu.memory_space<hbm>> -> memref<128x16xf32, #tpu.memory_space<hbm>>
    %dma_wait3A_180 = arith.constant 0 : i32
    %dma_wait3A_181 = arith.constant 0 : i32
    %dma_wait3A_182 = tpu.memref_slice %arg8[%dma_wait3A_171, %dma_wait3A_172, %dma_wait3A_180, %dma_wait3A_181] : memref<2x6x128x16xf32, #tpu.memory_space<vmem>> -> memref<1x1x128x16xf32, #tpu.memory_space<vmem>>
    %dma_wait3A_183 = tpu.memref_squeeze %dma_wait3A_182 : memref<1x1x128x16xf32, #tpu.memory_space<vmem>> -> memref<128x16xf32, #tpu.memory_space<vmem>>
    %dma_wait3A_184 = arith.constant 0 : i32
    %dma_wait3A_185 = arith.constant 0 : i32
    %dma_wait3A_186 = tpu.memref_slice %arg2[%dma_wait3A_184, %dma_wait3A_185] : memref<100096x16xf32, #tpu.memory_space<hbm>> -> memref<128x16xf32, #tpu.memory_space<hbm>>
    tpu.wait_dma2 semaphore(%arg10 : memref<!tpu.dma_semaphore, #tpu.memory_space<semaphore_mem>>) src(%dma_wait3A_186 : memref<128x16xf32, #tpu.memory_space<hbm>>) dst(%dma_wait3A_183 : memref<128x16xf32, #tpu.memory_space<vmem>>)
    %dma_wait3A_187 = arith.constant 0 : i32
    %dma_wait3A_188 = arith.constant 0 : i32
    %dma_wait3A_189 = arith.constant 0 : i32
    %dma_wait3A_190 = arith.constant 0 : i32
    %dma_wait3A_191 = tpu.memref_slice %arg8[%dma_wait3A_187, %dma_wait3A_188, %dma_wait3A_189, %dma_wait3A_190] : memref<2x6x128x16xf32, #tpu.memory_space<vmem>> -> memref<1x1x128x16xf32, #tpu.memory_space<vmem>>
    %dma_wait3A_192 = tpu.memref_squeeze %dma_wait3A_191 : memref<1x1x128x16xf32, #tpu.memory_space<vmem>> -> memref<128x16xf32, #tpu.memory_space<vmem>>
    %dma_wait3A_193 = arith.constant 0 : i32
    %dma_wait3A_194 = arith.constant 0 : i32
    %dma_wait3A_195 = tpu.memref_slice %arg2[%dma_wait3A_193, %dma_wait3A_194] : memref<100096x16xf32, #tpu.memory_space<hbm>> -> memref<128x16xf32, #tpu.memory_space<hbm>>
    %dma_wait3A_196 = arith.constant 0 : i32
    %dma_wait3A_197 = arith.constant 0 : i32
    %dma_wait3A_198 = tpu.memref_slice %arg8[%dma_wait3A_187, %dma_wait3A_188, %dma_wait3A_196, %dma_wait3A_197] : memref<2x6x128x16xf32, #tpu.memory_space<vmem>> -> memref<1x1x128x16xf32, #tpu.memory_space<vmem>>
    %dma_wait3A_199 = tpu.memref_squeeze %dma_wait3A_198 : memref<1x1x128x16xf32, #tpu.memory_space<vmem>> -> memref<128x16xf32, #tpu.memory_space<vmem>>
    %dma_wait3A_200 = arith.constant 0 : i32
    %dma_wait3A_201 = arith.constant 0 : i32
    %dma_wait3A_202 = tpu.memref_slice %arg2[%dma_wait3A_200, %dma_wait3A_201] : memref<100096x16xf32, #tpu.memory_space<hbm>> -> memref<128x16xf32, #tpu.memory_space<hbm>>
    tpu.wait_dma2 semaphore(%arg10 : memref<!tpu.dma_semaphore, #tpu.memory_space<semaphore_mem>>) src(%dma_wait3A_202 : memref<128x16xf32, #tpu.memory_space<hbm>>) dst(%dma_wait3A_199 : memref<128x16xf32, #tpu.memory_space<vmem>>)
    %dma_wait3A_203 = arith.constant 0 : i32
    %dma_wait3A_204 = arith.constant 0 : i32
    %dma_wait3A_205 = arith.constant 0 : i32
    %dma_wait3A_206 = arith.constant 0 : i32
    %dma_wait3A_207 = tpu.memref_slice %arg8[%dma_wait3A_203, %dma_wait3A_204, %dma_wait3A_205, %dma_wait3A_206] : memref<2x6x128x16xf32, #tpu.memory_space<vmem>> -> memref<1x1x128x16xf32, #tpu.memory_space<vmem>>
    %dma_wait3A_208 = tpu.memref_squeeze %dma_wait3A_207 : memref<1x1x128x16xf32, #tpu.memory_space<vmem>> -> memref<128x16xf32, #tpu.memory_space<vmem>>
    %dma_wait3A_209 = arith.constant 0 : i32
    %dma_wait3A_210 = arith.constant 0 : i32
    %dma_wait3A_211 = tpu.memref_slice %arg2[%dma_wait3A_209, %dma_wait3A_210] : memref<100096x16xf32, #tpu.memory_space<hbm>> -> memref<128x16xf32, #tpu.memory_space<hbm>>
    %dma_wait3A_212 = arith.constant 0 : i32
    %dma_wait3A_213 = arith.constant 0 : i32
    %dma_wait3A_214 = tpu.memref_slice %arg8[%dma_wait3A_203, %dma_wait3A_204, %dma_wait3A_212, %dma_wait3A_213] : memref<2x6x128x16xf32, #tpu.memory_space<vmem>> -> memref<1x1x128x16xf32, #tpu.memory_space<vmem>>
    %dma_wait3A_215 = tpu.memref_squeeze %dma_wait3A_214 : memref<1x1x128x16xf32, #tpu.memory_space<vmem>> -> memref<128x16xf32, #tpu.memory_space<vmem>>
    %dma_wait3A_216 = arith.constant 0 : i32
    %dma_wait3A_217 = arith.constant 0 : i32
    %dma_wait3A_218 = tpu.memref_slice %arg2[%dma_wait3A_216, %dma_wait3A_217] : memref<100096x16xf32, #tpu.memory_space<hbm>> -> memref<128x16xf32, #tpu.memory_space<hbm>>
    tpu.wait_dma2 semaphore(%arg10 : memref<!tpu.dma_semaphore, #tpu.memory_space<semaphore_mem>>) src(%dma_wait3A_218 : memref<128x16xf32, #tpu.memory_space<hbm>>) dst(%dma_wait3A_215 : memref<128x16xf32, #tpu.memory_space<vmem>>)
    %lt3A = arith.constant 16 : i32
    %lt3A_219 = arith.cmpi slt, %add3A, %lt3A : i32
    %convert_element_type3A = arith.extui %lt3A_219 : i1 to i32
    %cond3A = arith.constant 0 : i32
    %cond3A_220 = arith.cmpi ne, %convert_element_type3A, %cond3A : i32
    scf.if %cond3A_220 {
      %mul3A_224 = arith.constant 5 : i32
      %mul3A_225 = arith.muli %add3A, %mul3A_224 : i32
      %add3A_226 = arith.constant 49920 : i32
      %add3A_227 = arith.addi %add3A_226, %mul3A_225 : i32
      %run_scoped3A = arith.constant 0 : i32
      "tpu.region"() ({
        %run_scoped3A_403 = tpu.sem_alloc : memref<!tpu.dma_semaphore, #tpu.memory_space<semaphore_mem>>
        %dma_start3A_404 = arith.constant 0 : i32
        %dma_start3A_405 = arith.constant 0 : i32
        %dma_start3A_406 = arith.constant 0 : i32
        %dma_start3A_407 = tpu.memref_slice %arg7[%run_scoped3A, %dma_start3A_404, %dma_start3A_405, %dma_start3A_406] : memref<3x2x6x128xi32, #tpu.memory_space<vmem>> -> memref<1x2x5x128xi32, #tpu.memory_space<vmem>>
        %dma_start3A_408 = tpu.memref_squeeze %dma_start3A_407 : memref<1x2x5x128xi32, #tpu.memory_space<vmem>> -> memref<2x5x128xi32, #tpu.memory_space<vmem>>
        %dma_start3A_409 = arith.constant 0 : i32
        %dma_start3A_410 = arith.constant 0 : i32
        %dma_start3A_411 = tpu.memref_slice %arg3[%dma_start3A_409, %add3A_227, %dma_start3A_410] : memref<2x50000x128xi32, #tpu.memory_space<hbm>> -> memref<2x5x128xi32, #tpu.memory_space<hbm>>
        %dma_start3A_412 = arith.constant 0 : i32
        %dma_start3A_413 = arith.constant 0 : i32
        %dma_start3A_414 = arith.constant 0 : i32
        %dma_start3A_415 = tpu.memref_slice %arg7[%run_scoped3A, %dma_start3A_412, %dma_start3A_413, %dma_start3A_414] : memref<3x2x6x128xi32, #tpu.memory_space<vmem>> -> memref<1x2x5x128xi32, #tpu.memory_space<vmem>>
        %dma_start3A_416 = tpu.memref_squeeze %dma_start3A_415 : memref<1x2x5x128xi32, #tpu.memory_space<vmem>> -> memref<2x5x128xi32, #tpu.memory_space<vmem>>
        %dma_start3A_417 = arith.constant 0 : i32
        %dma_start3A_418 = arith.constant 0 : i32
        %dma_start3A_419 = tpu.memref_slice %arg3[%dma_start3A_417, %add3A_227, %dma_start3A_418] : memref<2x50000x128xi32, #tpu.memory_space<hbm>> -> memref<2x5x128xi32, #tpu.memory_space<hbm>>
        tpu.enqueue_dma source(%dma_start3A_419 : memref<2x5x128xi32, #tpu.memory_space<hbm>>) target(%dma_start3A_416 : memref<2x5x128xi32, #tpu.memory_space<vmem>>) target_semaphore(%run_scoped3A_403 : memref<!tpu.dma_semaphore, #tpu.memory_space<semaphore_mem>>)
        %dma_wait3A_420 = arith.constant 0 : i32
        %dma_wait3A_421 = arith.constant 0 : i32
        %dma_wait3A_422 = arith.constant 0 : i32
        %dma_wait3A_423 = tpu.memref_slice %arg7[%run_scoped3A, %dma_wait3A_420, %dma_wait3A_421, %dma_wait3A_422] : memref<3x2x6x128xi32, #tpu.memory_space<vmem>> -> memref<1x2x5x128xi32, #tpu.memory_space<vmem>>
        %dma_wait3A_424 = tpu.memref_squeeze %dma_wait3A_423 : memref<1x2x5x128xi32, #tpu.memory_space<vmem>> -> memref<2x5x128xi32, #tpu.memory_space<vmem>>
        %dma_wait3A_425 = arith.constant 0 : i32
        %dma_wait3A_426 = arith.constant 0 : i32
        %dma_wait3A_427 = tpu.memref_slice %arg3[%dma_wait3A_425, %add3A_227, %dma_wait3A_426] : memref<2x50000x128xi32, #tpu.memory_space<hbm>> -> memref<2x5x128xi32, #tpu.memory_space<hbm>>
        %dma_wait3A_428 = arith.constant 0 : i32
        %dma_wait3A_429 = arith.constant 0 : i32
        %dma_wait3A_430 = arith.constant 0 : i32
        %dma_wait3A_431 = tpu.memref_slice %arg7[%run_scoped3A, %dma_wait3A_428, %dma_wait3A_429, %dma_wait3A_430] : memref<3x2x6x128xi32, #tpu.memory_space<vmem>> -> memref<1x2x5x128xi32, #tpu.memory_space<vmem>>
        %dma_wait3A_432 = tpu.memref_squeeze %dma_wait3A_431 : memref<1x2x5x128xi32, #tpu.memory_space<vmem>> -> memref<2x5x128xi32, #tpu.memory_space<vmem>>
        %dma_wait3A_433 = arith.constant 0 : i32
        %dma_wait3A_434 = arith.constant 0 : i32
        %dma_wait3A_435 = tpu.memref_slice %arg3[%dma_wait3A_433, %add3A_227, %dma_wait3A_434] : memref<2x50000x128xi32, #tpu.memory_space<hbm>> -> memref<2x5x128xi32, #tpu.memory_space<hbm>>
        tpu.wait_dma2 semaphore(%run_scoped3A_403 : memref<!tpu.dma_semaphore, #tpu.memory_space<semaphore_mem>>) src(%dma_wait3A_435 : memref<2x5x128xi32, #tpu.memory_space<hbm>>) dst(%dma_wait3A_432 : memref<2x5x128xi32, #tpu.memory_space<vmem>>)
        tpu.yield
      }) : () -> ()
      %dma_start3A_228 = arith.constant 0 : i32
      %dma_start3A_229 = arith.constant 0 : i32
      %dma_start3A_230 = arith.constant 0 : i32
      %dma_start3A_231 = arith.constant 0 : i32
      %dma_start3A_232 = arith.constant 0 : i32
      %dma_start3A_233 = arith.constant 0 : i32
      %dma_start3A_234 = arith.constant 0 : i32
      %dma_start3A_235 = tpu.memref_slice %arg8[%dma_start3A_231, %dma_start3A_232, %dma_start3A_233, %dma_start3A_234] : memref<2x6x128x16xf32, #tpu.memory_space<vmem>> -> memref<1x1x128x16xf32, #tpu.memory_space<vmem>>
      %dma_start3A_236 = tpu.memref_squeeze %dma_start3A_235 : memref<1x1x128x16xf32, #tpu.memory_space<vmem>> -> memref<128x16xf32, #tpu.memory_space<vmem>>
      %dma_start3A_237 = arith.constant 0 : i32
      %dma_start3A_238 = tpu.memref_slice %arg7[%dma_start3A_228, %dma_start3A_229, %dma_start3A_230, %dma_start3A_237] : memref<3x2x6x128xi32, #tpu.memory_space<vmem>> -> memref<1x1x1x128xi32, #tpu.memory_space<vmem>>
      %dma_start3A_239 = tpu.memref_squeeze %dma_start3A_238 : memref<1x1x1x128xi32, #tpu.memory_space<vmem>> -> memref<128xi32, #tpu.memory_space<vmem>>
      %dma_start3A_240 = arith.constant 0 : i32
      %dma_start3A_241 = arith.constant 0 : i32
      %dma_start3A_242 = tpu.memref_slice %arg2[%dma_start3A_240, %dma_start3A_241] : memref<100096x16xf32, #tpu.memory_space<hbm>> -> memref<100096x16xf32, #tpu.memory_space<hbm>>
      tpu.enqueue_indirect_dma source(%dma_start3A_242 : memref<100096x16xf32, #tpu.memory_space<hbm>>) target(%dma_start3A_236 : memref<128x16xf32, #tpu.memory_space<vmem>>) offsets(%dma_start3A_239 : memref<128xi32, #tpu.memory_space<vmem>>) semaphore(%arg9 : memref<!tpu.dma_semaphore, #tpu.memory_space<semaphore_mem>>)
      %dma_start3A_243 = arith.constant 0 : i32
      %dma_start3A_244 = arith.constant 0 : i32
      %dma_start3A_245 = arith.constant 1 : i32
      %dma_start3A_246 = arith.constant 0 : i32
      %dma_start3A_247 = arith.constant 1 : i32
      %dma_start3A_248 = arith.constant 0 : i32
      %dma_start3A_249 = arith.constant 0 : i32
      %dma_start3A_250 = tpu.memref_slice %arg8[%dma_start3A_246, %dma_start3A_247, %dma_start3A_248, %dma_start3A_249] : memref<2x6x128x16xf32, #tpu.memory_space<vmem>> -> memref<1x1x128x16xf32, #tpu.memory_space<vmem>>
      %dma_start3A_251 = tpu.memref_squeeze %dma_start3A_250 : memref<1x1x128x16xf32, #tpu.memory_space<vmem>> -> memref<128x16xf32, #tpu.memory_space<vmem>>
      %dma_start3A_252 = arith.constant 0 : i32
      %dma_start3A_253 = tpu.memref_slice %arg7[%dma_start3A_243, %dma_start3A_244, %dma_start3A_245, %dma_start3A_252] : memref<3x2x6x128xi32, #tpu.memory_space<vmem>> -> memref<1x1x1x128xi32, #tpu.memory_space<vmem>>
      %dma_start3A_254 = tpu.memref_squeeze %dma_start3A_253 : memref<1x1x1x128xi32, #tpu.memory_space<vmem>> -> memref<128xi32, #tpu.memory_space<vmem>>
      %dma_start3A_255 = arith.constant 0 : i32
      %dma_start3A_256 = arith.constant 0 : i32
      %dma_start3A_257 = tpu.memref_slice %arg2[%dma_start3A_255, %dma_start3A_256] : memref<100096x16xf32, #tpu.memory_space<hbm>> -> memref<100096x16xf32, #tpu.memory_space<hbm>>
      tpu.enqueue_indirect_dma source(%dma_start3A_257 : memref<100096x16xf32, #tpu.memory_space<hbm>>) target(%dma_start3A_251 : memref<128x16xf32, #tpu.memory_space<vmem>>) offsets(%dma_start3A_254 : memref<128xi32, #tpu.memory_space<vmem>>) semaphore(%arg9 : memref<!tpu.dma_semaphore, #tpu.memory_space<semaphore_mem>>)
      %dma_start3A_258 = arith.constant 0 : i32
      %dma_start3A_259 = arith.constant 0 : i32
      %dma_start3A_260 = arith.constant 2 : i32
      %dma_start3A_261 = arith.constant 0 : i32
      %dma_start3A_262 = arith.constant 2 : i32
      %dma_start3A_263 = arith.constant 0 : i32
      %dma_start3A_264 = arith.constant 0 : i32
      %dma_start3A_265 = tpu.memref_slice %arg8[%dma_start3A_261, %dma_start3A_262, %dma_start3A_263, %dma_start3A_264] : memref<2x6x128x16xf32, #tpu.memory_space<vmem>> -> memref<1x1x128x16xf32, #tpu.memory_space<vmem>>
      %dma_start3A_266 = tpu.memref_squeeze %dma_start3A_265 : memref<1x1x128x16xf32, #tpu.memory_space<vmem>> -> memref<128x16xf32, #tpu.memory_space<vmem>>
      %dma_start3A_267 = arith.constant 0 : i32
      %dma_start3A_268 = tpu.memref_slice %arg7[%dma_start3A_258, %dma_start3A_259, %dma_start3A_260, %dma_start3A_267] : memref<3x2x6x128xi32, #tpu.memory_space<vmem>> -> memref<1x1x1x128xi32, #tpu.memory_space<vmem>>
      %dma_start3A_269 = tpu.memref_squeeze %dma_start3A_268 : memref<1x1x1x128xi32, #tpu.memory_space<vmem>> -> memref<128xi32, #tpu.memory_space<vmem>>
      %dma_start3A_270 = arith.constant 0 : i32
      %dma_start3A_271 = arith.constant 0 : i32
      %dma_start3A_272 = tpu.memref_slice %arg2[%dma_start3A_270, %dma_start3A_271] : memref<100096x16xf32, #tpu.memory_space<hbm>> -> memref<100096x16xf32, #tpu.memory_space<hbm>>
      tpu.enqueue_indirect_dma source(%dma_start3A_272 : memref<100096x16xf32, #tpu.memory_space<hbm>>) target(%dma_start3A_266 : memref<128x16xf32, #tpu.memory_space<vmem>>) offsets(%dma_start3A_269 : memref<128xi32, #tpu.memory_space<vmem>>) semaphore(%arg9 : memref<!tpu.dma_semaphore, #tpu.memory_space<semaphore_mem>>)
      %dma_start3A_273 = arith.constant 0 : i32
      %dma_start3A_274 = arith.constant 0 : i32
      %dma_start3A_275 = arith.constant 3 : i32
      %dma_start3A_276 = arith.constant 0 : i32
      %dma_start3A_277 = arith.constant 3 : i32
      %dma_start3A_278 = arith.constant 0 : i32
      %dma_start3A_279 = arith.constant 0 : i32
      %dma_start3A_280 = tpu.memref_slice %arg8[%dma_start3A_276, %dma_start3A_277, %dma_start3A_278, %dma_start3A_279] : memref<2x6x128x16xf32, #tpu.memory_space<vmem>> -> memref<1x1x128x16xf32, #tpu.memory_space<vmem>>
      %dma_start3A_281 = tpu.memref_squeeze %dma_start3A_280 : memref<1x1x128x16xf32, #tpu.memory_space<vmem>> -> memref<128x16xf32, #tpu.memory_space<vmem>>
      %dma_start3A_282 = arith.constant 0 : i32
      %dma_start3A_283 = tpu.memref_slice %arg7[%dma_start3A_273, %dma_start3A_274, %dma_start3A_275, %dma_start3A_282] : memref<3x2x6x128xi32, #tpu.memory_space<vmem>> -> memref<1x1x1x128xi32, #tpu.memory_space<vmem>>
      %dma_start3A_284 = tpu.memref_squeeze %dma_start3A_283 : memref<1x1x1x128xi32, #tpu.memory_space<vmem>> -> memref<128xi32, #tpu.memory_space<vmem>>
      %dma_start3A_285 = arith.constant 0 : i32
      %dma_start3A_286 = arith.constant 0 : i32
      %dma_start3A_287 = tpu.memref_slice %arg2[%dma_start3A_285, %dma_start3A_286] : memref<100096x16xf32, #tpu.memory_space<hbm>> -> memref<100096x16xf32, #tpu.memory_space<hbm>>
      tpu.enqueue_indirect_dma source(%dma_start3A_287 : memref<100096x16xf32, #tpu.memory_space<hbm>>) target(%dma_start3A_281 : memref<128x16xf32, #tpu.memory_space<vmem>>) offsets(%dma_start3A_284 : memref<128xi32, #tpu.memory_space<vmem>>) semaphore(%arg9 : memref<!tpu.dma_semaphore, #tpu.memory_space<semaphore_mem>>)
      %dma_start3A_288 = arith.constant 0 : i32
      %dma_start3A_289 = arith.constant 0 : i32
      %dma_start3A_290 = arith.constant 4 : i32
      %dma_start3A_291 = arith.constant 0 : i32
      %dma_start3A_292 = arith.constant 4 : i32
      %dma_start3A_293 = arith.constant 0 : i32
      %dma_start3A_294 = arith.constant 0 : i32
      %dma_start3A_295 = tpu.memref_slice %arg8[%dma_start3A_291, %dma_start3A_292, %dma_start3A_293, %dma_start3A_294] : memref<2x6x128x16xf32, #tpu.memory_space<vmem>> -> memref<1x1x128x16xf32, #tpu.memory_space<vmem>>
      %dma_start3A_296 = tpu.memref_squeeze %dma_start3A_295 : memref<1x1x128x16xf32, #tpu.memory_space<vmem>> -> memref<128x16xf32, #tpu.memory_space<vmem>>
      %dma_start3A_297 = arith.constant 0 : i32
      %dma_start3A_298 = tpu.memref_slice %arg7[%dma_start3A_288, %dma_start3A_289, %dma_start3A_290, %dma_start3A_297] : memref<3x2x6x128xi32, #tpu.memory_space<vmem>> -> memref<1x1x1x128xi32, #tpu.memory_space<vmem>>
      %dma_start3A_299 = tpu.memref_squeeze %dma_start3A_298 : memref<1x1x1x128xi32, #tpu.memory_space<vmem>> -> memref<128xi32, #tpu.memory_space<vmem>>
      %dma_start3A_300 = arith.constant 0 : i32
      %dma_start3A_301 = arith.constant 0 : i32
      %dma_start3A_302 = tpu.memref_slice %arg2[%dma_start3A_300, %dma_start3A_301] : memref<100096x16xf32, #tpu.memory_space<hbm>> -> memref<100096x16xf32, #tpu.memory_space<hbm>>
      tpu.enqueue_indirect_dma source(%dma_start3A_302 : memref<100096x16xf32, #tpu.memory_space<hbm>>) target(%dma_start3A_296 : memref<128x16xf32, #tpu.memory_space<vmem>>) offsets(%dma_start3A_299 : memref<128xi32, #tpu.memory_space<vmem>>) semaphore(%arg9 : memref<!tpu.dma_semaphore, #tpu.memory_space<semaphore_mem>>)
      %dma_wait3A_303 = arith.constant 0 : i32
      %dma_wait3A_304 = arith.constant 0 : i32
      %dma_wait3A_305 = arith.constant 0 : i32
      %dma_wait3A_306 = arith.constant 0 : i32
      %dma_wait3A_307 = arith.constant 0 : i32
      %dma_wait3A_308 = arith.constant 0 : i32
      %dma_wait3A_309 = arith.constant 0 : i32
      %dma_wait3A_310 = tpu.memref_slice %arg8[%dma_wait3A_306, %dma_wait3A_307, %dma_wait3A_308, %dma_wait3A_309] : memref<2x6x128x16xf32, #tpu.memory_space<vmem>> -> memref<1x1x128x16xf32, #tpu.memory_space<vmem>>
      %dma_wait3A_311 = tpu.memref_squeeze %dma_wait3A_310 : memref<1x1x128x16xf32, #tpu.memory_space<vmem>> -> memref<128x16xf32, #tpu.memory_space<vmem>>
      %dma_wait3A_312 = arith.constant 0 : i32
      %dma_wait3A_313 = tpu.memref_slice %arg7[%dma_wait3A_303, %dma_wait3A_304, %dma_wait3A_305, %dma_wait3A_312] : memref<3x2x6x128xi32, #tpu.memory_space<vmem>> -> memref<1x1x1x128xi32, #tpu.memory_space<vmem>>
      %dma_wait3A_314 = tpu.memref_squeeze %dma_wait3A_313 : memref<1x1x1x128xi32, #tpu.memory_space<vmem>> -> memref<128xi32, #tpu.memory_space<vmem>>
      %dma_wait3A_315 = arith.constant 0 : i32
      %dma_wait3A_316 = arith.constant 0 : i32
      %dma_wait3A_317 = tpu.memref_slice %arg2[%dma_wait3A_315, %dma_wait3A_316] : memref<100096x16xf32, #tpu.memory_space<hbm>> -> memref<100096x16xf32, #tpu.memory_space<hbm>>
      tpu.wait_indirect_dma semaphore(%arg9 : memref<!tpu.dma_semaphore, #tpu.memory_space<semaphore_mem>>) src(%dma_wait3A_317 : memref<100096x16xf32, #tpu.memory_space<hbm>>) dst(%dma_wait3A_311 : memref<128x16xf32, #tpu.memory_space<vmem>>)
      %dma_wait3A_318 = arith.constant 0 : i32
      %dma_wait3A_319 = arith.constant 0 : i32
      %dma_wait3A_320 = arith.constant 1 : i32
      %dma_wait3A_321 = arith.constant 0 : i32
      %dma_wait3A_322 = arith.constant 1 : i32
      %dma_wait3A_323 = arith.constant 0 : i32
      %dma_wait3A_324 = arith.constant 0 : i32
      %dma_wait3A_325 = tpu.memref_slice %arg8[%dma_wait3A_321, %dma_wait3A_322, %dma_wait3A_323, %dma_wait3A_324] : memref<2x6x128x16xf32, #tpu.memory_space<vmem>> -> memref<1x1x128x16xf32, #tpu.memory_space<vmem>>
      %dma_wait3A_326 = tpu.memref_squeeze %dma_wait3A_325 : memref<1x1x128x16xf32, #tpu.memory_space<vmem>> -> memref<128x16xf32, #tpu.memory_space<vmem>>
      %dma_wait3A_327 = arith.constant 0 : i32
      %dma_wait3A_328 = tpu.memref_slice %arg7[%dma_wait3A_318, %dma_wait3A_319, %dma_wait3A_320, %dma_wait3A_327] : memref<3x2x6x128xi32, #tpu.memory_space<vmem>> -> memref<1x1x1x128xi32, #tpu.memory_space<vmem>>
      %dma_wait3A_329 = tpu.memref_squeeze %dma_wait3A_328 : memref<1x1x1x128xi32, #tpu.memory_space<vmem>> -> memref<128xi32, #tpu.memory_space<vmem>>
      %dma_wait3A_330 = arith.constant 0 : i32
      %dma_wait3A_331 = arith.constant 0 : i32
      %dma_wait3A_332 = tpu.memref_slice %arg2[%dma_wait3A_330, %dma_wait3A_331] : memref<100096x16xf32, #tpu.memory_space<hbm>> -> memref<100096x16xf32, #tpu.memory_space<hbm>>
      tpu.wait_indirect_dma semaphore(%arg9 : memref<!tpu.dma_semaphore, #tpu.memory_space<semaphore_mem>>) src(%dma_wait3A_332 : memref<100096x16xf32, #tpu.memory_space<hbm>>) dst(%dma_wait3A_326 : memref<128x16xf32, #tpu.memory_space<vmem>>)
      %dma_wait3A_333 = arith.constant 0 : i32
      %dma_wait3A_334 = arith.constant 0 : i32
      %dma_wait3A_335 = arith.constant 2 : i32
      %dma_wait3A_336 = arith.constant 0 : i32
      %dma_wait3A_337 = arith.constant 2 : i32
      %dma_wait3A_338 = arith.constant 0 : i32
      %dma_wait3A_339 = arith.constant 0 : i32
      %dma_wait3A_340 = tpu.memref_slice %arg8[%dma_wait3A_336, %dma_wait3A_337, %dma_wait3A_338, %dma_wait3A_339] : memref<2x6x128x16xf32, #tpu.memory_space<vmem>> -> memref<1x1x128x16xf32, #tpu.memory_space<vmem>>
      %dma_wait3A_341 = tpu.memref_squeeze %dma_wait3A_340 : memref<1x1x128x16xf32, #tpu.memory_space<vmem>> -> memref<128x16xf32, #tpu.memory_space<vmem>>
      %dma_wait3A_342 = arith.constant 0 : i32
      %dma_wait3A_343 = tpu.memref_slice %arg7[%dma_wait3A_333, %dma_wait3A_334, %dma_wait3A_335, %dma_wait3A_342] : memref<3x2x6x128xi32, #tpu.memory_space<vmem>> -> memref<1x1x1x128xi32, #tpu.memory_space<vmem>>
      %dma_wait3A_344 = tpu.memref_squeeze %dma_wait3A_343 : memref<1x1x1x128xi32, #tpu.memory_space<vmem>> -> memref<128xi32, #tpu.memory_space<vmem>>
      %dma_wait3A_345 = arith.constant 0 : i32
      %dma_wait3A_346 = arith.constant 0 : i32
      %dma_wait3A_347 = tpu.memref_slice %arg2[%dma_wait3A_345, %dma_wait3A_346] : memref<100096x16xf32, #tpu.memory_space<hbm>> -> memref<100096x16xf32, #tpu.memory_space<hbm>>
      tpu.wait_indirect_dma semaphore(%arg9 : memref<!tpu.dma_semaphore, #tpu.memory_space<semaphore_mem>>) src(%dma_wait3A_347 : memref<100096x16xf32, #tpu.memory_space<hbm>>) dst(%dma_wait3A_341 : memref<128x16xf32, #tpu.memory_space<vmem>>)
      %dma_wait3A_348 = arith.constant 0 : i32
      %dma_wait3A_349 = arith.constant 0 : i32
      %dma_wait3A_350 = arith.constant 3 : i32
      %dma_wait3A_351 = arith.constant 0 : i32
      %dma_wait3A_352 = arith.constant 3 : i32
      %dma_wait3A_353 = arith.constant 0 : i32
      %dma_wait3A_354 = arith.constant 0 : i32
      %dma_wait3A_355 = tpu.memref_slice %arg8[%dma_wait3A_351, %dma_wait3A_352, %dma_wait3A_353, %dma_wait3A_354] : memref<2x6x128x16xf32, #tpu.memory_space<vmem>> -> memref<1x1x128x16xf32, #tpu.memory_space<vmem>>
      %dma_wait3A_356 = tpu.memref_squeeze %dma_wait3A_355 : memref<1x1x128x16xf32, #tpu.memory_space<vmem>> -> memref<128x16xf32, #tpu.memory_space<vmem>>
      %dma_wait3A_357 = arith.constant 0 : i32
      %dma_wait3A_358 = tpu.memref_slice %arg7[%dma_wait3A_348, %dma_wait3A_349, %dma_wait3A_350, %dma_wait3A_357] : memref<3x2x6x128xi32, #tpu.memory_space<vmem>> -> memref<1x1x1x128xi32, #tpu.memory_space<vmem>>
      %dma_wait3A_359 = tpu.memref_squeeze %dma_wait3A_358 : memref<1x1x1x128xi32, #tpu.memory_space<vmem>> -> memref<128xi32, #tpu.memory_space<vmem>>
      %dma_wait3A_360 = arith.constant 0 : i32
      %dma_wait3A_361 = arith.constant 0 : i32
      %dma_wait3A_362 = tpu.memref_slice %arg2[%dma_wait3A_360, %dma_wait3A_361] : memref<100096x16xf32, #tpu.memory_space<hbm>> -> memref<100096x16xf32, #tpu.memory_space<hbm>>
      tpu.wait_indirect_dma semaphore(%arg9 : memref<!tpu.dma_semaphore, #tpu.memory_space<semaphore_mem>>) src(%dma_wait3A_362 : memref<100096x16xf32, #tpu.memory_space<hbm>>) dst(%dma_wait3A_356 : memref<128x16xf32, #tpu.memory_space<vmem>>)
      %dma_wait3A_363 = arith.constant 0 : i32
      %dma_wait3A_364 = arith.constant 0 : i32
      %dma_wait3A_365 = arith.constant 4 : i32
      %dma_wait3A_366 = arith.constant 0 : i32
      %dma_wait3A_367 = arith.constant 4 : i32
      %dma_wait3A_368 = arith.constant 0 : i32
      %dma_wait3A_369 = arith.constant 0 : i32
      %dma_wait3A_370 = tpu.memref_slice %arg8[%dma_wait3A_366, %dma_wait3A_367, %dma_wait3A_368, %dma_wait3A_369] : memref<2x6x128x16xf32, #tpu.memory_space<vmem>> -> memref<1x1x128x16xf32, #tpu.memory_space<vmem>>
      %dma_wait3A_371 = tpu.memref_squeeze %dma_wait3A_370 : memref<1x1x128x16xf32, #tpu.memory_space<vmem>> -> memref<128x16xf32, #tpu.memory_space<vmem>>
      %dma_wait3A_372 = arith.constant 0 : i32
      %dma_wait3A_373 = tpu.memref_slice %arg7[%dma_wait3A_363, %dma_wait3A_364, %dma_wait3A_365, %dma_wait3A_372] : memref<3x2x6x128xi32, #tpu.memory_space<vmem>> -> memref<1x1x1x128xi32, #tpu.memory_space<vmem>>
      %dma_wait3A_374 = tpu.memref_squeeze %dma_wait3A_373 : memref<1x1x1x128xi32, #tpu.memory_space<vmem>> -> memref<128xi32, #tpu.memory_space<vmem>>
      %dma_wait3A_375 = arith.constant 0 : i32
      %dma_wait3A_376 = arith.constant 0 : i32
      %dma_wait3A_377 = tpu.memref_slice %arg2[%dma_wait3A_375, %dma_wait3A_376] : memref<100096x16xf32, #tpu.memory_space<hbm>> -> memref<100096x16xf32, #tpu.memory_space<hbm>>
      tpu.wait_indirect_dma semaphore(%arg9 : memref<!tpu.dma_semaphore, #tpu.memory_space<semaphore_mem>>) src(%dma_wait3A_377 : memref<100096x16xf32, #tpu.memory_space<hbm>>) dst(%dma_wait3A_371 : memref<128x16xf32, #tpu.memory_space<vmem>>)
      %run_scoped3A_378 = arith.constant 0 : i32
      %run_scoped3A_379 = arith.constant 0 : i32
      %run_scoped3A_380 = arith.constant 0 : i32
      %run_scoped3A_381 = arith.constant 1 : i32
      %run_scoped3A_382 = arith.constant 0 : i32
      "tpu.region"() ({
        %run_scoped3A_403 = tpu.sem_alloc : memref<!tpu.dma_semaphore, #tpu.memory_space<semaphore_mem>>
        %dma_start3A_404 = arith.constant 0 : i32
        %dma_start3A_405 = arith.constant 0 : i32
        %dma_start3A_406 = tpu.memref_slice %arg8[%run_scoped3A_378, %run_scoped3A_379, %dma_start3A_404, %dma_start3A_405] : memref<2x6x128x16xf32, #tpu.memory_space<vmem>> -> memref<1x1x128x16xf32, #tpu.memory_space<vmem>>
        %dma_start3A_407 = tpu.memref_squeeze %dma_start3A_406 : memref<1x1x128x16xf32, #tpu.memory_space<vmem>> -> memref<128x16xf32, #tpu.memory_space<vmem>>
        %dma_start3A_408 = arith.constant 0 : i32
        %dma_start3A_409 = tpu.memref_slice %arg7[%run_scoped3A_380, %run_scoped3A_381, %run_scoped3A_382, %dma_start3A_408] : memref<3x2x6x128xi32, #tpu.memory_space<vmem>> -> memref<1x1x1x128xi32, #tpu.memory_space<vmem>>
        %dma_start3A_410 = tpu.memref_squeeze %dma_start3A_409 : memref<1x1x1x128xi32, #tpu.memory_space<vmem>> -> memref<128xi32, #tpu.memory_space<vmem>>
        %dma_start3A_411 = arith.constant 0 : i32
        %dma_start3A_412 = arith.constant 0 : i32
        %dma_start3A_413 = tpu.memref_slice %arg6[%dma_start3A_411, %dma_start3A_412] : memref<100096x16xf32, #tpu.memory_space<vmem_shared>> -> memref<100096x16xf32, #tpu.memory_space<vmem_shared>>
        tpu.enqueue_indirect_dma source(%dma_start3A_407 : memref<128x16xf32, #tpu.memory_space<vmem>>) target(%dma_start3A_413 : memref<100096x16xf32, #tpu.memory_space<vmem_shared>>) offsets(%dma_start3A_410 : memref<128xi32, #tpu.memory_space<vmem>>) semaphore(%run_scoped3A_403 : memref<!tpu.dma_semaphore, #tpu.memory_space<semaphore_mem>>) {add = true}
        %dma_wait3A_414 = arith.constant 0 : i32
        %dma_wait3A_415 = arith.constant 0 : i32
        %dma_wait3A_416 = tpu.memref_slice %arg8[%run_scoped3A_378, %run_scoped3A_379, %dma_wait3A_414, %dma_wait3A_415] : memref<2x6x128x16xf32, #tpu.memory_space<vmem>> -> memref<1x1x128x16xf32, #tpu.memory_space<vmem>>
        %dma_wait3A_417 = tpu.memref_squeeze %dma_wait3A_416 : memref<1x1x128x16xf32, #tpu.memory_space<vmem>> -> memref<128x16xf32, #tpu.memory_space<vmem>>
        %dma_wait3A_418 = arith.constant 0 : i32
        %dma_wait3A_419 = tpu.memref_slice %arg7[%run_scoped3A_380, %run_scoped3A_381, %run_scoped3A_382, %dma_wait3A_418] : memref<3x2x6x128xi32, #tpu.memory_space<vmem>> -> memref<1x1x1x128xi32, #tpu.memory_space<vmem>>
        %dma_wait3A_420 = tpu.memref_squeeze %dma_wait3A_419 : memref<1x1x1x128xi32, #tpu.memory_space<vmem>> -> memref<128xi32, #tpu.memory_space<vmem>>
        %dma_wait3A_421 = arith.constant 0 : i32
        %dma_wait3A_422 = arith.constant 0 : i32
        %dma_wait3A_423 = tpu.memref_slice %arg6[%dma_wait3A_421, %dma_wait3A_422] : memref<100096x16xf32, #tpu.memory_space<vmem_shared>> -> memref<100096x16xf32, #tpu.memory_space<vmem_shared>>
        tpu.wait_indirect_dma semaphore(%run_scoped3A_403 : memref<!tpu.dma_semaphore, #tpu.memory_space<semaphore_mem>>) src(%dma_wait3A_417 : memref<128x16xf32, #tpu.memory_space<vmem>>) dst(%dma_wait3A_423 : memref<100096x16xf32, #tpu.memory_space<vmem_shared>>)
        tpu.yield
      }) : () -> ()
      %run_scoped3A_383 = arith.constant 0 : i32
      %run_scoped3A_384 = arith.constant 1 : i32
      %run_scoped3A_385 = arith.constant 0 : i32
      %run_scoped3A_386 = arith.constant 1 : i32
      %run_scoped3A_387 = arith.constant 1 : i32
      "tpu.region"() ({
        %run_scoped3A_403 = tpu.sem_alloc : memref<!tpu.dma_semaphore, #tpu.memory_space<semaphore_mem>>
        %dma_start3A_404 = arith.constant 0 : i32
        %dma_start3A_405 = arith.constant 0 : i32
        %dma_start3A_406 = tpu.memref_slice %arg8[%run_scoped3A_383, %run_scoped3A_384, %dma_start3A_404, %dma_start3A_405] : memref<2x6x128x16xf32, #tpu.memory_space<vmem>> -> memref<1x1x128x16xf32, #tpu.memory_space<vmem>>
        %dma_start3A_407 = tpu.memref_squeeze %dma_start3A_406 : memref<1x1x128x16xf32, #tpu.memory_space<vmem>> -> memref<128x16xf32, #tpu.memory_space<vmem>>
        %dma_start3A_408 = arith.constant 0 : i32
        %dma_start3A_409 = tpu.memref_slice %arg7[%run_scoped3A_385, %run_scoped3A_386, %run_scoped3A_387, %dma_start3A_408] : memref<3x2x6x128xi32, #tpu.memory_space<vmem>> -> memref<1x1x1x128xi32, #tpu.memory_space<vmem>>
        %dma_start3A_410 = tpu.memref_squeeze %dma_start3A_409 : memref<1x1x1x128xi32, #tpu.memory_space<vmem>> -> memref<128xi32, #tpu.memory_space<vmem>>
        %dma_start3A_411 = arith.constant 0 : i32
        %dma_start3A_412 = arith.constant 0 : i32
        %dma_start3A_413 = tpu.memref_slice %arg6[%dma_start3A_411, %dma_start3A_412] : memref<100096x16xf32, #tpu.memory_space<vmem_shared>> -> memref<100096x16xf32, #tpu.memory_space<vmem_shared>>
        tpu.enqueue_indirect_dma source(%dma_start3A_407 : memref<128x16xf32, #tpu.memory_space<vmem>>) target(%dma_start3A_413 : memref<100096x16xf32, #tpu.memory_space<vmem_shared>>) offsets(%dma_start3A_410 : memref<128xi32, #tpu.memory_space<vmem>>) semaphore(%run_scoped3A_403 : memref<!tpu.dma_semaphore, #tpu.memory_space<semaphore_mem>>) {add = true}
        %dma_wait3A_414 = arith.constant 0 : i32
        %dma_wait3A_415 = arith.constant 0 : i32
        %dma_wait3A_416 = tpu.memref_slice %arg8[%run_scoped3A_383, %run_scoped3A_384, %dma_wait3A_414, %dma_wait3A_415] : memref<2x6x128x16xf32, #tpu.memory_space<vmem>> -> memref<1x1x128x16xf32, #tpu.memory_space<vmem>>
        %dma_wait3A_417 = tpu.memref_squeeze %dma_wait3A_416 : memref<1x1x128x16xf32, #tpu.memory_space<vmem>> -> memref<128x16xf32, #tpu.memory_space<vmem>>
        %dma_wait3A_418 = arith.constant 0 : i32
        %dma_wait3A_419 = tpu.memref_slice %arg7[%run_scoped3A_385, %run_scoped3A_386, %run_scoped3A_387, %dma_wait3A_418] : memref<3x2x6x128xi32, #tpu.memory_space<vmem>> -> memref<1x1x1x128xi32, #tpu.memory_space<vmem>>
        %dma_wait3A_420 = tpu.memref_squeeze %dma_wait3A_419 : memref<1x1x1x128xi32, #tpu.memory_space<vmem>> -> memref<128xi32, #tpu.memory_space<vmem>>
        %dma_wait3A_421 = arith.constant 0 : i32
        %dma_wait3A_422 = arith.constant 0 : i32
        %dma_wait3A_423 = tpu.memref_slice %arg6[%dma_wait3A_421, %dma_wait3A_422] : memref<100096x16xf32, #tpu.memory_space<vmem_shared>> -> memref<100096x16xf32, #tpu.memory_space<vmem_shared>>
        tpu.wait_indirect_dma semaphore(%run_scoped3A_403 : memref<!tpu.dma_semaphore, #tpu.memory_space<semaphore_mem>>) src(%dma_wait3A_417 : memref<128x16xf32, #tpu.memory_space<vmem>>) dst(%dma_wait3A_423 : memref<100096x16xf32, #tpu.memory_space<vmem_shared>>)
        tpu.yield
      }) : () -> ()
      %run_scoped3A_388 = arith.constant 0 : i32
      %run_scoped3A_389 = arith.constant 2 : i32
      %run_scoped3A_390 = arith.constant 0 : i32
      %run_scoped3A_391 = arith.constant 1 : i32
      %run_scoped3A_392 = arith.constant 2 : i32
      "tpu.region"() ({
        %run_scoped3A_403 = tpu.sem_alloc : memref<!tpu.dma_semaphore, #tpu.memory_space<semaphore_mem>>
        %dma_start3A_404 = arith.constant 0 : i32
        %dma_start3A_405 = arith.constant 0 : i32
        %dma_start3A_406 = tpu.memref_slice %arg8[%run_scoped3A_388, %run_scoped3A_389, %dma_start3A_404, %dma_start3A_405] : memref<2x6x128x16xf32, #tpu.memory_space<vmem>> -> memref<1x1x128x16xf32, #tpu.memory_space<vmem>>
        %dma_start3A_407 = tpu.memref_squeeze %dma_start3A_406 : memref<1x1x128x16xf32, #tpu.memory_space<vmem>> -> memref<128x16xf32, #tpu.memory_space<vmem>>
        %dma_start3A_408 = arith.constant 0 : i32
        %dma_start3A_409 = tpu.memref_slice %arg7[%run_scoped3A_390, %run_scoped3A_391, %run_scoped3A_392, %dma_start3A_408] : memref<3x2x6x128xi32, #tpu.memory_space<vmem>> -> memref<1x1x1x128xi32, #tpu.memory_space<vmem>>
        %dma_start3A_410 = tpu.memref_squeeze %dma_start3A_409 : memref<1x1x1x128xi32, #tpu.memory_space<vmem>> -> memref<128xi32, #tpu.memory_space<vmem>>
        %dma_start3A_411 = arith.constant 0 : i32
        %dma_start3A_412 = arith.constant 0 : i32
        %dma_start3A_413 = tpu.memref_slice %arg6[%dma_start3A_411, %dma_start3A_412] : memref<100096x16xf32, #tpu.memory_space<vmem_shared>> -> memref<100096x16xf32, #tpu.memory_space<vmem_shared>>
        tpu.enqueue_indirect_dma source(%dma_start3A_407 : memref<128x16xf32, #tpu.memory_space<vmem>>) target(%dma_start3A_413 : memref<100096x16xf32, #tpu.memory_space<vmem_shared>>) offsets(%dma_start3A_410 : memref<128xi32, #tpu.memory_space<vmem>>) semaphore(%run_scoped3A_403 : memref<!tpu.dma_semaphore, #tpu.memory_space<semaphore_mem>>) {add = true}
        %dma_wait3A_414 = arith.constant 0 : i32
        %dma_wait3A_415 = arith.constant 0 : i32
        %dma_wait3A_416 = tpu.memref_slice %arg8[%run_scoped3A_388, %run_scoped3A_389, %dma_wait3A_414, %dma_wait3A_415] : memref<2x6x128x16xf32, #tpu.memory_space<vmem>> -> memref<1x1x128x16xf32, #tpu.memory_space<vmem>>
        %dma_wait3A_417 = tpu.memref_squeeze %dma_wait3A_416 : memref<1x1x128x16xf32, #tpu.memory_space<vmem>> -> memref<128x16xf32, #tpu.memory_space<vmem>>
        %dma_wait3A_418 = arith.constant 0 : i32
        %dma_wait3A_419 = tpu.memref_slice %arg7[%run_scoped3A_390, %run_scoped3A_391, %run_scoped3A_392, %dma_wait3A_418] : memref<3x2x6x128xi32, #tpu.memory_space<vmem>> -> memref<1x1x1x128xi32, #tpu.memory_space<vmem>>
        %dma_wait3A_420 = tpu.memref_squeeze %dma_wait3A_419 : memref<1x1x1x128xi32, #tpu.memory_space<vmem>> -> memref<128xi32, #tpu.memory_space<vmem>>
        %dma_wait3A_421 = arith.constant 0 : i32
        %dma_wait3A_422 = arith.constant 0 : i32
        %dma_wait3A_423 = tpu.memref_slice %arg6[%dma_wait3A_421, %dma_wait3A_422] : memref<100096x16xf32, #tpu.memory_space<vmem_shared>> -> memref<100096x16xf32, #tpu.memory_space<vmem_shared>>
        tpu.wait_indirect_dma semaphore(%run_scoped3A_403 : memref<!tpu.dma_semaphore, #tpu.memory_space<semaphore_mem>>) src(%dma_wait3A_417 : memref<128x16xf32, #tpu.memory_space<vmem>>) dst(%dma_wait3A_423 : memref<100096x16xf32, #tpu.memory_space<vmem_shared>>)
        tpu.yield
      }) : () -> ()
      %run_scoped3A_393 = arith.constant 0 : i32
      %run_scoped3A_394 = arith.constant 3 : i32
      %run_scoped3A_395 = arith.constant 0 : i32
      %run_scoped3A_396 = arith.constant 1 : i32
      %run_scoped3A_397 = arith.constant 3 : i32
      "tpu.region"() ({
        %run_scoped3A_403 = tpu.sem_alloc : memref<!tpu.dma_semaphore, #tpu.memory_space<semaphore_mem>>
        %dma_start3A_404 = arith.constant 0 : i32
        %dma_start3A_405 = arith.constant 0 : i32
        %dma_start3A_406 = tpu.memref_slice %arg8[%run_scoped3A_393, %run_scoped3A_394, %dma_start3A_404, %dma_start3A_405] : memref<2x6x128x16xf32, #tpu.memory_space<vmem>> -> memref<1x1x128x16xf32, #tpu.memory_space<vmem>>
        %dma_start3A_407 = tpu.memref_squeeze %dma_start3A_406 : memref<1x1x128x16xf32, #tpu.memory_space<vmem>> -> memref<128x16xf32, #tpu.memory_space<vmem>>
        %dma_start3A_408 = arith.constant 0 : i32
        %dma_start3A_409 = tpu.memref_slice %arg7[%run_scoped3A_395, %run_scoped3A_396, %run_scoped3A_397, %dma_start3A_408] : memref<3x2x6x128xi32, #tpu.memory_space<vmem>> -> memref<1x1x1x128xi32, #tpu.memory_space<vmem>>
        %dma_start3A_410 = tpu.memref_squeeze %dma_start3A_409 : memref<1x1x1x128xi32, #tpu.memory_space<vmem>> -> memref<128xi32, #tpu.memory_space<vmem>>
        %dma_start3A_411 = arith.constant 0 : i32
        %dma_start3A_412 = arith.constant 0 : i32
        %dma_start3A_413 = tpu.memref_slice %arg6[%dma_start3A_411, %dma_start3A_412] : memref<100096x16xf32, #tpu.memory_space<vmem_shared>> -> memref<100096x16xf32, #tpu.memory_space<vmem_shared>>
        tpu.enqueue_indirect_dma source(%dma_start3A_407 : memref<128x16xf32, #tpu.memory_space<vmem>>) target(%dma_start3A_413 : memref<100096x16xf32, #tpu.memory_space<vmem_shared>>) offsets(%dma_start3A_410 : memref<128xi32, #tpu.memory_space<vmem>>) semaphore(%run_scoped3A_403 : memref<!tpu.dma_semaphore, #tpu.memory_space<semaphore_mem>>) {add = true}
        %dma_wait3A_414 = arith.constant 0 : i32
        %dma_wait3A_415 = arith.constant 0 : i32
        %dma_wait3A_416 = tpu.memref_slice %arg8[%run_scoped3A_393, %run_scoped3A_394, %dma_wait3A_414, %dma_wait3A_415] : memref<2x6x128x16xf32, #tpu.memory_space<vmem>> -> memref<1x1x128x16xf32, #tpu.memory_space<vmem>>
        %dma_wait3A_417 = tpu.memref_squeeze %dma_wait3A_416 : memref<1x1x128x16xf32, #tpu.memory_space<vmem>> -> memref<128x16xf32, #tpu.memory_space<vmem>>
        %dma_wait3A_418 = arith.constant 0 : i32
        %dma_wait3A_419 = tpu.memref_slice %arg7[%run_scoped3A_395, %run_scoped3A_396, %run_scoped3A_397, %dma_wait3A_418] : memref<3x2x6x128xi32, #tpu.memory_space<vmem>> -> memref<1x1x1x128xi32, #tpu.memory_space<vmem>>
        %dma_wait3A_420 = tpu.memref_squeeze %dma_wait3A_419 : memref<1x1x1x128xi32, #tpu.memory_space<vmem>> -> memref<128xi32, #tpu.memory_space<vmem>>
        %dma_wait3A_421 = arith.constant 0 : i32
        %dma_wait3A_422 = arith.constant 0 : i32
        %dma_wait3A_423 = tpu.memref_slice %arg6[%dma_wait3A_421, %dma_wait3A_422] : memref<100096x16xf32, #tpu.memory_space<vmem_shared>> -> memref<100096x16xf32, #tpu.memory_space<vmem_shared>>
        tpu.wait_indirect_dma semaphore(%run_scoped3A_403 : memref<!tpu.dma_semaphore, #tpu.memory_space<semaphore_mem>>) src(%dma_wait3A_417 : memref<128x16xf32, #tpu.memory_space<vmem>>) dst(%dma_wait3A_423 : memref<100096x16xf32, #tpu.memory_space<vmem_shared>>)
        tpu.yield
      }) : () -> ()
      %run_scoped3A_398 = arith.constant 0 : i32
      %run_scoped3A_399 = arith.constant 4 : i32
      %run_scoped3A_400 = arith.constant 0 : i32
      %run_scoped3A_401 = arith.constant 1 : i32
      %run_scoped3A_402 = arith.constant 4 : i32
      "tpu.region"() ({
        %run_scoped3A_403 = tpu.sem_alloc : memref<!tpu.dma_semaphore, #tpu.memory_space<semaphore_mem>>
        %dma_start3A_404 = arith.constant 0 : i32
        %dma_start3A_405 = arith.constant 0 : i32
        %dma_start3A_406 = tpu.memref_slice %arg8[%run_scoped3A_398, %run_scoped3A_399, %dma_start3A_404, %dma_start3A_405] : memref<2x6x128x16xf32, #tpu.memory_space<vmem>> -> memref<1x1x128x16xf32, #tpu.memory_space<vmem>>
        %dma_start3A_407 = tpu.memref_squeeze %dma_start3A_406 : memref<1x1x128x16xf32, #tpu.memory_space<vmem>> -> memref<128x16xf32, #tpu.memory_space<vmem>>
        %dma_start3A_408 = arith.constant 0 : i32
        %dma_start3A_409 = tpu.memref_slice %arg7[%run_scoped3A_400, %run_scoped3A_401, %run_scoped3A_402, %dma_start3A_408] : memref<3x2x6x128xi32, #tpu.memory_space<vmem>> -> memref<1x1x1x128xi32, #tpu.memory_space<vmem>>
        %dma_start3A_410 = tpu.memref_squeeze %dma_start3A_409 : memref<1x1x1x128xi32, #tpu.memory_space<vmem>> -> memref<128xi32, #tpu.memory_space<vmem>>
        %dma_start3A_411 = arith.constant 0 : i32
        %dma_start3A_412 = arith.constant 0 : i32
        %dma_start3A_413 = tpu.memref_slice %arg6[%dma_start3A_411, %dma_start3A_412] : memref<100096x16xf32, #tpu.memory_space<vmem_shared>> -> memref<100096x16xf32, #tpu.memory_space<vmem_shared>>
        tpu.enqueue_indirect_dma source(%dma_start3A_407 : memref<128x16xf32, #tpu.memory_space<vmem>>) target(%dma_start3A_413 : memref<100096x16xf32, #tpu.memory_space<vmem_shared>>) offsets(%dma_start3A_410 : memref<128xi32, #tpu.memory_space<vmem>>) semaphore(%run_scoped3A_403 : memref<!tpu.dma_semaphore, #tpu.memory_space<semaphore_mem>>) {add = true}
        %dma_wait3A_414 = arith.constant 0 : i32
        %dma_wait3A_415 = arith.constant 0 : i32
        %dma_wait3A_416 = tpu.memref_slice %arg8[%run_scoped3A_398, %run_scoped3A_399, %dma_wait3A_414, %dma_wait3A_415] : memref<2x6x128x16xf32, #tpu.memory_space<vmem>> -> memref<1x1x128x16xf32, #tpu.memory_space<vmem>>
        %dma_wait3A_417 = tpu.memref_squeeze %dma_wait3A_416 : memref<1x1x128x16xf32, #tpu.memory_space<vmem>> -> memref<128x16xf32, #tpu.memory_space<vmem>>
        %dma_wait3A_418 = arith.constant 0 : i32
        %dma_wait3A_419 = tpu.memref_slice %arg7[%run_scoped3A_400, %run_scoped3A_401, %run_scoped3A_402, %dma_wait3A_418] : memref<3x2x6x128xi32, #tpu.memory_space<vmem>> -> memref<1x1x1x128xi32, #tpu.memory_space<vmem>>
        %dma_wait3A_420 = tpu.memref_squeeze %dma_wait3A_419 : memref<1x1x1x128xi32, #tpu.memory_space<vmem>> -> memref<128xi32, #tpu.memory_space<vmem>>
        %dma_wait3A_421 = arith.constant 0 : i32
        %dma_wait3A_422 = arith.constant 0 : i32
        %dma_wait3A_423 = tpu.memref_slice %arg6[%dma_wait3A_421, %dma_wait3A_422] : memref<100096x16xf32, #tpu.memory_space<vmem_shared>> -> memref<100096x16xf32, #tpu.memory_space<vmem_shared>>
        tpu.wait_indirect_dma semaphore(%run_scoped3A_403 : memref<!tpu.dma_semaphore, #tpu.memory_space<semaphore_mem>>) src(%dma_wait3A_417 : memref<128x16xf32, #tpu.memory_space<vmem>>) dst(%dma_wait3A_423 : memref<100096x16xf32, #tpu.memory_space<vmem_shared>>)
        tpu.yield
      }) : () -> ()
    } else {
    }
    %barrier3A_221 = arith.constant 0 : index
    tpu.barrier barrier_id(%barrier3A_221)
    %mul3A_222 = arith.constant 6256 : i32
    %mul3A_223 = arith.muli %arg1, %mul3A_222 : i32
    "tpu.region"() ({
      %run_scoped3A = tpu.sem_alloc : memref<!tpu.dma_semaphore, #tpu.memory_space<semaphore_mem>>
      %dma_start3A_224 = arith.constant 0 : i32
      %dma_start3A_225 = arith.constant 0 : i32
      %dma_start3A_226 = tpu.memref_slice %arg5[%arg0, %arg1, %dma_start3A_224, %dma_start3A_225] : memref<2x16x6256x16xf32, #tpu.memory_space<hbm>> -> memref<1x1x6256x16xf32, #tpu.memory_space<hbm>>
      %dma_start3A_227 = tpu.memref_squeeze %dma_start3A_226 : memref<1x1x6256x16xf32, #tpu.memory_space<hbm>> -> memref<6256x16xf32, #tpu.memory_space<hbm>>
      %dma_start3A_228 = arith.constant 0 : i32
      %dma_start3A_229 = tpu.memref_slice %arg6[%mul3A_223, %dma_start3A_228] : memref<100096x16xf32, #tpu.memory_space<vmem_shared>> -> memref<6256x16xf32, #tpu.memory_space<vmem_shared>>
      tpu.enqueue_dma source(%dma_start3A_229 : memref<6256x16xf32, #tpu.memory_space<vmem_shared>>) target(%dma_start3A_227 : memref<6256x16xf32, #tpu.memory_space<hbm>>) target_semaphore(%run_scoped3A : memref<!tpu.dma_semaphore, #tpu.memory_space<semaphore_mem>>)
      %dma_wait3A_230 = arith.constant 0 : i32
      %dma_wait3A_231 = arith.constant 0 : i32
      %dma_wait3A_232 = tpu.memref_slice %arg5[%arg0, %arg1, %dma_wait3A_230, %dma_wait3A_231] : memref<2x16x6256x16xf32, #tpu.memory_space<hbm>> -> memref<1x1x6256x16xf32, #tpu.memory_space<hbm>>
      %dma_wait3A_233 = tpu.memref_squeeze %dma_wait3A_232 : memref<1x1x6256x16xf32, #tpu.memory_space<hbm>> -> memref<6256x16xf32, #tpu.memory_space<hbm>>
      %dma_wait3A_234 = arith.constant 0 : i32
      %dma_wait3A_235 = tpu.memref_slice %arg6[%mul3A_223, %dma_wait3A_234] : memref<100096x16xf32, #tpu.memory_space<vmem_shared>> -> memref<6256x16xf32, #tpu.memory_space<vmem_shared>>
      tpu.wait_dma2 semaphore(%run_scoped3A : memref<!tpu.dma_semaphore, #tpu.memory_space<semaphore_mem>>) src(%dma_wait3A_235 : memref<6256x16xf32, #tpu.memory_space<vmem_shared>>) dst(%dma_wait3A_233 : memref<6256x16xf32, #tpu.memory_space<hbm>>)
      tpu.yield
    }) : () -> ()
    return
  }
}

module attributes {stable_mosaic.version = 14 : i64} {
  func.func @_norm_body(%arg0: i32, %arg1: memref<2x3128x128xf32, #tpu.memory_space<vmem>>, %arg2: memref<128x128xf32, #tpu.memory_space<vmem>>, %arg3: memref<3128x128xf32, #tpu.memory_space<vmem>>) attributes {dimension_semantics = [#tpu.dimension_semantics<arbitrary>], iteration_bounds = array<i64: 4>, scalar_prefetch = 0 : i64, scratch_operands = 0 : i64, tpu.core_type = #tpu.core_type<tc>, window_params = [{transform_indices = @transform_0, window_bounds = array<i64: 2, 3128, 128>}, {pipeline_mode = #tpu.pipeline_mode<synchronous>, transform_indices = @transform_1, window_bounds = array<i64: 128, 128>}, {transform_indices = @transform_2, window_bounds = array<i64: 3128, 128>}]} {
    %get3A = arith.constant 0 : index
    %get3A_0 = arith.constant 0 : index
    %get3A_1 = arith.constant 0 : index
    %get3A_2 = vector.load %arg1[%get3A, %get3A_0, %get3A_1] : memref<2x3128x128xf32, #tpu.memory_space<vmem>>, vector<1x3128x128xf32>
    %get3A_3 = vector.shape_cast %get3A_2 : vector<1x3128x128xf32> to vector<3128x128xf32>
    %get3A_4 = arith.constant 1 : index
    %get3A_5 = arith.constant 0 : index
    %get3A_6 = arith.constant 0 : index
    %get3A_7 = vector.load %arg1[%get3A_4, %get3A_5, %get3A_6] : memref<2x3128x128xf32, #tpu.memory_space<vmem>>, vector<1x3128x128xf32>
    %get3A_8 = vector.shape_cast %get3A_7 : vector<1x3128x128xf32> to vector<3128x128xf32>
    %add3A = arith.addf %get3A_3, %get3A_8 : vector<3128x128xf32>
    %get3A_9 = arith.constant 0 : index
    %get3A_10 = arith.constant 0 : index
    %get3A_11 = vector.load %arg2[%get3A_9, %get3A_10] : memref<128x128xf32, #tpu.memory_space<vmem>>, vector<128x128xf32>
    %dot_general3A = arith.constant dense<0.000000e+00> : vector<3128x128xf32>
    %dot_general3A_12 = tpu.matmul %add3A, %get3A_11, %dot_general3A {dimension_numbers = #tpu.dot_dimension_numbers<[1], [0], [0], [1], [0, 0, 1, 1], [], []>, transpose_lhs_hint = false} : vector<3128x128xf32>, vector<128x128xf32>, vector<3128x128xf32> -> vector<3128x128xf32>
    %max3A = arith.constant 1.000000e+00 : f32
    %max3A_13 = vector.broadcast %max3A : f32 to vector<3128x128xf32>
    %max3A_14 = arith.maximumf %dot_general3A_12, %max3A_13 : vector<3128x128xf32>
    %div3A = arith.divf %add3A, %max3A_14 : vector<3128x128xf32>
    %iota3A = tpu.iota {dimensions = array<i32: 1>} : vector<3128x128xi32>
    %rem3A = arith.constant 16 : i32
    %rem3A_15 = vector.broadcast %rem3A : i32 to vector<3128x128xi32>
    %rem3A_16 = arith.remsi %iota3A, %rem3A_15 : vector<3128x128xi32>
    %ge3A = arith.constant 1 : i32
    %ge3A_17 = vector.broadcast %ge3A : i32 to vector<3128x128xi32>
    %ge3A_18 = arith.cmpi sge, %rem3A_16, %ge3A_17 : vector<3128x128xi32>
    %le3A = arith.constant 9 : i32
    %le3A_19 = vector.broadcast %le3A : i32 to vector<3128x128xi32>
    %le3A_20 = arith.cmpi sle, %rem3A_16, %le3A_19 : vector<3128x128xi32>
    %and3A = arith.andi %ge3A_18, %le3A_20 : vector<3128x128xi1>
    %eq3A = arith.constant 10 : i32
    %eq3A_21 = vector.broadcast %eq3A : i32 to vector<3128x128xi32>
    %eq3A_22 = arith.cmpi eq, %rem3A_16, %eq3A_21 : vector<3128x128xi32>
    %jit3A = arith.constant 1.000000e+00 : f32
    %jit3A_23 = arith.constant 0.000000e+00 : f32
    %broadcast_in_dim3A = vector.broadcast %jit3A : f32 to vector<3128x128xf32>
    %broadcast_in_dim3A_24 = vector.broadcast %jit3A_23 : f32 to vector<3128x128xf32>
    %select_n3A = arith.select %eq3A_22, %broadcast_in_dim3A, %broadcast_in_dim3A_24 : vector<3128x128xi1>, vector<3128x128xf32>
    %select_n3A_25 = arith.select %and3A, %div3A, %select_n3A : vector<3128x128xi1>, vector<3128x128xf32>
    %swap3A = arith.constant 0 : index
    %swap3A_26 = arith.constant 0 : index
    %swap3A_27 = vector.load %arg3[%swap3A, %swap3A_26] : memref<3128x128xf32, #tpu.memory_space<vmem>>, vector<3128x128xf32>
    tpu.vector_store %arg3[%swap3A, %swap3A_26], %select_n3A_25 {strides = array<i32>} : memref<3128x128xf32, #tpu.memory_space<vmem>>, vector<3128x128xf32>,
    return
  }
  func.func @transform_0(%arg0: i32) -> (i32, i32, i32) {
    %c0_i32 = arith.constant 0 : i32
    %c0_i32_0 = arith.constant 0 : i32
    %c0_i32_1 = arith.constant 0 : i32
    return %c0_i32, %arg0, %c0_i32_0 : i32, i32, i32
  }
  func.func @transform_1(%arg0: i32) -> (i32, i32) {
    %c0_i32 = arith.constant 0 : i32
    %c0_i32_0 = arith.constant 0 : i32
    %c0_i32_1 = arith.constant 0 : i32
    return %c0_i32, %c0_i32_0 : i32, i32
  }
  func.func @transform_2(%arg0: i32) -> (i32, i32) {
    %c0_i32 = arith.constant 0 : i32
    %c0_i32_0 = arith.constant 0 : i32
    return %arg0, %c0_i32 : i32, i32
  }
}

module attributes {stable_mosaic.version = 14 : i64} {
  func.func @_mlp_body(%arg0: i32, %arg1: memref<3128x80xf32, #tpu.memory_space<vmem>>, %arg2: memref<2x3128x128xf32, #tpu.memory_space<vmem>>, %arg3: memref<128x128xf32, #tpu.memory_space<vmem>>, %arg4: memref<80x120xf32, #tpu.memory_space<vmem>>, %arg5: memref<128x120xf32, #tpu.memory_space<vmem>>, %arg6: memref<1x120xf32, #tpu.memory_space<vmem>>, %arg7: memref<120x80xf32, #tpu.memory_space<vmem>>, %arg8: memref<1x80xf32, #tpu.memory_space<vmem>>, %arg9: memref<80x40xf32, #tpu.memory_space<vmem>>, %arg10: memref<1x40xf32, #tpu.memory_space<vmem>>, %arg11: memref<40x80xf32, #tpu.memory_space<vmem>>, %arg12: memref<1x80xf32, #tpu.memory_space<vmem>>, %arg13: memref<80x120xf32, #tpu.memory_space<vmem>>, %arg14: memref<1x120xf32, #tpu.memory_space<vmem>>, %arg15: memref<120x160xf32, #tpu.memory_space<vmem>>, %arg16: memref<1x160xf32, #tpu.memory_space<vmem>>, %arg17: memref<3128x40xf32, #tpu.memory_space<vmem>>, %arg18: memref<3128x160xf32, #tpu.memory_space<vmem>>) attributes {dimension_semantics = [#tpu.dimension_semantics<arbitrary>], iteration_bounds = array<i64: 4>, scalar_prefetch = 0 : i64, scratch_operands = 0 : i64, tpu.core_type = #tpu.core_type<tc>, window_params = [{transform_indices = @transform_0, window_bounds = array<i64: 3128, 80>}, {transform_indices = @transform_1, window_bounds = array<i64: 2, 3128, 128>}, {pipeline_mode = #tpu.pipeline_mode<synchronous>, transform_indices = @transform_2, window_bounds = array<i64: 128, 128>}, {pipeline_mode = #tpu.pipeline_mode<synchronous>, transform_indices = @transform_3, window_bounds = array<i64: 80, 120>}, {pipeline_mode = #tpu.pipeline_mode<synchronous>, transform_indices = @transform_4, window_bounds = array<i64: 128, 120>}, {pipeline_mode = #tpu.pipeline_mode<synchronous>, transform_indices = @transform_5, window_bounds = array<i64: 1, 120>}, {pipeline_mode = #tpu.pipeline_mode<synchronous>, transform_indices = @transform_6, window_bounds = array<i64: 120, 80>}, {pipeline_mode = #tpu.pipeline_mode<synchronous>, transform_indices = @transform_7, window_bounds = array<i64: 1, 80>}, {pipeline_mode = #tpu.pipeline_mode<synchronous>, transform_indices = @transform_8, window_bounds = array<i64: 80, 40>}, {pipeline_mode = #tpu.pipeline_mode<synchronous>, transform_indices = @transform_9, window_bounds = array<i64: 1, 40>}, {pipeline_mode = #tpu.pipeline_mode<synchronous>, transform_indices = @transform_10, window_bounds = array<i64: 40, 80>}, {pipeline_mode = #tpu.pipeline_mode<synchronous>, transform_indices = @transform_11, window_bounds = array<i64: 1, 80>}, {pipeline_mode = #tpu.pipeline_mode<synchronous>, transform_indices = @transform_12, window_bounds = array<i64: 80, 120>}, {pipeline_mode = #tpu.pipeline_mode<synchronous>, transform_indices = @transform_13, window_bounds = array<i64: 1, 120>}, {pipeline_mode = #tpu.pipeline_mode<synchronous>, transform_indices = @transform_14, window_bounds = array<i64: 120, 160>}, {pipeline_mode = #tpu.pipeline_mode<synchronous>, transform_indices = @transform_15, window_bounds = array<i64: 1, 160>}, {transform_indices = @transform_16, window_bounds = array<i64: 3128, 40>}, {transform_indices = @transform_17, window_bounds = array<i64: 3128, 160>}]} {
    %get3A = arith.constant 0 : index
    %get3A_0 = arith.constant 0 : index
    %get3A_1 = arith.constant 0 : index
    %get3A_2 = vector.load %arg2[%get3A, %get3A_0, %get3A_1] : memref<2x3128x128xf32, #tpu.memory_space<vmem>>, vector<1x3128x128xf32>
    %get3A_3 = vector.shape_cast %get3A_2 : vector<1x3128x128xf32> to vector<3128x128xf32>
    %get3A_4 = arith.constant 1 : index
    %get3A_5 = arith.constant 0 : index
    %get3A_6 = arith.constant 0 : index
    %get3A_7 = vector.load %arg2[%get3A_4, %get3A_5, %get3A_6] : memref<2x3128x128xf32, #tpu.memory_space<vmem>>, vector<1x3128x128xf32>
    %get3A_8 = vector.shape_cast %get3A_7 : vector<1x3128x128xf32> to vector<3128x128xf32>
    %add3A = arith.addf %get3A_3, %get3A_8 : vector<3128x128xf32>
    %get3A_9 = arith.constant 0 : index
    %get3A_10 = arith.constant 0 : index
    %get3A_11 = vector.load %arg3[%get3A_9, %get3A_10] : memref<128x128xf32, #tpu.memory_space<vmem>>, vector<128x128xf32>
    %dot_general3A = arith.constant dense<0.000000e+00> : vector<3128x128xf32>
    %dot_general3A_12 = tpu.matmul %add3A, %get3A_11, %dot_general3A {dimension_numbers = #tpu.dot_dimension_numbers<[1], [0], [0], [1], [0, 0, 1, 1], [], []>, transpose_lhs_hint = false} : vector<3128x128xf32>, vector<128x128xf32>, vector<3128x128xf32> -> vector<3128x128xf32>
    %max3A = arith.constant 1.000000e+00 : f32
    %max3A_13 = vector.broadcast %max3A : f32 to vector<3128x128xf32>
    %max3A_14 = arith.maximumf %dot_general3A_12, %max3A_13 : vector<3128x128xf32>
    %div3A = arith.divf %add3A, %max3A_14 : vector<3128x128xf32>
    %get3A_15 = arith.constant 0 : index
    %get3A_16 = arith.constant 0 : index
    %get3A_17 = vector.load %arg1[%get3A_15, %get3A_16] : memref<3128x80xf32, #tpu.memory_space<vmem>>, vector<3128x80xf32>
    %get3A_18 = arith.constant 0 : index
    %get3A_19 = arith.constant 0 : index
    %get3A_20 = vector.load %arg4[%get3A_18, %get3A_19] : memref<80x120xf32, #tpu.memory_space<vmem>>, vector<80x120xf32>
    %dot_general3A_21 = arith.constant dense<0.000000e+00> : vector<3128x120xf32>
    %dot_general3A_22 = tpu.matmul %get3A_17, %get3A_20, %dot_general3A_21 {dimension_numbers = #tpu.dot_dimension_numbers<[1], [0], [0], [1], [0, 0, 1, 1], [], []>, transpose_lhs_hint = false} : vector<3128x80xf32>, vector<80x120xf32>, vector<3128x120xf32> -> vector<3128x120xf32>
    %get3A_23 = arith.constant 0 : index
    %get3A_24 = arith.constant 0 : index
    %get3A_25 = vector.load %arg5[%get3A_23, %get3A_24] : memref<128x120xf32, #tpu.memory_space<vmem>>, vector<128x120xf32>
    %dot_general3A_26 = arith.constant dense<0.000000e+00> : vector<3128x120xf32>
    %dot_general3A_27 = tpu.matmul %div3A, %get3A_25, %dot_general3A_26 {dimension_numbers = #tpu.dot_dimension_numbers<[1], [0], [0], [1], [0, 0, 1, 1], [], []>, transpose_lhs_hint = false} : vector<3128x128xf32>, vector<128x120xf32>, vector<3128x120xf32> -> vector<3128x120xf32>
    %add3A_28 = arith.addf %dot_general3A_22, %dot_general3A_27 : vector<3128x120xf32>
    %get3A_29 = arith.constant 0 : index
    %get3A_30 = arith.constant 0 : index
    %get3A_31 = vector.load %arg6[%get3A_29, %get3A_30] : memref<1x120xf32, #tpu.memory_space<vmem>>, vector<1x120xf32>
    %add3A_32 = vector.broadcast %get3A_31 : vector<1x120xf32> to vector<3128x120xf32>
    %add3A_33 = arith.addf %add3A_28, %add3A_32 : vector<3128x120xf32>
    %max3A_34 = arith.constant 0.000000e+00 : f32
    %max3A_35 = vector.broadcast %max3A_34 : f32 to vector<3128x120xf32>
    %max3A_36 = arith.maximumf %add3A_33, %max3A_35 : vector<3128x120xf32>
    %get3A_37 = arith.constant 0 : index
    %get3A_38 = arith.constant 0 : index
    %get3A_39 = vector.load %arg7[%get3A_37, %get3A_38] : memref<120x80xf32, #tpu.memory_space<vmem>>, vector<120x80xf32>
    %dot_general3A_40 = arith.constant dense<0.000000e+00> : vector<3128x80xf32>
    %dot_general3A_41 = tpu.matmul %max3A_36, %get3A_39, %dot_general3A_40 {dimension_numbers = #tpu.dot_dimension_numbers<[1], [0], [0], [1], [0, 0, 1, 1], [], []>, transpose_lhs_hint = false} : vector<3128x120xf32>, vector<120x80xf32>, vector<3128x80xf32> -> vector<3128x80xf32>
    %get3A_42 = arith.constant 0 : index
    %get3A_43 = arith.constant 0 : index
    %get3A_44 = vector.load %arg8[%get3A_42, %get3A_43] : memref<1x80xf32, #tpu.memory_space<vmem>>, vector<1x80xf32>
    %add3A_45 = vector.broadcast %get3A_44 : vector<1x80xf32> to vector<3128x80xf32>
    %add3A_46 = arith.addf %dot_general3A_41, %add3A_45 : vector<3128x80xf32>
    %max3A_47 = arith.constant 0.000000e+00 : f32
    %max3A_48 = vector.broadcast %max3A_47 : f32 to vector<3128x80xf32>
    %max3A_49 = arith.maximumf %add3A_46, %max3A_48 : vector<3128x80xf32>
    %get3A_50 = arith.constant 0 : index
    %get3A_51 = arith.constant 0 : index
    %get3A_52 = vector.load %arg9[%get3A_50, %get3A_51] : memref<80x40xf32, #tpu.memory_space<vmem>>, vector<80x40xf32>
    %dot_general3A_53 = arith.constant dense<0.000000e+00> : vector<3128x40xf32>
    %dot_general3A_54 = tpu.matmul %max3A_49, %get3A_52, %dot_general3A_53 {dimension_numbers = #tpu.dot_dimension_numbers<[1], [0], [0], [1], [0, 0, 1, 1], [], []>, transpose_lhs_hint = false} : vector<3128x80xf32>, vector<80x40xf32>, vector<3128x40xf32> -> vector<3128x40xf32>
    %get3A_55 = arith.constant 0 : index
    %get3A_56 = arith.constant 0 : index
    %get3A_57 = vector.load %arg10[%get3A_55, %get3A_56] : memref<1x40xf32, #tpu.memory_space<vmem>>, vector<1x40xf32>
    %add3A_58 = vector.broadcast %get3A_57 : vector<1x40xf32> to vector<3128x40xf32>
    %add3A_59 = arith.addf %dot_general3A_54, %add3A_58 : vector<3128x40xf32>
    %get3A_60 = arith.constant 0 : index
    %get3A_61 = arith.constant 0 : index
    %get3A_62 = vector.load %arg11[%get3A_60, %get3A_61] : memref<40x80xf32, #tpu.memory_space<vmem>>, vector<40x80xf32>
    %dot_general3A_63 = arith.constant dense<0.000000e+00> : vector<3128x80xf32>
    %dot_general3A_64 = tpu.matmul %add3A_59, %get3A_62, %dot_general3A_63 {dimension_numbers = #tpu.dot_dimension_numbers<[1], [0], [0], [1], [0, 0, 1, 1], [], []>, transpose_lhs_hint = false} : vector<3128x40xf32>, vector<40x80xf32>, vector<3128x80xf32> -> vector<3128x80xf32>
    %get3A_65 = arith.constant 0 : index
    %get3A_66 = arith.constant 0 : index
    %get3A_67 = vector.load %arg12[%get3A_65, %get3A_66] : memref<1x80xf32, #tpu.memory_space<vmem>>, vector<1x80xf32>
    %add3A_68 = vector.broadcast %get3A_67 : vector<1x80xf32> to vector<3128x80xf32>
    %add3A_69 = arith.addf %dot_general3A_64, %add3A_68 : vector<3128x80xf32>
    %max3A_70 = arith.constant 0.000000e+00 : f32
    %max3A_71 = vector.broadcast %max3A_70 : f32 to vector<3128x80xf32>
    %max3A_72 = arith.maximumf %add3A_69, %max3A_71 : vector<3128x80xf32>
    %get3A_73 = arith.constant 0 : index
    %get3A_74 = arith.constant 0 : index
    %get3A_75 = vector.load %arg13[%get3A_73, %get3A_74] : memref<80x120xf32, #tpu.memory_space<vmem>>, vector<80x120xf32>
    %dot_general3A_76 = arith.constant dense<0.000000e+00> : vector<3128x120xf32>
    %dot_general3A_77 = tpu.matmul %max3A_72, %get3A_75, %dot_general3A_76 {dimension_numbers = #tpu.dot_dimension_numbers<[1], [0], [0], [1], [0, 0, 1, 1], [], []>, transpose_lhs_hint = false} : vector<3128x80xf32>, vector<80x120xf32>, vector<3128x120xf32> -> vector<3128x120xf32>
    %get3A_78 = arith.constant 0 : index
    %get3A_79 = arith.constant 0 : index
    %get3A_80 = vector.load %arg14[%get3A_78, %get3A_79] : memref<1x120xf32, #tpu.memory_space<vmem>>, vector<1x120xf32>
    %add3A_81 = vector.broadcast %get3A_80 : vector<1x120xf32> to vector<3128x120xf32>
    %add3A_82 = arith.addf %dot_general3A_77, %add3A_81 : vector<3128x120xf32>
    %max3A_83 = arith.constant 0.000000e+00 : f32
    %max3A_84 = vector.broadcast %max3A_83 : f32 to vector<3128x120xf32>
    %max3A_85 = arith.maximumf %add3A_82, %max3A_84 : vector<3128x120xf32>
    %get3A_86 = arith.constant 0 : index
    %get3A_87 = arith.constant 0 : index
    %get3A_88 = vector.load %arg15[%get3A_86, %get3A_87] : memref<120x160xf32, #tpu.memory_space<vmem>>, vector<120x160xf32>
    %dot_general3A_89 = arith.constant dense<0.000000e+00> : vector<3128x160xf32>
    %dot_general3A_90 = tpu.matmul %max3A_85, %get3A_88, %dot_general3A_89 {dimension_numbers = #tpu.dot_dimension_numbers<[1], [0], [0], [1], [0, 0, 1, 1], [], []>, transpose_lhs_hint = false} : vector<3128x120xf32>, vector<120x160xf32>, vector<3128x160xf32> -> vector<3128x160xf32>
    %get3A_91 = arith.constant 0 : index
    %get3A_92 = arith.constant 0 : index
    %get3A_93 = vector.load %arg16[%get3A_91, %get3A_92] : memref<1x160xf32, #tpu.memory_space<vmem>>, vector<1x160xf32>
    %add3A_94 = vector.broadcast %get3A_93 : vector<1x160xf32> to vector<3128x160xf32>
    %add3A_95 = arith.addf %dot_general3A_90, %add3A_94 : vector<3128x160xf32>
    %swap3A = arith.constant 0 : index
    %swap3A_96 = arith.constant 0 : index
    %swap3A_97 = vector.load %arg18[%swap3A, %swap3A_96] : memref<3128x160xf32, #tpu.memory_space<vmem>>, vector<3128x160xf32>
    tpu.vector_store %arg18[%swap3A, %swap3A_96], %add3A_95 {strides = array<i32>} : memref<3128x160xf32, #tpu.memory_space<vmem>>, vector<3128x160xf32>,
    %swap3A_98 = arith.constant 0 : index
    %swap3A_99 = arith.constant 0 : index
    %swap3A_100 = vector.load %arg17[%swap3A_98, %swap3A_99] : memref<3128x40xf32, #tpu.memory_space<vmem>>, vector<3128x40xf32>
    tpu.vector_store %arg17[%swap3A_98, %swap3A_99], %add3A_59 {strides = array<i32>} : memref<3128x40xf32, #tpu.memory_space<vmem>>, vector<3128x40xf32>,
    return
  }
  func.func @transform_0(%arg0: i32) -> (i32, i32) {
    %c0_i32 = arith.constant 0 : i32
    %c0_i32_0 = arith.constant 0 : i32
    return %arg0, %c0_i32 : i32, i32
  }
  func.func @transform_1(%arg0: i32) -> (i32, i32, i32) {
    %c0_i32 = arith.constant 0 : i32
    %c0_i32_0 = arith.constant 0 : i32
    %c0_i32_1 = arith.constant 0 : i32
    return %c0_i32, %arg0, %c0_i32_0 : i32, i32, i32
  }
  func.func @transform_2(%arg0: i32) -> (i32, i32) {
    %c0_i32 = arith.constant 0 : i32
    %c0_i32_0 = arith.constant 0 : i32
    %c0_i32_1 = arith.constant 0 : i32
    return %c0_i32, %c0_i32_0 : i32, i32
  }
  func.func @transform_3(%arg0: i32) -> (i32, i32) {
    %c0_i32 = arith.constant 0 : i32
    %c0_i32_0 = arith.constant 0 : i32
    %c0_i32_1 = arith.constant 0 : i32
    return %c0_i32, %c0_i32_0 : i32, i32
  }
  func.func @transform_4(%arg0: i32) -> (i32, i32) {
    %c0_i32 = arith.constant 0 : i32
    %c0_i32_0 = arith.constant 0 : i32
    %c0_i32_1 = arith.constant 0 : i32
    return %c0_i32, %c0_i32_0 : i32, i32
  }
  func.func @transform_5(%arg0: i32) -> (i32, i32) {
    %c0_i32 = arith.constant 0 : i32
    %c0_i32_0 = arith.constant 0 : i32
    %c0_i32_1 = arith.constant 0 : i32
    return %c0_i32, %c0_i32_0 : i32, i32
  }
  func.func @transform_6(%arg0: i32) -> (i32, i32) {
    %c0_i32 = arith.constant 0 : i32
    %c0_i32_0 = arith.constant 0 : i32
    %c0_i32_1 = arith.constant 0 : i32
    return %c0_i32, %c0_i32_0 : i32, i32
  }
  func.func @transform_7(%arg0: i32) -> (i32, i32) {
    %c0_i32 = arith.constant 0 : i32
    %c0_i32_0 = arith.constant 0 : i32
    %c0_i32_1 = arith.constant 0 : i32
    return %c0_i32, %c0_i32_0 : i32, i32
  }
  func.func @transform_8(%arg0: i32) -> (i32, i32) {
    %c0_i32 = arith.constant 0 : i32
    %c0_i32_0 = arith.constant 0 : i32
    %c0_i32_1 = arith.constant 0 : i32
    return %c0_i32, %c0_i32_0 : i32, i32
  }
  func.func @transform_9(%arg0: i32) -> (i32, i32) {
    %c0_i32 = arith.constant 0 : i32
    %c0_i32_0 = arith.constant 0 : i32
    %c0_i32_1 = arith.constant 0 : i32
    return %c0_i32, %c0_i32_0 : i32, i32
  }
  func.func @transform_10(%arg0: i32) -> (i32, i32) {
    %c0_i32 = arith.constant 0 : i32
    %c0_i32_0 = arith.constant 0 : i32
    %c0_i32_1 = arith.constant 0 : i32
    return %c0_i32, %c0_i32_0 : i32, i32
  }
  func.func @transform_11(%arg0: i32) -> (i32, i32) {
    %c0_i32 = arith.constant 0 : i32
    %c0_i32_0 = arith.constant 0 : i32
    %c0_i32_1 = arith.constant 0 : i32
    return %c0_i32, %c0_i32_0 : i32, i32
  }
  func.func @transform_12(%arg0: i32) -> (i32, i32) {
    %c0_i32 = arith.constant 0 : i32
    %c0_i32_0 = arith.constant 0 : i32
    %c0_i32_1 = arith.constant 0 : i32
    return %c0_i32, %c0_i32_0 : i32, i32
  }
  func.func @transform_13(%arg0: i32) -> (i32, i32) {
    %c0_i32 = arith.constant 0 : i32
    %c0_i32_0 = arith.constant 0 : i32
    %c0_i32_1 = arith.constant 0 : i32
    return %c0_i32, %c0_i32_0 : i32, i32
  }
  func.func @transform_14(%arg0: i32) -> (i32, i32) {
    %c0_i32 = arith.constant 0 : i32
    %c0_i32_0 = arith.constant 0 : i32
    %c0_i32_1 = arith.constant 0 : i32
    return %c0_i32, %c0_i32_0 : i32, i32
  }
  func.func @transform_15(%arg0: i32) -> (i32, i32) {
    %c0_i32 = arith.constant 0 : i32
    %c0_i32_0 = arith.constant 0 : i32
    %c0_i32_1 = arith.constant 0 : i32
    return %c0_i32, %c0_i32_0 : i32, i32
  }
  func.func @transform_16(%arg0: i32) -> (i32, i32) {
    %c0_i32 = arith.constant 0 : i32
    %c0_i32_0 = arith.constant 0 : i32
    return %arg0, %c0_i32 : i32, i32
  }
  func.func @transform_17(%arg0: i32) -> (i32, i32) {
    %c0_i32 = arith.constant 0 : i32
    %c0_i32_0 = arith.constant 0 : i32
    return %arg0, %c0_i32 : i32, i32
  }
}

</mosaic_0001>

<sc_bundles>
// kernel: kernel.6.cloned.1.call-start
scs
__scs_entry_jumppad:
0x0: {  	(pc) =	sbr.rel $0x88, $3  }
0x1: {  	(tag) =	ssettag $0x0;
	lr =	simm.s32 $0x1  }
0x2: {  	[smem:$0x3F93] =	sst lr;
	_ =	strace $0xD0000000  }
0x3: {  	_ = 	snop  }
0x4: {  	_ = 	snop  }
0x5: {  	_ = 	snop  }
0x6: {  	_ = 	snop  }
0x7: {  	_ = 	snop  }
__scs_overlays_trampoline_lowered:
0x8: {  	[smem:$0x3FA2] =	sst s0  }
0x9: {  	[smem:$0x3FA3] =	sst s1  }
0xa: {  	[smem:$0x3FA4] =	sst s2  }
0xb: {  	[smem:$0x3FA5] =	sst s3  }
0xc: {  	[smem:$0x3FA6] =	sst s4  }
0xd: {  	[smem:$0x3FA7] =	sst s5  }
0xe: {  	[smem:$0x3FA8] =	sst s6  }
0xf: {  	[smem:$0x3FA9] =	sst s7  }
0x10: {  	[smem:$0x3FAA] =	sst s8  }
0x11: {  	[smem:$0x3FAB] =	sst s9;
	s0 =	simm.s32 @!p0 $0x0  }
0x12: {  	s1 =	sld [smem:$0x3F91];
	s0 =	simm.s32 @p0 $0x1  }
0x13: {  	[smem:$0x3FAC] =	sst s0;
	s0 =	simm.s32 @!p1 $0x0  }
0x14: {  	s2 =	sld [smem:$0x3F90];
	s0 =	simm.s32 @p1 $0x1  }
0x15: {  	[smem:$0x3FAD] =	sst s0;
	s0 =	simm.s32 @!p2 $0x0  }
0x16: {  	s3 =	sld [smem:$0x3FDB];
	s0 =	simm.s32 @p2 $0x1  }
0x17: {  	s4 =	simm.s32 $0x1BF5;
	[smem:$0x3FAF] =	sst s0  }
0x18: {  	s0 =	sld [smem:$0x3F92];
	_ =	swait.ge [sflag:s4], $0x0  }
0x19: {  	s7 =	sld [smem:$0x3F93]  }
0x1a: {  	s8 =	sadd.s32 $0xFFFFE003, lr  }
0x1b: {  	s9 =	sadd.s32 $0xFFFFFEF7, lr;
	s5 =	simm.s32 $0xFFFFFFFF;
	p2 =	slt.u32 s8, $0xFFFFF086  }
0x1c: {  	p1 =	slt.u32 s9, $0xF7A;
	s5 =	simm.s32 @!p2 $0x0  }
0x1d: {  	s5 =	simm.s32 @p1 $0x1;
	p0 =	seq.s32 s7, s2  }
0x1e: {  	s7 =	smul.u32 @!p0 $0xF7A, s2;
	p2 =	seq.s32 @!p0 s5, $0x0  }
0x1f: {  	s9 =	smul.u32 $0xF7A, s1;
	s8 =	simm.s32 @!p0 $0x1BF5;
	p2 =	por !p2, p0  }
0x20: {  	[sflag:s8] =	ssyncset.s32 @!p0 $0xFFFFF086;
	s6 =	sadd.s32 @!p0 s3, s7;
	s7 =	simm.s32 @!p0 $0x108  }
0x21: {  	s3 =	sadd.s32 s3, s9;
	s6 =	sadd.s32 @!p0 $0x88, s6;
	s7 =	simm.s32 @p2 $0x1082  }
0x22: {  	[simem:s7], [sflag:s8] =	dma.local @!p0 [hbm:s6], $0xF7A  }
0x23: {  	s9 =	sor.u32 $0xD0000000, s2;
	s6 =	simm.s32 $0x108;
	_ =	swait.ge @!p0 [sflag:s8], $0x0  }
0x24: {  	s3 =	sadd.s32 $0x88, s3;
	s6 =	simm.s32 @!p1 $0x1082;
	[sflag:s4] =	ssyncset.s32 $0xFFFFF086  }
0x25: {  	[simem:s6], [sflag:s4] =	dma.local [hbm:s3], $0xF7A  }
0x26: {  	[smem:$0x3F93] =	sst s1;
	(tag) =	ssettag s2;
	_ =	strace s9  }
0x27: {  	s1 =	sld [smem:$0x3FA3]  }
0x28: {  	s2 =	sld [smem:$0x3FA4]  }
0x29: {  	s4 =	sld [smem:$0x3FA6]  }
0x2a: {  	p0 =	seq.s32 s5, $0x0;
	s5 =	sld [smem:$0x3FA7]  }
0x2b: {  	s6 =	sld [smem:$0x3FA8]  }
0x2c: {  	s7 =	sld [smem:$0x3FA9]  }
0x2d: {  	s3 =	simm.s32 $0x108;
	s8 =	sld [smem:$0x3FAA]  }
0x2e: {  	s3 =	simm.s32 @!p0 $0x1082;
	s9 =	sld [smem:$0x3FAB]  }
0x2f: {  	lr =	sadd.s32 s0, s3;
	s0 =	sld [smem:$0x3FA2]  }
0x30: {  	s3 =	sld [smem:$0x3FA5]  }
0x31: {  	[smem:$0x3FAE] =	sst s10  }
0x32: {  	s10 =	sld [smem:$0x3FAC];
	_ =	sdelay $0x3  }
0x33: {  	p0 =	seq.s32 s10, $0x1;
	s10 =	sld [smem:$0x3FAE];
	_ =	sdelay $0x3  }
0x34: {  	[smem:$0x3FAE] =	sst s10  }
0x35: {  	s10 =	sld [smem:$0x3FAD];
	_ =	sdelay $0x3  }
0x36: {  	p1 =	seq.s32 s10, $0x1;
	s10 =	sld [smem:$0x3FAE];
	_ =	sdelay $0x3  }
0x37: {  	[smem:$0x3FAE] =	sst s10  }
0x38: {  	s10 =	sld [smem:$0x3FAF]  }
0x39: {  	_ = 	snop;
	(pc) =	sbr.ind lr, $3  }
0x3a: {  	_ = 	snop  }
0x3b: {  	_ = 	snop  }
0x3c: {  	p2 =	seq.s32 s10, $0x1;
	s10 =	sld [smem:$0x3FAE]  }
0x3d: {  	_ =	shalt  }
0x3e: {  	_ =	shalt  }
0x3f: {  	_ =	shalt  }
0x40: {  	_ =	shalt  }
0x41: {  	_ =	shalt  }
0x42: {  	_ =	shalt  }
0x43: {  	_ =	shalt  }
0x44: {  	_ =	shalt  }
0x45: {  	_ =	shalt  }
0x46: {  	_ =	shalt  }
0x47: {  	_ =	shalt  }
0x48: {  	_ =	shalt  }
0x49: {  	_ =	shalt  }
0x4a: {  	_ =	shalt  }
0x4b: {  	_ =	shalt  }
0x4c: {  	_ =	shalt  }
0x4d: {  	_ =	shalt  }
0x4e: {  	_ =	shalt  }
0x4f: {  	_ =	shalt  }
0x50: {  	_ =	shalt  }
0x51: {  	_ =	shalt  }
0x52: {  	_ =	shalt  }
0x53: {  	_ =	shalt  }
0x54: {  	_ =	shalt  }
0x55: {  	_ =	shalt  }
0x56: {  	_ =	shalt  }
0x57: {  	_ =	shalt  }
0x58: {  	_ =	shalt  }
0x59: {  	_ =	shalt  }
0x5a: {  	_ =	shalt  }
0x5b: {  	_ =	shalt  }
0x5c: {  	_ =	shalt  }
0x5d: {  	_ =	shalt  }
0x5e: {  	_ =	shalt  }
0x5f: {  	_ =	shalt  }
0x60: {  	_ =	shalt  }
0x61: {  	_ =	shalt  }
0x62: {  	_ =	shalt  }
0x63: {  	_ =	shalt  }
0x64: {  	_ =	shalt  }
0x65: {  	_ =	shalt  }
0x66: {  	_ =	shalt  }
0x67: {  	_ =	shalt  }
0x68: {  	_ =	shalt  }
0x69: {  	_ =	shalt  }
0x6a: {  	_ =	shalt  }
0x6b: {  	_ =	shalt  }
0x6c: {  	_ =	shalt  }
0x6d: {  	_ =	shalt  }
0x6e: {  	_ =	shalt  }
0x6f: {  	_ =	shalt  }
0x70: {  	_ =	shalt  }
0x71: {  	_ =	shalt  }
0x72: {  	_ =	shalt  }
0x73: {  	_ =	shalt  }
0x74: {  	_ =	shalt  }
0x75: {  	_ =	shalt  }
0x76: {  	_ =	shalt  }
0x77: {  	_ =	shalt  }
0x78: {  	_ =	shalt  }
0x79: {  	_ =	shalt  }
0x7a: {  	_ =	shalt  }
0x7b: {  	_ =	shalt  }
0x7c: {  	_ =	shalt  }
0x7d: {  	_ =	shalt  }
0x7e: {  	_ =	shalt  }
0x7f: {  	_ =	shalt  }
0x80: {  	_ =	shalt  }
0x81: {  	_ =	shalt  }
0x82: {  	_ =	shalt  }
0x83: {  	_ =	shalt  }
0x84: {  	_ =	shalt  }
0x85: {  	_ =	shalt  }
0x86: {  	_ =	shalt  }
0x87: {  	_ =	shalt  }
.Lfunc_end0:
.L_simem_size_0:
called_computation.1_lowered:
.L_overlay_start_0:
0x88: {  	s2 =	sld [smem:$0x3FD9]  }
0x89: {  	s3 =	sld [smem:$0x3FFE];
	_ =	sdelay $0x1  }
0x8a: {  	s1 =	srdreg.scid  }
0x8b: {  	s0 =	sand.u32 $0x1, s1  }
0x8c: {  	s14 =	sshll.u32 s0, $0xA;
	s2 =	sadd.s32 s3, s2  }
0x8d: {  	s2 =	sadd.s32 s2, s14  }
0x8e: {  	[smem:$0x3FBA] =	sst s2  }
0x8f: {  	_ = 	snop  }
0x90: {  	s2 =	sld [smem:$0x3FD0];
	_ =	sdelay $0x2  }
0x91: {  	s15 =	simm.s32 $0xA;
	s4 =	simm.s32 $0x10  }
0x92: {  	[smem:s4], [sflag:s15] =	dma.local [hbm:s2], $0x1  }
0x93: {  	_ =	swait.eq [sflag:s15], $0x1  }
0x94: {  	[sflag:s15] =	ssyncset.done $0x0  }
0x95: {  	s16 =	sld [smem:$0x10];
	[sflag:s15] =	ssyncadd.s32 $0xFFFFFFFF  }
0x96: {  	s17 =	sld [smem:$0x11];
	(tm) =	ssettm $0x1  }
0x97: {  	s18 =	sld [smem:$0x3FFB];
	_ =	sdelay $0x3  }
0x98: {  	_ =	strace s18  }
0x99: {  	s4 =	sld [smem:$0x3FFC];
	_ =	sdelay $0x3  }
0x9a: {  	_ =	strace s4  }
0x9b: {  	s4 =	sld [smem:$0x3FFD];
	_ =	sdelay $0x3  }
0x9c: {  	_ =	strace s4  }
0x9d: {  	_ =	strace $0x8FFFFFFF  }
0x9e: {  	s19 =	sld [smem:$0x3FDB];
	_ =	sdelay $0x1  }
0x9f: {  	s5 =	simm.s32 $_scs_section_size  }
0xa0: {  	s6 =	simm.s32 $_size__tile_overlayer_lowered;
	s7 =	simm.s32 $_tile_overlayer_lowered  }
0xa1: {  	s22 =	simm.s32 $0x1BFF;
	s21 =	sshll.u32 s7, $0x1;
	s4 =	sadd.s32 s5, s19  }
0xa2: {  	s8 =	simm.s32 $0x0;
	s20 =	sshll.u32 s6, $0x1;
	s6 =	sadd.s32 s21, s4  }
0xa3: {  	[timem:s8], [sflag:s22] =	dma.local [hbm:s6], s20  }
0xa4: {  	_ =	swait.ge [sflag:s22], s20  }
0xa5: {  	s5 =	ssub.s32 $0x0, s20;
	[sflag:s22] =	ssyncset.done $0x0  }
0xa6: {  	[sflag:s22] =	ssyncadd.s32 s5;
	_ =	sdelay $0x1  }
0xa7: {  	s23 =	simm.s32 $0x1B8B  }
0xa8: {  	_ =	swait.ge [sflag:s23], $0x1  }
0xa9: {  	[sflag:s23] =	ssyncset.done $0x0  }
0xaa: {  	s25 =	simm.s32 $0x1B8E;
	s24 =	sld [smem:$0x3FFE];
	[sflag:s23] =	ssyncadd.s32 $0xFFFFFFFF  }
0xab: {  	s26 =	simm.s32 $execute0_lowered;
	[smem:$0x3FD2] =	sst s25  }
0xac: {  	s6 =	sshll.u32 s26, $0x1;
	_ =	strace $0x80000049;
	[dreg:$0x1] =	wrdreg $0xFFFFFFFF  }
0xad: {  	s28 =	simm.s32 $_size_execute0_lowered;
	s4 =	sadd.s32 s4, s6;
	[dreg:$0x0] =	wrdreg $0x0  }
0xae: {  	s6 =	sshll.u32 s28, $0x1;
	[dreg:$0x2] =	wrdreg s4  }
0xaf: {  	[dreg:$0x3] =	wrdreg s6  }
0xb0: {  	[dreg:$0x4] =	wrdreg $0xC0  }
0xb1: {  	_ =	task [dreg:s8], $0x5FFFF  }
0xb2: {  	[dreg:$0x1] =	wrdreg $0xFFFFFFFF  }
0xb3: {  	[dreg:$0x0] =	wrdreg $0x60  }
0xb4: {  	[dreg:$0x2] =	wrdreg s17  }
0xb5: {  	[dreg:$0x3] =	wrdreg s24  }
0xb6: {  	[dreg:$0x4] =	wrdreg s16  }
0xb7: {  	[dreg:$0x5] =	wrdreg $0x0  }
0xb8: {  	[dreg:$0x6] =	wrdreg $0x9  }
0xb9: {  	_ =	task.clear_ibuf [dreg:s8], $0x7FFFF;
	_ =	strace $0x90000049  }
0xba: {  	s29 =	simm.s32 $0x9;
	_ =	strace $0x8000004B  }
0xbb: {  	_ =	swait.ge [sflag:s29], $0x1  }
0xbc: {  	[sflag:s29] =	ssyncadd.s32 $0xFFFFFFFF  }
0xbd: {  	_ =	strace $0x9000004B  }
0xbe: {  	_ =	sfence  }
0xbf: {  	s30 =	sld [smem:$0x0];
	_ =	sdelay $0x2  }
0xc0: {  	s31 =	sshll.u32 s1, $0xD;
	s1 =	sshrl.u32 s1, $0x2  }
0xc1: {  	s3 =	sand.u32 $0x4000, s31;
	s1 =	sadd.s32 s1, s30  }
0xc2: {  	s0 =	sor.u32 s3, s0;
	s1 =	sshll.u32 s1, $0x11  }
0xc3: {  	s0 =	sor.u32 s1, s0  }
0xc4: {  	s0 =	sadd.s32 $0x8F2B, s0  }
0xc5: {  	[sflag:s0] =	ssyncadd.remote.s32 $0x1  }
0xc6: {  	_ =	sfence.sel $0xFFFF  }
0xc7: {  	[dreg:$0x0] =	wrdreg $0xFFFFFFFF;
	(pc) =	sbr.abs _section_cstart, $3  }
0xc8: {  	[dreg:$0x1] =	wrdreg $0xFFFFFFFF  }
0xc9: {  	_ =	task.clear_ibuf [dreg:s8], $0x2FFFF;
	_ =	strace $0x9FFFFFFF  }
0xca: {  	(tm) =	ssettm $0x7FFFFFFF  }
0xcb: {  	_ =	shalt  }
tec
execute0_lowered:
.L_overlay_start_1:
0x0: {  	(tag) =	ssettag $0x1  }
0x1: {  	s0 =	rddreg [dreg:$0x0]  }
0x2: {  	s1 =	rddreg [dreg:$0x1];
	s2 =	srdreg.scid  }
0x3: {  	s4 =	rddreg [dreg:$0x3];
	s3 =	stileid.u32;
	s5 =	simm.s32 $0x0  }
0x4: {  	s14 =	simm.s32 $0x4;
	s15 =	simm.s32 $0x300;
	s16 =	simm.s32 $0x61A800  }
0x5: {  	s17 =	simm.s32 $0x18700;
	s18 =	simm.s32 $0x3;
	s19 =	simm.s32 $0x80  }
0x6: {  	s20 =	simm.s32 $0x1;
	s21 =	simm.s32 $0x2;
	s28 =	simm.s32 $0x1A900  }
0x7: {  	s30 =	simm.s32 $0x1B100;
	s31 =	simm.s32 $0x0;
	s2 =	sand.u32 $0x1, s2  }
0x8: {  	s8 =	smul.u32 $0x18700, s3;
	[smem:$0x7FF] =	sst s5;
	s6 =	sadd.s32 $0x4800, s1  }
0x9: {  	s9 =	sshll.u32 s3, $0x1;
	s23 =	smul.u32 $0x61C00, s3;
	s26 =	sshll.u32 s3, $0x6  }
0xa: {  	s7 =	smul.u32 $0x187000, s2;
	s22 =	ssub.s32 $0x2, s2;
	s2 =	sor.u32 s2, s9  }
0xb: {  	p0 =	sgt.u32 s3, $0x7;
	_ =	strace $0x8000004A;
	s24 =	smul.u32 $0x50, s2  }
0xc: {  	s10 =	sshrl.u32 s22, $0x1;
	s25 =	sshrl.u32 s23, $0x2;
	s29 =	smul.u32 $0x6180, s2  }
.Ltmp0:
0xd: {  	s7 =	sadd.s32 s8, s7;
	s12 =	ssub.s32 s22, s10;
	(pc) =	sbr.rel .LBB2_1-.Ltmp0, $4  }
0xe: {  	s13 =	sadd.s32 s25, s4;
	s8 =	smul.u32 $0x618, s2;
	s7 =	sshrl.u32 s7, $0x3  }
0xf: {  	s11 =	sadd.s32 s24, s6;
	s9 =	sadd.s32 s6, s29;
	s12 =	smax.u32 s12, $0x1  }
0x10: {  	s13 =	sshrl.u32 s13, $0x3;
	s1 =	sadd.s32 s7, s1;
	s7 =	sor.u32 $0x1C04, s26  }
0x11: {  	s10 =	sadd.s32 $0xC3000, s11;
	s11 =	sadd.s32 $0x18B200, s1;
	s1 =	simm.s32 $0x1B900  }
.LBB2_5:
0x12: {  	s31 =	sadd.s32 $0x1, s31  }
0x13: {  	p1 =	sne.s32 s31, s12  }
.Ltmp1:
0x14: {  	[bflag:$0x0] =	sbarrier.arrive $0xFFFF;
	(pc) =	sbr.rel @!p1 .LBB2_6-.Ltmp1, $4  }
0x15: {  	[hbm:s11], [sflag:s7] =	dma.local [spmem:s13], $0x30E0  }
0x16: {  	_ =	swait.ge [sflag:s14], $0x30E0  }
0x17: {  	[sflag:s14] =	ssyncset.done $0x0  }
0x18: {  	[sflag:s14] =	ssyncadd.s32 $0xFFFFCF20  }
.LBB2_1:
0x19: {  	s2 =	rddreg [dreg:$0x2]  }
0x1a: {  	[spmem:s13], [sflag:s7] =	dma.local [hbm:s2], $0x30E0  }
0x1b: {  	_ =	swait.ge [sflag:s14], $0x30E0  }
0x1c: {  	[sflag:s14] =	ssyncset.done $0x0  }
0x1d: {  	[sflag:s14] =	ssyncadd.s32 $0xFFFFCF20  }
0x1e: {  	s2 =	simm.s32 $0x0;
	[bflag:$0x0] =	sbarrier.arrive $0xFFFF  }
0x1f: {  	[tilespmem:s17], [sflag:$0x3] =	stream.strided.gather [hbm4b:s9+s15], $0x600, s16, s15, $0x38;
	[tilespmem:$0x1F900] =	vst v63  }
.LBB2_2:
0x20: {  	_ =	swait.ge [sflag:s18], $0x600  }
0x21: {  	p1 =	slt.u32 s2, $0x2;
	[sflag:s18] =	ssyncset.done $0x0  }
0x22: {  	s24 =	simm.s32 @!p1 $0x2;
	[sflag:s18] =	ssyncadd.s32 $0xFFFFFA00  }
0x23: {  	_ =	swait.ge @!p1 [sflag:s24], $0x800  }
0x24: {  	[sflag:s24] =	ssyncset.done @!p1 $0x0  }
0x25: {  	[sflag:s24] =	ssyncadd.s32 @!p1 $0xFFFFF800  }
0x26: {  	_ =	swait.ge @!p1 [sflag:s24], $0x800  }
0x27: {  	[sflag:s24] =	ssyncset.done @!p1 $0x0  }
0x28: {  	[sflag:s24] =	ssyncadd.s32 @!p1 $0xFFFFF800  }
0x29: {  	_ =	swait.ge @!p1 [sflag:s24], $0x800  }
0x2a: {  	[sflag:s24] =	ssyncset.done @!p1 $0x0  }
0x2b: {  	[sflag:s24] =	ssyncadd.s32 @!p1 $0xFFFFF800  }
0x2c: {  	_ =	swait.ge @!p1 [sflag:s24], $0x800  }
0x2d: {  	[sflag:s24] =	ssyncset.done @!p1 $0x0  }
0x2e: {  	[sflag:s24] =	ssyncadd.s32 @!p1 $0xFFFFF800  }
0x2f: {  	_ =	swait.ge @!p1 [sflag:s24], $0x800  }
0x30: {  	[sflag:s24] =	ssyncset.done @!p1 $0x0  }
0x31: {  	[sflag:s24] =	ssyncadd.s32 @!p1 $0xFFFFF800  }
0x32: {  	_ =	swait.ge @!p1 [sflag:s24], $0x800  }
0x33: {  	p2 =	seq.s32 @!p1 s2, $0x103;
	[sflag:s24] =	ssyncset.done @!p1 $0x0  }
0x34: {  	p2 =	por p1, !p2;
	[sflag:s24] =	ssyncadd.s32 @!p1 $0xFFFFF800;
	s24 =	simm.s32 @!p1 $0x104  }
0x35: {  	s24 =	sadd.s32 @p2 $0x1, s2  }
0x36: {  	s26 =	smul.u32 @p2 $0xAAAB, s24;
	_ =	sdelay $0x1  }
0x37: {  	s26 =	sshrl.u32 @p2 s26, $0x11  }
0x38: {  	s26 =	smul.u32 @p2 $0x3, s26;
	_ =	sdelay $0x1  }
0x39: {  	s29 =	smul.u32 @p2 $0x6, s24;
	s26 =	ssub.s32 @p2 s24, s26  }
0x3a: {  	s26 =	smul.u32 @p2 $0x1800, s26  }
0x3b: {  	s29 =	sadd.s32 @p2 s8, s29  }
0x3c: {  	s29 =	sshll.u32 @p2 s29, $0x4;
	s26 =	sand.u32 @p2 $0xF800, s26  }
0x3d: {  	s29 =	sand.u32 @p2 $0x1FFFFFE0, s29;
	s26 =	sshrl.u32 @p2 s26, $0x2  }
0x3e: {  	s23 =	smul.u32 $0xAAAB, s2;
	s29 =	sadd.s32 @p2 s6, s29;
	s26 =	sadd.s32 @p2 $0x18700, s26  }
0x3f: {  	[tilespmem:s26], [sflag:$0x3] =	stream.strided.gather @p2 [hbm4b:s29+s15], $0x600, s16, s15, $0x38;
	[tilespmem:$0x1F900] =	vst v63  }
0x40: {  	s26 =	sshrl.u32 s23, $0x11  }
0x41: {  	s26 =	smul.u32 $0x3, s26;
	_ =	sdelay $0x1  }
0x42: {  	s26 =	ssub.s32 s2, s26  }
0x43: {  	s25 =	sand.u32 $0x1, s2;
	s26 =	smul.u32 $0x600, s26  }
0x44: {  	p1 =	seq.s32 s25, $0x1;
	s2 =	simm.s32 $0x3000  }
0x45: {  	s2 =	simm.s32 @!p1 $0x0;
	s26 =	sand.u32 $0xFE00, s26  }
0x46: {  	s29 =	sadd.s32 $0x19900, s2;
	s3 =	sadd.s32 $0x18700, s26  }
0x47: {  	[tilespmem:s29], [sflag:$0x1] =	stream.indirect.gather [hbm4b:s0+s19], $0x10, s3, s19, $0xb8;
	[tilespmem:$0x1F900] =	vst v63  }
0x48: {  	s5 =	sadd.s32 $0x18780, s26;
	s3 =	sadd.s32 $0x1A100, s2  }
0x49: {  	[tilespmem:s3], [sflag:$0x1] =	stream.indirect.gather [hbm4b:s0+s19], $0x10, s5, s19, $0xb8;
	[tilespmem:$0x1F900] =	vst v63  }
0x4a: {  	s22 =	sadd.s32 $0x18800, s26;
	s5 =	sadd.s32 $0x1A900, s2  }
0x4b: {  	[tilespmem:s5], [sflag:$0x1] =	stream.indirect.gather [hbm4b:s0+s19], $0x10, s22, s19, $0xb8;
	[tilespmem:$0x1F900] =	vst v63  }
0x4c: {  	s23 =	sadd.s32 $0x18880, s26;
	s22 =	sadd.s32 $0x1B100, s2  }
0x4d: {  	[tilespmem:s22], [sflag:$0x1] =	stream.indirect.gather [hbm4b:s0+s19], $0x10, s23, s19, $0xb8;
	[tilespmem:$0x1F900] =	vst v63  }
0x4e: {  	s25 =	sadd.s32 $0x18900, s26;
	s23 =	sadd.s32 $0x1B900, s2  }
0x4f: {  	[tilespmem:s23], [sflag:$0x1] =	stream.indirect.gather [hbm4b:s0+s19], $0x10, s25, s19, $0xb8;
	[tilespmem:$0x1F900] =	vst v63  }
0x50: {  	s2 =	sor.u32 $0x1C100, s2;
	s25 =	sadd.s32 $0x18980, s26  }
0x51: {  	[tilespmem:s2], [sflag:$0x1] =	stream.indirect.gather [hbm4b:s0+s19], $0x10, s25, s19, $0xb8;
	[tilespmem:$0x1F900] =	vst v63  }
0x52: {  	_ =	swait.ge [sflag:s20], $0x800  }
0x53: {  	[sflag:s20] =	ssyncset.done $0x0  }
0x54: {  	[sflag:s20] =	ssyncadd.s32 $0xFFFFF800  }
0x55: {  	_ =	swait.ge [sflag:s20], $0x800  }
0x56: {  	[sflag:s20] =	ssyncset.done $0x0  }
0x57: {  	[sflag:s20] =	ssyncadd.s32 $0xFFFFF800  }
0x58: {  	_ =	swait.ge [sflag:s20], $0x800  }
0x59: {  	[sflag:s20] =	ssyncset.done $0x0  }
0x5a: {  	[sflag:s20] =	ssyncadd.s32 $0xFFFFF800  }
0x5b: {  	_ =	swait.ge [sflag:s20], $0x800  }
0x5c: {  	[sflag:s20] =	ssyncset.done $0x0  }
0x5d: {  	[sflag:s20] =	ssyncadd.s32 $0xFFFFF800  }
0x5e: {  	_ =	swait.ge [sflag:s20], $0x800  }
0x5f: {  	[sflag:s20] =	ssyncset.done $0x0  }
0x60: {  	[sflag:s20] =	ssyncadd.s32 $0xFFFFF800  }
0x61: {  	_ =	swait.ge [sflag:s20], $0x800  }
0x62: {  	[sflag:s20] =	ssyncset.done $0x0  }
0x63: {  	s25 =	sadd.s32 $0x18A00, s26;
	[sflag:s20] =	ssyncadd.s32 $0xFFFFF800  }
0x64: {  	[spmem:s4] =	stream.indirect.scatter.add.f32 [tilespmem:s29], [sflag:$0x2], $0x10, s25, s19, $0xb8;
	[tilespmem:$0x1F900] =	vst v63  }
0x65: {  	s29 =	sadd.s32 $0x18A80, s26  }
0x66: {  	[spmem:s4] =	stream.indirect.scatter.add.f32 [tilespmem:s3], [sflag:$0x2], $0x10, s29, s19, $0xb8;
	[tilespmem:$0x1F900] =	vst v63  }
0x67: {  	s29 =	sadd.s32 $0x18B00, s26  }
0x68: {  	[spmem:s4] =	stream.indirect.scatter.add.f32 [tilespmem:s5], [sflag:$0x2], $0x10, s29, s19, $0xb8;
	[tilespmem:$0x1F900] =	vst v63  }
0x69: {  	p1 =	sne.s32 s24, $0x104;
	s5 =	sadd.s32 $0x18B80, s26  }
0x6a: {  	[spmem:s4] =	stream.indirect.scatter.add.f32 [tilespmem:s22], [sflag:$0x2], $0x10, s5, s19, $0xb8;
	[tilespmem:$0x1F900] =	vst v63  }
.Ltmp2:
0x6b: {  	s25 =	sadd.s32 $0x18C00, s26;
	(pc) =	sbr.rel @p1 .LBB2_2-.Ltmp2, $4  }
0x6c: {  	[spmem:s4] =	stream.indirect.scatter.add.f32 [tilespmem:s23], [sflag:$0x2], $0x10, s25, s19, $0xb8;
	[tilespmem:$0x1F900] =	vst v63  }
0x6d: {  	s29 =	sadd.s32 $0x18C80, s26  }
0x6e: {  	[spmem:s4] =	stream.indirect.scatter.add.f32 [tilespmem:s2], [sflag:$0x2], $0x10, s29, s19, $0xb8;
	[tilespmem:$0x1F900] =	vst v63  }
0x6f: {  	s2 =	smov.u32 s24  }
0x70: {  	_ =	swait.ge [sflag:s21], $0x800  }
0x71: {  	[sflag:s21] =	ssyncset.done $0x0  }
0x72: {  	[sflag:s21] =	ssyncadd.s32 $0xFFFFF800  }
0x73: {  	_ =	swait.ge [sflag:s21], $0x800  }
0x74: {  	[sflag:s21] =	ssyncset.done $0x0  }
0x75: {  	[sflag:s21] =	ssyncadd.s32 $0xFFFFF800  }
0x76: {  	_ =	swait.ge [sflag:s21], $0x800  }
0x77: {  	[sflag:s21] =	ssyncset.done $0x0  }
0x78: {  	[sflag:s21] =	ssyncadd.s32 $0xFFFFF800  }
0x79: {  	_ =	swait.ge [sflag:s21], $0x800  }
0x7a: {  	[sflag:s21] =	ssyncset.done $0x0  }
0x7b: {  	[sflag:s21] =	ssyncadd.s32 $0xFFFFF800  }
0x7c: {  	_ =	swait.ge [sflag:s21], $0x800  }
0x7d: {  	[sflag:s21] =	ssyncset.done $0x0  }
0x7e: {  	[sflag:s21] =	ssyncadd.s32 $0xFFFFF800  }
0x7f: {  	_ =	swait.ge [sflag:s21], $0x800  }
0x80: {  	[sflag:s21] =	ssyncset.done $0x0  }
0x81: {  	[sflag:s21] =	ssyncadd.s32 $0xFFFFF800  }
0x82: {  	_ =	swait.ge [sflag:s21], $0x800  }
0x83: {  	[sflag:s21] =	ssyncset.done $0x0  }
0x84: {  	[sflag:s21] =	ssyncadd.s32 $0xFFFFF800  }
0x85: {  	_ =	swait.ge [sflag:s21], $0x800  }
0x86: {  	[sflag:s21] =	ssyncset.done $0x0  }
0x87: {  	[sflag:s21] =	ssyncadd.s32 $0xFFFFF800  }
0x88: {  	_ =	swait.ge [sflag:s21], $0x800  }
0x89: {  	[sflag:s21] =	ssyncset.done $0x0  }
0x8a: {  	[sflag:s21] =	ssyncadd.s32 $0xFFFFF800  }
0x8b: {  	_ =	swait.ge [sflag:s21], $0x800  }
0x8c: {  	[sflag:s21] =	ssyncset.done $0x0  }
0x8d: {  	[sflag:s21] =	ssyncadd.s32 $0xFFFFF800  }
0x8e: {  	_ =	swait.ge [sflag:s21], $0x800  }
.Ltmp3:
0x8f: {  	[sflag:s21] =	ssyncset.done $0x0;
	(pc) =	sbr.rel @p0 .LBB2_5-.Ltmp3, $4  }
0x90: {  	[sflag:s21] =	ssyncadd.s32 $0xFFFFF800  }
0x91: {  	_ =	swait.ge [sflag:s21], $0x800  }
0x92: {  	[sflag:s21] =	ssyncset.done $0x0  }
0x93: {  	[sflag:s21] =	ssyncadd.s32 $0xFFFFF800  }
0x94: {  	s3 =	simm.s32 $0x0  }
0x95: {  	[tilespmem:s17], [sflag:$0x4] =	stream.linear.gather [hbm4b:s10+s3], $0x280, $0x38;
	[tilespmem:$0x1F900] =	vst v63  }
0x96: {  	s2 =	sadd.s32 $0xC3500, s10;
	s5 =	simm.s32 $0x18A00  }
0x97: {  	[tilespmem:s5], [sflag:$0x4] =	stream.linear.gather [hbm4b:s2+s3], $0x280, $0x38;
	[tilespmem:$0x1F900] =	vst v63  }
0x98: {  	_ =	swait.ge [sflag:s14], $0x500  }
0x99: {  	[sflag:s14] =	ssyncset.done $0x0  }
0x9a: {  	s24 =	simm.s32 $0x19900;
	[sflag:s14] =	ssyncadd.s32 $0xFFFFFB00  }
0x9b: {  	[tilespmem:s24], [sflag:$0x1] =	stream.indirect.gather [hbm4b:s0+s19], $0x10, s17, s19, $0xb8;
	[tilespmem:$0x1F900] =	vst v63  }
0x9c: {  	s25 =	simm.s32 $0x18780;
	s22 =	simm.s32 $0x1A100  }
0x9d: {  	[tilespmem:s22], [sflag:$0x1] =	stream.indirect.gather [hbm4b:s0+s19], $0x10, s25, s19, $0xb8;
	[tilespmem:$0x1F900] =	vst v63  }
0x9e: {  	s26 =	simm.s32 $0x18800  }
0x9f: {  	[tilespmem:s28], [sflag:$0x1] =	stream.indirect.gather [hbm4b:s0+s19], $0x10, s26, s19, $0xb8;
	[tilespmem:$0x1F900] =	vst v63  }
0xa0: {  	s29 =	simm.s32 $0x18880  }
0xa1: {  	[tilespmem:s30], [sflag:$0x1] =	stream.indirect.gather [hbm4b:s0+s19], $0x10, s29, s19, $0xb8;
	[tilespmem:$0x1F900] =	vst v63  }
0xa2: {  	s23 =	simm.s32 $0x18900  }
0xa3: {  	[tilespmem:s1], [sflag:$0x1] =	stream.indirect.gather [hbm4b:s0+s19], $0x10, s23, s19, $0xb8;
	[tilespmem:$0x1F900] =	vst v63  }
0xa4: {  	_ =	swait.ge [sflag:s20], $0x800  }
0xa5: {  	[sflag:s20] =	ssyncset.done $0x0  }
0xa6: {  	[sflag:s20] =	ssyncadd.s32 $0xFFFFF800  }
0xa7: {  	_ =	swait.ge [sflag:s20], $0x800  }
0xa8: {  	[sflag:s20] =	ssyncset.done $0x0  }
0xa9: {  	[sflag:s20] =	ssyncadd.s32 $0xFFFFF800  }
0xaa: {  	_ =	swait.ge [sflag:s20], $0x800  }
0xab: {  	[sflag:s20] =	ssyncset.done $0x0  }
0xac: {  	[sflag:s20] =	ssyncadd.s32 $0xFFFFF800  }
0xad: {  	_ =	swait.ge [sflag:s20], $0x800  }
0xae: {  	[sflag:s20] =	ssyncset.done $0x0  }
0xaf: {  	[sflag:s20] =	ssyncadd.s32 $0xFFFFF800  }
0xb0: {  	_ =	swait.ge [sflag:s20], $0x800  }
0xb1: {  	[sflag:s20] =	ssyncset.done $0x0  }
0xb2: {  	[sflag:s20] =	ssyncadd.s32 $0xFFFFF800  }
0xb3: {  	[spmem:s4] =	stream.indirect.scatter.add.f32 [tilespmem:s24], [sflag:$0x4], $0x10, s5, s19, $0xb8;
	[tilespmem:$0x1F900] =	vst v63  }
0xb4: {  	_ =	swait.ge [sflag:s14], $0x800  }
0xb5: {  	[sflag:s14] =	ssyncset.done $0x0  }
0xb6: {  	s24 =	simm.s32 $0x18A80;
	[sflag:s14] =	ssyncadd.s32 $0xFFFFF800  }
0xb7: {  	[spmem:s4] =	stream.indirect.scatter.add.f32 [tilespmem:s22], [sflag:$0x4], $0x10, s24, s19, $0xb8;
	[tilespmem:$0x1F900] =	vst v63  }
0xb8: {  	_ =	swait.ge [sflag:s14], $0x800  }
0xb9: {  	[sflag:s14] =	ssyncset.done $0x0  }
0xba: {  	s25 =	simm.s32 $0x18B00;
	[sflag:s14] =	ssyncadd.s32 $0xFFFFF800  }
0xbb: {  	[spmem:s4] =	stream.indirect.scatter.add.f32 [tilespmem:s28], [sflag:$0x4], $0x10, s25, s19, $0xb8;
	[tilespmem:$0x1F900] =	vst v63  }
0xbc: {  	_ =	swait.ge [sflag:s14], $0x800  }
0xbd: {  	[sflag:s14] =	ssyncset.done $0x0  }
0xbe: {  	s26 =	simm.s32 $0x18B80;
	[sflag:s14] =	ssyncadd.s32 $0xFFFFF800  }
0xbf: {  	[spmem:s4] =	stream.indirect.scatter.add.f32 [tilespmem:s30], [sflag:$0x4], $0x10, s26, s19, $0xb8;
	[tilespmem:$0x1F900] =	vst v63  }
0xc0: {  	_ =	swait.ge [sflag:s14], $0x800  }
0xc1: {  	[sflag:s14] =	ssyncset.done $0x0  }
.Ltmp4:
0xc2: {  	s29 =	simm.s32 $0x18C00;
	[sflag:s14] =	ssyncadd.s32 $0xFFFFF800;
	(pc) =	sbr.rel .LBB2_5-.Ltmp4, $4  }
0xc3: {  	[spmem:s4] =	stream.indirect.scatter.add.f32 [tilespmem:s1], [sflag:$0x4], $0x10, s29, s19, $0xb8;
	[tilespmem:$0x1F900] =	vst v63  }
0xc4: {  	_ =	swait.ge [sflag:s14], $0x800  }
0xc5: {  	[sflag:s14] =	ssyncset.done $0x0  }
0xc6: {  	[sflag:s14] =	ssyncadd.s32 $0xFFFFF800  }
.LBB2_6:
0xc7: {  	_ =	sfence.sel $0x180000  }
0xc8: {  	[bflag:$0x0] =	sbarrier.arrive $0xFFFF  }
0xc9: {  	_ =	strace $0x9000004A  }
0xca: {  	s0 =	stileid.u32;
	[bflag:$0x2] =	sbarrier.arrive $0xFFFF  }
0xcb: {  	p0 =	sne.s32 s0, $0x0;
	s0 =	rddreg [dreg:$0x4]  }
0xcc: {  	s0 =	sadd.s32 @!p0 $0x100000, s0  }
0xcd: {  	[sflag:s0] =	ssyncadd.tile.s32 @!p0 $0x1;
	_ =	shalt  }
.Lfunc_end2:
_tile_overlayer_lowered:
.L_overlay_start_2:
0xce: {  	(tag) =	ssettag $0x2  }
0xcf: {  	s0 =	rddreg [dreg:$0x0];
	s2 =	stileid.u32  }
0xd0: {  	s1 =	rddreg [dreg:$0x1];
	p0 =	sne.s32 s2, $0x0  }
0xd1: {  	s3 =	rddreg [dreg:$0x2];
	[bflag:$0x3] =	sbarrier.arrive $0xFFFF;
	s2 =	simm.s32 @!p0 $0x1C04  }
0xd2: {  	[timem:s3], [sflag:s2] =	dma.local @!p0 [hbm:s0], s1  }
0xd3: {  	s0 =	simm.s32 @!p0 $0x4  }
0xd4: {  	_ =	swait.ge @!p0 [sflag:s0], s1  }
0xd5: {  	s1 =	ssub.s32 @!p0 $0x0, s1;
	[sflag:s0] =	ssyncset.done @!p0 $0x0  }
0xd6: {  	[sflag:s0] =	ssyncadd.s32 @!p0 s1  }
0xd7: {  	[bflag:$0x3] =	sbarrier.arrive $0xFFFF  }
0xd8: {  	_ =	shalt  }

// kernel: kernel.9.cloned.1.call-start
scs
__scs_entry_jumppad:
0x0: {  	(pc) =	sbr.rel $0x88, $3  }
0x1: {  	(tag) =	ssettag $0x0;
	lr =	simm.s32 $0x1  }
0x2: {  	[smem:$0x3F93] =	sst lr;
	_ =	strace $0xD0000000  }
0x3: {  	_ = 	snop  }
0x4: {  	_ = 	snop  }
0x5: {  	_ = 	snop  }
0x6: {  	_ = 	snop  }
0x7: {  	_ = 	snop  }
__scs_overlays_trampoline_lowered:
0x8: {  	[smem:$0x3FA2] =	sst s0  }
0x9: {  	[smem:$0x3FA3] =	sst s1  }
0xa: {  	[smem:$0x3FA4] =	sst s2  }
0xb: {  	[smem:$0x3FA5] =	sst s3  }
0xc: {  	[smem:$0x3FA6] =	sst s4  }
0xd: {  	[smem:$0x3FA7] =	sst s5  }
0xe: {  	[smem:$0x3FA8] =	sst s6  }
0xf: {  	[smem:$0x3FA9] =	sst s7  }
0x10: {  	[smem:$0x3FAA] =	sst s8  }
0x11: {  	[smem:$0x3FAB] =	sst s9;
	s0 =	simm.s32 @!p0 $0x0  }
0x12: {  	s1 =	sld [smem:$0x3F91];
	s0 =	simm.s32 @p0 $0x1  }
0x13: {  	[smem:$0x3FAC] =	sst s0;
	s0 =	simm.s32 @!p1 $0x0  }
0x14: {  	s2 =	sld [smem:$0x3F90];
	s0 =	simm.s32 @p1 $0x1  }
0x15: {  	[smem:$0x3FAD] =	sst s0;
	s0 =	simm.s32 @!p2 $0x0  }
0x16: {  	s3 =	sld [smem:$0x3FDB];
	s0 =	simm.s32 @p2 $0x1  }
0x17: {  	s4 =	simm.s32 $0x1BF5;
	[smem:$0x3FAF] =	sst s0  }
0x18: {  	s0 =	sld [smem:$0x3F92];
	_ =	swait.ge [sflag:s4], $0x0  }
0x19: {  	s7 =	sld [smem:$0x3F93]  }
0x1a: {  	s8 =	sadd.s32 $0xFFFFE003, lr  }
0x1b: {  	s9 =	sadd.s32 $0xFFFFFEF7, lr;
	s5 =	simm.s32 $0xFFFFFFFF;
	p2 =	slt.u32 s8, $0xFFFFF086  }
0x1c: {  	p1 =	slt.u32 s9, $0xF7A;
	s5 =	simm.s32 @!p2 $0x0  }
0x1d: {  	s5 =	simm.s32 @p1 $0x1;
	p0 =	seq.s32 s7, s2  }
0x1e: {  	s7 =	smul.u32 @!p0 $0xF7A, s2;
	p2 =	seq.s32 @!p0 s5, $0x0  }
0x1f: {  	s9 =	smul.u32 $0xF7A, s1;
	s8 =	simm.s32 @!p0 $0x1BF5;
	p2 =	por !p2, p0  }
0x20: {  	[sflag:s8] =	ssyncset.s32 @!p0 $0xFFFFF086;
	s6 =	sadd.s32 @!p0 s3, s7;
	s7 =	simm.s32 @!p0 $0x108  }
0x21: {  	s3 =	sadd.s32 s3, s9;
	s6 =	sadd.s32 @!p0 $0x88, s6;
	s7 =	simm.s32 @p2 $0x1082  }
0x22: {  	[simem:s7], [sflag:s8] =	dma.local @!p0 [hbm:s6], $0xF7A  }
0x23: {  	s9 =	sor.u32 $0xD0000000, s2;
	s6 =	simm.s32 $0x108;
	_ =	swait.ge @!p0 [sflag:s8], $0x0  }
0x24: {  	s3 =	sadd.s32 $0x88, s3;
	s6 =	simm.s32 @!p1 $0x1082;
	[sflag:s4] =	ssyncset.s32 $0xFFFFF086  }
0x25: {  	[simem:s6], [sflag:s4] =	dma.local [hbm:s3], $0xF7A  }
0x26: {  	[smem:$0x3F93] =	sst s1;
	(tag) =	ssettag s2;
	_ =	strace s9  }
0x27: {  	s1 =	sld [smem:$0x3FA3]  }
0x28: {  	s2 =	sld [smem:$0x3FA4]  }
0x29: {  	s4 =	sld [smem:$0x3FA6]  }
0x2a: {  	p0 =	seq.s32 s5, $0x0;
	s5 =	sld [smem:$0x3FA7]  }
0x2b: {  	s6 =	sld [smem:$0x3FA8]  }
0x2c: {  	s7 =	sld [smem:$0x3FA9]  }
0x2d: {  	s3 =	simm.s32 $0x108;
	s8 =	sld [smem:$0x3FAA]  }
0x2e: {  	s3 =	simm.s32 @!p0 $0x1082;
	s9 =	sld [smem:$0x3FAB]  }
0x2f: {  	lr =	sadd.s32 s0, s3;
	s0 =	sld [smem:$0x3FA2]  }
0x30: {  	s3 =	sld [smem:$0x3FA5]  }
0x31: {  	[smem:$0x3FAE] =	sst s10  }
0x32: {  	s10 =	sld [smem:$0x3FAC];
	_ =	sdelay $0x3  }
0x33: {  	p0 =	seq.s32 s10, $0x1;
	s10 =	sld [smem:$0x3FAE];
	_ =	sdelay $0x3  }
0x34: {  	[smem:$0x3FAE] =	sst s10  }
0x35: {  	s10 =	sld [smem:$0x3FAD];
	_ =	sdelay $0x3  }
0x36: {  	p1 =	seq.s32 s10, $0x1;
	s10 =	sld [smem:$0x3FAE];
	_ =	sdelay $0x3  }
0x37: {  	[smem:$0x3FAE] =	sst s10  }
0x38: {  	s10 =	sld [smem:$0x3FAF]  }
0x39: {  	_ = 	snop;
	(pc) =	sbr.ind lr, $3  }
0x3a: {  	_ = 	snop  }
0x3b: {  	_ = 	snop  }
0x3c: {  	p2 =	seq.s32 s10, $0x1;
	s10 =	sld [smem:$0x3FAE]  }
0x3d: {  	_ =	shalt  }
0x3e: {  	_ =	shalt  }
0x3f: {  	_ =	shalt  }
0x40: {  	_ =	shalt  }
0x41: {  	_ =	shalt  }
0x42: {  	_ =	shalt  }
0x43: {  	_ =	shalt  }
0x44: {  	_ =	shalt  }
0x45: {  	_ =	shalt  }
0x46: {  	_ =	shalt  }
0x47: {  	_ =	shalt  }
0x48: {  	_ =	shalt  }
0x49: {  	_ =	shalt  }
0x4a: {  	_ =	shalt  }
0x4b: {  	_ =	shalt  }
0x4c: {  	_ =	shalt  }
0x4d: {  	_ =	shalt  }
0x4e: {  	_ =	shalt  }
0x4f: {  	_ =	shalt  }
0x50: {  	_ =	shalt  }
0x51: {  	_ =	shalt  }
0x52: {  	_ =	shalt  }
0x53: {  	_ =	shalt  }
0x54: {  	_ =	shalt  }
0x55: {  	_ =	shalt  }
0x56: {  	_ =	shalt  }
0x57: {  	_ =	shalt  }
0x58: {  	_ =	shalt  }
0x59: {  	_ =	shalt  }
0x5a: {  	_ =	shalt  }
0x5b: {  	_ =	shalt  }
0x5c: {  	_ =	shalt  }
0x5d: {  	_ =	shalt  }
0x5e: {  	_ =	shalt  }
0x5f: {  	_ =	shalt  }
0x60: {  	_ =	shalt  }
0x61: {  	_ =	shalt  }
0x62: {  	_ =	shalt  }
0x63: {  	_ =	shalt  }
0x64: {  	_ =	shalt  }
0x65: {  	_ =	shalt  }
0x66: {  	_ =	shalt  }
0x67: {  	_ =	shalt  }
0x68: {  	_ =	shalt  }
0x69: {  	_ =	shalt  }
0x6a: {  	_ =	shalt  }
0x6b: {  	_ =	shalt  }
0x6c: {  	_ =	shalt  }
0x6d: {  	_ =	shalt  }
0x6e: {  	_ =	shalt  }
0x6f: {  	_ =	shalt  }
0x70: {  	_ =	shalt  }
0x71: {  	_ =	shalt  }
0x72: {  	_ =	shalt  }
0x73: {  	_ =	shalt  }
0x74: {  	_ =	shalt  }
0x75: {  	_ =	shalt  }
0x76: {  	_ =	shalt  }
0x77: {  	_ =	shalt  }
0x78: {  	_ =	shalt  }
0x79: {  	_ =	shalt  }
0x7a: {  	_ =	shalt  }
0x7b: {  	_ =	shalt  }
0x7c: {  	_ =	shalt  }
0x7d: {  	_ =	shalt  }
0x7e: {  	_ =	shalt  }
0x7f: {  	_ =	shalt  }
0x80: {  	_ =	shalt  }
0x81: {  	_ =	shalt  }
0x82: {  	_ =	shalt  }
0x83: {  	_ =	shalt  }
0x84: {  	_ =	shalt  }
0x85: {  	_ =	shalt  }
0x86: {  	_ =	shalt  }
0x87: {  	_ =	shalt  }
.Lfunc_end0:
.L_simem_size_0:
called_computation.2_lowered:
.L_overlay_start_0:
0x88: {  	s2 =	sld [smem:$0x3FD9]  }
0x89: {  	s3 =	sld [smem:$0x3FFE];
	_ =	sdelay $0x1  }
0x8a: {  	s1 =	srdreg.scid  }
0x8b: {  	s0 =	sand.u32 $0x1, s1  }
0x8c: {  	s14 =	sshll.u32 s0, $0xA;
	s2 =	sadd.s32 s3, s2  }
0x8d: {  	s2 =	sadd.s32 s2, s14  }
0x8e: {  	[smem:$0x3FBA] =	sst s2  }
0x8f: {  	_ = 	snop  }
0x90: {  	s2 =	sld [smem:$0x3FD0];
	_ =	sdelay $0x2  }
0x91: {  	s15 =	simm.s32 $0xA;
	s4 =	simm.s32 $0x10  }
0x92: {  	[smem:s4], [sflag:s15] =	dma.local [hbm:s2], $0x1  }
0x93: {  	_ =	swait.eq [sflag:s15], $0x1  }
0x94: {  	[sflag:s15] =	ssyncset.done $0x0  }
0x95: {  	s16 =	sld [smem:$0x10];
	[sflag:s15] =	ssyncadd.s32 $0xFFFFFFFF  }
0x96: {  	s17 =	sld [smem:$0x11];
	(tm) =	ssettm $0x1  }
0x97: {  	s18 =	sld [smem:$0x3FFB];
	_ =	sdelay $0x3  }
0x98: {  	_ =	strace s18  }
0x99: {  	s4 =	sld [smem:$0x3FFC];
	_ =	sdelay $0x3  }
0x9a: {  	_ =	strace s4  }
0x9b: {  	s4 =	sld [smem:$0x3FFD];
	_ =	sdelay $0x3  }
0x9c: {  	_ =	strace s4  }
0x9d: {  	_ =	strace $0x8FFFFFFF  }
0x9e: {  	s19 =	sld [smem:$0x3FDB];
	_ =	sdelay $0x1  }
0x9f: {  	s5 =	simm.s32 $_scs_section_size  }
0xa0: {  	s6 =	simm.s32 $_size__tile_overlayer_lowered;
	s7 =	simm.s32 $_tile_overlayer_lowered  }
0xa1: {  	s22 =	simm.s32 $0x1BFF;
	s21 =	sshll.u32 s7, $0x1;
	s4 =	sadd.s32 s5, s19  }
0xa2: {  	s8 =	simm.s32 $0x0;
	s20 =	sshll.u32 s6, $0x1;
	s6 =	sadd.s32 s21, s4  }
0xa3: {  	[timem:s8], [sflag:s22] =	dma.local [hbm:s6], s20  }
0xa4: {  	_ =	swait.ge [sflag:s22], s20  }
0xa5: {  	s5 =	ssub.s32 $0x0, s20;
	[sflag:s22] =	ssyncset.done $0x0  }
0xa6: {  	[sflag:s22] =	ssyncadd.s32 s5;
	_ =	sdelay $0x1  }
0xa7: {  	s23 =	simm.s32 $0x1B8B  }
0xa8: {  	_ =	swait.ge [sflag:s23], $0x1  }
0xa9: {  	[sflag:s23] =	ssyncset.done $0x0  }
0xaa: {  	s25 =	simm.s32 $0x1B8E;
	s24 =	sld [smem:$0x3FFE];
	[sflag:s23] =	ssyncadd.s32 $0xFFFFFFFF  }
0xab: {  	s26 =	simm.s32 $execute0_lowered;
	[smem:$0x3FD2] =	sst s25  }
0xac: {  	s6 =	sshll.u32 s26, $0x1;
	_ =	strace $0x8000004C;
	[dreg:$0x1] =	wrdreg $0xFFFFFFFF  }
0xad: {  	s28 =	simm.s32 $_size_execute0_lowered;
	s4 =	sadd.s32 s4, s6;
	[dreg:$0x0] =	wrdreg $0x0  }
0xae: {  	s6 =	sshll.u32 s28, $0x1;
	[dreg:$0x2] =	wrdreg s4  }
0xaf: {  	[dreg:$0x3] =	wrdreg s6  }
0xb0: {  	[dreg:$0x4] =	wrdreg $0xC0  }
0xb1: {  	_ =	task [dreg:s8], $0x5FFFF  }
0xb2: {  	[dreg:$0x1] =	wrdreg $0xFFFFFFFF  }
0xb3: {  	[dreg:$0x0] =	wrdreg $0x60  }
0xb4: {  	[dreg:$0x2] =	wrdreg s17  }
0xb5: {  	[dreg:$0x3] =	wrdreg s24  }
0xb6: {  	[dreg:$0x4] =	wrdreg s16  }
0xb7: {  	[dreg:$0x5] =	wrdreg $0x0  }
0xb8: {  	[dreg:$0x6] =	wrdreg $0x9  }
0xb9: {  	_ =	task.clear_ibuf [dreg:s8], $0x7FFFF;
	_ =	strace $0x9000004C  }
0xba: {  	s29 =	simm.s32 $0x9;
	_ =	strace $0x8000004E  }
0xbb: {  	_ =	swait.ge [sflag:s29], $0x1  }
0xbc: {  	[sflag:s29] =	ssyncadd.s32 $0xFFFFFFFF  }
0xbd: {  	_ =	strace $0x9000004E  }
0xbe: {  	_ =	sfence  }
0xbf: {  	s30 =	sld [smem:$0x0];
	_ =	sdelay $0x2  }
0xc0: {  	s31 =	sshll.u32 s1, $0xD;
	s1 =	sshrl.u32 s1, $0x2  }
0xc1: {  	s3 =	sand.u32 $0x4000, s31;
	s1 =	sadd.s32 s1, s30  }
0xc2: {  	s0 =	sor.u32 s3, s0;
	s1 =	sshll.u32 s1, $0x11  }
0xc3: {  	s0 =	sor.u32 s1, s0  }
0xc4: {  	s0 =	sadd.s32 $0x8F2B, s0  }
0xc5: {  	[sflag:s0] =	ssyncadd.remote.s32 $0x1  }
0xc6: {  	_ =	sfence.sel $0xFFFF  }
0xc7: {  	[dreg:$0x0] =	wrdreg $0xFFFFFFFF;
	(pc) =	sbr.abs _section_cstart, $3  }
0xc8: {  	[dreg:$0x1] =	wrdreg $0xFFFFFFFF  }
0xc9: {  	_ =	task.clear_ibuf [dreg:s8], $0x2FFFF;
	_ =	strace $0x9FFFFFFF  }
0xca: {  	(tm) =	ssettm $0x7FFFFFFF  }
0xcb: {  	_ =	shalt  }
tec
execute0_lowered:
.L_overlay_start_1:
0x0: {  	(tag) =	ssettag $0x1  }
0x1: {  	s0 =	rddreg [dreg:$0x0]  }
0x2: {  	s1 =	rddreg [dreg:$0x1];
	s2 =	srdreg.scid  }
0x3: {  	s4 =	rddreg [dreg:$0x3];
	s3 =	stileid.u32;
	s5 =	simm.s32 $0x0  }
0x4: {  	s14 =	simm.s32 $0x4;
	s15 =	simm.s32 $0x300;
	s16 =	simm.s32 $0x61A800  }
0x5: {  	s17 =	simm.s32 $0x18700;
	s18 =	simm.s32 $0x3;
	s19 =	simm.s32 $0x80  }
0x6: {  	s20 =	simm.s32 $0x1;
	s21 =	simm.s32 $0x2;
	s28 =	simm.s32 $0x1A900  }
0x7: {  	s30 =	simm.s32 $0x1B100;
	s31 =	simm.s32 $0x0;
	s2 =	sand.u32 $0x1, s2  }
0x8: {  	s8 =	smul.u32 $0x18700, s3;
	[smem:$0x7FF] =	sst s5;
	s6 =	sadd.s32 $0x4800, s1  }
0x9: {  	s9 =	sshll.u32 s3, $0x1;
	s23 =	smul.u32 $0x61C00, s3;
	s26 =	sshll.u32 s3, $0x6  }
0xa: {  	s7 =	smul.u32 $0x187000, s2;
	s22 =	ssub.s32 $0x2, s2;
	s2 =	sor.u32 s2, s9  }
0xb: {  	p0 =	sgt.u32 s3, $0x7;
	_ =	strace $0x8000004D;
	s24 =	smul.u32 $0x50, s2  }
0xc: {  	s10 =	sshrl.u32 s22, $0x1;
	s25 =	sshrl.u32 s23, $0x2;
	s29 =	smul.u32 $0x6180, s2  }
.Ltmp0:
0xd: {  	s7 =	sadd.s32 s8, s7;
	s12 =	ssub.s32 s22, s10;
	(pc) =	sbr.rel .LBB2_1-.Ltmp0, $4  }
0xe: {  	s13 =	sadd.s32 s25, s4;
	s8 =	smul.u32 $0x618, s2;
	s7 =	sshrl.u32 s7, $0x3  }
0xf: {  	s11 =	sadd.s32 s24, s6;
	s9 =	sadd.s32 s6, s29;
	s12 =	smax.u32 s12, $0x1  }
0x10: {  	s13 =	sshrl.u32 s13, $0x3;
	s1 =	sadd.s32 s7, s1;
	s7 =	sor.u32 $0x1C04, s26  }
0x11: {  	s10 =	sadd.s32 $0xC3000, s11;
	s11 =	sadd.s32 $0x18B200, s1;
	s1 =	simm.s32 $0x1B900  }
.LBB2_5:
0x12: {  	s31 =	sadd.s32 $0x1, s31  }
0x13: {  	p1 =	sne.s32 s31, s12  }
.Ltmp1:
0x14: {  	[bflag:$0x0] =	sbarrier.arrive $0xFFFF;
	(pc) =	sbr.rel @!p1 .LBB2_6-.Ltmp1, $4  }
0x15: {  	[hbm:s11], [sflag:s7] =	dma.local [spmem:s13], $0x30E0  }
0x16: {  	_ =	swait.ge [sflag:s14], $0x30E0  }
0x17: {  	[sflag:s14] =	ssyncset.done $0x0  }
0x18: {  	[sflag:s14] =	ssyncadd.s32 $0xFFFFCF20  }
.LBB2_1:
0x19: {  	s2 =	rddreg [dreg:$0x2]  }
0x1a: {  	[spmem:s13], [sflag:s7] =	dma.local [hbm:s2], $0x30E0  }
0x1b: {  	_ =	swait.ge [sflag:s14], $0x30E0  }
0x1c: {  	[sflag:s14] =	ssyncset.done $0x0  }
0x1d: {  	[sflag:s14] =	ssyncadd.s32 $0xFFFFCF20  }
0x1e: {  	s2 =	simm.s32 $0x0;
	[bflag:$0x0] =	sbarrier.arrive $0xFFFF  }
0x1f: {  	[tilespmem:s17], [sflag:$0x3] =	stream.strided.gather [hbm4b:s9+s15], $0x600, s16, s15, $0x38;
	[tilespmem:$0x1F900] =	vst v63  }
.LBB2_2:
0x20: {  	_ =	swait.ge [sflag:s18], $0x600  }
0x21: {  	p1 =	slt.u32 s2, $0x2;
	[sflag:s18] =	ssyncset.done $0x0  }
0x22: {  	s24 =	simm.s32 @!p1 $0x2;
	[sflag:s18] =	ssyncadd.s32 $0xFFFFFA00  }
0x23: {  	_ =	swait.ge @!p1 [sflag:s24], $0x800  }
0x24: {  	[sflag:s24] =	ssyncset.done @!p1 $0x0  }
0x25: {  	[sflag:s24] =	ssyncadd.s32 @!p1 $0xFFFFF800  }
0x26: {  	_ =	swait.ge @!p1 [sflag:s24], $0x800  }
0x27: {  	[sflag:s24] =	ssyncset.done @!p1 $0x0  }
0x28: {  	[sflag:s24] =	ssyncadd.s32 @!p1 $0xFFFFF800  }
0x29: {  	_ =	swait.ge @!p1 [sflag:s24], $0x800  }
0x2a: {  	[sflag:s24] =	ssyncset.done @!p1 $0x0  }
0x2b: {  	[sflag:s24] =	ssyncadd.s32 @!p1 $0xFFFFF800  }
0x2c: {  	_ =	swait.ge @!p1 [sflag:s24], $0x800  }
0x2d: {  	[sflag:s24] =	ssyncset.done @!p1 $0x0  }
0x2e: {  	[sflag:s24] =	ssyncadd.s32 @!p1 $0xFFFFF800  }
0x2f: {  	_ =	swait.ge @!p1 [sflag:s24], $0x800  }
0x30: {  	[sflag:s24] =	ssyncset.done @!p1 $0x0  }
0x31: {  	[sflag:s24] =	ssyncadd.s32 @!p1 $0xFFFFF800  }
0x32: {  	_ =	swait.ge @!p1 [sflag:s24], $0x800  }
0x33: {  	p2 =	seq.s32 @!p1 s2, $0x103;
	[sflag:s24] =	ssyncset.done @!p1 $0x0  }
0x34: {  	p2 =	por p1, !p2;
	[sflag:s24] =	ssyncadd.s32 @!p1 $0xFFFFF800;
	s24 =	simm.s32 @!p1 $0x104  }
0x35: {  	s24 =	sadd.s32 @p2 $0x1, s2  }
0x36: {  	s26 =	smul.u32 @p2 $0xAAAB, s24;
	_ =	sdelay $0x1  }
0x37: {  	s26 =	sshrl.u32 @p2 s26, $0x11  }
0x38: {  	s26 =	smul.u32 @p2 $0x3, s26;
	_ =	sdelay $0x1  }
0x39: {  	s29 =	smul.u32 @p2 $0x6, s24;
	s26 =	ssub.s32 @p2 s24, s26  }
0x3a: {  	s26 =	smul.u32 @p2 $0x1800, s26  }
0x3b: {  	s29 =	sadd.s32 @p2 s8, s29  }
0x3c: {  	s29 =	sshll.u32 @p2 s29, $0x4;
	s26 =	sand.u32 @p2 $0xF800, s26  }
0x3d: {  	s29 =	sand.u32 @p2 $0x1FFFFFE0, s29;
	s26 =	sshrl.u32 @p2 s26, $0x2  }
0x3e: {  	s23 =	smul.u32 $0xAAAB, s2;
	s29 =	sadd.s32 @p2 s6, s29;
	s26 =	sadd.s32 @p2 $0x18700, s26  }
0x3f: {  	[tilespmem:s26], [sflag:$0x3] =	stream.strided.gather @p2 [hbm4b:s29+s15], $0x600, s16, s15, $0x38;
	[tilespmem:$0x1F900] =	vst v63  }
0x40: {  	s26 =	sshrl.u32 s23, $0x11  }
0x41: {  	s26 =	smul.u32 $0x3, s26;
	_ =	sdelay $0x1  }
0x42: {  	s26 =	ssub.s32 s2, s26  }
0x43: {  	s25 =	sand.u32 $0x1, s2;
	s26 =	smul.u32 $0x600, s26  }
0x44: {  	p1 =	seq.s32 s25, $0x1;
	s2 =	simm.s32 $0x3000  }
0x45: {  	s2 =	simm.s32 @!p1 $0x0;
	s26 =	sand.u32 $0xFE00, s26  }
0x46: {  	s29 =	sadd.s32 $0x19900, s2;
	s3 =	sadd.s32 $0x18700, s26  }
0x47: {  	[tilespmem:s29], [sflag:$0x1] =	stream.indirect.gather [hbm4b:s0+s19], $0x10, s3, s19, $0xb8;
	[tilespmem:$0x1F900] =	vst v63  }
0x48: {  	s5 =	sadd.s32 $0x18780, s26;
	s3 =	sadd.s32 $0x1A100, s2  }
0x49: {  	[tilespmem:s3], [sflag:$0x1] =	stream.indirect.gather [hbm4b:s0+s19], $0x10, s5, s19, $0xb8;
	[tilespmem:$0x1F900] =	vst v63  }
0x4a: {  	s22 =	sadd.s32 $0x18800, s26;
	s5 =	sadd.s32 $0x1A900, s2  }
0x4b: {  	[tilespmem:s5], [sflag:$0x1] =	stream.indirect.gather [hbm4b:s0+s19], $0x10, s22, s19, $0xb8;
	[tilespmem:$0x1F900] =	vst v63  }
0x4c: {  	s23 =	sadd.s32 $0x18880, s26;
	s22 =	sadd.s32 $0x1B100, s2  }
0x4d: {  	[tilespmem:s22], [sflag:$0x1] =	stream.indirect.gather [hbm4b:s0+s19], $0x10, s23, s19, $0xb8;
	[tilespmem:$0x1F900] =	vst v63  }
0x4e: {  	s25 =	sadd.s32 $0x18900, s26;
	s23 =	sadd.s32 $0x1B900, s2  }
0x4f: {  	[tilespmem:s23], [sflag:$0x1] =	stream.indirect.gather [hbm4b:s0+s19], $0x10, s25, s19, $0xb8;
	[tilespmem:$0x1F900] =	vst v63  }
0x50: {  	s2 =	sor.u32 $0x1C100, s2;
	s25 =	sadd.s32 $0x18980, s26  }
0x51: {  	[tilespmem:s2], [sflag:$0x1] =	stream.indirect.gather [hbm4b:s0+s19], $0x10, s25, s19, $0xb8;
	[tilespmem:$0x1F900] =	vst v63  }
0x52: {  	_ =	swait.ge [sflag:s20], $0x800  }
0x53: {  	[sflag:s20] =	ssyncset.done $0x0  }
0x54: {  	[sflag:s20] =	ssyncadd.s32 $0xFFFFF800  }
0x55: {  	_ =	swait.ge [sflag:s20], $0x800  }
0x56: {  	[sflag:s20] =	ssyncset.done $0x0  }
0x57: {  	[sflag:s20] =	ssyncadd.s32 $0xFFFFF800  }
0x58: {  	_ =	swait.ge [sflag:s20], $0x800  }
0x59: {  	[sflag:s20] =	ssyncset.done $0x0  }
0x5a: {  	[sflag:s20] =	ssyncadd.s32 $0xFFFFF800  }
0x5b: {  	_ =	swait.ge [sflag:s20], $0x800  }
0x5c: {  	[sflag:s20] =	ssyncset.done $0x0  }
0x5d: {  	[sflag:s20] =	ssyncadd.s32 $0xFFFFF800  }
0x5e: {  	_ =	swait.ge [sflag:s20], $0x800  }
0x5f: {  	[sflag:s20] =	ssyncset.done $0x0  }
0x60: {  	[sflag:s20] =	ssyncadd.s32 $0xFFFFF800  }
0x61: {  	_ =	swait.ge [sflag:s20], $0x800  }
0x62: {  	[sflag:s20] =	ssyncset.done $0x0  }
0x63: {  	s25 =	sadd.s32 $0x18A00, s26;
	[sflag:s20] =	ssyncadd.s32 $0xFFFFF800  }
0x64: {  	[spmem:s4] =	stream.indirect.scatter.add.f32 [tilespmem:s29], [sflag:$0x2], $0x10, s25, s19, $0xb8;
	[tilespmem:$0x1F900] =	vst v63  }
0x65: {  	s29 =	sadd.s32 $0x18A80, s26  }
0x66: {  	[spmem:s4] =	stream.indirect.scatter.add.f32 [tilespmem:s3], [sflag:$0x2], $0x10, s29, s19, $0xb8;
	[tilespmem:$0x1F900] =	vst v63  }
0x67: {  	s29 =	sadd.s32 $0x18B00, s26  }
0x68: {  	[spmem:s4] =	stream.indirect.scatter.add.f32 [tilespmem:s5], [sflag:$0x2], $0x10, s29, s19, $0xb8;
	[tilespmem:$0x1F900] =	vst v63  }
0x69: {  	p1 =	sne.s32 s24, $0x104;
	s5 =	sadd.s32 $0x18B80, s26  }
0x6a: {  	[spmem:s4] =	stream.indirect.scatter.add.f32 [tilespmem:s22], [sflag:$0x2], $0x10, s5, s19, $0xb8;
	[tilespmem:$0x1F900] =	vst v63  }
.Ltmp2:
0x6b: {  	s25 =	sadd.s32 $0x18C00, s26;
	(pc) =	sbr.rel @p1 .LBB2_2-.Ltmp2, $4  }
0x6c: {  	[spmem:s4] =	stream.indirect.scatter.add.f32 [tilespmem:s23], [sflag:$0x2], $0x10, s25, s19, $0xb8;
	[tilespmem:$0x1F900] =	vst v63  }
0x6d: {  	s29 =	sadd.s32 $0x18C80, s26  }
0x6e: {  	[spmem:s4] =	stream.indirect.scatter.add.f32 [tilespmem:s2], [sflag:$0x2], $0x10, s29, s19, $0xb8;
	[tilespmem:$0x1F900] =	vst v63  }
0x6f: {  	s2 =	smov.u32 s24  }
0x70: {  	_ =	swait.ge [sflag:s21], $0x800  }
0x71: {  	[sflag:s21] =	ssyncset.done $0x0  }
0x72: {  	[sflag:s21] =	ssyncadd.s32 $0xFFFFF800  }
0x73: {  	_ =	swait.ge [sflag:s21], $0x800  }
0x74: {  	[sflag:s21] =	ssyncset.done $0x0  }
0x75: {  	[sflag:s21] =	ssyncadd.s32 $0xFFFFF800  }
0x76: {  	_ =	swait.ge [sflag:s21], $0x800  }
0x77: {  	[sflag:s21] =	ssyncset.done $0x0  }
0x78: {  	[sflag:s21] =	ssyncadd.s32 $0xFFFFF800  }
0x79: {  	_ =	swait.ge [sflag:s21], $0x800  }
0x7a: {  	[sflag:s21] =	ssyncset.done $0x0  }
0x7b: {  	[sflag:s21] =	ssyncadd.s32 $0xFFFFF800  }
0x7c: {  	_ =	swait.ge [sflag:s21], $0x800  }
0x7d: {  	[sflag:s21] =	ssyncset.done $0x0  }
0x7e: {  	[sflag:s21] =	ssyncadd.s32 $0xFFFFF800  }
0x7f: {  	_ =	swait.ge [sflag:s21], $0x800  }
0x80: {  	[sflag:s21] =	ssyncset.done $0x0  }
0x81: {  	[sflag:s21] =	ssyncadd.s32 $0xFFFFF800  }
0x82: {  	_ =	swait.ge [sflag:s21], $0x800  }
0x83: {  	[sflag:s21] =	ssyncset.done $0x0  }
0x84: {  	[sflag:s21] =	ssyncadd.s32 $0xFFFFF800  }
0x85: {  	_ =	swait.ge [sflag:s21], $0x800  }
0x86: {  	[sflag:s21] =	ssyncset.done $0x0  }
0x87: {  	[sflag:s21] =	ssyncadd.s32 $0xFFFFF800  }
0x88: {  	_ =	swait.ge [sflag:s21], $0x800  }
0x89: {  	[sflag:s21] =	ssyncset.done $0x0  }
0x8a: {  	[sflag:s21] =	ssyncadd.s32 $0xFFFFF800  }
0x8b: {  	_ =	swait.ge [sflag:s21], $0x800  }
0x8c: {  	[sflag:s21] =	ssyncset.done $0x0  }
0x8d: {  	[sflag:s21] =	ssyncadd.s32 $0xFFFFF800  }
0x8e: {  	_ =	swait.ge [sflag:s21], $0x800  }
.Ltmp3:
0x8f: {  	[sflag:s21] =	ssyncset.done $0x0;
	(pc) =	sbr.rel @p0 .LBB2_5-.Ltmp3, $4  }
0x90: {  	[sflag:s21] =	ssyncadd.s32 $0xFFFFF800  }
0x91: {  	_ =	swait.ge [sflag:s21], $0x800  }
0x92: {  	[sflag:s21] =	ssyncset.done $0x0  }
0x93: {  	[sflag:s21] =	ssyncadd.s32 $0xFFFFF800  }
0x94: {  	s3 =	simm.s32 $0x0  }
0x95: {  	[tilespmem:s17], [sflag:$0x4] =	stream.linear.gather [hbm4b:s10+s3], $0x280, $0x38;
	[tilespmem:$0x1F900] =	vst v63  }
0x96: {  	s2 =	sadd.s32 $0xC3500, s10;
	s5 =	simm.s32 $0x18A00  }
0x97: {  	[tilespmem:s5], [sflag:$0x4] =	stream.linear.gather [hbm4b:s2+s3], $0x280, $0x38;
	[tilespmem:$0x1F900] =	vst v63  }
0x98: {  	_ =	swait.ge [sflag:s14], $0x500  }
0x99: {  	[sflag:s14] =	ssyncset.done $0x0  }
0x9a: {  	s24 =	simm.s32 $0x19900;
	[sflag:s14] =	ssyncadd.s32 $0xFFFFFB00  }
0x9b: {  	[tilespmem:s24], [sflag:$0x1] =	stream.indirect.gather [hbm4b:s0+s19], $0x10, s17, s19, $0xb8;
	[tilespmem:$0x1F900] =	vst v63  }
0x9c: {  	s25 =	simm.s32 $0x18780;
	s22 =	simm.s32 $0x1A100  }
0x9d: {  	[tilespmem:s22], [sflag:$0x1] =	stream.indirect.gather [hbm4b:s0+s19], $0x10, s25, s19, $0xb8;
	[tilespmem:$0x1F900] =	vst v63  }
0x9e: {  	s26 =	simm.s32 $0x18800  }
0x9f: {  	[tilespmem:s28], [sflag:$0x1] =	stream.indirect.gather [hbm4b:s0+s19], $0x10, s26, s19, $0xb8;
	[tilespmem:$0x1F900] =	vst v63  }
0xa0: {  	s29 =	simm.s32 $0x18880  }
0xa1: {  	[tilespmem:s30], [sflag:$0x1] =	stream.indirect.gather [hbm4b:s0+s19], $0x10, s29, s19, $0xb8;
	[tilespmem:$0x1F900] =	vst v63  }
0xa2: {  	s23 =	simm.s32 $0x18900  }
0xa3: {  	[tilespmem:s1], [sflag:$0x1] =	stream.indirect.gather [hbm4b:s0+s19], $0x10, s23, s19, $0xb8;
	[tilespmem:$0x1F900] =	vst v63  }
0xa4: {  	_ =	swait.ge [sflag:s20], $0x800  }
0xa5: {  	[sflag:s20] =	ssyncset.done $0x0  }
0xa6: {  	[sflag:s20] =	ssyncadd.s32 $0xFFFFF800  }
0xa7: {  	_ =	swait.ge [sflag:s20], $0x800  }
0xa8: {  	[sflag:s20] =	ssyncset.done $0x0  }
0xa9: {  	[sflag:s20] =	ssyncadd.s32 $0xFFFFF800  }
0xaa: {  	_ =	swait.ge [sflag:s20], $0x800  }
0xab: {  	[sflag:s20] =	ssyncset.done $0x0  }
0xac: {  	[sflag:s20] =	ssyncadd.s32 $0xFFFFF800  }
0xad: {  	_ =	swait.ge [sflag:s20], $0x800  }
0xae: {  	[sflag:s20] =	ssyncset.done $0x0  }
0xaf: {  	[sflag:s20] =	ssyncadd.s32 $0xFFFFF800  }
0xb0: {  	_ =	swait.ge [sflag:s20], $0x800  }
0xb1: {  	[sflag:s20] =	ssyncset.done $0x0  }
0xb2: {  	[sflag:s20] =	ssyncadd.s32 $0xFFFFF800  }
0xb3: {  	[spmem:s4] =	stream.indirect.scatter.add.f32 [tilespmem:s24], [sflag:$0x4], $0x10, s5, s19, $0xb8;
	[tilespmem:$0x1F900] =	vst v63  }
0xb4: {  	_ =	swait.ge [sflag:s14], $0x800  }
0xb5: {  	[sflag:s14] =	ssyncset.done $0x0  }
0xb6: {  	s24 =	simm.s32 $0x18A80;
	[sflag:s14] =	ssyncadd.s32 $0xFFFFF800  }
0xb7: {  	[spmem:s4] =	stream.indirect.scatter.add.f32 [tilespmem:s22], [sflag:$0x4], $0x10, s24, s19, $0xb8;
	[tilespmem:$0x1F900] =	vst v63  }
0xb8: {  	_ =	swait.ge [sflag:s14], $0x800  }
0xb9: {  	[sflag:s14] =	ssyncset.done $0x0  }
0xba: {  	s25 =	simm.s32 $0x18B00;
	[sflag:s14] =	ssyncadd.s32 $0xFFFFF800  }
0xbb: {  	[spmem:s4] =	stream.indirect.scatter.add.f32 [tilespmem:s28], [sflag:$0x4], $0x10, s25, s19, $0xb8;
	[tilespmem:$0x1F900] =	vst v63  }
0xbc: {  	_ =	swait.ge [sflag:s14], $0x800  }
0xbd: {  	[sflag:s14] =	ssyncset.done $0x0  }
0xbe: {  	s26 =	simm.s32 $0x18B80;
	[sflag:s14] =	ssyncadd.s32 $0xFFFFF800  }
0xbf: {  	[spmem:s4] =	stream.indirect.scatter.add.f32 [tilespmem:s30], [sflag:$0x4], $0x10, s26, s19, $0xb8;
	[tilespmem:$0x1F900] =	vst v63  }
0xc0: {  	_ =	swait.ge [sflag:s14], $0x800  }
0xc1: {  	[sflag:s14] =	ssyncset.done $0x0  }
.Ltmp4:
0xc2: {  	s29 =	simm.s32 $0x18C00;
	[sflag:s14] =	ssyncadd.s32 $0xFFFFF800;
	(pc) =	sbr.rel .LBB2_5-.Ltmp4, $4  }
0xc3: {  	[spmem:s4] =	stream.indirect.scatter.add.f32 [tilespmem:s1], [sflag:$0x4], $0x10, s29, s19, $0xb8;
	[tilespmem:$0x1F900] =	vst v63  }
0xc4: {  	_ =	swait.ge [sflag:s14], $0x800  }
0xc5: {  	[sflag:s14] =	ssyncset.done $0x0  }
0xc6: {  	[sflag:s14] =	ssyncadd.s32 $0xFFFFF800  }
.LBB2_6:
0xc7: {  	_ =	sfence.sel $0x180000  }
0xc8: {  	[bflag:$0x0] =	sbarrier.arrive $0xFFFF  }
0xc9: {  	_ =	strace $0x9000004D  }
0xca: {  	s0 =	stileid.u32;
	[bflag:$0x2] =	sbarrier.arrive $0xFFFF  }
0xcb: {  	p0 =	sne.s32 s0, $0x0;
	s0 =	rddreg [dreg:$0x4]  }
0xcc: {  	s0 =	sadd.s32 @!p0 $0x100000, s0  }
0xcd: {  	[sflag:s0] =	ssyncadd.tile.s32 @!p0 $0x1;
	_ =	shalt  }
.Lfunc_end2:
_tile_overlayer_lowered:
.L_overlay_start_2:
0xce: {  	(tag) =	ssettag $0x2  }
0xcf: {  	s0 =	rddreg [dreg:$0x0];
	s2 =	stileid.u32  }
0xd0: {  	s1 =	rddreg [dreg:$0x1];
	p0 =	sne.s32 s2, $0x0  }
0xd1: {  	s3 =	rddreg [dreg:$0x2];
	[bflag:$0x3] =	sbarrier.arrive $0xFFFF;
	s2 =	simm.s32 @!p0 $0x1C04  }
0xd2: {  	[timem:s3], [sflag:s2] =	dma.local @!p0 [hbm:s0], s1  }
0xd3: {  	s0 =	simm.s32 @!p0 $0x4  }
0xd4: {  	_ =	swait.ge @!p0 [sflag:s0], s1  }
0xd5: {  	s1 =	ssub.s32 @!p0 $0x0, s1;
	[sflag:s0] =	ssyncset.done @!p0 $0x0  }
0xd6: {  	[sflag:s0] =	ssyncadd.s32 @!p0 s1  }
0xd7: {  	[bflag:$0x3] =	sbarrier.arrive $0xFFFF  }
0xd8: {  	_ =	shalt  }

// kernel: sparse-core-data-format-call.cloned.1.call-start
scs
called_computation_lowered:
.L_overlay_start_0:
0x0: {  	s2 =	sld [smem:$0x3FD9]  }
0x1: {  	s3 =	sld [smem:$0x3FFE];
	_ =	sdelay $0x1  }
0x2: {  	s1 =	srdreg.scid  }
0x3: {  	s0 =	sand.u32 $0x1, s1  }
0x4: {  	s18 =	sshll.u32 s0, $0xA;
	s2 =	sadd.s32 s3, s2  }
0x5: {  	s2 =	sadd.s32 s2, s18  }
0x6: {  	[smem:$0x3FBA] =	sst s2  }
0x7: {  	_ = 	snop  }
0x8: {  	s2 =	sld [smem:$0x3FC8];
	(tm) =	ssettm $0x1  }
0x9: {  	s19 =	sld [smem:$0x3FFB];
	_ =	sdelay $0x3  }
0xa: {  	_ =	strace s19  }
0xb: {  	s3 =	sld [smem:$0x3FFC];
	_ =	sdelay $0x3  }
0xc: {  	_ =	strace s3  }
0xd: {  	s3 =	sld [smem:$0x3FFD];
	_ =	sdelay $0x3  }
0xe: {  	_ =	strace s3  }
0xf: {  	_ =	strace $0x8FFFFFFF  }
0x10: {  	s20 =	sld [smem:$0x3FDB];
	_ =	sdelay $0x1  }
0x11: {  	s4 =	simm.s32 $_scs_section_size  }
0x12: {  	s5 =	simm.s32 $_size__tile_overlayer_lowered;
	s6 =	simm.s32 $_tile_overlayer_lowered  }
0x13: {  	s23 =	simm.s32 $0x1BFF;
	s22 =	sshll.u32 s6, $0x1;
	s3 =	sadd.s32 s4, s20  }
0x14: {  	s7 =	simm.s32 $0x0;
	s21 =	sshll.u32 s5, $0x1;
	s5 =	sadd.s32 s22, s3  }
0x15: {  	[timem:s7], [sflag:s23] =	dma.local [hbm:s5], s21  }
0x16: {  	_ =	swait.ge [sflag:s23], s21  }
0x17: {  	s4 =	ssub.s32 $0x0, s21;
	[sflag:s23] =	ssyncset.done $0x0  }
0x18: {  	[sflag:s23] =	ssyncadd.s32 s4;
	_ =	sdelay $0x1  }
0x19: {  	s24 =	simm.s32 $0x1B8B  }
0x1a: {  	_ =	swait.ge [sflag:s24], $0x1  }
0x1b: {  	[sflag:s24] =	ssyncset.done $0x0  }
0x1c: {  	s26 =	simm.s32 $0x1B8E;
	s25 =	sld [smem:$0x3FFE];
	[sflag:s24] =	ssyncadd.s32 $0xFFFFFFFF  }
0x1d: {  	s27 =	simm.s32 $execute0_lowered;
	[smem:$0x3FD2] =	sst s26  }
0x1e: {  	s5 =	sshll.u32 s27, $0x1;
	_ =	strace $0x80000046;
	[dreg:$0x1] =	wrdreg $0xFFFFFFFF  }
0x1f: {  	s28 =	simm.s32 $_size_execute0_lowered;
	s3 =	sadd.s32 s3, s5;
	[dreg:$0x0] =	wrdreg $0x0  }
0x20: {  	s5 =	sshll.u32 s28, $0x1;
	[dreg:$0x2] =	wrdreg s3  }
0x21: {  	[dreg:$0x3] =	wrdreg s5  }
0x22: {  	[dreg:$0x4] =	wrdreg $0xC0  }
0x23: {  	_ =	task [dreg:s7], $0x5FFFF  }
0x24: {  	[dreg:$0x1] =	wrdreg $0xFFFFFFFF  }
0x25: {  	[dreg:$0x0] =	wrdreg $0x60  }
0x26: {  	[dreg:$0x2] =	wrdreg s2  }
0x27: {  	[dreg:$0x3] =	wrdreg s25  }
0x28: {  	[dreg:$0x4] =	wrdreg $0x9  }
0x29: {  	_ =	task.clear_ibuf [dreg:s7], $0x5FFFF;
	_ =	strace $0x90000046  }
0x2a: {  	s29 =	simm.s32 $0x9;
	_ =	strace $0x80000048  }
0x2b: {  	_ =	swait.ge [sflag:s29], $0x1  }
0x2c: {  	[sflag:s29] =	ssyncadd.s32 $0xFFFFFFFF  }
0x2d: {  	_ =	strace $0x90000048  }
0x2e: {  	_ =	sfence  }
0x2f: {  	s30 =	sld [smem:$0x0];
	_ =	sdelay $0x2  }
0x30: {  	s31 =	sshll.u32 s1, $0xD;
	s1 =	sshrl.u32 s1, $0x2  }
0x31: {  	s3 =	sand.u32 $0x4000, s31;
	s1 =	sadd.s32 s1, s30  }
0x32: {  	s0 =	sor.u32 s3, s0;
	s1 =	sshll.u32 s1, $0x11  }
0x33: {  	s0 =	sor.u32 s1, s0  }
0x34: {  	s0 =	sadd.s32 $0x8F2B, s0  }
0x35: {  	[sflag:s0] =	ssyncadd.remote.s32 $0x1  }
0x36: {  	_ =	sfence.sel $0xFFFF  }
0x37: {  	[dreg:$0x0] =	wrdreg $0xFFFFFFFF;
	(pc) =	sbr.abs _section_cstart, $3  }
0x38: {  	[dreg:$0x1] =	wrdreg $0xFFFFFFFF  }
0x39: {  	_ =	task.clear_ibuf [dreg:s7], $0x2FFFF;
	_ =	strace $0x9FFFFFFF  }
0x3a: {  	(tm) =	ssettm $0x7FFFFFFF  }
0x3b: {  	_ =	shalt  }
tec
execute0_lowered:
.L_overlay_start_1:
0x0: {  	(tag) =	ssettag $0x1  }
0x1: {  	s0 =	stileid.u32;
	s7 =	rddreg [dreg:$0x0]  }
0x2: {  	s1 =	srdreg.scid;
	s4 =	rddreg [dreg:$0x1]  }
0x3: {  	s30 =	simm.s32 $0x2;
	s10 =	simm.s32 $0x0;
	s14 =	simm.s32 $0x0  }
0x4: {  	s15 =	simm.s32 $0x0;
	s11 =	simm.s32 $0x0;
	s13 =	simm.s32 $0x0  }
0x5: {  	s2 =	sand.u32 $0x1, s1;
	s3 =	sshll.u32 s0, $0x7;
	s1 =	rddreg [dreg:$0x2]  }
0x6: {  	_ =	strace $0x80000047;
	s5 =	ssub.s32 $0xC300, s3;
	s6 =	ssub.s32 $0x2, s2  }
.Ltmp0:
0x7: {  	s5 =	sshrl.u32 s5, $0xB;
	s8 =	sshrl.u32 s6, $0x1;
	(pc) =	sbr.rel .LBB1_1-.Ltmp0, $4  }
0x8: {  	s4 =	sadd.s32 $0x4800, s4;
	s9 =	sadd.s32 $0x1, s5;
	s6 =	ssub.s32 s6, s8  }
0x9: {  	s31 =	sshll.u32 s2, $0x4;
	s5 =	simm.s32 $0x1;
	s6 =	smul.u32 s9, s6  }
0xa: {  	s12 =	smov.u32 s3;
	s7 =	sadd.s32 s7, s31;
	[sflag:s5] =	ssyncpa.u1 $0x0  }
0xb: {  	s9 =	simm.s32 $0x0;
	[sflag:s30] =	ssyncpa.u1 $0x0;
	s8 =	sadd.s32 $0x1, s6  }
.LBB1_4:
0xc: {  	s21 =	simm.s32 $0x0  }
.LBB1_8:
0xd: {  	_ =	sdelay $0x3  }
0xe: {  	v6 =	vld [tilespmem:s18+$0xFFFFFFC0];
	[tilespmem:v0+s20+$0x30 ss:$0x1] =	vst.idx.msk @p0 $0xffff, v2  }
0xf: {  	v58 =	vld [tilespmem:s18+$0xFFFFFFD0];
	[tilespmem:v0+s20+$0x40 ss:$0x1] =	vst.idx.msk @p0 $0xffff, v3;
	s21 =	sadd.s32 @p0 $0x80, s21  }
0x10: {  	v59 =	vld [tilespmem:s18+$0xFFFFFFE0];
	[tilespmem:v0+s20+$0x50 ss:$0x1] =	vst.idx.msk @p0 $0xffff, v5;
	s19 =	smov.u32 @p0 s21  }
0x11: {  	v60 =	vld [tilespmem:s18+$0xFFFFFFF0];
	[tilespmem:v0+s20+$0x60 ss:$0x1] =	vst.idx.msk @p0 $0xffff, v4;
	s19 =	sand.u32 $0x3F80, s19  }
0x12: {  	v61 =	vld [tilespmem:s18+$0x0];
	[tilespmem:v0+s19+$0x70 ss:$0x1] =	vst.idx.msk $0xffff, v1  }
0x13: {  	v62 =	vld [tilespmem:s18+$0x10];
	[tilespmem:v0+s19+$0x0 ss:$0x1] =	vst.idx.msk $0xffff, v6  }
0x14: {  	v63 =	vld [tilespmem:s18+$0x20];
	[tilespmem:v0+s19+$0x10 ss:$0x1] =	vst.idx.msk $0xffff, v58  }
0x15: {  	[tilespmem:v0+s19+$0x20 ss:$0x1] =	vst.idx.msk $0xffff, v59  }
0x16: {  	[tilespmem:v0+s19+$0x30 ss:$0x1] =	vst.idx.msk $0xffff, v60  }
0x17: {  	[tilespmem:v0+s19+$0x40 ss:$0x1] =	vst.idx.msk $0xffff, v61  }
0x18: {  	[tilespmem:v0+s19+$0x50 ss:$0x1] =	vst.idx.msk $0xffff, v62  }
0x19: {  	[tilespmem:v0+s19+$0x60 ss:$0x1] =	vst.idx.msk $0xffff, v63  }
.LBB1_9:
0x1a: {  	s18 =	sand.u32 $0x1FFFFFF, s11  }
0x1b: {  	s19 =	smulhi.u32 $0x14F8B59, s18;
	_ =	sdelay $0x1  }
0x1c: {  	s19 =	sshrl.u32 s19, $0x8  }
0x1d: {  	s19 =	smul.u32 $0xC350, s19  }
0x1e: {  	s15 =	smul.u32 $0xC3500, s15  }
0x1f: {  	s18 =	ssub.s32 s18, s19  }
0x20: {  	s15 =	sadd.s32 s4, s15;
	s18 =	sshll.u32 s18, $0x4  }
0x21: {  	s15 =	sadd.s32 s18, s15  }
0x22: {  	[hbm4b:s15+s9] =	stream.linear.scatter [tilespmem:s17], [sflag:$0x2], s16, $0x38;
	[tilespmem:$0x10000] =	vst v63  }
.LBB1_10:
0x23: {  	p0 =	slt.u32 s13, $0x2  }
0x24: {  	p1 =	sgt.s32 @!p0 s14, $0xC2D0  }
0x25: {  	s15 =	smov.u32 s14;
	s16 =	sshra.s32 @!p0 s14, $0x1F;
	p1 =	por !p1, p0  }
0x26: {  	s14 =	sand.u32 @!p0 s16, s14;
	s15 =	simm.s32 @p1 $0xC2D0  }
0x27: {  	s14 =	ssub.s32 @!p0 s15, s14  }
0x28: {  	s14 =	sadd.s32 @!p0 $0xFFFF3D30, s14  }
0x29: {  	s15 =	sshll.u32 @!p0 s14, $0x7  }
0x2a: {  	p1 =	sgt.s32 @!p0 s14, $0x7F;
	s14 =	ssub.s32 @!p0 $0x4000, s15  }
0x2b: {  	s16 =	sadd.s32 $0x800, s12;
	p1 =	por !p1, p0;
	s14 =	sand.u32 @!p0 $0x3FFFFF80, s14  }
0x2c: {  	s14 =	simm.s32 @!p1 $0x0;
	p1 =	sgt.s32 s16, $0xC34F  }
0x2d: {  	s16 =	smov.u32 @p1 s3;
	p1 =	sne.s32 s13, s8  }
.Ltmp1:
0x2e: {  	_ = 	snop;
	(pc) =	sbr.rel @!p1 .LBB1_11-.Ltmp1, $4  }
0x2f: {  	s10 =	sadd.s32 $0x4000, s10;
	s15 =	simm.s32 @!p0 $0x2  }
0x30: {  	_ =	swait.ge @!p0 [sflag:s15], s14;
	s17 =	ssub.s32 @!p0 $0x0, s14;
	s14 =	smov.u32 s11  }
0x31: {  	s13 =	sadd.s32 $0x1, s13;
	s11 =	smov.u32 s12;
	[sflag:s15] =	ssyncset.done @!p0 $0x0  }
0x32: {  	s12 =	smov.u32 s16;
	[sflag:s15] =	ssyncadd.s32 @!p0 s17;
	s15 =	smov.u32 s2  }
.LBB1_1:
0x33: {  	p0 =	sge.u32 s13, s6  }
0x34: {  	p1 =	sgt.s32 @!p0 s12, $0xC2D0  }
0x35: {  	s16 =	smov.u32 s12;
	s17 =	sshra.s32 @!p0 s12, $0x1F;
	p1 =	por !p1, p0  }
0x36: {  	s17 =	sand.u32 @!p0 s17, s12;
	s16 =	simm.s32 @p1 $0xC2D0  }
0x37: {  	s16 =	ssub.s32 @!p0 s16, s17  }
0x38: {  	s31 =	sadd.s32 $0xFFFFFFFF, s13;
	s18 =	sxor.u32 @!p0 $0xFFFFFFFF, s13;
	s16 =	sadd.s32 @!p0 $0xFFFF3D30, s16  }
0x39: {  	s19 =	simm.s32 @!p0 $0x80;
	s20 =	simm.s32 @!p0 $0x100;
	s17 =	sshll.u32 @!p0 s16, $0x7  }
0x3a: {  	p1 =	sgt.s32 @!p0 s16, $0x7F;
	s16 =	ssub.s32 @!p0 $0x4000, s17;
	s17 =	sshll.u32 @!p0 s18, $0xE  }
0x3b: {  	p1 =	por !p1, p0;
	s18 =	sshll.u32 @!p0 s12, $0x5;
	s16 =	sand.u32 @!p0 $0x3FFFFF80, s16  }
0x3c: {  	s17 =	sand.u32 @!p0 $0x4000, s17;
	s18 =	sadd.s32 @!p0 s18, s7;
	s16 =	simm.s32 @!p1 $0x0  }
0x3d: {  	[tilespmem:s17], [sflag:$0x1] =	stream.strided.gather @!p0 [hbm4b:s18+s19], s16, s20, s19, $0x38;
	[tilespmem:$0x10000] =	vst v63  }
0x3e: {  	p0 =	sge.u32 s31, s6  }
.Ltmp2:
0x3f: {  	_ = 	snop;
	(pc) =	sbr.rel @p0 .LBB1_10-.Ltmp2, $1  }
0x40: {  	_ =	sdelay $0x3  }
0x41: {  	p0 =	sgt.s32 s11, $0xC2D0;
	s16 =	smov.u32 s11;
	s17 =	sshra.s32 s11, $0x1F  }
0x42: {  	s16 =	simm.s32 @!p0 $0xC2D0;
	s17 =	sand.u32 s17, s11  }
0x43: {  	s16 =	ssub.s32 s16, s17  }
0x44: {  	s16 =	sadd.s32 $0xFFFF3D30, s16  }
0x45: {  	s30 =	sshll.u32 s16, $0x7  }
0x46: {  	s17 =	ssub.s32 $0x4000, s30  }
0x47: {  	p0 =	sgt.s32 s16, $0x7F;
	s16 =	sand.u32 $0x3FFFFF80, s17;
	s17 =	sadd.s32 $0x80, s11  }
0x48: {  	s16 =	simm.s32 @p0 $0x0;
	p0 =	slt.s32 s17, $0xC350  }
0x49: {  	s17 =	simm.s32 @!p0 $0xC350  }
0x4a: {  	s20 =	ssub.s32 s17, s11  }
0x4b: {  	p0 =	slt.s32 s20, $0x1  }
.Ltmp3:
0x4c: {  	_ = 	snop;
	(pc) =	sbr.rel @p0 .LBB1_9-.Ltmp3, $4  }
0x4d: {  	_ = 	snop  }
0x4e: {  	s19 =	sshll.u32 s13, $0xE;
	_ =	swait.ge [sflag:s5], s16  }
0x4f: {  	s31 =	sand.u32 $0x4000, s19;
	s18 =	ssub.s32 $0x0, s16;
	[sflag:s5] =	ssyncset.done $0x0  }
0x50: {  	s17 =	sor.u32 $0x8000, s31;
	[sflag:s5] =	ssyncadd.s32 s18  }
0x51: {  	p1 =	sne.s32 s20, $0x1  }
.Ltmp4:
0x52: {  	v0 =	vmov s17;
	(pc) =	sbr.rel @!p1 .LBB1_4-.Ltmp4, $4  }
0x53: {  	_ = 	snop  }
0x54: {  	s18 =	sand.u32 $0x4000, s10  }
0x55: {  	s18 =	sor.u32 $0x40, s18  }
0x56: {  	s19 =	simm.s32 $0x0;
	s21 =	sadd.s32 $0xFFFFFFFF, s20;
	p0 =	por $0x0, $0x0;
	v1 =	vld [tilespmem:s18+$0x30]  }
0x57: {  	v4 =	vld [tilespmem:s18+$0xFFFFFFC0]  }
0x58: {  	v6 =	vld [tilespmem:s18+$0xFFFFFFD0]  }
0x59: {  	v7 =	vld [tilespmem:s18+$0xFFFFFFE0];
	p1 =	sne.s32 s21, $0x1  }
.Ltmp5:
0x5a: {  	v2 =	vld [tilespmem:s18+$0xFFFFFFF0];
	s20 =	sand.u32 $0x3F80, s19;
	(pc) =	sbr.rel @!p1 .LBB1_6-.Ltmp5, $4  }
0x5b: {  	v3 =	vld [tilespmem:s18+$0x0];
	[tilespmem:v0+s20+$0x70 ss:$0x1] =	vst.idx.msk $0xffff, v1  }
0x5c: {  	v5 =	vld [tilespmem:s18+$0x10];
	[tilespmem:v0+s20+$0x0 ss:$0x1] =	vst.idx.msk $0xffff, v4  }
0x5d: {  	v4 =	vld [tilespmem:s18+$0x20];
	[tilespmem:v0+s20+$0x10 ss:$0x1] =	vst.idx.msk $0xffff, v6;
	s18 =	sadd.s32 $0x80, s18  }
0x5e: {  	s22 =	sadd.s32 $0xFFFFFFFF, s21;
	p0 =	por $0x1, $0x1;
	s21 =	simm.s32 $0x0;
	[tilespmem:v0+s20+$0x20 ss:$0x1] =	vst.idx.msk $0xffff, v7;
	v1 =	vld [tilespmem:s18+$0x30]  }
.LBB1_7:
0x5f: {  	p1 =	sne.s32 s22, $0x1;
	v6 =	vld [tilespmem:s18+$0xFFFFFFC0];
	[tilespmem:v0+s20+$0x30 ss:$0x1] =	vst.idx.msk $0xffff, v2  }
0x60: {  	v7 =	vld [tilespmem:s18+$0xFFFFFFD0];
	[tilespmem:v0+s20+$0x40 ss:$0x1] =	vst.idx.msk $0xffff, v3  }
0x61: {  	s21 =	sadd.s32 $0x80, s21;
	v8 =	vld [tilespmem:s18+$0xFFFFFFE0];
	[tilespmem:v0+s20+$0x50 ss:$0x1] =	vst.idx.msk $0xffff, v5  }
.Ltmp6:
0x62: {  	v2 =	vld [tilespmem:s18+$0xFFFFFFF0];
	[tilespmem:v0+s20+$0x60 ss:$0x1] =	vst.idx.msk $0xffff, v4;
	s20 =	sand.u32 $0x3F80, s21;
	(pc) =	sbr.rel @p1 .LBB1_7-.Ltmp6, $4  }
0x63: {  	v3 =	vld [tilespmem:s18+$0x0];
	[tilespmem:v0+s20+$0x70 ss:$0x1] =	vst.idx.msk $0xffff, v1  }
0x64: {  	[tilespmem:v0+s20+$0x0 ss:$0x1] =	vst.idx.msk $0xffff, v6;
	v5 =	vld [tilespmem:s18+$0x10]  }
0x65: {  	[tilespmem:v0+s20+$0x10 ss:$0x1] =	vst.idx.msk $0xffff, v7;
	v4 =	vld [tilespmem:s18+$0x20];
	s18 =	sadd.s32 $0x80, s18  }
0x66: {  	s22 =	sadd.s32 $0xFFFFFFFF, s22;
	v1 =	vld [tilespmem:s18+$0x30];
	[tilespmem:v0+s20+$0x20 ss:$0x1] =	vst.idx.msk $0xffff, v8  }
.Ltmp7:
0x67: {  	_ = 	snop;
	(pc) =	sbr.rel .LBB1_8-.Ltmp7, $1  }
0x68: {  	_ =	sdelay $0x3  }
.LBB1_6:
.Ltmp8:
0x69: {  	(pc) =	sbr.rel .LBB1_8-.Ltmp8, $2  }
0x6a: {  	_ =	sdelay $0x2  }
0x6b: {  	s21 =	simm.s32 $0x0  }
.LBB1_11:
0x6c: {  	_ =	sfence.sel $0x180000  }
0x6d: {  	s2 =	simm.s32 $0x1;
	[bflag:$0x0] =	sbarrier.arrive $0xFFFF  }
0x6e: {  	s31 =	simm.s32 $0x2;
	[sflag:s2] =	ssyncpa.u1 $0x1  }
0x6f: {  	[sflag:s31] =	ssyncpa.u1 $0x1  }
0x70: {  	p0 =	sne.s32 s0, $0x0;
	_ =	strace $0x90000047  }
0x71: {  	s0 =	sadd.s32 @!p0 $0x100000, s1;
	[bflag:$0x2] =	sbarrier.arrive $0xFFFF  }
0x72: {  	[sflag:s0] =	ssyncadd.tile.s32 @!p0 $0x1;
	_ =	shalt  }
.Lfunc_end1:
_tile_overlayer_lowered:
.L_overlay_start_2:
0x73: {  	(tag) =	ssettag $0x2  }
0x74: {  	s0 =	rddreg [dreg:$0x0];
	s2 =	stileid.u32  }
0x75: {  	s1 =	rddreg [dreg:$0x1];
	p0 =	sne.s32 s2, $0x0  }
0x76: {  	s3 =	rddreg [dreg:$0x2];
	[bflag:$0x3] =	sbarrier.arrive $0xFFFF;
	s2 =	simm.s32 @!p0 $0x1C01  }
0x77: {  	[timem:s3], [sflag:s2] =	dma.local @!p0 [hbm:s0], s1  }
0x78: {  	s0 =	simm.s32 @!p0 $0x1  }
0x79: {  	_ =	swait.ge @!p0 [sflag:s0], s1  }
0x7a: {  	s1 =	ssub.s32 @!p0 $0x0, s1;
	[sflag:s0] =	ssyncset.done @!p0 $0x0  }
0x7b: {  	[sflag:s0] =	ssyncadd.s32 @!p0 s1  }
0x7c: {  	[bflag:$0x3] =	sbarrier.arrive $0xFFFF  }
0x7d: {  	_ =	shalt  }

</sc_bundles>
